<compile_context>
chip_gen: v7x
topology: tpu7x:2x2x1
jax: 0.10.2.dev20260603
libtpu: 0.0.44.dev20260713+nightly
codegen_flags: <defaults>
</compile_context>

<pallas_src>
import functools

import numpy as np

import jax
import jax.numpy as jnp
from jax import lax
from jax.experimental import pallas as pl
from jax.experimental.pallas import tpu as pltpu
from jax.experimental.pallas import tpu_sc as plsc

_N = 10000
_E = 320000
_D = 128
_G = 16
_L = 64

_NW = 32
_EPW = 10240
_EPAD = _NW * _EPW
_EALLOC = _EPAD + 128
_C = 128
_EPS = 2 * _EPW
_KA = 110
_KB = 50
_DCH = 2048
_NDCH = _EPW // _DCH
_NP = 10000
_RPT = _NP // 16

_mesh = plsc.VectorSubcoreMesh(core_axis_name="c", subcore_axis_name="s")


@functools.partial(
    pl.kernel,
    out_type=jax.ShapeDtypeStruct((_NW, _N), jnp.float32),
    mesh=_mesh,
    compiler_params=pltpu.CompilerParams(needs_layout_passes=False),
    scratch_types=[
        pltpu.VMEM((_DCH,), jnp.int32),
        pltpu.VMEM((_DCH,), jnp.float32),
        pltpu.VMEM((_N,), jnp.float32),
    ],
)
def _deg(dst_hbm, ew_hbm, out_hbm, dstb, ewb, degv):
    c = lax.axis_index("c")
    s = lax.axis_index("s")
    w = s * 2 + c

    def zero(i, carry):
        degv[pl.ds(i * 16, 16)] = jnp.zeros((16,), jnp.float32)
        return carry

    lax.fori_loop(0, _N // 16, zero, 0)

    def chunk(i, carry):
        base = w * _EPW + i * _DCH
        pltpu.sync_copy(dst_hbm.at[pl.ds(base, _DCH)], dstb)
        pltpu.sync_copy(ew_hbm.at[pl.ds(base, _DCH)], ewb)

        def e16(j, inner):
            idx = dstb[pl.ds(j * 16, 16)]
            val = ewb[pl.ds(j * 16, 16)]
            plsc.addupdate_scatter(degv, [idx], val)
            return inner

        lax.fori_loop(0, _DCH // 16, e16, 0)
        return carry

    lax.fori_loop(0, _NDCH, chunk, 0)
    pltpu.sync_copy(degv, out_hbm.at[w])


@functools.partial(
    pl.kernel,
    out_type=jax.ShapeDtypeStruct((2, _NP, _D), jnp.float32),
    mesh=_mesh,
    compiler_params=pltpu.CompilerParams(needs_layout_passes=False,
                                         use_tc_tiling_on_sc=False),
    scratch_types=[
        pltpu.VMEM((_C,), jnp.int32),
        pltpu.VMEM((_C,), jnp.int32),
        pltpu.VMEM((_C,), jnp.int32),
        pltpu.VMEM((_C,), jnp.int32),
        pltpu.VMEM((_C,), jnp.float32),
        pltpu.VMEM((_C,), jnp.float32),
        pltpu.VMEM((_C, _D // 2), jnp.int32),
        pltpu.VMEM((_C, _D // 2), jnp.int32),
        pltpu.VMEM((_C, _D), jnp.float32),
        pltpu.VMEM((_C, _D), jnp.float32),
        pltpu.VMEM_SHARED((_NP, _D), jnp.float32),
        pltpu.SemaphoreType.DMA,
        pltpu.SemaphoreType.DMA,
        pltpu.SemaphoreType.DMA,
        pltpu.SemaphoreType.DMA,
        pltpu.SemaphoreType.DMA,
        pltpu.SemaphoreType.DMA,
    ],
)
def _mp(y_hbm, src_hbm, dst_hbm, ew_hbm, zero_hbm, out_hbm,
        srcv0, srcv1, dstv0, dstv1, ewv0, ewv1, rowsb0, rowsb1,
        rowsf0, rowsf1, acc, gsem0, gsem1, ssem0, ssem1, stsem0, stsem1):
    c = lax.axis_index("c")
    s = lax.axis_index("s")
    start = s * _EPS + c * (_KA * _C)
    npairs = jnp.where(c == 0, _KA // 2, _KB // 2)
    srcv = (srcv0, srcv1)
    dstv = (dstv0, dstv1)
    ewv = (ewv0, ewv1)
    rowsb = (rowsb0, rowsb1)
    rowsf = (rowsf0, rowsf1)
    gsem = (gsem0, gsem1)
    ssem = (ssem0, ssem1)
    stsem = (stsem0, stsem1)

    pltpu.sync_copy(zero_hbm.at[pl.ds(s * _RPT, _RPT)], acc.at[pl.ds(s * _RPT, _RPT)])
    plsc.subcore_barrier()

    def stage(g, b):
        base = start + g * _C
        pltpu.sync_copy(src_hbm.at[pl.ds(base, _C)], srcv[b])
        pltpu.sync_copy(dst_hbm.at[pl.ds(base, _C)], dstv[b])
        pltpu.sync_copy(ew_hbm.at[pl.ds(base, _C)], ewv[b])

    def stage_fire(g, b):
        base = start + g * _C
        pltpu.async_copy(src_hbm.at[pl.ds(base, _C)], srcv[b], stsem[b])
        pltpu.async_copy(dst_hbm.at[pl.ds(base, _C)], dstv[b], stsem[b])
        pltpu.async_copy(ew_hbm.at[pl.ds(base, _C)], ewv[b], stsem[b])

    def stage_wait(g, b):
        base = start + g * _C
        pltpu.make_async_copy(src_hbm.at[pl.ds(base, _C)], srcv[b], stsem[b]).wait()
        pltpu.make_async_copy(dst_hbm.at[pl.ds(base, _C)], dstv[b], stsem[b]).wait()
        pltpu.make_async_copy(ew_hbm.at[pl.ds(base, _C)], ewv[b], stsem[b]).wait()

    def scale(b):
        @plsc.parallel_loop(0, _C, unroll=4)
        def body(j):
            vb = plsc.load_gather(ewv[b], [jnp.full((16,), j, jnp.int32)])
            for f in range(_D // 32):
                m32 = rowsb[b][j, pl.ds(f * 16, 16)]
                m = plsc.bitcast(m32, jnp.bfloat16)
                lo, hi = plsc.unpack(m, format=plsc.PackFormat.INTERLEAVED)
                rowsf[b][j, pl.ds(f * 32, 16)] = lo * vb
                rowsf[b][j, pl.ds(f * 32 + 16, 16)] = hi * vb

    stage(0, 0)
    pltpu.async_copy(y_hbm.at[srcv[0]], rowsb[0], gsem[0])
    pltpu.sync_copy(dst_hbm.at[pl.ds(start, _C)], dstv[1])

    def zrow(j, carry):
        for f in range(_D // 16):
            rowsf1[j, pl.ds(f * 16, 16)] = jnp.zeros((16,), jnp.float32)
        return carry

    lax.fori_loop(0, _C, zrow, 0)
    pltpu.async_copy(rowsf[1], acc.at[dstv[1]], ssem[1], add=True)

    def pair(i, carry):
        for b in range(2):
            g = 2 * i + b
            nb = 1 - b
            pltpu.make_async_copy(y_hbm.at[srcv[b]], rowsb[b], gsem[b]).wait()
            pltpu.make_async_copy(rowsf[nb], acc.at[dstv[nb]], ssem[nb]).wait()
            stage_fire(g + 1, nb)
            scale(b)
            stage_wait(g + 1, nb)
            pltpu.async_copy(y_hbm.at[srcv[nb]], rowsb[nb], gsem[nb])
            pltpu.async_copy(rowsf[b], acc.at[dstv[b]], ssem[b], add=True)
        return carry

    lax.fori_loop(0, npairs, pair, 0)
    pltpu.make_async_copy(y_hbm.at[srcv[0]], rowsb[0], gsem[0]).wait()
    pltpu.make_async_copy(rowsf[1], acc.at[dstv[1]], ssem[1]).wait()
    plsc.subcore_barrier()
    pltpu.sync_copy(acc.at[pl.ds(s * _RPT, _RPT)],
                    out_hbm.at[c, pl.ds(s * _RPT, _RPT)])


def _dinv_body(degp_ref, dinv_ref):
    deg = jnp.sum(degp_ref[...], axis=0) + 1.0
    dinv_ref[...] = lax.rsqrt(deg)[:, None]


_dinv_call = pl.pallas_call(
    _dinv_body,
    out_shape=jax.ShapeDtypeStruct((_N, 1), jnp.float32),
)


_RB = 1000
_NRB = _N // _RB


def _ymm_body(x_ref, w_ref, wt_ref, dinv_ref, yb_ref, yt_ref):
    dinv = dinv_ref[...]
    xw = jnp.dot(x_ref[...], w_ref[...], preferred_element_type=jnp.float32)
    yb_ref[...] = (xw * dinv).astype(jnp.bfloat16)
    xwt = jnp.dot(x_ref[...], wt_ref[...], preferred_element_type=jnp.float32)
    yt_ref[...] = xwt * dinv


_ymm_call = pl.pallas_call(
    _ymm_body,
    grid=(_NRB,),
    in_specs=[
        pl.BlockSpec((_RB, _D), lambda i: (i, 0)),
        pl.BlockSpec((_D, _D), lambda i: (0, 0)),
        pl.BlockSpec((_D, _D), lambda i: (0, 0)),
        pl.BlockSpec((_RB, 1), lambda i: (i, 0)),
    ],
    out_specs=[
        pl.BlockSpec((_RB, _D), lambda i: (i, 0)),
        pl.BlockSpec((_RB, _D), lambda i: (i, 0)),
    ],
    out_shape=[
        jax.ShapeDtypeStruct((_N, _D), jnp.bfloat16),
        jax.ShapeDtypeStruct((_N, _D), jnp.float32),
    ],
)


def _mid_body(acc_ref, yt_ref, dinv_ref, bt_ref, w2r_ref, w2t_ref,
              yb_ref, yt2_ref):
    dinv = dinv_ref[...]
    h = dinv * (acc_ref[0] + acc_ref[1] + yt_ref[...]) + bt_ref[...][None, :]
    h = jnp.maximum(h, 0.0)
    yb_ref[...] = (jnp.dot(h, w2r_ref[...], preferred_element_type=jnp.float32)
                   * dinv).astype(jnp.bfloat16)
    yt2_ref[...] = (jnp.dot(h, w2t_ref[...], preferred_element_type=jnp.float32)
                    * dinv)


_mid_call = pl.pallas_call(
    _mid_body,
    grid=(_NRB,),
    in_specs=[
        pl.BlockSpec((2, _RB, _D), lambda i: (0, i, 0)),
        pl.BlockSpec((_RB, _D), lambda i: (i, 0)),
        pl.BlockSpec((_RB, 1), lambda i: (i, 0)),
        pl.BlockSpec((_D,), lambda i: (0,)),
        pl.BlockSpec((_D, _D), lambda i: (0, 0)),
        pl.BlockSpec((_D, _D), lambda i: (0, 0)),
    ],
    out_specs=[
        pl.BlockSpec((_RB, _D), lambda i: (i, 0)),
        pl.BlockSpec((_RB, _D), lambda i: (i, 0)),
    ],
    out_shape=[
        jax.ShapeDtypeStruct((_N, _D), jnp.bfloat16),
        jax.ShapeDtypeStruct((_N, _D), jnp.float32),
    ],
)


def _fin_body(acc_ref, yt_ref, dinv_ref, bt_ref, batch_ref, wfc_ref, bfc_ref,
              out_ref, sums_ref, counts_ref):
    i = pl.program_id(0)

    @pl.when(i == 0)
    def _init():
        sums_ref[...] = jnp.zeros_like(sums_ref)
        counts_ref[...] = jnp.zeros_like(counts_ref)

    dinv = dinv_ref[...]
    h = dinv * (acc_ref[0] + acc_ref[1] + yt_ref[...]) + bt_ref[...][None, :]
    h = jnp.maximum(h, 0.0)
    bb = batch_ref[...][:, 0]
    onehot = (lax.broadcasted_iota(jnp.int32, (_G, _RB), 0) == bb[None, :]
              ).astype(jnp.float32)
    sums_ref[...] += jnp.dot(onehot, h, preferred_element_type=jnp.float32)
    counts_ref[...] = counts_ref[...] + jnp.sum(onehot, axis=1)[:, None]

    @pl.when(i == _NRB - 1)
    def _done():
        pooled = sums_ref[...] / jnp.maximum(counts_ref[...], 1.0)
        out_ref[...] = (jnp.dot(pooled, wfc_ref[...],
                                preferred_element_type=jnp.float32)
                        + bfc_ref[...][None, :])


_fin_call = pl.pallas_call(
    _fin_body,
    grid=(_NRB,),
    in_specs=[
        pl.BlockSpec((2, _RB, _D), lambda i: (0, i, 0)),
        pl.BlockSpec((_RB, _D), lambda i: (i, 0)),
        pl.BlockSpec((_RB, 1), lambda i: (i, 0)),
        pl.BlockSpec((_D,), lambda i: (0,)),
        pl.BlockSpec((_RB, 1), lambda i: (i, 0)),
        pl.BlockSpec((_D, _L), lambda i: (0, 0)),
        pl.BlockSpec((_L,), lambda i: (0,)),
    ],
    out_specs=pl.BlockSpec((_G, _L), lambda i: (0, 0)),
    out_shape=jax.ShapeDtypeStruct((_G, _L), jnp.float32),
    scratch_shapes=[
        pltpu.VMEM((_G, _D), jnp.float32),
        pltpu.VMEM((_G, _D), jnp.float32),
    ],
)


def _make_tperm():
    perm = []
    for f in range(_D // 32):
        perm.extend(32 * f + 2 * k for k in range(16))
        perm.extend(32 * f + 2 * k + 1 for k in range(16))
    return tuple(perm)


_TPERM = np.array(_make_tperm(), dtype=np.int32)


def kernel(x, edge_index, edge_attr, batch, W1, b1, W2, b2, Wfc, bfc):
    src = edge_index[0]
    dst = edge_index[1]
    pad = _EALLOC - _E
    srcp = jnp.pad(src, (0, pad))
    dstp = jnp.pad(dst, (0, pad))
    ewp = jnp.pad(edge_attr, (0, pad))
    zeros = jnp.zeros((_NP, _D), jnp.float32)

    W1t = W1[:, _TPERM]
    b1t = b1[_TPERM]
    W2r = W2[_TPERM, :]
    W2t = W2r[:, _TPERM]
    b2t = b2[_TPERM]
    Wfct = Wfc[_TPERM, :]

    degp = _deg(dstp, ewp)
    dinv = _dinv_call(degp)
    y1b, y1t = _ymm_call(x, W1, W1t, dinv)
    y1i = lax.bitcast_convert_type(y1b.reshape(_N, _D // 2, 2), jnp.int32)
    acc1 = _mp(y1i, srcp, dstp, ewp, zeros)
    y2b, y2t = _mid_call(acc1, y1t, dinv, b1t, W2r, W2t)
    y2i = lax.bitcast_convert_type(y2b.reshape(_N, _D // 2, 2), jnp.int32)
    acc2 = _mp(y2i, srcp, dstp, ewp, zeros)
    z = _fin_call(acc2, y2t, dinv, b2t, batch.reshape(_N, 1), Wfct, bfc)
    return z

# --- scband reference (transcript-rebuilt; emitter-appended) ---
"""Pipeline reference for scband-graph-encoder-14405320311210 (READ-ONLY COPY).

The authoritative reference and input builder live on the scoring server;
editing this copy changes nothing except your own understanding.
"""

import jax, jax.numpy as jnp
import numpy as np

N_NODES = 10000
N_EDGES = 320000
D_FEAT = 128
HIDDEN = 128
LATENT = 64
NUM_GRAPHS = 16


def gcn_conv(x, src, dst, edge_weight, W, b):
    N = x.shape[0]
    loop = jnp.arange(N, dtype=src.dtype)
    s = jnp.concatenate([src, loop])
    d = jnp.concatenate([dst, loop])
    ew = jnp.concatenate([edge_weight, jnp.ones((N,), dtype=edge_weight.dtype)])
    deg = jnp.zeros((N,), dtype=x.dtype).at[d].add(ew)
    dinv = jnp.where(deg > 0, jax.lax.rsqrt(deg), 0.0)
    norm = dinv[s] * ew * dinv[d]
    xw = x @ W
    msg = xw[s] * norm[:, None]
    out = jnp.zeros((N, W.shape[1]), dtype=x.dtype).at[d].add(msg)
    return out + b


def setup_inputs(seed: int = 0) -> dict:
    key = jax.random.key(seed)
    ks = jax.random.split(key, 12)
    x = jax.random.normal(ks[0], (N_NODES, D_FEAT), dtype=jnp.float32)
    edge_index = jax.random.randint(ks[1], (2, N_EDGES), 0, N_NODES, dtype=jnp.int64 if jax.config.jax_enable_x64 else jnp.int32).astype(jnp.int32)
    edge_attr = jax.random.uniform(ks[2], (N_EDGES,), dtype=jnp.float32)
    batch = jnp.sort(jax.random.randint(ks[3], (N_NODES,), 0, NUM_GRAPHS)).astype(jnp.int32)
    def glorot(k, fan_in, fan_out):
        lim = jnp.sqrt(6.0 / (fan_in + fan_out))
        return jax.random.uniform(k, (fan_in, fan_out), minval=-lim, maxval=lim, dtype=jnp.float32)
    W1 = glorot(ks[4], D_FEAT, HIDDEN)
    b1 = jnp.zeros((HIDDEN,), dtype=jnp.float32)
    W2 = glorot(ks[5], HIDDEN, HIDDEN)
    b2 = jnp.zeros((HIDDEN,), dtype=jnp.float32)
    Wfc = glorot(ks[6], HIDDEN, LATENT)
    bfc = jnp.zeros((LATENT,), dtype=jnp.float32)
    return {"x": x, "edge_index": edge_index, "edge_attr": edge_attr, "batch": batch,
            "W1": W1, "b1": b1, "W2": W2, "b2": b2, "Wfc": Wfc, "bfc": bfc}


def reference(x, edge_index, edge_attr, batch, W1, b1, W2, b2, Wfc, bfc):
    src, dst = edge_index[0], edge_index[1]
    h = gcn_conv(x, src, dst, edge_attr, W1, b1)
    h = jax.nn.relu(h)
    h = gcn_conv(h, src, dst, edge_attr, W2, b2)
    h = jax.nn.relu(h)
    # dropout is identity in eval mode
    sums = jax.ops.segment_sum(h, batch, num_segments=NUM_GRAPHS)
    counts = jax.ops.segment_sum(jnp.ones((h.shape[0],), dtype=h.dtype), batch, num_segments=NUM_GRAPHS)
    pooled = sums / jnp.maximum(counts, 1.0)[:, None]
    z = pooled @ Wfc + bfc
    return z

if __name__ == "__main__":
    import jax
    _d = setup_inputs()
    print(jax.jit(kernel)(*tuple(_d.values())))

</pallas_src>

<mosaic_0001>
#map = affine_map<(d0, d1) -> (0, 0)>
#map1 = affine_map<(d0, d1) -> (0)>
#map2 = affine_map<(d0, d1) -> (0, 0, 0)>
module attributes {stable_mosaic.version = 14 : i64} {
  func.func @_mp(%arg0: i32, %arg1: i32, %arg2: memref<10000x64xi32, #tpu.memory_space<hbm>>, %arg3: memref<327808xi32, #tpu.memory_space<hbm>>, %arg4: memref<327808xi32, #tpu.memory_space<hbm>>, %arg5: memref<327808xf32, #tpu.memory_space<hbm>>, %arg6: memref<10000x128xf32, #tpu.memory_space<hbm>>, %arg7: memref<2x10000x128xf32, #tpu.memory_space<hbm>>, %arg8: memref<128xi32, #tpu.memory_space<vmem>>, %arg9: memref<128xi32, #tpu.memory_space<vmem>>, %arg10: memref<128xi32, #tpu.memory_space<vmem>>, %arg11: memref<128xi32, #tpu.memory_space<vmem>>, %arg12: memref<128xf32, #tpu.memory_space<vmem>>, %arg13: memref<128xf32, #tpu.memory_space<vmem>>, %arg14: memref<128x64xi32, #tpu.memory_space<vmem>>, %arg15: memref<128x64xi32, #tpu.memory_space<vmem>>, %arg16: memref<128x128xf32, #tpu.memory_space<vmem>>, %arg17: memref<128x128xf32, #tpu.memory_space<vmem>>, %arg18: memref<10000x128xf32, #tpu.memory_space<vmem_shared>>, %arg19: memref<!tpu.dma_semaphore, #tpu.memory_space<semaphore_mem>>, %arg20: memref<!tpu.dma_semaphore, #tpu.memory_space<semaphore_mem>>, %arg21: memref<!tpu.dma_semaphore, #tpu.memory_space<semaphore_mem>>, %arg22: memref<!tpu.dma_semaphore, #tpu.memory_space<semaphore_mem>>, %arg23: memref<!tpu.dma_semaphore, #tpu.memory_space<semaphore_mem>>, %arg24: memref<!tpu.dma_semaphore, #tpu.memory_space<semaphore_mem>>) attributes {dimension_semantics = [#tpu.dimension_semantics<core_parallel>, #tpu.dimension_semantics<subcore_parallel>], iteration_bounds = array<i64: 2, 16>, scalar_prefetch = 0 : i64, scratch_operands = 17 : i64, tpu.core_type = #tpu.core_type<sc_vector_subcore>, window_params = [{transform_indices = #map}, {transform_indices = #map1}, {transform_indices = #map1}, {transform_indices = #map1}, {transform_indices = #map}, {transform_indices = #map2}]} {
    %mul3A = arith.constant 20480 : i32
    %mul3A_0 = arith.muli %arg1, %mul3A : i32
    %mul3A_1 = arith.constant 14080 : i32
    %mul3A_2 = arith.muli %arg0, %mul3A_1 : i32
    %add3A = arith.addi %mul3A_0, %mul3A_2 : i32
    %eq3A = arith.constant 0 : i32
    %eq3A_3 = arith.cmpi eq, %arg0, %eq3A : i32
    %jit3A = arith.constant 55 : i32
    %jit3A_4 = arith.constant 25 : i32
    %select_n3A = arith.select %eq3A_3, %jit3A, %jit3A_4 : i32
    %mul3A_5 = arith.constant 625 : i32
    %mul3A_6 = arith.muli %arg1, %mul3A_5 : i32
    %mul3A_7 = arith.constant 625 : i32
    %mul3A_8 = arith.muli %arg1, %mul3A_7 : i32
    "tpu.region"() ({
      %run_scoped3A = tpu.sem_alloc : memref<!tpu.dma_semaphore, #tpu.memory_space<semaphore_mem>>
      %dma_start3A_40 = arith.constant 0 : i32
      %dma_start3A_41 = tpu.memref_slice %arg18[%mul3A_8, %dma_start3A_40] : memref<10000x128xf32, #tpu.memory_space<vmem_shared>> -> memref<625x128xf32, #tpu.memory_space<vmem_shared>>
      %dma_start3A_42 = arith.constant 0 : i32
      %dma_start3A_43 = tpu.memref_slice %arg6[%mul3A_6, %dma_start3A_42] : memref<10000x128xf32, #tpu.memory_space<hbm>> -> memref<625x128xf32, #tpu.memory_space<hbm>>
      tpu.enqueue_dma source(%dma_start3A_43 : memref<625x128xf32, #tpu.memory_space<hbm>>) target(%dma_start3A_41 : memref<625x128xf32, #tpu.memory_space<vmem_shared>>) target_semaphore(%run_scoped3A : memref<!tpu.dma_semaphore, #tpu.memory_space<semaphore_mem>>)
      %dma_wait3A_44 = arith.constant 0 : i32
      %dma_wait3A_45 = tpu.memref_slice %arg18[%mul3A_8, %dma_wait3A_44] : memref<10000x128xf32, #tpu.memory_space<vmem_shared>> -> memref<625x128xf32, #tpu.memory_space<vmem_shared>>
      %dma_wait3A_46 = arith.constant 0 : i32
      %dma_wait3A_47 = tpu.memref_slice %arg6[%mul3A_6, %dma_wait3A_46] : memref<10000x128xf32, #tpu.memory_space<hbm>> -> memref<625x128xf32, #tpu.memory_space<hbm>>
      tpu.wait_dma2 semaphore(%run_scoped3A : memref<!tpu.dma_semaphore, #tpu.memory_space<semaphore_mem>>) src(%dma_wait3A_47 : memref<625x128xf32, #tpu.memory_space<hbm>>) dst(%dma_wait3A_45 : memref<625x128xf32, #tpu.memory_space<vmem_shared>>)
      tpu.yield
    }) : () -> ()
    %barrier3A = arith.constant 0 : index
    tpu.barrier barrier_id(%barrier3A)
    %add3A_9 = arith.constant 0 : i32
    %add3A_10 = arith.addi %add3A, %add3A_9 : i32
    "tpu.region"() ({
      %run_scoped3A = tpu.sem_alloc : memref<!tpu.dma_semaphore, #tpu.memory_space<semaphore_mem>>
      %dma_start3A_40 = tpu.memref_slice %arg3[%add3A_10] : memref<327808xi32, #tpu.memory_space<hbm>> -> memref<128xi32, #tpu.memory_space<hbm>>
      %dma_start3A_41 = tpu.memref_slice %arg3[%add3A_10] : memref<327808xi32, #tpu.memory_space<hbm>> -> memref<128xi32, #tpu.memory_space<hbm>>
      tpu.enqueue_dma source(%dma_start3A_41 : memref<128xi32, #tpu.memory_space<hbm>>) target(%arg8 : memref<128xi32, #tpu.memory_space<vmem>>) target_semaphore(%run_scoped3A : memref<!tpu.dma_semaphore, #tpu.memory_space<semaphore_mem>>)
      %dma_wait3A_42 = tpu.memref_slice %arg3[%add3A_10] : memref<327808xi32, #tpu.memory_space<hbm>> -> memref<128xi32, #tpu.memory_space<hbm>>
      %dma_wait3A_43 = tpu.memref_slice %arg3[%add3A_10] : memref<327808xi32, #tpu.memory_space<hbm>> -> memref<128xi32, #tpu.memory_space<hbm>>
      tpu.wait_dma2 semaphore(%run_scoped3A : memref<!tpu.dma_semaphore, #tpu.memory_space<semaphore_mem>>) src(%dma_wait3A_43 : memref<128xi32, #tpu.memory_space<hbm>>) dst(%arg8 : memref<128xi32, #tpu.memory_space<vmem>>)
      tpu.yield
    }) : () -> ()
    "tpu.region"() ({
      %run_scoped3A = tpu.sem_alloc : memref<!tpu.dma_semaphore, #tpu.memory_space<semaphore_mem>>
      %dma_start3A_40 = tpu.memref_slice %arg4[%add3A_10] : memref<327808xi32, #tpu.memory_space<hbm>> -> memref<128xi32, #tpu.memory_space<hbm>>
      %dma_start3A_41 = tpu.memref_slice %arg4[%add3A_10] : memref<327808xi32, #tpu.memory_space<hbm>> -> memref<128xi32, #tpu.memory_space<hbm>>
      tpu.enqueue_dma source(%dma_start3A_41 : memref<128xi32, #tpu.memory_space<hbm>>) target(%arg10 : memref<128xi32, #tpu.memory_space<vmem>>) target_semaphore(%run_scoped3A : memref<!tpu.dma_semaphore, #tpu.memory_space<semaphore_mem>>)
      %dma_wait3A_42 = tpu.memref_slice %arg4[%add3A_10] : memref<327808xi32, #tpu.memory_space<hbm>> -> memref<128xi32, #tpu.memory_space<hbm>>
      %dma_wait3A_43 = tpu.memref_slice %arg4[%add3A_10] : memref<327808xi32, #tpu.memory_space<hbm>> -> memref<128xi32, #tpu.memory_space<hbm>>
      tpu.wait_dma2 semaphore(%run_scoped3A : memref<!tpu.dma_semaphore, #tpu.memory_space<semaphore_mem>>) src(%dma_wait3A_43 : memref<128xi32, #tpu.memory_space<hbm>>) dst(%arg10 : memref<128xi32, #tpu.memory_space<vmem>>)
      tpu.yield
    }) : () -> ()
    "tpu.region"() ({
      %run_scoped3A = tpu.sem_alloc : memref<!tpu.dma_semaphore, #tpu.memory_space<semaphore_mem>>
      %dma_start3A_40 = tpu.memref_slice %arg5[%add3A_10] : memref<327808xf32, #tpu.memory_space<hbm>> -> memref<128xf32, #tpu.memory_space<hbm>>
      %dma_start3A_41 = tpu.memref_slice %arg5[%add3A_10] : memref<327808xf32, #tpu.memory_space<hbm>> -> memref<128xf32, #tpu.memory_space<hbm>>
      tpu.enqueue_dma source(%dma_start3A_41 : memref<128xf32, #tpu.memory_space<hbm>>) target(%arg12 : memref<128xf32, #tpu.memory_space<vmem>>) target_semaphore(%run_scoped3A : memref<!tpu.dma_semaphore, #tpu.memory_space<semaphore_mem>>)
      %dma_wait3A_42 = tpu.memref_slice %arg5[%add3A_10] : memref<327808xf32, #tpu.memory_space<hbm>> -> memref<128xf32, #tpu.memory_space<hbm>>
      %dma_wait3A_43 = tpu.memref_slice %arg5[%add3A_10] : memref<327808xf32, #tpu.memory_space<hbm>> -> memref<128xf32, #tpu.memory_space<hbm>>
      tpu.wait_dma2 semaphore(%run_scoped3A : memref<!tpu.dma_semaphore, #tpu.memory_space<semaphore_mem>>) src(%dma_wait3A_43 : memref<128xf32, #tpu.memory_space<hbm>>) dst(%arg12 : memref<128xf32, #tpu.memory_space<vmem>>)
      tpu.yield
    }) : () -> ()
    %dma_start3A = arith.constant 0 : i32
    %dma_start3A_11 = arith.constant 0 : i32
    %dma_start3A_12 = tpu.memref_slice %arg2[%dma_start3A, %dma_start3A_11] : memref<10000x64xi32, #tpu.memory_space<hbm>> -> memref<10000x64xi32, #tpu.memory_space<hbm>>
    tpu.enqueue_indirect_dma source(%dma_start3A_12 : memref<10000x64xi32, #tpu.memory_space<hbm>>) target(%arg14 : memref<128x64xi32, #tpu.memory_space<vmem>>) offsets(%arg8 : memref<128xi32, #tpu.memory_space<vmem>>) semaphore(%arg19 : memref<!tpu.dma_semaphore, #tpu.memory_space<semaphore_mem>>)
    "tpu.region"() ({
      %run_scoped3A = tpu.sem_alloc : memref<!tpu.dma_semaphore, #tpu.memory_space<semaphore_mem>>
      %dma_start3A_40 = tpu.memref_slice %arg4[%add3A] : memref<327808xi32, #tpu.memory_space<hbm>> -> memref<128xi32, #tpu.memory_space<hbm>>
      %dma_start3A_41 = tpu.memref_slice %arg4[%add3A] : memref<327808xi32, #tpu.memory_space<hbm>> -> memref<128xi32, #tpu.memory_space<hbm>>
      tpu.enqueue_dma source(%dma_start3A_41 : memref<128xi32, #tpu.memory_space<hbm>>) target(%arg11 : memref<128xi32, #tpu.memory_space<vmem>>) target_semaphore(%run_scoped3A : memref<!tpu.dma_semaphore, #tpu.memory_space<semaphore_mem>>)
      %dma_wait3A_42 = tpu.memref_slice %arg4[%add3A] : memref<327808xi32, #tpu.memory_space<hbm>> -> memref<128xi32, #tpu.memory_space<hbm>>
      %dma_wait3A_43 = tpu.memref_slice %arg4[%add3A] : memref<327808xi32, #tpu.memory_space<hbm>> -> memref<128xi32, #tpu.memory_space<hbm>>
      tpu.wait_dma2 semaphore(%run_scoped3A : memref<!tpu.dma_semaphore, #tpu.memory_space<semaphore_mem>>) src(%dma_wait3A_43 : memref<128xi32, #tpu.memory_space<hbm>>) dst(%arg11 : memref<128xi32, #tpu.memory_space<vmem>>)
      tpu.yield
    }) : () -> ()
    %scan3A = arith.constant 0 : i32
    %scan3A_13 = arith.constant 0 : i32
    %scan3A_14 = arith.constant 128 : i32
    %scan3A_15 = arith.addi %scan3A_13, %scan3A_14 : i32
    %scan3A_16 = arith.constant 1 : i32
    scf.for %scan3A_40 = %scan3A_13 to %scan3A_15 step %scan3A_16  : i32 {
      %broadcast_in_dim3A = arith.constant 0.000000e+00 : f32
      %broadcast_in_dim3A_41 = vector.broadcast %broadcast_in_dim3A : f32 to vector<16xf32>
      %swap3A = arith.index_cast %scan3A_40 : i32 to index
      %swap3A_42 = arith.constant 0 : index
      %swap3A_43 = tpu.vector_load %arg17[%swap3A, %swap3A_42] {strides = array<i32>} : memref<128x128xf32, #tpu.memory_space<vmem>>, vector<16xf32>,
      tpu.vector_store %arg17[%swap3A, %swap3A_42], %broadcast_in_dim3A_41 {strides = array<i32>} : memref<128x128xf32, #tpu.memory_space<vmem>>, vector<16xf32>,
      %broadcast_in_dim3A_44 = arith.constant 0.000000e+00 : f32
      %broadcast_in_dim3A_45 = vector.broadcast %broadcast_in_dim3A_44 : f32 to vector<16xf32>
      %swap3A_46 = arith.index_cast %scan3A_40 : i32 to index
      %swap3A_47 = arith.constant 16 : index
      %swap3A_48 = tpu.vector_load %arg17[%swap3A_46, %swap3A_47] {strides = array<i32>} : memref<128x128xf32, #tpu.memory_space<vmem>>, vector<16xf32>,
      tpu.vector_store %arg17[%swap3A_46, %swap3A_47], %broadcast_in_dim3A_45 {strides = array<i32>} : memref<128x128xf32, #tpu.memory_space<vmem>>, vector<16xf32>,
      %broadcast_in_dim3A_49 = arith.constant 0.000000e+00 : f32
      %broadcast_in_dim3A_50 = vector.broadcast %broadcast_in_dim3A_49 : f32 to vector<16xf32>
      %swap3A_51 = arith.index_cast %scan3A_40 : i32 to index
      %swap3A_52 = arith.constant 32 : index
      %swap3A_53 = tpu.vector_load %arg17[%swap3A_51, %swap3A_52] {strides = array<i32>} : memref<128x128xf32, #tpu.memory_space<vmem>>, vector<16xf32>,
      tpu.vector_store %arg17[%swap3A_51, %swap3A_52], %broadcast_in_dim3A_50 {strides = array<i32>} : memref<128x128xf32, #tpu.memory_space<vmem>>, vector<16xf32>,
      %broadcast_in_dim3A_54 = arith.constant 0.000000e+00 : f32
      %broadcast_in_dim3A_55 = vector.broadcast %broadcast_in_dim3A_54 : f32 to vector<16xf32>
      %swap3A_56 = arith.index_cast %scan3A_40 : i32 to index
      %swap3A_57 = arith.constant 48 : index
      %swap3A_58 = tpu.vector_load %arg17[%swap3A_56, %swap3A_57] {strides = array<i32>} : memref<128x128xf32, #tpu.memory_space<vmem>>, vector<16xf32>,
      tpu.vector_store %arg17[%swap3A_56, %swap3A_57], %broadcast_in_dim3A_55 {strides = array<i32>} : memref<128x128xf32, #tpu.memory_space<vmem>>, vector<16xf32>,
      %broadcast_in_dim3A_59 = arith.constant 0.000000e+00 : f32
      %broadcast_in_dim3A_60 = vector.broadcast %broadcast_in_dim3A_59 : f32 to vector<16xf32>
      %swap3A_61 = arith.index_cast %scan3A_40 : i32 to index
      %swap3A_62 = arith.constant 64 : index
      %swap3A_63 = tpu.vector_load %arg17[%swap3A_61, %swap3A_62] {strides = array<i32>} : memref<128x128xf32, #tpu.memory_space<vmem>>, vector<16xf32>,
      tpu.vector_store %arg17[%swap3A_61, %swap3A_62], %broadcast_in_dim3A_60 {strides = array<i32>} : memref<128x128xf32, #tpu.memory_space<vmem>>, vector<16xf32>,
      %broadcast_in_dim3A_64 = arith.constant 0.000000e+00 : f32
      %broadcast_in_dim3A_65 = vector.broadcast %broadcast_in_dim3A_64 : f32 to vector<16xf32>
      %swap3A_66 = arith.index_cast %scan3A_40 : i32 to index
      %swap3A_67 = arith.constant 80 : index
      %swap3A_68 = tpu.vector_load %arg17[%swap3A_66, %swap3A_67] {strides = array<i32>} : memref<128x128xf32, #tpu.memory_space<vmem>>, vector<16xf32>,
      tpu.vector_store %arg17[%swap3A_66, %swap3A_67], %broadcast_in_dim3A_65 {strides = array<i32>} : memref<128x128xf32, #tpu.memory_space<vmem>>, vector<16xf32>,
      %broadcast_in_dim3A_69 = arith.constant 0.000000e+00 : f32
      %broadcast_in_dim3A_70 = vector.broadcast %broadcast_in_dim3A_69 : f32 to vector<16xf32>
      %swap3A_71 = arith.index_cast %scan3A_40 : i32 to index
      %swap3A_72 = arith.constant 96 : index
      %swap3A_73 = tpu.vector_load %arg17[%swap3A_71, %swap3A_72] {strides = array<i32>} : memref<128x128xf32, #tpu.memory_space<vmem>>, vector<16xf32>,
      tpu.vector_store %arg17[%swap3A_71, %swap3A_72], %broadcast_in_dim3A_70 {strides = array<i32>} : memref<128x128xf32, #tpu.memory_space<vmem>>, vector<16xf32>,
      %broadcast_in_dim3A_74 = arith.constant 0.000000e+00 : f32
      %broadcast_in_dim3A_75 = vector.broadcast %broadcast_in_dim3A_74 : f32 to vector<16xf32>
      %swap3A_76 = arith.index_cast %scan3A_40 : i32 to index
      %swap3A_77 = arith.constant 112 : index
      %swap3A_78 = tpu.vector_load %arg17[%swap3A_76, %swap3A_77] {strides = array<i32>} : memref<128x128xf32, #tpu.memory_space<vmem>>, vector<16xf32>,
      tpu.vector_store %arg17[%swap3A_76, %swap3A_77], %broadcast_in_dim3A_75 {strides = array<i32>} : memref<128x128xf32, #tpu.memory_space<vmem>>, vector<16xf32>,
    }
    %scan3A_17 = arith.constant 128 : i32
    %dma_start3A_18 = arith.constant 0 : i32
    %dma_start3A_19 = arith.constant 0 : i32
    %dma_start3A_20 = tpu.memref_slice %arg18[%dma_start3A_18, %dma_start3A_19] : memref<10000x128xf32, #tpu.memory_space<vmem_shared>> -> memref<10000x128xf32, #tpu.memory_space<vmem_shared>>
    tpu.enqueue_indirect_dma source(%arg17 : memref<128x128xf32, #tpu.memory_space<vmem>>) target(%dma_start3A_20 : memref<10000x128xf32, #tpu.memory_space<vmem_shared>>) offsets(%arg11 : memref<128xi32, #tpu.memory_space<vmem>>) semaphore(%arg22 : memref<!tpu.dma_semaphore, #tpu.memory_space<semaphore_mem>>) {add = true}
    %while3A = arith.constant 0 : i32
    %while3A_21 = arith.constant 0 : i32
    %while3A_22 = arith.subi %select_n3A, %while3A_21 : i32
    %while3A_23 = arith.addi %while3A_21, %while3A_22 : i32
    %while3A_24 = arith.constant 1 : i32
    %while3A_25 = arith.divsi %while3A_22, %while3A_24 : i32
    %while3A_26 = arith.muli %while3A_25, %while3A_24 : i32
    %while3A_27 = arith.addi %while3A_21, %while3A_26 : i32
    %while3A_28 = arith.constant 1 : i32
    scf.for %while3A_40 = %while3A_21 to %while3A_27 step %while3A_28  : i32 {
      %mul3A_41 = arith.constant 2 : i32
      %mul3A_42 = arith.muli %mul3A_41, %while3A_40 : i32
      %add3A_43 = arith.constant 0 : i32
      %add3A_44 = arith.addi %mul3A_42, %add3A_43 : i32
      %dma_wait3A_45 = arith.constant 0 : i32
      %dma_wait3A_46 = arith.constant 0 : i32
      %dma_wait3A_47 = tpu.memref_slice %arg2[%dma_wait3A_45, %dma_wait3A_46] : memref<10000x64xi32, #tpu.memory_space<hbm>> -> memref<10000x64xi32, #tpu.memory_space<hbm>>
      tpu.wait_indirect_dma semaphore(%arg19 : memref<!tpu.dma_semaphore, #tpu.memory_space<semaphore_mem>>) src(%dma_wait3A_47 : memref<10000x64xi32, #tpu.memory_space<hbm>>) dst(%arg14 : memref<128x64xi32, #tpu.memory_space<vmem>>)
      %dma_wait3A_48 = arith.constant 0 : i32
      %dma_wait3A_49 = arith.constant 0 : i32
      %dma_wait3A_50 = tpu.memref_slice %arg18[%dma_wait3A_48, %dma_wait3A_49] : memref<10000x128xf32, #tpu.memory_space<vmem_shared>> -> memref<10000x128xf32, #tpu.memory_space<vmem_shared>>
      tpu.wait_indirect_dma semaphore(%arg22 : memref<!tpu.dma_semaphore, #tpu.memory_space<semaphore_mem>>) src(%arg17 : memref<128x128xf32, #tpu.memory_space<vmem>>) dst(%dma_wait3A_50 : memref<10000x128xf32, #tpu.memory_space<vmem_shared>>)
      %add3A_51 = arith.constant 1 : i32
      %add3A_52 = arith.addi %add3A_44, %add3A_51 : i32
      %mul3A_53 = arith.constant 128 : i32
      %mul3A_54 = arith.muli %add3A_52, %mul3A_53 : i32
      %add3A_55 = arith.addi %add3A, %mul3A_54 : i32
      %dma_start3A_56 = tpu.memref_slice %arg3[%add3A_55] : memref<327808xi32, #tpu.memory_space<hbm>> -> memref<128xi32, #tpu.memory_space<hbm>>
      %dma_start3A_57 = tpu.memref_slice %arg3[%add3A_55] : memref<327808xi32, #tpu.memory_space<hbm>> -> memref<128xi32, #tpu.memory_space<hbm>>
      tpu.enqueue_dma source(%dma_start3A_57 : memref<128xi32, #tpu.memory_space<hbm>>) target(%arg9 : memref<128xi32, #tpu.memory_space<vmem>>) target_semaphore(%arg24 : memref<!tpu.dma_semaphore, #tpu.memory_space<semaphore_mem>>)
      %dma_start3A_58 = tpu.memref_slice %arg4[%add3A_55] : memref<327808xi32, #tpu.memory_space<hbm>> -> memref<128xi32, #tpu.memory_space<hbm>>
      %dma_start3A_59 = tpu.memref_slice %arg4[%add3A_55] : memref<327808xi32, #tpu.memory_space<hbm>> -> memref<128xi32, #tpu.memory_space<hbm>>
      tpu.enqueue_dma source(%dma_start3A_59 : memref<128xi32, #tpu.memory_space<hbm>>) target(%arg11 : memref<128xi32, #tpu.memory_space<vmem>>) target_semaphore(%arg24 : memref<!tpu.dma_semaphore, #tpu.memory_space<semaphore_mem>>)
      %dma_start3A_60 = tpu.memref_slice %arg5[%add3A_55] : memref<327808xf32, #tpu.memory_space<hbm>> -> memref<128xf32, #tpu.memory_space<hbm>>
      %dma_start3A_61 = tpu.memref_slice %arg5[%add3A_55] : memref<327808xf32, #tpu.memory_space<hbm>> -> memref<128xf32, #tpu.memory_space<hbm>>
      tpu.enqueue_dma source(%dma_start3A_61 : memref<128xf32, #tpu.memory_space<hbm>>) target(%arg13 : memref<128xf32, #tpu.memory_space<vmem>>) target_semaphore(%arg24 : memref<!tpu.dma_semaphore, #tpu.memory_space<semaphore_mem>>)
      %parallel_loop3A = arith.constant 0 : i32
      %parallel_loop3A_62 = arith.constant 128 : i32
      %parallel_loop3A_63 = arith.constant 1 : i32
      scf.for %parallel_loop3A_122 = %parallel_loop3A to %parallel_loop3A_62 step %parallel_loop3A_63  : i32 {
        %parallel_loop3A_123 = vector.broadcast %parallel_loop3A_122 : i32 to vector<16xi32>
        %parallel_loop3A_124 = tpu.vector_load_idx %arg12[%parallel_loop3A_123] : memref<128xf32, #tpu.memory_space<vmem>>[vector<16xi32>], vector<16xf32>,
        %parallel_loop3A_125 = arith.index_cast %parallel_loop3A_122 : i32 to index
        %parallel_loop3A_126 = arith.constant 0 : index
        %parallel_loop3A_127 = tpu.vector_load %arg14[%parallel_loop3A_125, %parallel_loop3A_126] {strides = array<i32>} : memref<128x64xi32, #tpu.memory_space<vmem>>, vector<16xi32>,
        %parallel_loop3A_128 = vector.bitcast %parallel_loop3A_127 : vector<16xi32> to vector<32xbf16>
        %parallel_loop3A_129 = tpu.unpack_subelements %parallel_loop3A_128, 0 {pack_format = #tpu.pack_format<interleaved>} : vector<32xbf16> -> vector<16xf32>
        %parallel_loop3A_130 = tpu.unpack_subelements %parallel_loop3A_128, 1 {pack_format = #tpu.pack_format<interleaved>} : vector<32xbf16> -> vector<16xf32>
        %parallel_loop3A_131 = arith.mulf %parallel_loop3A_129, %parallel_loop3A_124 : vector<16xf32>
        %parallel_loop3A_132 = arith.index_cast %parallel_loop3A_122 : i32 to index
        %parallel_loop3A_133 = arith.constant 0 : index
        %parallel_loop3A_134 = tpu.vector_load %arg16[%parallel_loop3A_132, %parallel_loop3A_133] {strides = array<i32>} : memref<128x128xf32, #tpu.memory_space<vmem>>, vector<16xf32>,
        tpu.vector_store %arg16[%parallel_loop3A_132, %parallel_loop3A_133], %parallel_loop3A_131 {strides = array<i32>} : memref<128x128xf32, #tpu.memory_space<vmem>>, vector<16xf32>,
        %parallel_loop3A_135 = arith.mulf %parallel_loop3A_130, %parallel_loop3A_124 : vector<16xf32>
        %parallel_loop3A_136 = arith.index_cast %parallel_loop3A_122 : i32 to index
        %parallel_loop3A_137 = arith.constant 16 : index
        %parallel_loop3A_138 = tpu.vector_load %arg16[%parallel_loop3A_136, %parallel_loop3A_137] {strides = array<i32>} : memref<128x128xf32, #tpu.memory_space<vmem>>, vector<16xf32>,
        tpu.vector_store %arg16[%parallel_loop3A_136, %parallel_loop3A_137], %parallel_loop3A_135 {strides = array<i32>} : memref<128x128xf32, #tpu.memory_space<vmem>>, vector<16xf32>,
        %parallel_loop3A_139 = arith.index_cast %parallel_loop3A_122 : i32 to index
        %parallel_loop3A_140 = arith.constant 16 : index
        %parallel_loop3A_141 = tpu.vector_load %arg14[%parallel_loop3A_139, %parallel_loop3A_140] {strides = array<i32>} : memref<128x64xi32, #tpu.memory_space<vmem>>, vector<16xi32>,
        %parallel_loop3A_142 = vector.bitcast %parallel_loop3A_141 : vector<16xi32> to vector<32xbf16>
        %parallel_loop3A_143 = tpu.unpack_subelements %parallel_loop3A_142, 0 {pack_format = #tpu.pack_format<interleaved>} : vector<32xbf16> -> vector<16xf32>
        %parallel_loop3A_144 = tpu.unpack_subelements %parallel_loop3A_142, 1 {pack_format = #tpu.pack_format<interleaved>} : vector<32xbf16> -> vector<16xf32>
        %parallel_loop3A_145 = arith.mulf %parallel_loop3A_143, %parallel_loop3A_124 : vector<16xf32>
        %parallel_loop3A_146 = arith.index_cast %parallel_loop3A_122 : i32 to index
        %parallel_loop3A_147 = arith.constant 32 : index
        %parallel_loop3A_148 = tpu.vector_load %arg16[%parallel_loop3A_146, %parallel_loop3A_147] {strides = array<i32>} : memref<128x128xf32, #tpu.memory_space<vmem>>, vector<16xf32>,
        tpu.vector_store %arg16[%parallel_loop3A_146, %parallel_loop3A_147], %parallel_loop3A_145 {strides = array<i32>} : memref<128x128xf32, #tpu.memory_space<vmem>>, vector<16xf32>,
        %parallel_loop3A_149 = arith.mulf %parallel_loop3A_144, %parallel_loop3A_124 : vector<16xf32>
        %parallel_loop3A_150 = arith.index_cast %parallel_loop3A_122 : i32 to index
        %parallel_loop3A_151 = arith.constant 48 : index
        %parallel_loop3A_152 = tpu.vector_load %arg16[%parallel_loop3A_150, %parallel_loop3A_151] {strides = array<i32>} : memref<128x128xf32, #tpu.memory_space<vmem>>, vector<16xf32>,
        tpu.vector_store %arg16[%parallel_loop3A_150, %parallel_loop3A_151], %parallel_loop3A_149 {strides = array<i32>} : memref<128x128xf32, #tpu.memory_space<vmem>>, vector<16xf32>,
        %parallel_loop3A_153 = arith.index_cast %parallel_loop3A_122 : i32 to index
        %parallel_loop3A_154 = arith.constant 32 : index
        %parallel_loop3A_155 = tpu.vector_load %arg14[%parallel_loop3A_153, %parallel_loop3A_154] {strides = array<i32>} : memref<128x64xi32, #tpu.memory_space<vmem>>, vector<16xi32>,
        %parallel_loop3A_156 = vector.bitcast %parallel_loop3A_155 : vector<16xi32> to vector<32xbf16>
        %parallel_loop3A_157 = tpu.unpack_subelements %parallel_loop3A_156, 0 {pack_format = #tpu.pack_format<interleaved>} : vector<32xbf16> -> vector<16xf32>
        %parallel_loop3A_158 = tpu.unpack_subelements %parallel_loop3A_156, 1 {pack_format = #tpu.pack_format<interleaved>} : vector<32xbf16> -> vector<16xf32>
        %parallel_loop3A_159 = arith.mulf %parallel_loop3A_157, %parallel_loop3A_124 : vector<16xf32>
        %parallel_loop3A_160 = arith.index_cast %parallel_loop3A_122 : i32 to index
        %parallel_loop3A_161 = arith.constant 64 : index
        %parallel_loop3A_162 = tpu.vector_load %arg16[%parallel_loop3A_160, %parallel_loop3A_161] {strides = array<i32>} : memref<128x128xf32, #tpu.memory_space<vmem>>, vector<16xf32>,
        tpu.vector_store %arg16[%parallel_loop3A_160, %parallel_loop3A_161], %parallel_loop3A_159 {strides = array<i32>} : memref<128x128xf32, #tpu.memory_space<vmem>>, vector<16xf32>,
        %parallel_loop3A_163 = arith.mulf %parallel_loop3A_158, %parallel_loop3A_124 : vector<16xf32>
        %parallel_loop3A_164 = arith.index_cast %parallel_loop3A_122 : i32 to index
        %parallel_loop3A_165 = arith.constant 80 : index
        %parallel_loop3A_166 = tpu.vector_load %arg16[%parallel_loop3A_164, %parallel_loop3A_165] {strides = array<i32>} : memref<128x128xf32, #tpu.memory_space<vmem>>, vector<16xf32>,
        tpu.vector_store %arg16[%parallel_loop3A_164, %parallel_loop3A_165], %parallel_loop3A_163 {strides = array<i32>} : memref<128x128xf32, #tpu.memory_space<vmem>>, vector<16xf32>,
        %parallel_loop3A_167 = arith.index_cast %parallel_loop3A_122 : i32 to index
        %parallel_loop3A_168 = arith.constant 48 : index
        %parallel_loop3A_169 = tpu.vector_load %arg14[%parallel_loop3A_167, %parallel_loop3A_168] {strides = array<i32>} : memref<128x64xi32, #tpu.memory_space<vmem>>, vector<16xi32>,
        %parallel_loop3A_170 = vector.bitcast %parallel_loop3A_169 : vector<16xi32> to vector<32xbf16>
        %parallel_loop3A_171 = tpu.unpack_subelements %parallel_loop3A_170, 0 {pack_format = #tpu.pack_format<interleaved>} : vector<32xbf16> -> vector<16xf32>
        %parallel_loop3A_172 = tpu.unpack_subelements %parallel_loop3A_170, 1 {pack_format = #tpu.pack_format<interleaved>} : vector<32xbf16> -> vector<16xf32>
        %parallel_loop3A_173 = arith.mulf %parallel_loop3A_171, %parallel_loop3A_124 : vector<16xf32>
        %parallel_loop3A_174 = arith.index_cast %parallel_loop3A_122 : i32 to index
        %parallel_loop3A_175 = arith.constant 96 : index
        %parallel_loop3A_176 = tpu.vector_load %arg16[%parallel_loop3A_174, %parallel_loop3A_175] {strides = array<i32>} : memref<128x128xf32, #tpu.memory_space<vmem>>, vector<16xf32>,
        tpu.vector_store %arg16[%parallel_loop3A_174, %parallel_loop3A_175], %parallel_loop3A_173 {strides = array<i32>} : memref<128x128xf32, #tpu.memory_space<vmem>>, vector<16xf32>,
        %parallel_loop3A_177 = arith.mulf %parallel_loop3A_172, %parallel_loop3A_124 : vector<16xf32>
        %parallel_loop3A_178 = arith.index_cast %parallel_loop3A_122 : i32 to index
        %parallel_loop3A_179 = arith.constant 112 : index
        %parallel_loop3A_180 = tpu.vector_load %arg16[%parallel_loop3A_178, %parallel_loop3A_179] {strides = array<i32>} : memref<128x128xf32, #tpu.memory_space<vmem>>, vector<16xf32>,
        tpu.vector_store %arg16[%parallel_loop3A_178, %parallel_loop3A_179], %parallel_loop3A_177 {strides = array<i32>} : memref<128x128xf32, #tpu.memory_space<vmem>>, vector<16xf32>,
      } {sc.loop_unroll_factor = 4 : i64, sc.parallel_access}
      %add3A_64 = arith.constant 1 : i32
      %add3A_65 = arith.addi %add3A_44, %add3A_64 : i32
      %mul3A_66 = arith.constant 128 : i32
      %mul3A_67 = arith.muli %add3A_65, %mul3A_66 : i32
      %add3A_68 = arith.addi %add3A, %mul3A_67 : i32
      %dma_wait3A_69 = tpu.memref_slice %arg3[%add3A_68] : memref<327808xi32, #tpu.memory_space<hbm>> -> memref<128xi32, #tpu.memory_space<hbm>>
      %dma_wait3A_70 = tpu.memref_slice %arg3[%add3A_68] : memref<327808xi32, #tpu.memory_space<hbm>> -> memref<128xi32, #tpu.memory_space<hbm>>
      tpu.wait_dma2 semaphore(%arg24 : memref<!tpu.dma_semaphore, #tpu.memory_space<semaphore_mem>>) src(%dma_wait3A_70 : memref<128xi32, #tpu.memory_space<hbm>>) dst(%arg9 : memref<128xi32, #tpu.memory_space<vmem>>)
      %dma_wait3A_71 = tpu.memref_slice %arg4[%add3A_68] : memref<327808xi32, #tpu.memory_space<hbm>> -> memref<128xi32, #tpu.memory_space<hbm>>
      %dma_wait3A_72 = tpu.memref_slice %arg4[%add3A_68] : memref<327808xi32, #tpu.memory_space<hbm>> -> memref<128xi32, #tpu.memory_space<hbm>>
      tpu.wait_dma2 semaphore(%arg24 : memref<!tpu.dma_semaphore, #tpu.memory_space<semaphore_mem>>) src(%dma_wait3A_72 : memref<128xi32, #tpu.memory_space<hbm>>) dst(%arg11 : memref<128xi32, #tpu.memory_space<vmem>>)
      %dma_wait3A_73 = tpu.memref_slice %arg5[%add3A_68] : memref<327808xf32, #tpu.memory_space<hbm>> -> memref<128xf32, #tpu.memory_space<hbm>>
      %dma_wait3A_74 = tpu.memref_slice %arg5[%add3A_68] : memref<327808xf32, #tpu.memory_space<hbm>> -> memref<128xf32, #tpu.memory_space<hbm>>
      tpu.wait_dma2 semaphore(%arg24 : memref<!tpu.dma_semaphore, #tpu.memory_space<semaphore_mem>>) src(%dma_wait3A_74 : memref<128xf32, #tpu.memory_space<hbm>>) dst(%arg13 : memref<128xf32, #tpu.memory_space<vmem>>)
      %dma_start3A_75 = arith.constant 0 : i32
      %dma_start3A_76 = arith.constant 0 : i32
      %dma_start3A_77 = tpu.memref_slice %arg2[%dma_start3A_75, %dma_start3A_76] : memref<10000x64xi32, #tpu.memory_space<hbm>> -> memref<10000x64xi32, #tpu.memory_space<hbm>>
      tpu.enqueue_indirect_dma source(%dma_start3A_77 : memref<10000x64xi32, #tpu.memory_space<hbm>>) target(%arg15 : memref<128x64xi32, #tpu.memory_space<vmem>>) offsets(%arg9 : memref<128xi32, #tpu.memory_space<vmem>>) semaphore(%arg20 : memref<!tpu.dma_semaphore, #tpu.memory_space<semaphore_mem>>)
      %dma_start3A_78 = arith.constant 0 : i32
      %dma_start3A_79 = arith.constant 0 : i32
      %dma_start3A_80 = tpu.memref_slice %arg18[%dma_start3A_78, %dma_start3A_79] : memref<10000x128xf32, #tpu.memory_space<vmem_shared>> -> memref<10000x128xf32, #tpu.memory_space<vmem_shared>>
      tpu.enqueue_indirect_dma source(%arg16 : memref<128x128xf32, #tpu.memory_space<vmem>>) target(%dma_start3A_80 : memref<10000x128xf32, #tpu.memory_space<vmem_shared>>) offsets(%arg10 : memref<128xi32, #tpu.memory_space<vmem>>) semaphore(%arg21 : memref<!tpu.dma_semaphore, #tpu.memory_space<semaphore_mem>>) {add = true}
      %mul3A_81 = arith.constant 2 : i32
      %mul3A_82 = arith.muli %mul3A_81, %while3A_40 : i32
      %add3A_83 = arith.constant 1 : i32
      %add3A_84 = arith.addi %mul3A_82, %add3A_83 : i32
      %dma_wait3A_85 = arith.constant 0 : i32
      %dma_wait3A_86 = arith.constant 0 : i32
      %dma_wait3A_87 = tpu.memref_slice %arg2[%dma_wait3A_85, %dma_wait3A_86] : memref<10000x64xi32, #tpu.memory_space<hbm>> -> memref<10000x64xi32, #tpu.memory_space<hbm>>
      tpu.wait_indirect_dma semaphore(%arg20 : memref<!tpu.dma_semaphore, #tpu.memory_space<semaphore_mem>>) src(%dma_wait3A_87 : memref<10000x64xi32, #tpu.memory_space<hbm>>) dst(%arg15 : memref<128x64xi32, #tpu.memory_space<vmem>>)
      %dma_wait3A_88 = arith.constant 0 : i32
      %dma_wait3A_89 = arith.constant 0 : i32
      %dma_wait3A_90 = tpu.memref_slice %arg18[%dma_wait3A_88, %dma_wait3A_89] : memref<10000x128xf32, #tpu.memory_space<vmem_shared>> -> memref<10000x128xf32, #tpu.memory_space<vmem_shared>>
      tpu.wait_indirect_dma semaphore(%arg21 : memref<!tpu.dma_semaphore, #tpu.memory_space<semaphore_mem>>) src(%arg16 : memref<128x128xf32, #tpu.memory_space<vmem>>) dst(%dma_wait3A_90 : memref<10000x128xf32, #tpu.memory_space<vmem_shared>>)
      %add3A_91 = arith.constant 1 : i32
      %add3A_92 = arith.addi %add3A_84, %add3A_91 : i32
      %mul3A_93 = arith.constant 128 : i32
      %mul3A_94 = arith.muli %add3A_92, %mul3A_93 : i32
      %add3A_95 = arith.addi %add3A, %mul3A_94 : i32
      %dma_start3A_96 = tpu.memref_slice %arg3[%add3A_95] : memref<327808xi32, #tpu.memory_space<hbm>> -> memref<128xi32, #tpu.memory_space<hbm>>
      %dma_start3A_97 = tpu.memref_slice %arg3[%add3A_95] : memref<327808xi32, #tpu.memory_space<hbm>> -> memref<128xi32, #tpu.memory_space<hbm>>
      tpu.enqueue_dma source(%dma_start3A_97 : memref<128xi32, #tpu.memory_space<hbm>>) target(%arg8 : memref<128xi32, #tpu.memory_space<vmem>>) target_semaphore(%arg23 : memref<!tpu.dma_semaphore, #tpu.memory_space<semaphore_mem>>)
      %dma_start3A_98 = tpu.memref_slice %arg4[%add3A_95] : memref<327808xi32, #tpu.memory_space<hbm>> -> memref<128xi32, #tpu.memory_space<hbm>>
      %dma_start3A_99 = tpu.memref_slice %arg4[%add3A_95] : memref<327808xi32, #tpu.memory_space<hbm>> -> memref<128xi32, #tpu.memory_space<hbm>>
      tpu.enqueue_dma source(%dma_start3A_99 : memref<128xi32, #tpu.memory_space<hbm>>) target(%arg10 : memref<128xi32, #tpu.memory_space<vmem>>) target_semaphore(%arg23 : memref<!tpu.dma_semaphore, #tpu.memory_space<semaphore_mem>>)
      %dma_start3A_100 = tpu.memref_slice %arg5[%add3A_95] : memref<327808xf32, #tpu.memory_space<hbm>> -> memref<128xf32, #tpu.memory_space<hbm>>
      %dma_start3A_101 = tpu.memref_slice %arg5[%add3A_95] : memref<327808xf32, #tpu.memory_space<hbm>> -> memref<128xf32, #tpu.memory_space<hbm>>
      tpu.enqueue_dma source(%dma_start3A_101 : memref<128xf32, #tpu.memory_space<hbm>>) target(%arg12 : memref<128xf32, #tpu.memory_space<vmem>>) target_semaphore(%arg23 : memref<!tpu.dma_semaphore, #tpu.memory_space<semaphore_mem>>)
      %parallel_loop3A_102 = arith.constant 0 : i32
      %parallel_loop3A_103 = arith.constant 128 : i32
      %parallel_loop3A_104 = arith.constant 1 : i32
      scf.for %parallel_loop3A_122 = %parallel_loop3A_102 to %parallel_loop3A_103 step %parallel_loop3A_104  : i32 {
        %parallel_loop3A_123 = vector.broadcast %parallel_loop3A_122 : i32 to vector<16xi32>
        %parallel_loop3A_124 = tpu.vector_load_idx %arg13[%parallel_loop3A_123] : memref<128xf32, #tpu.memory_space<vmem>>[vector<16xi32>], vector<16xf32>,
        %parallel_loop3A_125 = arith.index_cast %parallel_loop3A_122 : i32 to index
        %parallel_loop3A_126 = arith.constant 0 : index
        %parallel_loop3A_127 = tpu.vector_load %arg15[%parallel_loop3A_125, %parallel_loop3A_126] {strides = array<i32>} : memref<128x64xi32, #tpu.memory_space<vmem>>, vector<16xi32>,
        %parallel_loop3A_128 = vector.bitcast %parallel_loop3A_127 : vector<16xi32> to vector<32xbf16>
        %parallel_loop3A_129 = tpu.unpack_subelements %parallel_loop3A_128, 0 {pack_format = #tpu.pack_format<interleaved>} : vector<32xbf16> -> vector<16xf32>
        %parallel_loop3A_130 = tpu.unpack_subelements %parallel_loop3A_128, 1 {pack_format = #tpu.pack_format<interleaved>} : vector<32xbf16> -> vector<16xf32>
        %parallel_loop3A_131 = arith.mulf %parallel_loop3A_129, %parallel_loop3A_124 : vector<16xf32>
        %parallel_loop3A_132 = arith.index_cast %parallel_loop3A_122 : i32 to index
        %parallel_loop3A_133 = arith.constant 0 : index
        %parallel_loop3A_134 = tpu.vector_load %arg17[%parallel_loop3A_132, %parallel_loop3A_133] {strides = array<i32>} : memref<128x128xf32, #tpu.memory_space<vmem>>, vector<16xf32>,
        tpu.vector_store %arg17[%parallel_loop3A_132, %parallel_loop3A_133], %parallel_loop3A_131 {strides = array<i32>} : memref<128x128xf32, #tpu.memory_space<vmem>>, vector<16xf32>,
        %parallel_loop3A_135 = arith.mulf %parallel_loop3A_130, %parallel_loop3A_124 : vector<16xf32>
        %parallel_loop3A_136 = arith.index_cast %parallel_loop3A_122 : i32 to index
        %parallel_loop3A_137 = arith.constant 16 : index
        %parallel_loop3A_138 = tpu.vector_load %arg17[%parallel_loop3A_136, %parallel_loop3A_137] {strides = array<i32>} : memref<128x128xf32, #tpu.memory_space<vmem>>, vector<16xf32>,
        tpu.vector_store %arg17[%parallel_loop3A_136, %parallel_loop3A_137], %parallel_loop3A_135 {strides = array<i32>} : memref<128x128xf32, #tpu.memory_space<vmem>>, vector<16xf32>,
        %parallel_loop3A_139 = arith.index_cast %parallel_loop3A_122 : i32 to index
        %parallel_loop3A_140 = arith.constant 16 : index
        %parallel_loop3A_141 = tpu.vector_load %arg15[%parallel_loop3A_139, %parallel_loop3A_140] {strides = array<i32>} : memref<128x64xi32, #tpu.memory_space<vmem>>, vector<16xi32>,
        %parallel_loop3A_142 = vector.bitcast %parallel_loop3A_141 : vector<16xi32> to vector<32xbf16>
        %parallel_loop3A_143 = tpu.unpack_subelements %parallel_loop3A_142, 0 {pack_format = #tpu.pack_format<interleaved>} : vector<32xbf16> -> vector<16xf32>
        %parallel_loop3A_144 = tpu.unpack_subelements %parallel_loop3A_142, 1 {pack_format = #tpu.pack_format<interleaved>} : vector<32xbf16> -> vector<16xf32>
        %parallel_loop3A_145 = arith.mulf %parallel_loop3A_143, %parallel_loop3A_124 : vector<16xf32>
        %parallel_loop3A_146 = arith.index_cast %parallel_loop3A_122 : i32 to index
        %parallel_loop3A_147 = arith.constant 32 : index
        %parallel_loop3A_148 = tpu.vector_load %arg17[%parallel_loop3A_146, %parallel_loop3A_147] {strides = array<i32>} : memref<128x128xf32, #tpu.memory_space<vmem>>, vector<16xf32>,
        tpu.vector_store %arg17[%parallel_loop3A_146, %parallel_loop3A_147], %parallel_loop3A_145 {strides = array<i32>} : memref<128x128xf32, #tpu.memory_space<vmem>>, vector<16xf32>,
        %parallel_loop3A_149 = arith.mulf %parallel_loop3A_144, %parallel_loop3A_124 : vector<16xf32>
        %parallel_loop3A_150 = arith.index_cast %parallel_loop3A_122 : i32 to index
        %parallel_loop3A_151 = arith.constant 48 : index
        %parallel_loop3A_152 = tpu.vector_load %arg17[%parallel_loop3A_150, %parallel_loop3A_151] {strides = array<i32>} : memref<128x128xf32, #tpu.memory_space<vmem>>, vector<16xf32>,
        tpu.vector_store %arg17[%parallel_loop3A_150, %parallel_loop3A_151], %parallel_loop3A_149 {strides = array<i32>} : memref<128x128xf32, #tpu.memory_space<vmem>>, vector<16xf32>,
        %parallel_loop3A_153 = arith.index_cast %parallel_loop3A_122 : i32 to index
        %parallel_loop3A_154 = arith.constant 32 : index
        %parallel_loop3A_155 = tpu.vector_load %arg15[%parallel_loop3A_153, %parallel_loop3A_154] {strides = array<i32>} : memref<128x64xi32, #tpu.memory_space<vmem>>, vector<16xi32>,
        %parallel_loop3A_156 = vector.bitcast %parallel_loop3A_155 : vector<16xi32> to vector<32xbf16>
        %parallel_loop3A_157 = tpu.unpack_subelements %parallel_loop3A_156, 0 {pack_format = #tpu.pack_format<interleaved>} : vector<32xbf16> -> vector<16xf32>
        %parallel_loop3A_158 = tpu.unpack_subelements %parallel_loop3A_156, 1 {pack_format = #tpu.pack_format<interleaved>} : vector<32xbf16> -> vector<16xf32>
        %parallel_loop3A_159 = arith.mulf %parallel_loop3A_157, %parallel_loop3A_124 : vector<16xf32>
        %parallel_loop3A_160 = arith.index_cast %parallel_loop3A_122 : i32 to index
        %parallel_loop3A_161 = arith.constant 64 : index
        %parallel_loop3A_162 = tpu.vector_load %arg17[%parallel_loop3A_160, %parallel_loop3A_161] {strides = array<i32>} : memref<128x128xf32, #tpu.memory_space<vmem>>, vector<16xf32>,
        tpu.vector_store %arg17[%parallel_loop3A_160, %parallel_loop3A_161], %parallel_loop3A_159 {strides = array<i32>} : memref<128x128xf32, #tpu.memory_space<vmem>>, vector<16xf32>,
        %parallel_loop3A_163 = arith.mulf %parallel_loop3A_158, %parallel_loop3A_124 : vector<16xf32>
        %parallel_loop3A_164 = arith.index_cast %parallel_loop3A_122 : i32 to index
        %parallel_loop3A_165 = arith.constant 80 : index
        %parallel_loop3A_166 = tpu.vector_load %arg17[%parallel_loop3A_164, %parallel_loop3A_165] {strides = array<i32>} : memref<128x128xf32, #tpu.memory_space<vmem>>, vector<16xf32>,
        tpu.vector_store %arg17[%parallel_loop3A_164, %parallel_loop3A_165], %parallel_loop3A_163 {strides = array<i32>} : memref<128x128xf32, #tpu.memory_space<vmem>>, vector<16xf32>,
        %parallel_loop3A_167 = arith.index_cast %parallel_loop3A_122 : i32 to index
        %parallel_loop3A_168 = arith.constant 48 : index
        %parallel_loop3A_169 = tpu.vector_load %arg15[%parallel_loop3A_167, %parallel_loop3A_168] {strides = array<i32>} : memref<128x64xi32, #tpu.memory_space<vmem>>, vector<16xi32>,
        %parallel_loop3A_170 = vector.bitcast %parallel_loop3A_169 : vector<16xi32> to vector<32xbf16>
        %parallel_loop3A_171 = tpu.unpack_subelements %parallel_loop3A_170, 0 {pack_format = #tpu.pack_format<interleaved>} : vector<32xbf16> -> vector<16xf32>
        %parallel_loop3A_172 = tpu.unpack_subelements %parallel_loop3A_170, 1 {pack_format = #tpu.pack_format<interleaved>} : vector<32xbf16> -> vector<16xf32>
        %parallel_loop3A_173 = arith.mulf %parallel_loop3A_171, %parallel_loop3A_124 : vector<16xf32>
        %parallel_loop3A_174 = arith.index_cast %parallel_loop3A_122 : i32 to index
        %parallel_loop3A_175 = arith.constant 96 : index
        %parallel_loop3A_176 = tpu.vector_load %arg17[%parallel_loop3A_174, %parallel_loop3A_175] {strides = array<i32>} : memref<128x128xf32, #tpu.memory_space<vmem>>, vector<16xf32>,
        tpu.vector_store %arg17[%parallel_loop3A_174, %parallel_loop3A_175], %parallel_loop3A_173 {strides = array<i32>} : memref<128x128xf32, #tpu.memory_space<vmem>>, vector<16xf32>,
        %parallel_loop3A_177 = arith.mulf %parallel_loop3A_172, %parallel_loop3A_124 : vector<16xf32>
        %parallel_loop3A_178 = arith.index_cast %parallel_loop3A_122 : i32 to index
        %parallel_loop3A_179 = arith.constant 112 : index
        %parallel_loop3A_180 = tpu.vector_load %arg17[%parallel_loop3A_178, %parallel_loop3A_179] {strides = array<i32>} : memref<128x128xf32, #tpu.memory_space<vmem>>, vector<16xf32>,
        tpu.vector_store %arg17[%parallel_loop3A_178, %parallel_loop3A_179], %parallel_loop3A_177 {strides = array<i32>} : memref<128x128xf32, #tpu.memory_space<vmem>>, vector<16xf32>,
      } {sc.loop_unroll_factor = 4 : i64, sc.parallel_access}
      %add3A_105 = arith.constant 1 : i32
      %add3A_106 = arith.addi %add3A_84, %add3A_105 : i32
      %mul3A_107 = arith.constant 128 : i32
      %mul3A_108 = arith.muli %add3A_106, %mul3A_107 : i32
      %add3A_109 = arith.addi %add3A, %mul3A_108 : i32
      %dma_wait3A_110 = tpu.memref_slice %arg3[%add3A_109] : memref<327808xi32, #tpu.memory_space<hbm>> -> memref<128xi32, #tpu.memory_space<hbm>>
      %dma_wait3A_111 = tpu.memref_slice %arg3[%add3A_109] : memref<327808xi32, #tpu.memory_space<hbm>> -> memref<128xi32, #tpu.memory_space<hbm>>
      tpu.wait_dma2 semaphore(%arg23 : memref<!tpu.dma_semaphore, #tpu.memory_space<semaphore_mem>>) src(%dma_wait3A_111 : memref<128xi32, #tpu.memory_space<hbm>>) dst(%arg8 : memref<128xi32, #tpu.memory_space<vmem>>)
      %dma_wait3A_112 = tpu.memref_slice %arg4[%add3A_109] : memref<327808xi32, #tpu.memory_space<hbm>> -> memref<128xi32, #tpu.memory_space<hbm>>
      %dma_wait3A_113 = tpu.memref_slice %arg4[%add3A_109] : memref<327808xi32, #tpu.memory_space<hbm>> -> memref<128xi32, #tpu.memory_space<hbm>>
      tpu.wait_dma2 semaphore(%arg23 : memref<!tpu.dma_semaphore, #tpu.memory_space<semaphore_mem>>) src(%dma_wait3A_113 : memref<128xi32, #tpu.memory_space<hbm>>) dst(%arg10 : memref<128xi32, #tpu.memory_space<vmem>>)
      %dma_wait3A_114 = tpu.memref_slice %arg5[%add3A_109] : memref<327808xf32, #tpu.memory_space<hbm>> -> memref<128xf32, #tpu.memory_space<hbm>>
      %dma_wait3A_115 = tpu.memref_slice %arg5[%add3A_109] : memref<327808xf32, #tpu.memory_space<hbm>> -> memref<128xf32, #tpu.memory_space<hbm>>
      tpu.wait_dma2 semaphore(%arg23 : memref<!tpu.dma_semaphore, #tpu.memory_space<semaphore_mem>>) src(%dma_wait3A_115 : memref<128xf32, #tpu.memory_space<hbm>>) dst(%arg12 : memref<128xf32, #tpu.memory_space<vmem>>)
      %dma_start3A_116 = arith.constant 0 : i32
      %dma_start3A_117 = arith.constant 0 : i32
      %dma_start3A_118 = tpu.memref_slice %arg2[%dma_start3A_116, %dma_start3A_117] : memref<10000x64xi32, #tpu.memory_space<hbm>> -> memref<10000x64xi32, #tpu.memory_space<hbm>>
      tpu.enqueue_indirect_dma source(%dma_start3A_118 : memref<10000x64xi32, #tpu.memory_space<hbm>>) target(%arg14 : memref<128x64xi32, #tpu.memory_space<vmem>>) offsets(%arg8 : memref<128xi32, #tpu.memory_space<vmem>>) semaphore(%arg19 : memref<!tpu.dma_semaphore, #tpu.memory_space<semaphore_mem>>)
      %dma_start3A_119 = arith.constant 0 : i32
      %dma_start3A_120 = arith.constant 0 : i32
      %dma_start3A_121 = tpu.memref_slice %arg18[%dma_start3A_119, %dma_start3A_120] : memref<10000x128xf32, #tpu.memory_space<vmem_shared>> -> memref<10000x128xf32, #tpu.memory_space<vmem_shared>>
      tpu.enqueue_indirect_dma source(%arg17 : memref<128x128xf32, #tpu.memory_space<vmem>>) target(%dma_start3A_121 : memref<10000x128xf32, #tpu.memory_space<vmem_shared>>) offsets(%arg11 : memref<128xi32, #tpu.memory_space<vmem>>) semaphore(%arg22 : memref<!tpu.dma_semaphore, #tpu.memory_space<semaphore_mem>>) {add = true}
    }
    %while3A_29 = arith.constant 1 : i32
    scf.for %while3A_40 = %while3A_27 to %while3A_23 step %while3A_29  : i32 {
      %mul3A_41 = arith.constant 2 : i32
      %mul3A_42 = arith.muli %mul3A_41, %while3A_40 : i32
      %add3A_43 = arith.constant 0 : i32
      %add3A_44 = arith.addi %mul3A_42, %add3A_43 : i32
      %dma_wait3A_45 = arith.constant 0 : i32
      %dma_wait3A_46 = arith.constant 0 : i32
      %dma_wait3A_47 = tpu.memref_slice %arg2[%dma_wait3A_45, %dma_wait3A_46] : memref<10000x64xi32, #tpu.memory_space<hbm>> -> memref<10000x64xi32, #tpu.memory_space<hbm>>
      tpu.wait_indirect_dma semaphore(%arg19 : memref<!tpu.dma_semaphore, #tpu.memory_space<semaphore_mem>>) src(%dma_wait3A_47 : memref<10000x64xi32, #tpu.memory_space<hbm>>) dst(%arg14 : memref<128x64xi32, #tpu.memory_space<vmem>>)
      %dma_wait3A_48 = arith.constant 0 : i32
      %dma_wait3A_49 = arith.constant 0 : i32
      %dma_wait3A_50 = tpu.memref_slice %arg18[%dma_wait3A_48, %dma_wait3A_49] : memref<10000x128xf32, #tpu.memory_space<vmem_shared>> -> memref<10000x128xf32, #tpu.memory_space<vmem_shared>>
      tpu.wait_indirect_dma semaphore(%arg22 : memref<!tpu.dma_semaphore, #tpu.memory_space<semaphore_mem>>) src(%arg17 : memref<128x128xf32, #tpu.memory_space<vmem>>) dst(%dma_wait3A_50 : memref<10000x128xf32, #tpu.memory_space<vmem_shared>>)
      %add3A_51 = arith.constant 1 : i32
      %add3A_52 = arith.addi %add3A_44, %add3A_51 : i32
      %mul3A_53 = arith.constant 128 : i32
      %mul3A_54 = arith.muli %add3A_52, %mul3A_53 : i32
      %add3A_55 = arith.addi %add3A, %mul3A_54 : i32
      %dma_start3A_56 = tpu.memref_slice %arg3[%add3A_55] : memref<327808xi32, #tpu.memory_space<hbm>> -> memref<128xi32, #tpu.memory_space<hbm>>
      %dma_start3A_57 = tpu.memref_slice %arg3[%add3A_55] : memref<327808xi32, #tpu.memory_space<hbm>> -> memref<128xi32, #tpu.memory_space<hbm>>
      tpu.enqueue_dma source(%dma_start3A_57 : memref<128xi32, #tpu.memory_space<hbm>>) target(%arg9 : memref<128xi32, #tpu.memory_space<vmem>>) target_semaphore(%arg24 : memref<!tpu.dma_semaphore, #tpu.memory_space<semaphore_mem>>)
      %dma_start3A_58 = tpu.memref_slice %arg4[%add3A_55] : memref<327808xi32, #tpu.memory_space<hbm>> -> memref<128xi32, #tpu.memory_space<hbm>>
      %dma_start3A_59 = tpu.memref_slice %arg4[%add3A_55] : memref<327808xi32, #tpu.memory_space<hbm>> -> memref<128xi32, #tpu.memory_space<hbm>>
      tpu.enqueue_dma source(%dma_start3A_59 : memref<128xi32, #tpu.memory_space<hbm>>) target(%arg11 : memref<128xi32, #tpu.memory_space<vmem>>) target_semaphore(%arg24 : memref<!tpu.dma_semaphore, #tpu.memory_space<semaphore_mem>>)
      %dma_start3A_60 = tpu.memref_slice %arg5[%add3A_55] : memref<327808xf32, #tpu.memory_space<hbm>> -> memref<128xf32, #tpu.memory_space<hbm>>
      %dma_start3A_61 = tpu.memref_slice %arg5[%add3A_55] : memref<327808xf32, #tpu.memory_space<hbm>> -> memref<128xf32, #tpu.memory_space<hbm>>
      tpu.enqueue_dma source(%dma_start3A_61 : memref<128xf32, #tpu.memory_space<hbm>>) target(%arg13 : memref<128xf32, #tpu.memory_space<vmem>>) target_semaphore(%arg24 : memref<!tpu.dma_semaphore, #tpu.memory_space<semaphore_mem>>)
      %parallel_loop3A = arith.constant 0 : i32
      %parallel_loop3A_62 = arith.constant 128 : i32
      %parallel_loop3A_63 = arith.constant 1 : i32
      scf.for %parallel_loop3A_122 = %parallel_loop3A to %parallel_loop3A_62 step %parallel_loop3A_63  : i32 {
        %parallel_loop3A_123 = vector.broadcast %parallel_loop3A_122 : i32 to vector<16xi32>
        %parallel_loop3A_124 = tpu.vector_load_idx %arg12[%parallel_loop3A_123] : memref<128xf32, #tpu.memory_space<vmem>>[vector<16xi32>], vector<16xf32>,
        %parallel_loop3A_125 = arith.index_cast %parallel_loop3A_122 : i32 to index
        %parallel_loop3A_126 = arith.constant 0 : index
        %parallel_loop3A_127 = tpu.vector_load %arg14[%parallel_loop3A_125, %parallel_loop3A_126] {strides = array<i32>} : memref<128x64xi32, #tpu.memory_space<vmem>>, vector<16xi32>,
        %parallel_loop3A_128 = vector.bitcast %parallel_loop3A_127 : vector<16xi32> to vector<32xbf16>
        %parallel_loop3A_129 = tpu.unpack_subelements %parallel_loop3A_128, 0 {pack_format = #tpu.pack_format<interleaved>} : vector<32xbf16> -> vector<16xf32>
        %parallel_loop3A_130 = tpu.unpack_subelements %parallel_loop3A_128, 1 {pack_format = #tpu.pack_format<interleaved>} : vector<32xbf16> -> vector<16xf32>
        %parallel_loop3A_131 = arith.mulf %parallel_loop3A_129, %parallel_loop3A_124 : vector<16xf32>
        %parallel_loop3A_132 = arith.index_cast %parallel_loop3A_122 : i32 to index
        %parallel_loop3A_133 = arith.constant 0 : index
        %parallel_loop3A_134 = tpu.vector_load %arg16[%parallel_loop3A_132, %parallel_loop3A_133] {strides = array<i32>} : memref<128x128xf32, #tpu.memory_space<vmem>>, vector<16xf32>,
        tpu.vector_store %arg16[%parallel_loop3A_132, %parallel_loop3A_133], %parallel_loop3A_131 {strides = array<i32>} : memref<128x128xf32, #tpu.memory_space<vmem>>, vector<16xf32>,
        %parallel_loop3A_135 = arith.mulf %parallel_loop3A_130, %parallel_loop3A_124 : vector<16xf32>
        %parallel_loop3A_136 = arith.index_cast %parallel_loop3A_122 : i32 to index
        %parallel_loop3A_137 = arith.constant 16 : index
        %parallel_loop3A_138 = tpu.vector_load %arg16[%parallel_loop3A_136, %parallel_loop3A_137] {strides = array<i32>} : memref<128x128xf32, #tpu.memory_space<vmem>>, vector<16xf32>,
        tpu.vector_store %arg16[%parallel_loop3A_136, %parallel_loop3A_137], %parallel_loop3A_135 {strides = array<i32>} : memref<128x128xf32, #tpu.memory_space<vmem>>, vector<16xf32>,
        %parallel_loop3A_139 = arith.index_cast %parallel_loop3A_122 : i32 to index
        %parallel_loop3A_140 = arith.constant 16 : index
        %parallel_loop3A_141 = tpu.vector_load %arg14[%parallel_loop3A_139, %parallel_loop3A_140] {strides = array<i32>} : memref<128x64xi32, #tpu.memory_space<vmem>>, vector<16xi32>,
        %parallel_loop3A_142 = vector.bitcast %parallel_loop3A_141 : vector<16xi32> to vector<32xbf16>
        %parallel_loop3A_143 = tpu.unpack_subelements %parallel_loop3A_142, 0 {pack_format = #tpu.pack_format<interleaved>} : vector<32xbf16> -> vector<16xf32>
        %parallel_loop3A_144 = tpu.unpack_subelements %parallel_loop3A_142, 1 {pack_format = #tpu.pack_format<interleaved>} : vector<32xbf16> -> vector<16xf32>
        %parallel_loop3A_145 = arith.mulf %parallel_loop3A_143, %parallel_loop3A_124 : vector<16xf32>
        %parallel_loop3A_146 = arith.index_cast %parallel_loop3A_122 : i32 to index
        %parallel_loop3A_147 = arith.constant 32 : index
        %parallel_loop3A_148 = tpu.vector_load %arg16[%parallel_loop3A_146, %parallel_loop3A_147] {strides = array<i32>} : memref<128x128xf32, #tpu.memory_space<vmem>>, vector<16xf32>,
        tpu.vector_store %arg16[%parallel_loop3A_146, %parallel_loop3A_147], %parallel_loop3A_145 {strides = array<i32>} : memref<128x128xf32, #tpu.memory_space<vmem>>, vector<16xf32>,
        %parallel_loop3A_149 = arith.mulf %parallel_loop3A_144, %parallel_loop3A_124 : vector<16xf32>
        %parallel_loop3A_150 = arith.index_cast %parallel_loop3A_122 : i32 to index
        %parallel_loop3A_151 = arith.constant 48 : index
        %parallel_loop3A_152 = tpu.vector_load %arg16[%parallel_loop3A_150, %parallel_loop3A_151] {strides = array<i32>} : memref<128x128xf32, #tpu.memory_space<vmem>>, vector<16xf32>,
        tpu.vector_store %arg16[%parallel_loop3A_150, %parallel_loop3A_151], %parallel_loop3A_149 {strides = array<i32>} : memref<128x128xf32, #tpu.memory_space<vmem>>, vector<16xf32>,
        %parallel_loop3A_153 = arith.index_cast %parallel_loop3A_122 : i32 to index
        %parallel_loop3A_154 = arith.constant 32 : index
        %parallel_loop3A_155 = tpu.vector_load %arg14[%parallel_loop3A_153, %parallel_loop3A_154] {strides = array<i32>} : memref<128x64xi32, #tpu.memory_space<vmem>>, vector<16xi32>,
        %parallel_loop3A_156 = vector.bitcast %parallel_loop3A_155 : vector<16xi32> to vector<32xbf16>
        %parallel_loop3A_157 = tpu.unpack_subelements %parallel_loop3A_156, 0 {pack_format = #tpu.pack_format<interleaved>} : vector<32xbf16> -> vector<16xf32>
        %parallel_loop3A_158 = tpu.unpack_subelements %parallel_loop3A_156, 1 {pack_format = #tpu.pack_format<interleaved>} : vector<32xbf16> -> vector<16xf32>
        %parallel_loop3A_159 = arith.mulf %parallel_loop3A_157, %parallel_loop3A_124 : vector<16xf32>
        %parallel_loop3A_160 = arith.index_cast %parallel_loop3A_122 : i32 to index
        %parallel_loop3A_161 = arith.constant 64 : index
        %parallel_loop3A_162 = tpu.vector_load %arg16[%parallel_loop3A_160, %parallel_loop3A_161] {strides = array<i32>} : memref<128x128xf32, #tpu.memory_space<vmem>>, vector<16xf32>,
        tpu.vector_store %arg16[%parallel_loop3A_160, %parallel_loop3A_161], %parallel_loop3A_159 {strides = array<i32>} : memref<128x128xf32, #tpu.memory_space<vmem>>, vector<16xf32>,
        %parallel_loop3A_163 = arith.mulf %parallel_loop3A_158, %parallel_loop3A_124 : vector<16xf32>
        %parallel_loop3A_164 = arith.index_cast %parallel_loop3A_122 : i32 to index
        %parallel_loop3A_165 = arith.constant 80 : index
        %parallel_loop3A_166 = tpu.vector_load %arg16[%parallel_loop3A_164, %parallel_loop3A_165] {strides = array<i32>} : memref<128x128xf32, #tpu.memory_space<vmem>>, vector<16xf32>,
        tpu.vector_store %arg16[%parallel_loop3A_164, %parallel_loop3A_165], %parallel_loop3A_163 {strides = array<i32>} : memref<128x128xf32, #tpu.memory_space<vmem>>, vector<16xf32>,
        %parallel_loop3A_167 = arith.index_cast %parallel_loop3A_122 : i32 to index
        %parallel_loop3A_168 = arith.constant 48 : index
        %parallel_loop3A_169 = tpu.vector_load %arg14[%parallel_loop3A_167, %parallel_loop3A_168] {strides = array<i32>} : memref<128x64xi32, #tpu.memory_space<vmem>>, vector<16xi32>,
        %parallel_loop3A_170 = vector.bitcast %parallel_loop3A_169 : vector<16xi32> to vector<32xbf16>
        %parallel_loop3A_171 = tpu.unpack_subelements %parallel_loop3A_170, 0 {pack_format = #tpu.pack_format<interleaved>} : vector<32xbf16> -> vector<16xf32>
        %parallel_loop3A_172 = tpu.unpack_subelements %parallel_loop3A_170, 1 {pack_format = #tpu.pack_format<interleaved>} : vector<32xbf16> -> vector<16xf32>
        %parallel_loop3A_173 = arith.mulf %parallel_loop3A_171, %parallel_loop3A_124 : vector<16xf32>
        %parallel_loop3A_174 = arith.index_cast %parallel_loop3A_122 : i32 to index
        %parallel_loop3A_175 = arith.constant 96 : index
        %parallel_loop3A_176 = tpu.vector_load %arg16[%parallel_loop3A_174, %parallel_loop3A_175] {strides = array<i32>} : memref<128x128xf32, #tpu.memory_space<vmem>>, vector<16xf32>,
        tpu.vector_store %arg16[%parallel_loop3A_174, %parallel_loop3A_175], %parallel_loop3A_173 {strides = array<i32>} : memref<128x128xf32, #tpu.memory_space<vmem>>, vector<16xf32>,
        %parallel_loop3A_177 = arith.mulf %parallel_loop3A_172, %parallel_loop3A_124 : vector<16xf32>
        %parallel_loop3A_178 = arith.index_cast %parallel_loop3A_122 : i32 to index
        %parallel_loop3A_179 = arith.constant 112 : index
        %parallel_loop3A_180 = tpu.vector_load %arg16[%parallel_loop3A_178, %parallel_loop3A_179] {strides = array<i32>} : memref<128x128xf32, #tpu.memory_space<vmem>>, vector<16xf32>,
        tpu.vector_store %arg16[%parallel_loop3A_178, %parallel_loop3A_179], %parallel_loop3A_177 {strides = array<i32>} : memref<128x128xf32, #tpu.memory_space<vmem>>, vector<16xf32>,
      } {sc.loop_unroll_factor = 4 : i64, sc.parallel_access}
      %add3A_64 = arith.constant 1 : i32
      %add3A_65 = arith.addi %add3A_44, %add3A_64 : i32
      %mul3A_66 = arith.constant 128 : i32
      %mul3A_67 = arith.muli %add3A_65, %mul3A_66 : i32
      %add3A_68 = arith.addi %add3A, %mul3A_67 : i32
      %dma_wait3A_69 = tpu.memref_slice %arg3[%add3A_68] : memref<327808xi32, #tpu.memory_space<hbm>> -> memref<128xi32, #tpu.memory_space<hbm>>
      %dma_wait3A_70 = tpu.memref_slice %arg3[%add3A_68] : memref<327808xi32, #tpu.memory_space<hbm>> -> memref<128xi32, #tpu.memory_space<hbm>>
      tpu.wait_dma2 semaphore(%arg24 : memref<!tpu.dma_semaphore, #tpu.memory_space<semaphore_mem>>) src(%dma_wait3A_70 : memref<128xi32, #tpu.memory_space<hbm>>) dst(%arg9 : memref<128xi32, #tpu.memory_space<vmem>>)
      %dma_wait3A_71 = tpu.memref_slice %arg4[%add3A_68] : memref<327808xi32, #tpu.memory_space<hbm>> -> memref<128xi32, #tpu.memory_space<hbm>>
      %dma_wait3A_72 = tpu.memref_slice %arg4[%add3A_68] : memref<327808xi32, #tpu.memory_space<hbm>> -> memref<128xi32, #tpu.memory_space<hbm>>
      tpu.wait_dma2 semaphore(%arg24 : memref<!tpu.dma_semaphore, #tpu.memory_space<semaphore_mem>>) src(%dma_wait3A_72 : memref<128xi32, #tpu.memory_space<hbm>>) dst(%arg11 : memref<128xi32, #tpu.memory_space<vmem>>)
      %dma_wait3A_73 = tpu.memref_slice %arg5[%add3A_68] : memref<327808xf32, #tpu.memory_space<hbm>> -> memref<128xf32, #tpu.memory_space<hbm>>
      %dma_wait3A_74 = tpu.memref_slice %arg5[%add3A_68] : memref<327808xf32, #tpu.memory_space<hbm>> -> memref<128xf32, #tpu.memory_space<hbm>>
      tpu.wait_dma2 semaphore(%arg24 : memref<!tpu.dma_semaphore, #tpu.memory_space<semaphore_mem>>) src(%dma_wait3A_74 : memref<128xf32, #tpu.memory_space<hbm>>) dst(%arg13 : memref<128xf32, #tpu.memory_space<vmem>>)
      %dma_start3A_75 = arith.constant 0 : i32
      %dma_start3A_76 = arith.constant 0 : i32
      %dma_start3A_77 = tpu.memref_slice %arg2[%dma_start3A_75, %dma_start3A_76] : memref<10000x64xi32, #tpu.memory_space<hbm>> -> memref<10000x64xi32, #tpu.memory_space<hbm>>
      tpu.enqueue_indirect_dma source(%dma_start3A_77 : memref<10000x64xi32, #tpu.memory_space<hbm>>) target(%arg15 : memref<128x64xi32, #tpu.memory_space<vmem>>) offsets(%arg9 : memref<128xi32, #tpu.memory_space<vmem>>) semaphore(%arg20 : memref<!tpu.dma_semaphore, #tpu.memory_space<semaphore_mem>>)
      %dma_start3A_78 = arith.constant 0 : i32
      %dma_start3A_79 = arith.constant 0 : i32
      %dma_start3A_80 = tpu.memref_slice %arg18[%dma_start3A_78, %dma_start3A_79] : memref<10000x128xf32, #tpu.memory_space<vmem_shared>> -> memref<10000x128xf32, #tpu.memory_space<vmem_shared>>
      tpu.enqueue_indirect_dma source(%arg16 : memref<128x128xf32, #tpu.memory_space<vmem>>) target(%dma_start3A_80 : memref<10000x128xf32, #tpu.memory_space<vmem_shared>>) offsets(%arg10 : memref<128xi32, #tpu.memory_space<vmem>>) semaphore(%arg21 : memref<!tpu.dma_semaphore, #tpu.memory_space<semaphore_mem>>) {add = true}
      %mul3A_81 = arith.constant 2 : i32
      %mul3A_82 = arith.muli %mul3A_81, %while3A_40 : i32
      %add3A_83 = arith.constant 1 : i32
      %add3A_84 = arith.addi %mul3A_82, %add3A_83 : i32
      %dma_wait3A_85 = arith.constant 0 : i32
      %dma_wait3A_86 = arith.constant 0 : i32
      %dma_wait3A_87 = tpu.memref_slice %arg2[%dma_wait3A_85, %dma_wait3A_86] : memref<10000x64xi32, #tpu.memory_space<hbm>> -> memref<10000x64xi32, #tpu.memory_space<hbm>>
      tpu.wait_indirect_dma semaphore(%arg20 : memref<!tpu.dma_semaphore, #tpu.memory_space<semaphore_mem>>) src(%dma_wait3A_87 : memref<10000x64xi32, #tpu.memory_space<hbm>>) dst(%arg15 : memref<128x64xi32, #tpu.memory_space<vmem>>)
      %dma_wait3A_88 = arith.constant 0 : i32
      %dma_wait3A_89 = arith.constant 0 : i32
      %dma_wait3A_90 = tpu.memref_slice %arg18[%dma_wait3A_88, %dma_wait3A_89] : memref<10000x128xf32, #tpu.memory_space<vmem_shared>> -> memref<10000x128xf32, #tpu.memory_space<vmem_shared>>
      tpu.wait_indirect_dma semaphore(%arg21 : memref<!tpu.dma_semaphore, #tpu.memory_space<semaphore_mem>>) src(%arg16 : memref<128x128xf32, #tpu.memory_space<vmem>>) dst(%dma_wait3A_90 : memref<10000x128xf32, #tpu.memory_space<vmem_shared>>)
      %add3A_91 = arith.constant 1 : i32
      %add3A_92 = arith.addi %add3A_84, %add3A_91 : i32
      %mul3A_93 = arith.constant 128 : i32
      %mul3A_94 = arith.muli %add3A_92, %mul3A_93 : i32
      %add3A_95 = arith.addi %add3A, %mul3A_94 : i32
      %dma_start3A_96 = tpu.memref_slice %arg3[%add3A_95] : memref<327808xi32, #tpu.memory_space<hbm>> -> memref<128xi32, #tpu.memory_space<hbm>>
      %dma_start3A_97 = tpu.memref_slice %arg3[%add3A_95] : memref<327808xi32, #tpu.memory_space<hbm>> -> memref<128xi32, #tpu.memory_space<hbm>>
      tpu.enqueue_dma source(%dma_start3A_97 : memref<128xi32, #tpu.memory_space<hbm>>) target(%arg8 : memref<128xi32, #tpu.memory_space<vmem>>) target_semaphore(%arg23 : memref<!tpu.dma_semaphore, #tpu.memory_space<semaphore_mem>>)
      %dma_start3A_98 = tpu.memref_slice %arg4[%add3A_95] : memref<327808xi32, #tpu.memory_space<hbm>> -> memref<128xi32, #tpu.memory_space<hbm>>
      %dma_start3A_99 = tpu.memref_slice %arg4[%add3A_95] : memref<327808xi32, #tpu.memory_space<hbm>> -> memref<128xi32, #tpu.memory_space<hbm>>
      tpu.enqueue_dma source(%dma_start3A_99 : memref<128xi32, #tpu.memory_space<hbm>>) target(%arg10 : memref<128xi32, #tpu.memory_space<vmem>>) target_semaphore(%arg23 : memref<!tpu.dma_semaphore, #tpu.memory_space<semaphore_mem>>)
      %dma_start3A_100 = tpu.memref_slice %arg5[%add3A_95] : memref<327808xf32, #tpu.memory_space<hbm>> -> memref<128xf32, #tpu.memory_space<hbm>>
      %dma_start3A_101 = tpu.memref_slice %arg5[%add3A_95] : memref<327808xf32, #tpu.memory_space<hbm>> -> memref<128xf32, #tpu.memory_space<hbm>>
      tpu.enqueue_dma source(%dma_start3A_101 : memref<128xf32, #tpu.memory_space<hbm>>) target(%arg12 : memref<128xf32, #tpu.memory_space<vmem>>) target_semaphore(%arg23 : memref<!tpu.dma_semaphore, #tpu.memory_space<semaphore_mem>>)
      %parallel_loop3A_102 = arith.constant 0 : i32
      %parallel_loop3A_103 = arith.constant 128 : i32
      %parallel_loop3A_104 = arith.constant 1 : i32
      scf.for %parallel_loop3A_122 = %parallel_loop3A_102 to %parallel_loop3A_103 step %parallel_loop3A_104  : i32 {
        %parallel_loop3A_123 = vector.broadcast %parallel_loop3A_122 : i32 to vector<16xi32>
        %parallel_loop3A_124 = tpu.vector_load_idx %arg13[%parallel_loop3A_123] : memref<128xf32, #tpu.memory_space<vmem>>[vector<16xi32>], vector<16xf32>,
        %parallel_loop3A_125 = arith.index_cast %parallel_loop3A_122 : i32 to index
        %parallel_loop3A_126 = arith.constant 0 : index
        %parallel_loop3A_127 = tpu.vector_load %arg15[%parallel_loop3A_125, %parallel_loop3A_126] {strides = array<i32>} : memref<128x64xi32, #tpu.memory_space<vmem>>, vector<16xi32>,
        %parallel_loop3A_128 = vector.bitcast %parallel_loop3A_127 : vector<16xi32> to vector<32xbf16>
        %parallel_loop3A_129 = tpu.unpack_subelements %parallel_loop3A_128, 0 {pack_format = #tpu.pack_format<interleaved>} : vector<32xbf16> -> vector<16xf32>
        %parallel_loop3A_130 = tpu.unpack_subelements %parallel_loop3A_128, 1 {pack_format = #tpu.pack_format<interleaved>} : vector<32xbf16> -> vector<16xf32>
        %parallel_loop3A_131 = arith.mulf %parallel_loop3A_129, %parallel_loop3A_124 : vector<16xf32>
        %parallel_loop3A_132 = arith.index_cast %parallel_loop3A_122 : i32 to index
        %parallel_loop3A_133 = arith.constant 0 : index
        %parallel_loop3A_134 = tpu.vector_load %arg17[%parallel_loop3A_132, %parallel_loop3A_133] {strides = array<i32>} : memref<128x128xf32, #tpu.memory_space<vmem>>, vector<16xf32>,
        tpu.vector_store %arg17[%parallel_loop3A_132, %parallel_loop3A_133], %parallel_loop3A_131 {strides = array<i32>} : memref<128x128xf32, #tpu.memory_space<vmem>>, vector<16xf32>,
        %parallel_loop3A_135 = arith.mulf %parallel_loop3A_130, %parallel_loop3A_124 : vector<16xf32>
        %parallel_loop3A_136 = arith.index_cast %parallel_loop3A_122 : i32 to index
        %parallel_loop3A_137 = arith.constant 16 : index
        %parallel_loop3A_138 = tpu.vector_load %arg17[%parallel_loop3A_136, %parallel_loop3A_137] {strides = array<i32>} : memref<128x128xf32, #tpu.memory_space<vmem>>, vector<16xf32>,
        tpu.vector_store %arg17[%parallel_loop3A_136, %parallel_loop3A_137], %parallel_loop3A_135 {strides = array<i32>} : memref<128x128xf32, #tpu.memory_space<vmem>>, vector<16xf32>,
        %parallel_loop3A_139 = arith.index_cast %parallel_loop3A_122 : i32 to index
        %parallel_loop3A_140 = arith.constant 16 : index
        %parallel_loop3A_141 = tpu.vector_load %arg15[%parallel_loop3A_139, %parallel_loop3A_140] {strides = array<i32>} : memref<128x64xi32, #tpu.memory_space<vmem>>, vector<16xi32>,
        %parallel_loop3A_142 = vector.bitcast %parallel_loop3A_141 : vector<16xi32> to vector<32xbf16>
        %parallel_loop3A_143 = tpu.unpack_subelements %parallel_loop3A_142, 0 {pack_format = #tpu.pack_format<interleaved>} : vector<32xbf16> -> vector<16xf32>
        %parallel_loop3A_144 = tpu.unpack_subelements %parallel_loop3A_142, 1 {pack_format = #tpu.pack_format<interleaved>} : vector<32xbf16> -> vector<16xf32>
        %parallel_loop3A_145 = arith.mulf %parallel_loop3A_143, %parallel_loop3A_124 : vector<16xf32>
        %parallel_loop3A_146 = arith.index_cast %parallel_loop3A_122 : i32 to index
        %parallel_loop3A_147 = arith.constant 32 : index
        %parallel_loop3A_148 = tpu.vector_load %arg17[%parallel_loop3A_146, %parallel_loop3A_147] {strides = array<i32>} : memref<128x128xf32, #tpu.memory_space<vmem>>, vector<16xf32>,
        tpu.vector_store %arg17[%parallel_loop3A_146, %parallel_loop3A_147], %parallel_loop3A_145 {strides = array<i32>} : memref<128x128xf32, #tpu.memory_space<vmem>>, vector<16xf32>,
        %parallel_loop3A_149 = arith.mulf %parallel_loop3A_144, %parallel_loop3A_124 : vector<16xf32>
        %parallel_loop3A_150 = arith.index_cast %parallel_loop3A_122 : i32 to index
        %parallel_loop3A_151 = arith.constant 48 : index
        %parallel_loop3A_152 = tpu.vector_load %arg17[%parallel_loop3A_150, %parallel_loop3A_151] {strides = array<i32>} : memref<128x128xf32, #tpu.memory_space<vmem>>, vector<16xf32>,
        tpu.vector_store %arg17[%parallel_loop3A_150, %parallel_loop3A_151], %parallel_loop3A_149 {strides = array<i32>} : memref<128x128xf32, #tpu.memory_space<vmem>>, vector<16xf32>,
        %parallel_loop3A_153 = arith.index_cast %parallel_loop3A_122 : i32 to index
        %parallel_loop3A_154 = arith.constant 32 : index
        %parallel_loop3A_155 = tpu.vector_load %arg15[%parallel_loop3A_153, %parallel_loop3A_154] {strides = array<i32>} : memref<128x64xi32, #tpu.memory_space<vmem>>, vector<16xi32>,
        %parallel_loop3A_156 = vector.bitcast %parallel_loop3A_155 : vector<16xi32> to vector<32xbf16>
        %parallel_loop3A_157 = tpu.unpack_subelements %parallel_loop3A_156, 0 {pack_format = #tpu.pack_format<interleaved>} : vector<32xbf16> -> vector<16xf32>
        %parallel_loop3A_158 = tpu.unpack_subelements %parallel_loop3A_156, 1 {pack_format = #tpu.pack_format<interleaved>} : vector<32xbf16> -> vector<16xf32>
        %parallel_loop3A_159 = arith.mulf %parallel_loop3A_157, %parallel_loop3A_124 : vector<16xf32>
        %parallel_loop3A_160 = arith.index_cast %parallel_loop3A_122 : i32 to index
        %parallel_loop3A_161 = arith.constant 64 : index
        %parallel_loop3A_162 = tpu.vector_load %arg17[%parallel_loop3A_160, %parallel_loop3A_161] {strides = array<i32>} : memref<128x128xf32, #tpu.memory_space<vmem>>, vector<16xf32>,
        tpu.vector_store %arg17[%parallel_loop3A_160, %parallel_loop3A_161], %parallel_loop3A_159 {strides = array<i32>} : memref<128x128xf32, #tpu.memory_space<vmem>>, vector<16xf32>,
        %parallel_loop3A_163 = arith.mulf %parallel_loop3A_158, %parallel_loop3A_124 : vector<16xf32>
        %parallel_loop3A_164 = arith.index_cast %parallel_loop3A_122 : i32 to index
        %parallel_loop3A_165 = arith.constant 80 : index
        %parallel_loop3A_166 = tpu.vector_load %arg17[%parallel_loop3A_164, %parallel_loop3A_165] {strides = array<i32>} : memref<128x128xf32, #tpu.memory_space<vmem>>, vector<16xf32>,
        tpu.vector_store %arg17[%parallel_loop3A_164, %parallel_loop3A_165], %parallel_loop3A_163 {strides = array<i32>} : memref<128x128xf32, #tpu.memory_space<vmem>>, vector<16xf32>,
        %parallel_loop3A_167 = arith.index_cast %parallel_loop3A_122 : i32 to index
        %parallel_loop3A_168 = arith.constant 48 : index
        %parallel_loop3A_169 = tpu.vector_load %arg15[%parallel_loop3A_167, %parallel_loop3A_168] {strides = array<i32>} : memref<128x64xi32, #tpu.memory_space<vmem>>, vector<16xi32>,
        %parallel_loop3A_170 = vector.bitcast %parallel_loop3A_169 : vector<16xi32> to vector<32xbf16>
        %parallel_loop3A_171 = tpu.unpack_subelements %parallel_loop3A_170, 0 {pack_format = #tpu.pack_format<interleaved>} : vector<32xbf16> -> vector<16xf32>
        %parallel_loop3A_172 = tpu.unpack_subelements %parallel_loop3A_170, 1 {pack_format = #tpu.pack_format<interleaved>} : vector<32xbf16> -> vector<16xf32>
        %parallel_loop3A_173 = arith.mulf %parallel_loop3A_171, %parallel_loop3A_124 : vector<16xf32>
        %parallel_loop3A_174 = arith.index_cast %parallel_loop3A_122 : i32 to index
        %parallel_loop3A_175 = arith.constant 96 : index
        %parallel_loop3A_176 = tpu.vector_load %arg17[%parallel_loop3A_174, %parallel_loop3A_175] {strides = array<i32>} : memref<128x128xf32, #tpu.memory_space<vmem>>, vector<16xf32>,
        tpu.vector_store %arg17[%parallel_loop3A_174, %parallel_loop3A_175], %parallel_loop3A_173 {strides = array<i32>} : memref<128x128xf32, #tpu.memory_space<vmem>>, vector<16xf32>,
        %parallel_loop3A_177 = arith.mulf %parallel_loop3A_172, %parallel_loop3A_124 : vector<16xf32>
        %parallel_loop3A_178 = arith.index_cast %parallel_loop3A_122 : i32 to index
        %parallel_loop3A_179 = arith.constant 112 : index
        %parallel_loop3A_180 = tpu.vector_load %arg17[%parallel_loop3A_178, %parallel_loop3A_179] {strides = array<i32>} : memref<128x128xf32, #tpu.memory_space<vmem>>, vector<16xf32>,
        tpu.vector_store %arg17[%parallel_loop3A_178, %parallel_loop3A_179], %parallel_loop3A_177 {strides = array<i32>} : memref<128x128xf32, #tpu.memory_space<vmem>>, vector<16xf32>,
      } {sc.loop_unroll_factor = 4 : i64, sc.parallel_access}
      %add3A_105 = arith.constant 1 : i32
      %add3A_106 = arith.addi %add3A_84, %add3A_105 : i32
      %mul3A_107 = arith.constant 128 : i32
      %mul3A_108 = arith.muli %add3A_106, %mul3A_107 : i32
      %add3A_109 = arith.addi %add3A, %mul3A_108 : i32
      %dma_wait3A_110 = tpu.memref_slice %arg3[%add3A_109] : memref<327808xi32, #tpu.memory_space<hbm>> -> memref<128xi32, #tpu.memory_space<hbm>>
      %dma_wait3A_111 = tpu.memref_slice %arg3[%add3A_109] : memref<327808xi32, #tpu.memory_space<hbm>> -> memref<128xi32, #tpu.memory_space<hbm>>
      tpu.wait_dma2 semaphore(%arg23 : memref<!tpu.dma_semaphore, #tpu.memory_space<semaphore_mem>>) src(%dma_wait3A_111 : memref<128xi32, #tpu.memory_space<hbm>>) dst(%arg8 : memref<128xi32, #tpu.memory_space<vmem>>)
      %dma_wait3A_112 = tpu.memref_slice %arg4[%add3A_109] : memref<327808xi32, #tpu.memory_space<hbm>> -> memref<128xi32, #tpu.memory_space<hbm>>
      %dma_wait3A_113 = tpu.memref_slice %arg4[%add3A_109] : memref<327808xi32, #tpu.memory_space<hbm>> -> memref<128xi32, #tpu.memory_space<hbm>>
      tpu.wait_dma2 semaphore(%arg23 : memref<!tpu.dma_semaphore, #tpu.memory_space<semaphore_mem>>) src(%dma_wait3A_113 : memref<128xi32, #tpu.memory_space<hbm>>) dst(%arg10 : memref<128xi32, #tpu.memory_space<vmem>>)
      %dma_wait3A_114 = tpu.memref_slice %arg5[%add3A_109] : memref<327808xf32, #tpu.memory_space<hbm>> -> memref<128xf32, #tpu.memory_space<hbm>>
      %dma_wait3A_115 = tpu.memref_slice %arg5[%add3A_109] : memref<327808xf32, #tpu.memory_space<hbm>> -> memref<128xf32, #tpu.memory_space<hbm>>
      tpu.wait_dma2 semaphore(%arg23 : memref<!tpu.dma_semaphore, #tpu.memory_space<semaphore_mem>>) src(%dma_wait3A_115 : memref<128xf32, #tpu.memory_space<hbm>>) dst(%arg12 : memref<128xf32, #tpu.memory_space<vmem>>)
      %dma_start3A_116 = arith.constant 0 : i32
      %dma_start3A_117 = arith.constant 0 : i32
      %dma_start3A_118 = tpu.memref_slice %arg2[%dma_start3A_116, %dma_start3A_117] : memref<10000x64xi32, #tpu.memory_space<hbm>> -> memref<10000x64xi32, #tpu.memory_space<hbm>>
      tpu.enqueue_indirect_dma source(%dma_start3A_118 : memref<10000x64xi32, #tpu.memory_space<hbm>>) target(%arg14 : memref<128x64xi32, #tpu.memory_space<vmem>>) offsets(%arg8 : memref<128xi32, #tpu.memory_space<vmem>>) semaphore(%arg19 : memref<!tpu.dma_semaphore, #tpu.memory_space<semaphore_mem>>)
      %dma_start3A_119 = arith.constant 0 : i32
      %dma_start3A_120 = arith.constant 0 : i32
      %dma_start3A_121 = tpu.memref_slice %arg18[%dma_start3A_119, %dma_start3A_120] : memref<10000x128xf32, #tpu.memory_space<vmem_shared>> -> memref<10000x128xf32, #tpu.memory_space<vmem_shared>>
      tpu.enqueue_indirect_dma source(%arg17 : memref<128x128xf32, #tpu.memory_space<vmem>>) target(%dma_start3A_121 : memref<10000x128xf32, #tpu.memory_space<vmem_shared>>) offsets(%arg11 : memref<128xi32, #tpu.memory_space<vmem>>) semaphore(%arg22 : memref<!tpu.dma_semaphore, #tpu.memory_space<semaphore_mem>>) {add = true}
    }
    %dma_wait3A = arith.constant 0 : i32
    %dma_wait3A_30 = arith.constant 0 : i32
    %dma_wait3A_31 = tpu.memref_slice %arg2[%dma_wait3A, %dma_wait3A_30] : memref<10000x64xi32, #tpu.memory_space<hbm>> -> memref<10000x64xi32, #tpu.memory_space<hbm>>
    tpu.wait_indirect_dma semaphore(%arg19 : memref<!tpu.dma_semaphore, #tpu.memory_space<semaphore_mem>>) src(%dma_wait3A_31 : memref<10000x64xi32, #tpu.memory_space<hbm>>) dst(%arg14 : memref<128x64xi32, #tpu.memory_space<vmem>>)
    %dma_wait3A_32 = arith.constant 0 : i32
    %dma_wait3A_33 = arith.constant 0 : i32
    %dma_wait3A_34 = tpu.memref_slice %arg18[%dma_wait3A_32, %dma_wait3A_33] : memref<10000x128xf32, #tpu.memory_space<vmem_shared>> -> memref<10000x128xf32, #tpu.memory_space<vmem_shared>>
    tpu.wait_indirect_dma semaphore(%arg22 : memref<!tpu.dma_semaphore, #tpu.memory_space<semaphore_mem>>) src(%arg17 : memref<128x128xf32, #tpu.memory_space<vmem>>) dst(%dma_wait3A_34 : memref<10000x128xf32, #tpu.memory_space<vmem_shared>>)
    %barrier3A_35 = arith.constant 0 : index
    tpu.barrier barrier_id(%barrier3A_35)
    %mul3A_36 = arith.constant 625 : i32
    %mul3A_37 = arith.muli %arg1, %mul3A_36 : i32
    %mul3A_38 = arith.constant 625 : i32
    %mul3A_39 = arith.muli %arg1, %mul3A_38 : i32
    "tpu.region"() ({
      %run_scoped3A = tpu.sem_alloc : memref<!tpu.dma_semaphore, #tpu.memory_space<semaphore_mem>>
      %dma_start3A_40 = arith.constant 0 : i32
      %dma_start3A_41 = tpu.memref_slice %arg7[%arg0, %mul3A_39, %dma_start3A_40] : memref<2x10000x128xf32, #tpu.memory_space<hbm>> -> memref<1x625x128xf32, #tpu.memory_space<hbm>>
      %dma_start3A_42 = tpu.memref_squeeze %dma_start3A_41 : memref<1x625x128xf32, #tpu.memory_space<hbm>> -> memref<625x128xf32, #tpu.memory_space<hbm>>
      %dma_start3A_43 = arith.constant 0 : i32
      %dma_start3A_44 = tpu.memref_slice %arg18[%mul3A_37, %dma_start3A_43] : memref<10000x128xf32, #tpu.memory_space<vmem_shared>> -> memref<625x128xf32, #tpu.memory_space<vmem_shared>>
      tpu.enqueue_dma source(%dma_start3A_44 : memref<625x128xf32, #tpu.memory_space<vmem_shared>>) target(%dma_start3A_42 : memref<625x128xf32, #tpu.memory_space<hbm>>) target_semaphore(%run_scoped3A : memref<!tpu.dma_semaphore, #tpu.memory_space<semaphore_mem>>)
      %dma_wait3A_45 = arith.constant 0 : i32
      %dma_wait3A_46 = tpu.memref_slice %arg7[%arg0, %mul3A_39, %dma_wait3A_45] : memref<2x10000x128xf32, #tpu.memory_space<hbm>> -> memref<1x625x128xf32, #tpu.memory_space<hbm>>
      %dma_wait3A_47 = tpu.memref_squeeze %dma_wait3A_46 : memref<1x625x128xf32, #tpu.memory_space<hbm>> -> memref<625x128xf32, #tpu.memory_space<hbm>>
      %dma_wait3A_48 = arith.constant 0 : i32
      %dma_wait3A_49 = tpu.memref_slice %arg18[%mul3A_37, %dma_wait3A_48] : memref<10000x128xf32, #tpu.memory_space<vmem_shared>> -> memref<625x128xf32, #tpu.memory_space<vmem_shared>>
      tpu.wait_dma2 semaphore(%run_scoped3A : memref<!tpu.dma_semaphore, #tpu.memory_space<semaphore_mem>>) src(%dma_wait3A_49 : memref<625x128xf32, #tpu.memory_space<vmem_shared>>) dst(%dma_wait3A_47 : memref<625x128xf32, #tpu.memory_space<hbm>>)
      tpu.yield
    }) : () -> ()
    return
  }
}

#map = affine_map<(d0, d1) -> (0)>
#map1 = affine_map<(d0, d1) -> (0, 0)>
module attributes {stable_mosaic.version = 14 : i64} {
  func.func @_deg(%arg0: i32, %arg1: i32, %arg2: memref<327808xi32, #tpu.memory_space<hbm>>, %arg3: memref<327808xf32, #tpu.memory_space<hbm>>, %arg4: memref<32x10000xf32, #tpu.memory_space<hbm>>, %arg5: memref<2048xi32, #tpu.memory_space<vmem>>, %arg6: memref<2048xf32, #tpu.memory_space<vmem>>, %arg7: memref<10000xf32, #tpu.memory_space<vmem>>) attributes {dimension_semantics = [#tpu.dimension_semantics<core_parallel>, #tpu.dimension_semantics<subcore_parallel>], iteration_bounds = array<i64: 2, 16>, scalar_prefetch = 0 : i64, scratch_operands = 3 : i64, tpu.core_type = #tpu.core_type<sc_vector_subcore>, window_params = [{transform_indices = #map}, {transform_indices = #map}, {transform_indices = #map1}]} {
    %mul3A = arith.constant 2 : i32
    %mul3A_0 = arith.muli %arg1, %mul3A : i32
    %add3A = arith.addi %mul3A_0, %arg0 : i32
    %scan3A = arith.constant 0 : i32
    %scan3A_1 = arith.constant 0 : i32
    %scan3A_2 = arith.constant 625 : i32
    %scan3A_3 = arith.addi %scan3A_1, %scan3A_2 : i32
    %scan3A_4 = arith.constant 1 : i32
    scf.for %scan3A_12 = %scan3A_1 to %scan3A_3 step %scan3A_4  : i32 {
      %broadcast_in_dim3A = arith.constant 0.000000e+00 : f32
      %broadcast_in_dim3A_13 = vector.broadcast %broadcast_in_dim3A : f32 to vector<16xf32>
      %mul3A_14 = arith.constant 16 : i32
      %mul3A_15 = arith.muli %scan3A_12, %mul3A_14 : i32
      %swap3A = arith.index_cast %mul3A_15 : i32 to index
      %swap3A_16 = tpu.vector_load %arg7[%swap3A] {strides = array<i32>} : memref<10000xf32, #tpu.memory_space<vmem>>, vector<16xf32>,
      tpu.vector_store %arg7[%swap3A], %broadcast_in_dim3A_13 {strides = array<i32>} : memref<10000xf32, #tpu.memory_space<vmem>>, vector<16xf32>,
    }
    %scan3A_5 = arith.constant 625 : i32
    %scan3A_6 = arith.constant 0 : i32
    %scan3A_7 = arith.constant 0 : i32
    %scan3A_8 = arith.constant 5 : i32
    %scan3A_9 = arith.addi %scan3A_7, %scan3A_8 : i32
    %scan3A_10 = arith.constant 1 : i32
    scf.for %scan3A_12 = %scan3A_7 to %scan3A_9 step %scan3A_10  : i32 {
      %mul3A_13 = arith.constant 10240 : i32
      %mul3A_14 = arith.muli %add3A, %mul3A_13 : i32
      %mul3A_15 = arith.constant 2048 : i32
      %mul3A_16 = arith.muli %scan3A_12, %mul3A_15 : i32
      %add3A_17 = arith.addi %mul3A_14, %mul3A_16 : i32
      "tpu.region"() ({
        %run_scoped3A = tpu.sem_alloc : memref<!tpu.dma_semaphore, #tpu.memory_space<semaphore_mem>>
        %dma_start3A = tpu.memref_slice %arg2[%add3A_17] : memref<327808xi32, #tpu.memory_space<hbm>> -> memref<2048xi32, #tpu.memory_space<hbm>>
        %dma_start3A_24 = tpu.memref_slice %arg2[%add3A_17] : memref<327808xi32, #tpu.memory_space<hbm>> -> memref<2048xi32, #tpu.memory_space<hbm>>
        tpu.enqueue_dma source(%dma_start3A_24 : memref<2048xi32, #tpu.memory_space<hbm>>) target(%arg5 : memref<2048xi32, #tpu.memory_space<vmem>>) target_semaphore(%run_scoped3A : memref<!tpu.dma_semaphore, #tpu.memory_space<semaphore_mem>>)
        %dma_wait3A = tpu.memref_slice %arg2[%add3A_17] : memref<327808xi32, #tpu.memory_space<hbm>> -> memref<2048xi32, #tpu.memory_space<hbm>>
        %dma_wait3A_25 = tpu.memref_slice %arg2[%add3A_17] : memref<327808xi32, #tpu.memory_space<hbm>> -> memref<2048xi32, #tpu.memory_space<hbm>>
        tpu.wait_dma2 semaphore(%run_scoped3A : memref<!tpu.dma_semaphore, #tpu.memory_space<semaphore_mem>>) src(%dma_wait3A_25 : memref<2048xi32, #tpu.memory_space<hbm>>) dst(%arg5 : memref<2048xi32, #tpu.memory_space<vmem>>)
        tpu.yield
      }) : () -> ()
      "tpu.region"() ({
        %run_scoped3A = tpu.sem_alloc : memref<!tpu.dma_semaphore, #tpu.memory_space<semaphore_mem>>
        %dma_start3A = tpu.memref_slice %arg3[%add3A_17] : memref<327808xf32, #tpu.memory_space<hbm>> -> memref<2048xf32, #tpu.memory_space<hbm>>
        %dma_start3A_24 = tpu.memref_slice %arg3[%add3A_17] : memref<327808xf32, #tpu.memory_space<hbm>> -> memref<2048xf32, #tpu.memory_space<hbm>>
        tpu.enqueue_dma source(%dma_start3A_24 : memref<2048xf32, #tpu.memory_space<hbm>>) target(%arg6 : memref<2048xf32, #tpu.memory_space<vmem>>) target_semaphore(%run_scoped3A : memref<!tpu.dma_semaphore, #tpu.memory_space<semaphore_mem>>)
        %dma_wait3A = tpu.memref_slice %arg3[%add3A_17] : memref<327808xf32, #tpu.memory_space<hbm>> -> memref<2048xf32, #tpu.memory_space<hbm>>
        %dma_wait3A_25 = tpu.memref_slice %arg3[%add3A_17] : memref<327808xf32, #tpu.memory_space<hbm>> -> memref<2048xf32, #tpu.memory_space<hbm>>
        tpu.wait_dma2 semaphore(%run_scoped3A : memref<!tpu.dma_semaphore, #tpu.memory_space<semaphore_mem>>) src(%dma_wait3A_25 : memref<2048xf32, #tpu.memory_space<hbm>>) dst(%arg6 : memref<2048xf32, #tpu.memory_space<vmem>>)
        tpu.yield
      }) : () -> ()
      %scan3A_18 = arith.constant 0 : i32
      %scan3A_19 = arith.constant 0 : i32
      %scan3A_20 = arith.constant 128 : i32
      %scan3A_21 = arith.addi %scan3A_19, %scan3A_20 : i32
      %scan3A_22 = arith.constant 1 : i32
      scf.for %scan3A_24 = %scan3A_19 to %scan3A_21 step %scan3A_22  : i32 {
        %mul3A_25 = arith.constant 16 : i32
        %mul3A_26 = arith.muli %scan3A_24, %mul3A_25 : i32
        %get3A = arith.index_cast %mul3A_26 : i32 to index
        %get3A_27 = tpu.vector_load %arg5[%get3A] {strides = array<i32>} : memref<2048xi32, #tpu.memory_space<vmem>>, vector<16xi32>,
        %mul3A_28 = arith.constant 16 : i32
        %mul3A_29 = arith.muli %scan3A_24, %mul3A_28 : i32
        %get3A_30 = arith.index_cast %mul3A_29 : i32 to index
        %get3A_31 = tpu.vector_load %arg6[%get3A_30] {strides = array<i32>} : memref<2048xf32, #tpu.memory_space<vmem>>, vector<16xf32>,
        tpu.vector_store_idx %arg7[%get3A_27], %get3A_31 {add = true} : memref<10000xf32, #tpu.memory_space<vmem>>[vector<16xi32>], vector<16xf32>,
      }
      %scan3A_23 = arith.constant 128 : i32
    }
    %scan3A_11 = arith.constant 5 : i32
    "tpu.region"() ({
      %run_scoped3A = tpu.sem_alloc : memref<!tpu.dma_semaphore, #tpu.memory_space<semaphore_mem>>
      %dma_start3A = arith.constant 0 : i32
      %dma_start3A_12 = tpu.memref_slice %arg4[%add3A, %dma_start3A] : memref<32x10000xf32, #tpu.memory_space<hbm>> -> memref<1x10000xf32, #tpu.memory_space<hbm>>
      %dma_start3A_13 = tpu.memref_squeeze %dma_start3A_12 : memref<1x10000xf32, #tpu.memory_space<hbm>> -> memref<10000xf32, #tpu.memory_space<hbm>>
      %dma_start3A_14 = arith.constant 0 : i32
      %dma_start3A_15 = tpu.memref_slice %arg4[%add3A, %dma_start3A_14] : memref<32x10000xf32, #tpu.memory_space<hbm>> -> memref<1x10000xf32, #tpu.memory_space<hbm>>
      %dma_start3A_16 = tpu.memref_squeeze %dma_start3A_15 : memref<1x10000xf32, #tpu.memory_space<hbm>> -> memref<10000xf32, #tpu.memory_space<hbm>>
      tpu.enqueue_dma source(%arg7 : memref<10000xf32, #tpu.memory_space<vmem>>) target(%dma_start3A_16 : memref<10000xf32, #tpu.memory_space<hbm>>) target_semaphore(%run_scoped3A : memref<!tpu.dma_semaphore, #tpu.memory_space<semaphore_mem>>)
      %dma_wait3A = arith.constant 0 : i32
      %dma_wait3A_17 = tpu.memref_slice %arg4[%add3A, %dma_wait3A] : memref<32x10000xf32, #tpu.memory_space<hbm>> -> memref<1x10000xf32, #tpu.memory_space<hbm>>
      %dma_wait3A_18 = tpu.memref_squeeze %dma_wait3A_17 : memref<1x10000xf32, #tpu.memory_space<hbm>> -> memref<10000xf32, #tpu.memory_space<hbm>>
      %dma_wait3A_19 = arith.constant 0 : i32
      %dma_wait3A_20 = tpu.memref_slice %arg4[%add3A, %dma_wait3A_19] : memref<32x10000xf32, #tpu.memory_space<hbm>> -> memref<1x10000xf32, #tpu.memory_space<hbm>>
      %dma_wait3A_21 = tpu.memref_squeeze %dma_wait3A_20 : memref<1x10000xf32, #tpu.memory_space<hbm>> -> memref<10000xf32, #tpu.memory_space<hbm>>
      tpu.wait_dma2 semaphore(%run_scoped3A : memref<!tpu.dma_semaphore, #tpu.memory_space<semaphore_mem>>) src(%arg7 : memref<10000xf32, #tpu.memory_space<vmem>>) dst(%dma_wait3A_21 : memref<10000xf32, #tpu.memory_space<hbm>>)
      tpu.yield
    }) : () -> ()
    return
  }
}

#map = affine_map<(d0, d1) -> (0, 0)>
#map1 = affine_map<(d0, d1) -> (0)>
#map2 = affine_map<(d0, d1) -> (0, 0, 0)>
module attributes {stable_mosaic.version = 14 : i64} {
  func.func @_mp(%arg0: i32, %arg1: i32, %arg2: memref<10000x64xi32, #tpu.memory_space<hbm>>, %arg3: memref<327808xi32, #tpu.memory_space<hbm>>, %arg4: memref<327808xi32, #tpu.memory_space<hbm>>, %arg5: memref<327808xf32, #tpu.memory_space<hbm>>, %arg6: memref<10000x128xf32, #tpu.memory_space<hbm>>, %arg7: memref<2x10000x128xf32, #tpu.memory_space<hbm>>, %arg8: memref<128xi32, #tpu.memory_space<vmem>>, %arg9: memref<128xi32, #tpu.memory_space<vmem>>, %arg10: memref<128xi32, #tpu.memory_space<vmem>>, %arg11: memref<128xi32, #tpu.memory_space<vmem>>, %arg12: memref<128xf32, #tpu.memory_space<vmem>>, %arg13: memref<128xf32, #tpu.memory_space<vmem>>, %arg14: memref<128x64xi32, #tpu.memory_space<vmem>>, %arg15: memref<128x64xi32, #tpu.memory_space<vmem>>, %arg16: memref<128x128xf32, #tpu.memory_space<vmem>>, %arg17: memref<128x128xf32, #tpu.memory_space<vmem>>, %arg18: memref<10000x128xf32, #tpu.memory_space<vmem_shared>>, %arg19: memref<!tpu.dma_semaphore, #tpu.memory_space<semaphore_mem>>, %arg20: memref<!tpu.dma_semaphore, #tpu.memory_space<semaphore_mem>>, %arg21: memref<!tpu.dma_semaphore, #tpu.memory_space<semaphore_mem>>, %arg22: memref<!tpu.dma_semaphore, #tpu.memory_space<semaphore_mem>>, %arg23: memref<!tpu.dma_semaphore, #tpu.memory_space<semaphore_mem>>, %arg24: memref<!tpu.dma_semaphore, #tpu.memory_space<semaphore_mem>>) attributes {dimension_semantics = [#tpu.dimension_semantics<core_parallel>, #tpu.dimension_semantics<subcore_parallel>], iteration_bounds = array<i64: 2, 16>, scalar_prefetch = 0 : i64, scratch_operands = 17 : i64, tpu.core_type = #tpu.core_type<sc_vector_subcore>, window_params = [{transform_indices = #map}, {transform_indices = #map1}, {transform_indices = #map1}, {transform_indices = #map1}, {transform_indices = #map}, {transform_indices = #map2}]} {
    %mul3A = arith.constant 20480 : i32
    %mul3A_0 = arith.muli %arg1, %mul3A : i32
    %mul3A_1 = arith.constant 14080 : i32
    %mul3A_2 = arith.muli %arg0, %mul3A_1 : i32
    %add3A = arith.addi %mul3A_0, %mul3A_2 : i32
    %eq3A = arith.constant 0 : i32
    %eq3A_3 = arith.cmpi eq, %arg0, %eq3A : i32
    %jit3A = arith.constant 55 : i32
    %jit3A_4 = arith.constant 25 : i32
    %select_n3A = arith.select %eq3A_3, %jit3A, %jit3A_4 : i32
    %mul3A_5 = arith.constant 625 : i32
    %mul3A_6 = arith.muli %arg1, %mul3A_5 : i32
    %mul3A_7 = arith.constant 625 : i32
    %mul3A_8 = arith.muli %arg1, %mul3A_7 : i32
    "tpu.region"() ({
      %run_scoped3A = tpu.sem_alloc : memref<!tpu.dma_semaphore, #tpu.memory_space<semaphore_mem>>
      %dma_start3A_40 = arith.constant 0 : i32
      %dma_start3A_41 = tpu.memref_slice %arg18[%mul3A_8, %dma_start3A_40] : memref<10000x128xf32, #tpu.memory_space<vmem_shared>> -> memref<625x128xf32, #tpu.memory_space<vmem_shared>>
      %dma_start3A_42 = arith.constant 0 : i32
      %dma_start3A_43 = tpu.memref_slice %arg6[%mul3A_6, %dma_start3A_42] : memref<10000x128xf32, #tpu.memory_space<hbm>> -> memref<625x128xf32, #tpu.memory_space<hbm>>
      tpu.enqueue_dma source(%dma_start3A_43 : memref<625x128xf32, #tpu.memory_space<hbm>>) target(%dma_start3A_41 : memref<625x128xf32, #tpu.memory_space<vmem_shared>>) target_semaphore(%run_scoped3A : memref<!tpu.dma_semaphore, #tpu.memory_space<semaphore_mem>>)
      %dma_wait3A_44 = arith.constant 0 : i32
      %dma_wait3A_45 = tpu.memref_slice %arg18[%mul3A_8, %dma_wait3A_44] : memref<10000x128xf32, #tpu.memory_space<vmem_shared>> -> memref<625x128xf32, #tpu.memory_space<vmem_shared>>
      %dma_wait3A_46 = arith.constant 0 : i32
      %dma_wait3A_47 = tpu.memref_slice %arg6[%mul3A_6, %dma_wait3A_46] : memref<10000x128xf32, #tpu.memory_space<hbm>> -> memref<625x128xf32, #tpu.memory_space<hbm>>
      tpu.wait_dma2 semaphore(%run_scoped3A : memref<!tpu.dma_semaphore, #tpu.memory_space<semaphore_mem>>) src(%dma_wait3A_47 : memref<625x128xf32, #tpu.memory_space<hbm>>) dst(%dma_wait3A_45 : memref<625x128xf32, #tpu.memory_space<vmem_shared>>)
      tpu.yield
    }) : () -> ()
    %barrier3A = arith.constant 0 : index
    tpu.barrier barrier_id(%barrier3A)
    %add3A_9 = arith.constant 0 : i32
    %add3A_10 = arith.addi %add3A, %add3A_9 : i32
    "tpu.region"() ({
      %run_scoped3A = tpu.sem_alloc : memref<!tpu.dma_semaphore, #tpu.memory_space<semaphore_mem>>
      %dma_start3A_40 = tpu.memref_slice %arg3[%add3A_10] : memref<327808xi32, #tpu.memory_space<hbm>> -> memref<128xi32, #tpu.memory_space<hbm>>
      %dma_start3A_41 = tpu.memref_slice %arg3[%add3A_10] : memref<327808xi32, #tpu.memory_space<hbm>> -> memref<128xi32, #tpu.memory_space<hbm>>
      tpu.enqueue_dma source(%dma_start3A_41 : memref<128xi32, #tpu.memory_space<hbm>>) target(%arg8 : memref<128xi32, #tpu.memory_space<vmem>>) target_semaphore(%run_scoped3A : memref<!tpu.dma_semaphore, #tpu.memory_space<semaphore_mem>>)
      %dma_wait3A_42 = tpu.memref_slice %arg3[%add3A_10] : memref<327808xi32, #tpu.memory_space<hbm>> -> memref<128xi32, #tpu.memory_space<hbm>>
      %dma_wait3A_43 = tpu.memref_slice %arg3[%add3A_10] : memref<327808xi32, #tpu.memory_space<hbm>> -> memref<128xi32, #tpu.memory_space<hbm>>
      tpu.wait_dma2 semaphore(%run_scoped3A : memref<!tpu.dma_semaphore, #tpu.memory_space<semaphore_mem>>) src(%dma_wait3A_43 : memref<128xi32, #tpu.memory_space<hbm>>) dst(%arg8 : memref<128xi32, #tpu.memory_space<vmem>>)
      tpu.yield
    }) : () -> ()
    "tpu.region"() ({
      %run_scoped3A = tpu.sem_alloc : memref<!tpu.dma_semaphore, #tpu.memory_space<semaphore_mem>>
      %dma_start3A_40 = tpu.memref_slice %arg4[%add3A_10] : memref<327808xi32, #tpu.memory_space<hbm>> -> memref<128xi32, #tpu.memory_space<hbm>>
      %dma_start3A_41 = tpu.memref_slice %arg4[%add3A_10] : memref<327808xi32, #tpu.memory_space<hbm>> -> memref<128xi32, #tpu.memory_space<hbm>>
      tpu.enqueue_dma source(%dma_start3A_41 : memref<128xi32, #tpu.memory_space<hbm>>) target(%arg10 : memref<128xi32, #tpu.memory_space<vmem>>) target_semaphore(%run_scoped3A : memref<!tpu.dma_semaphore, #tpu.memory_space<semaphore_mem>>)
      %dma_wait3A_42 = tpu.memref_slice %arg4[%add3A_10] : memref<327808xi32, #tpu.memory_space<hbm>> -> memref<128xi32, #tpu.memory_space<hbm>>
      %dma_wait3A_43 = tpu.memref_slice %arg4[%add3A_10] : memref<327808xi32, #tpu.memory_space<hbm>> -> memref<128xi32, #tpu.memory_space<hbm>>
      tpu.wait_dma2 semaphore(%run_scoped3A : memref<!tpu.dma_semaphore, #tpu.memory_space<semaphore_mem>>) src(%dma_wait3A_43 : memref<128xi32, #tpu.memory_space<hbm>>) dst(%arg10 : memref<128xi32, #tpu.memory_space<vmem>>)
      tpu.yield
    }) : () -> ()
    "tpu.region"() ({
      %run_scoped3A = tpu.sem_alloc : memref<!tpu.dma_semaphore, #tpu.memory_space<semaphore_mem>>
      %dma_start3A_40 = tpu.memref_slice %arg5[%add3A_10] : memref<327808xf32, #tpu.memory_space<hbm>> -> memref<128xf32, #tpu.memory_space<hbm>>
      %dma_start3A_41 = tpu.memref_slice %arg5[%add3A_10] : memref<327808xf32, #tpu.memory_space<hbm>> -> memref<128xf32, #tpu.memory_space<hbm>>
      tpu.enqueue_dma source(%dma_start3A_41 : memref<128xf32, #tpu.memory_space<hbm>>) target(%arg12 : memref<128xf32, #tpu.memory_space<vmem>>) target_semaphore(%run_scoped3A : memref<!tpu.dma_semaphore, #tpu.memory_space<semaphore_mem>>)
      %dma_wait3A_42 = tpu.memref_slice %arg5[%add3A_10] : memref<327808xf32, #tpu.memory_space<hbm>> -> memref<128xf32, #tpu.memory_space<hbm>>
      %dma_wait3A_43 = tpu.memref_slice %arg5[%add3A_10] : memref<327808xf32, #tpu.memory_space<hbm>> -> memref<128xf32, #tpu.memory_space<hbm>>
      tpu.wait_dma2 semaphore(%run_scoped3A : memref<!tpu.dma_semaphore, #tpu.memory_space<semaphore_mem>>) src(%dma_wait3A_43 : memref<128xf32, #tpu.memory_space<hbm>>) dst(%arg12 : memref<128xf32, #tpu.memory_space<vmem>>)
      tpu.yield
    }) : () -> ()
    %dma_start3A = arith.constant 0 : i32
    %dma_start3A_11 = arith.constant 0 : i32
    %dma_start3A_12 = tpu.memref_slice %arg2[%dma_start3A, %dma_start3A_11] : memref<10000x64xi32, #tpu.memory_space<hbm>> -> memref<10000x64xi32, #tpu.memory_space<hbm>>
    tpu.enqueue_indirect_dma source(%dma_start3A_12 : memref<10000x64xi32, #tpu.memory_space<hbm>>) target(%arg14 : memref<128x64xi32, #tpu.memory_space<vmem>>) offsets(%arg8 : memref<128xi32, #tpu.memory_space<vmem>>) semaphore(%arg19 : memref<!tpu.dma_semaphore, #tpu.memory_space<semaphore_mem>>)
    "tpu.region"() ({
      %run_scoped3A = tpu.sem_alloc : memref<!tpu.dma_semaphore, #tpu.memory_space<semaphore_mem>>
      %dma_start3A_40 = tpu.memref_slice %arg4[%add3A] : memref<327808xi32, #tpu.memory_space<hbm>> -> memref<128xi32, #tpu.memory_space<hbm>>
      %dma_start3A_41 = tpu.memref_slice %arg4[%add3A] : memref<327808xi32, #tpu.memory_space<hbm>> -> memref<128xi32, #tpu.memory_space<hbm>>
      tpu.enqueue_dma source(%dma_start3A_41 : memref<128xi32, #tpu.memory_space<hbm>>) target(%arg11 : memref<128xi32, #tpu.memory_space<vmem>>) target_semaphore(%run_scoped3A : memref<!tpu.dma_semaphore, #tpu.memory_space<semaphore_mem>>)
      %dma_wait3A_42 = tpu.memref_slice %arg4[%add3A] : memref<327808xi32, #tpu.memory_space<hbm>> -> memref<128xi32, #tpu.memory_space<hbm>>
      %dma_wait3A_43 = tpu.memref_slice %arg4[%add3A] : memref<327808xi32, #tpu.memory_space<hbm>> -> memref<128xi32, #tpu.memory_space<hbm>>
      tpu.wait_dma2 semaphore(%run_scoped3A : memref<!tpu.dma_semaphore, #tpu.memory_space<semaphore_mem>>) src(%dma_wait3A_43 : memref<128xi32, #tpu.memory_space<hbm>>) dst(%arg11 : memref<128xi32, #tpu.memory_space<vmem>>)
      tpu.yield
    }) : () -> ()
    %scan3A = arith.constant 0 : i32
    %scan3A_13 = arith.constant 0 : i32
    %scan3A_14 = arith.constant 128 : i32
    %scan3A_15 = arith.addi %scan3A_13, %scan3A_14 : i32
    %scan3A_16 = arith.constant 1 : i32
    scf.for %scan3A_40 = %scan3A_13 to %scan3A_15 step %scan3A_16  : i32 {
      %broadcast_in_dim3A = arith.constant 0.000000e+00 : f32
      %broadcast_in_dim3A_41 = vector.broadcast %broadcast_in_dim3A : f32 to vector<16xf32>
      %swap3A = arith.index_cast %scan3A_40 : i32 to index
      %swap3A_42 = arith.constant 0 : index
      %swap3A_43 = tpu.vector_load %arg17[%swap3A, %swap3A_42] {strides = array<i32>} : memref<128x128xf32, #tpu.memory_space<vmem>>, vector<16xf32>,
      tpu.vector_store %arg17[%swap3A, %swap3A_42], %broadcast_in_dim3A_41 {strides = array<i32>} : memref<128x128xf32, #tpu.memory_space<vmem>>, vector<16xf32>,
      %broadcast_in_dim3A_44 = arith.constant 0.000000e+00 : f32
      %broadcast_in_dim3A_45 = vector.broadcast %broadcast_in_dim3A_44 : f32 to vector<16xf32>
      %swap3A_46 = arith.index_cast %scan3A_40 : i32 to index
      %swap3A_47 = arith.constant 16 : index
      %swap3A_48 = tpu.vector_load %arg17[%swap3A_46, %swap3A_47] {strides = array<i32>} : memref<128x128xf32, #tpu.memory_space<vmem>>, vector<16xf32>,
      tpu.vector_store %arg17[%swap3A_46, %swap3A_47], %broadcast_in_dim3A_45 {strides = array<i32>} : memref<128x128xf32, #tpu.memory_space<vmem>>, vector<16xf32>,
      %broadcast_in_dim3A_49 = arith.constant 0.000000e+00 : f32
      %broadcast_in_dim3A_50 = vector.broadcast %broadcast_in_dim3A_49 : f32 to vector<16xf32>
      %swap3A_51 = arith.index_cast %scan3A_40 : i32 to index
      %swap3A_52 = arith.constant 32 : index
      %swap3A_53 = tpu.vector_load %arg17[%swap3A_51, %swap3A_52] {strides = array<i32>} : memref<128x128xf32, #tpu.memory_space<vmem>>, vector<16xf32>,
      tpu.vector_store %arg17[%swap3A_51, %swap3A_52], %broadcast_in_dim3A_50 {strides = array<i32>} : memref<128x128xf32, #tpu.memory_space<vmem>>, vector<16xf32>,
      %broadcast_in_dim3A_54 = arith.constant 0.000000e+00 : f32
      %broadcast_in_dim3A_55 = vector.broadcast %broadcast_in_dim3A_54 : f32 to vector<16xf32>
      %swap3A_56 = arith.index_cast %scan3A_40 : i32 to index
      %swap3A_57 = arith.constant 48 : index
      %swap3A_58 = tpu.vector_load %arg17[%swap3A_56, %swap3A_57] {strides = array<i32>} : memref<128x128xf32, #tpu.memory_space<vmem>>, vector<16xf32>,
      tpu.vector_store %arg17[%swap3A_56, %swap3A_57], %broadcast_in_dim3A_55 {strides = array<i32>} : memref<128x128xf32, #tpu.memory_space<vmem>>, vector<16xf32>,
      %broadcast_in_dim3A_59 = arith.constant 0.000000e+00 : f32
      %broadcast_in_dim3A_60 = vector.broadcast %broadcast_in_dim3A_59 : f32 to vector<16xf32>
      %swap3A_61 = arith.index_cast %scan3A_40 : i32 to index
      %swap3A_62 = arith.constant 64 : index
      %swap3A_63 = tpu.vector_load %arg17[%swap3A_61, %swap3A_62] {strides = array<i32>} : memref<128x128xf32, #tpu.memory_space<vmem>>, vector<16xf32>,
      tpu.vector_store %arg17[%swap3A_61, %swap3A_62], %broadcast_in_dim3A_60 {strides = array<i32>} : memref<128x128xf32, #tpu.memory_space<vmem>>, vector<16xf32>,
      %broadcast_in_dim3A_64 = arith.constant 0.000000e+00 : f32
      %broadcast_in_dim3A_65 = vector.broadcast %broadcast_in_dim3A_64 : f32 to vector<16xf32>
      %swap3A_66 = arith.index_cast %scan3A_40 : i32 to index
      %swap3A_67 = arith.constant 80 : index
      %swap3A_68 = tpu.vector_load %arg17[%swap3A_66, %swap3A_67] {strides = array<i32>} : memref<128x128xf32, #tpu.memory_space<vmem>>, vector<16xf32>,
      tpu.vector_store %arg17[%swap3A_66, %swap3A_67], %broadcast_in_dim3A_65 {strides = array<i32>} : memref<128x128xf32, #tpu.memory_space<vmem>>, vector<16xf32>,
      %broadcast_in_dim3A_69 = arith.constant 0.000000e+00 : f32
      %broadcast_in_dim3A_70 = vector.broadcast %broadcast_in_dim3A_69 : f32 to vector<16xf32>
      %swap3A_71 = arith.index_cast %scan3A_40 : i32 to index
      %swap3A_72 = arith.constant 96 : index
      %swap3A_73 = tpu.vector_load %arg17[%swap3A_71, %swap3A_72] {strides = array<i32>} : memref<128x128xf32, #tpu.memory_space<vmem>>, vector<16xf32>,
      tpu.vector_store %arg17[%swap3A_71, %swap3A_72], %broadcast_in_dim3A_70 {strides = array<i32>} : memref<128x128xf32, #tpu.memory_space<vmem>>, vector<16xf32>,
      %broadcast_in_dim3A_74 = arith.constant 0.000000e+00 : f32
      %broadcast_in_dim3A_75 = vector.broadcast %broadcast_in_dim3A_74 : f32 to vector<16xf32>
      %swap3A_76 = arith.index_cast %scan3A_40 : i32 to index
      %swap3A_77 = arith.constant 112 : index
      %swap3A_78 = tpu.vector_load %arg17[%swap3A_76, %swap3A_77] {strides = array<i32>} : memref<128x128xf32, #tpu.memory_space<vmem>>, vector<16xf32>,
      tpu.vector_store %arg17[%swap3A_76, %swap3A_77], %broadcast_in_dim3A_75 {strides = array<i32>} : memref<128x128xf32, #tpu.memory_space<vmem>>, vector<16xf32>,
    }
    %scan3A_17 = arith.constant 128 : i32
    %dma_start3A_18 = arith.constant 0 : i32
    %dma_start3A_19 = arith.constant 0 : i32
    %dma_start3A_20 = tpu.memref_slice %arg18[%dma_start3A_18, %dma_start3A_19] : memref<10000x128xf32, #tpu.memory_space<vmem_shared>> -> memref<10000x128xf32, #tpu.memory_space<vmem_shared>>
    tpu.enqueue_indirect_dma source(%arg17 : memref<128x128xf32, #tpu.memory_space<vmem>>) target(%dma_start3A_20 : memref<10000x128xf32, #tpu.memory_space<vmem_shared>>) offsets(%arg11 : memref<128xi32, #tpu.memory_space<vmem>>) semaphore(%arg22 : memref<!tpu.dma_semaphore, #tpu.memory_space<semaphore_mem>>) {add = true}
    %while3A = arith.constant 0 : i32
    %while3A_21 = arith.constant 0 : i32
    %while3A_22 = arith.subi %select_n3A, %while3A_21 : i32
    %while3A_23 = arith.addi %while3A_21, %while3A_22 : i32
    %while3A_24 = arith.constant 1 : i32
    %while3A_25 = arith.divsi %while3A_22, %while3A_24 : i32
    %while3A_26 = arith.muli %while3A_25, %while3A_24 : i32
    %while3A_27 = arith.addi %while3A_21, %while3A_26 : i32
    %while3A_28 = arith.constant 1 : i32
    scf.for %while3A_40 = %while3A_21 to %while3A_27 step %while3A_28  : i32 {
      %mul3A_41 = arith.constant 2 : i32
      %mul3A_42 = arith.muli %mul3A_41, %while3A_40 : i32
      %add3A_43 = arith.constant 0 : i32
      %add3A_44 = arith.addi %mul3A_42, %add3A_43 : i32
      %dma_wait3A_45 = arith.constant 0 : i32
      %dma_wait3A_46 = arith.constant 0 : i32
      %dma_wait3A_47 = tpu.memref_slice %arg2[%dma_wait3A_45, %dma_wait3A_46] : memref<10000x64xi32, #tpu.memory_space<hbm>> -> memref<10000x64xi32, #tpu.memory_space<hbm>>
      tpu.wait_indirect_dma semaphore(%arg19 : memref<!tpu.dma_semaphore, #tpu.memory_space<semaphore_mem>>) src(%dma_wait3A_47 : memref<10000x64xi32, #tpu.memory_space<hbm>>) dst(%arg14 : memref<128x64xi32, #tpu.memory_space<vmem>>)
      %dma_wait3A_48 = arith.constant 0 : i32
      %dma_wait3A_49 = arith.constant 0 : i32
      %dma_wait3A_50 = tpu.memref_slice %arg18[%dma_wait3A_48, %dma_wait3A_49] : memref<10000x128xf32, #tpu.memory_space<vmem_shared>> -> memref<10000x128xf32, #tpu.memory_space<vmem_shared>>
      tpu.wait_indirect_dma semaphore(%arg22 : memref<!tpu.dma_semaphore, #tpu.memory_space<semaphore_mem>>) src(%arg17 : memref<128x128xf32, #tpu.memory_space<vmem>>) dst(%dma_wait3A_50 : memref<10000x128xf32, #tpu.memory_space<vmem_shared>>)
      %add3A_51 = arith.constant 1 : i32
      %add3A_52 = arith.addi %add3A_44, %add3A_51 : i32
      %mul3A_53 = arith.constant 128 : i32
      %mul3A_54 = arith.muli %add3A_52, %mul3A_53 : i32
      %add3A_55 = arith.addi %add3A, %mul3A_54 : i32
      %dma_start3A_56 = tpu.memref_slice %arg3[%add3A_55] : memref<327808xi32, #tpu.memory_space<hbm>> -> memref<128xi32, #tpu.memory_space<hbm>>
      %dma_start3A_57 = tpu.memref_slice %arg3[%add3A_55] : memref<327808xi32, #tpu.memory_space<hbm>> -> memref<128xi32, #tpu.memory_space<hbm>>
      tpu.enqueue_dma source(%dma_start3A_57 : memref<128xi32, #tpu.memory_space<hbm>>) target(%arg9 : memref<128xi32, #tpu.memory_space<vmem>>) target_semaphore(%arg24 : memref<!tpu.dma_semaphore, #tpu.memory_space<semaphore_mem>>)
      %dma_start3A_58 = tpu.memref_slice %arg4[%add3A_55] : memref<327808xi32, #tpu.memory_space<hbm>> -> memref<128xi32, #tpu.memory_space<hbm>>
      %dma_start3A_59 = tpu.memref_slice %arg4[%add3A_55] : memref<327808xi32, #tpu.memory_space<hbm>> -> memref<128xi32, #tpu.memory_space<hbm>>
      tpu.enqueue_dma source(%dma_start3A_59 : memref<128xi32, #tpu.memory_space<hbm>>) target(%arg11 : memref<128xi32, #tpu.memory_space<vmem>>) target_semaphore(%arg24 : memref<!tpu.dma_semaphore, #tpu.memory_space<semaphore_mem>>)
      %dma_start3A_60 = tpu.memref_slice %arg5[%add3A_55] : memref<327808xf32, #tpu.memory_space<hbm>> -> memref<128xf32, #tpu.memory_space<hbm>>
      %dma_start3A_61 = tpu.memref_slice %arg5[%add3A_55] : memref<327808xf32, #tpu.memory_space<hbm>> -> memref<128xf32, #tpu.memory_space<hbm>>
      tpu.enqueue_dma source(%dma_start3A_61 : memref<128xf32, #tpu.memory_space<hbm>>) target(%arg13 : memref<128xf32, #tpu.memory_space<vmem>>) target_semaphore(%arg24 : memref<!tpu.dma_semaphore, #tpu.memory_space<semaphore_mem>>)
      %parallel_loop3A = arith.constant 0 : i32
      %parallel_loop3A_62 = arith.constant 128 : i32
      %parallel_loop3A_63 = arith.constant 1 : i32
      scf.for %parallel_loop3A_122 = %parallel_loop3A to %parallel_loop3A_62 step %parallel_loop3A_63  : i32 {
        %parallel_loop3A_123 = vector.broadcast %parallel_loop3A_122 : i32 to vector<16xi32>
        %parallel_loop3A_124 = tpu.vector_load_idx %arg12[%parallel_loop3A_123] : memref<128xf32, #tpu.memory_space<vmem>>[vector<16xi32>], vector<16xf32>,
        %parallel_loop3A_125 = arith.index_cast %parallel_loop3A_122 : i32 to index
        %parallel_loop3A_126 = arith.constant 0 : index
        %parallel_loop3A_127 = tpu.vector_load %arg14[%parallel_loop3A_125, %parallel_loop3A_126] {strides = array<i32>} : memref<128x64xi32, #tpu.memory_space<vmem>>, vector<16xi32>,
        %parallel_loop3A_128 = vector.bitcast %parallel_loop3A_127 : vector<16xi32> to vector<32xbf16>
        %parallel_loop3A_129 = tpu.unpack_subelements %parallel_loop3A_128, 0 {pack_format = #tpu.pack_format<interleaved>} : vector<32xbf16> -> vector<16xf32>
        %parallel_loop3A_130 = tpu.unpack_subelements %parallel_loop3A_128, 1 {pack_format = #tpu.pack_format<interleaved>} : vector<32xbf16> -> vector<16xf32>
        %parallel_loop3A_131 = arith.mulf %parallel_loop3A_129, %parallel_loop3A_124 : vector<16xf32>
        %parallel_loop3A_132 = arith.index_cast %parallel_loop3A_122 : i32 to index
        %parallel_loop3A_133 = arith.constant 0 : index
        %parallel_loop3A_134 = tpu.vector_load %arg16[%parallel_loop3A_132, %parallel_loop3A_133] {strides = array<i32>} : memref<128x128xf32, #tpu.memory_space<vmem>>, vector<16xf32>,
        tpu.vector_store %arg16[%parallel_loop3A_132, %parallel_loop3A_133], %parallel_loop3A_131 {strides = array<i32>} : memref<128x128xf32, #tpu.memory_space<vmem>>, vector<16xf32>,
        %parallel_loop3A_135 = arith.mulf %parallel_loop3A_130, %parallel_loop3A_124 : vector<16xf32>
        %parallel_loop3A_136 = arith.index_cast %parallel_loop3A_122 : i32 to index
        %parallel_loop3A_137 = arith.constant 16 : index
        %parallel_loop3A_138 = tpu.vector_load %arg16[%parallel_loop3A_136, %parallel_loop3A_137] {strides = array<i32>} : memref<128x128xf32, #tpu.memory_space<vmem>>, vector<16xf32>,
        tpu.vector_store %arg16[%parallel_loop3A_136, %parallel_loop3A_137], %parallel_loop3A_135 {strides = array<i32>} : memref<128x128xf32, #tpu.memory_space<vmem>>, vector<16xf32>,
        %parallel_loop3A_139 = arith.index_cast %parallel_loop3A_122 : i32 to index
        %parallel_loop3A_140 = arith.constant 16 : index
        %parallel_loop3A_141 = tpu.vector_load %arg14[%parallel_loop3A_139, %parallel_loop3A_140] {strides = array<i32>} : memref<128x64xi32, #tpu.memory_space<vmem>>, vector<16xi32>,
        %parallel_loop3A_142 = vector.bitcast %parallel_loop3A_141 : vector<16xi32> to vector<32xbf16>
        %parallel_loop3A_143 = tpu.unpack_subelements %parallel_loop3A_142, 0 {pack_format = #tpu.pack_format<interleaved>} : vector<32xbf16> -> vector<16xf32>
        %parallel_loop3A_144 = tpu.unpack_subelements %parallel_loop3A_142, 1 {pack_format = #tpu.pack_format<interleaved>} : vector<32xbf16> -> vector<16xf32>
        %parallel_loop3A_145 = arith.mulf %parallel_loop3A_143, %parallel_loop3A_124 : vector<16xf32>
        %parallel_loop3A_146 = arith.index_cast %parallel_loop3A_122 : i32 to index
        %parallel_loop3A_147 = arith.constant 32 : index
        %parallel_loop3A_148 = tpu.vector_load %arg16[%parallel_loop3A_146, %parallel_loop3A_147] {strides = array<i32>} : memref<128x128xf32, #tpu.memory_space<vmem>>, vector<16xf32>,
        tpu.vector_store %arg16[%parallel_loop3A_146, %parallel_loop3A_147], %parallel_loop3A_145 {strides = array<i32>} : memref<128x128xf32, #tpu.memory_space<vmem>>, vector<16xf32>,
        %parallel_loop3A_149 = arith.mulf %parallel_loop3A_144, %parallel_loop3A_124 : vector<16xf32>
        %parallel_loop3A_150 = arith.index_cast %parallel_loop3A_122 : i32 to index
        %parallel_loop3A_151 = arith.constant 48 : index
        %parallel_loop3A_152 = tpu.vector_load %arg16[%parallel_loop3A_150, %parallel_loop3A_151] {strides = array<i32>} : memref<128x128xf32, #tpu.memory_space<vmem>>, vector<16xf32>,
        tpu.vector_store %arg16[%parallel_loop3A_150, %parallel_loop3A_151], %parallel_loop3A_149 {strides = array<i32>} : memref<128x128xf32, #tpu.memory_space<vmem>>, vector<16xf32>,
        %parallel_loop3A_153 = arith.index_cast %parallel_loop3A_122 : i32 to index
        %parallel_loop3A_154 = arith.constant 32 : index
        %parallel_loop3A_155 = tpu.vector_load %arg14[%parallel_loop3A_153, %parallel_loop3A_154] {strides = array<i32>} : memref<128x64xi32, #tpu.memory_space<vmem>>, vector<16xi32>,
        %parallel_loop3A_156 = vector.bitcast %parallel_loop3A_155 : vector<16xi32> to vector<32xbf16>
        %parallel_loop3A_157 = tpu.unpack_subelements %parallel_loop3A_156, 0 {pack_format = #tpu.pack_format<interleaved>} : vector<32xbf16> -> vector<16xf32>
        %parallel_loop3A_158 = tpu.unpack_subelements %parallel_loop3A_156, 1 {pack_format = #tpu.pack_format<interleaved>} : vector<32xbf16> -> vector<16xf32>
        %parallel_loop3A_159 = arith.mulf %parallel_loop3A_157, %parallel_loop3A_124 : vector<16xf32>
        %parallel_loop3A_160 = arith.index_cast %parallel_loop3A_122 : i32 to index
        %parallel_loop3A_161 = arith.constant 64 : index
        %parallel_loop3A_162 = tpu.vector_load %arg16[%parallel_loop3A_160, %parallel_loop3A_161] {strides = array<i32>} : memref<128x128xf32, #tpu.memory_space<vmem>>, vector<16xf32>,
        tpu.vector_store %arg16[%parallel_loop3A_160, %parallel_loop3A_161], %parallel_loop3A_159 {strides = array<i32>} : memref<128x128xf32, #tpu.memory_space<vmem>>, vector<16xf32>,
        %parallel_loop3A_163 = arith.mulf %parallel_loop3A_158, %parallel_loop3A_124 : vector<16xf32>
        %parallel_loop3A_164 = arith.index_cast %parallel_loop3A_122 : i32 to index
        %parallel_loop3A_165 = arith.constant 80 : index
        %parallel_loop3A_166 = tpu.vector_load %arg16[%parallel_loop3A_164, %parallel_loop3A_165] {strides = array<i32>} : memref<128x128xf32, #tpu.memory_space<vmem>>, vector<16xf32>,
        tpu.vector_store %arg16[%parallel_loop3A_164, %parallel_loop3A_165], %parallel_loop3A_163 {strides = array<i32>} : memref<128x128xf32, #tpu.memory_space<vmem>>, vector<16xf32>,
        %parallel_loop3A_167 = arith.index_cast %parallel_loop3A_122 : i32 to index
        %parallel_loop3A_168 = arith.constant 48 : index
        %parallel_loop3A_169 = tpu.vector_load %arg14[%parallel_loop3A_167, %parallel_loop3A_168] {strides = array<i32>} : memref<128x64xi32, #tpu.memory_space<vmem>>, vector<16xi32>,
        %parallel_loop3A_170 = vector.bitcast %parallel_loop3A_169 : vector<16xi32> to vector<32xbf16>
        %parallel_loop3A_171 = tpu.unpack_subelements %parallel_loop3A_170, 0 {pack_format = #tpu.pack_format<interleaved>} : vector<32xbf16> -> vector<16xf32>
        %parallel_loop3A_172 = tpu.unpack_subelements %parallel_loop3A_170, 1 {pack_format = #tpu.pack_format<interleaved>} : vector<32xbf16> -> vector<16xf32>
        %parallel_loop3A_173 = arith.mulf %parallel_loop3A_171, %parallel_loop3A_124 : vector<16xf32>
        %parallel_loop3A_174 = arith.index_cast %parallel_loop3A_122 : i32 to index
        %parallel_loop3A_175 = arith.constant 96 : index
        %parallel_loop3A_176 = tpu.vector_load %arg16[%parallel_loop3A_174, %parallel_loop3A_175] {strides = array<i32>} : memref<128x128xf32, #tpu.memory_space<vmem>>, vector<16xf32>,
        tpu.vector_store %arg16[%parallel_loop3A_174, %parallel_loop3A_175], %parallel_loop3A_173 {strides = array<i32>} : memref<128x128xf32, #tpu.memory_space<vmem>>, vector<16xf32>,
        %parallel_loop3A_177 = arith.mulf %parallel_loop3A_172, %parallel_loop3A_124 : vector<16xf32>
        %parallel_loop3A_178 = arith.index_cast %parallel_loop3A_122 : i32 to index
        %parallel_loop3A_179 = arith.constant 112 : index
        %parallel_loop3A_180 = tpu.vector_load %arg16[%parallel_loop3A_178, %parallel_loop3A_179] {strides = array<i32>} : memref<128x128xf32, #tpu.memory_space<vmem>>, vector<16xf32>,
        tpu.vector_store %arg16[%parallel_loop3A_178, %parallel_loop3A_179], %parallel_loop3A_177 {strides = array<i32>} : memref<128x128xf32, #tpu.memory_space<vmem>>, vector<16xf32>,
      } {sc.loop_unroll_factor = 4 : i64, sc.parallel_access}
      %add3A_64 = arith.constant 1 : i32
      %add3A_65 = arith.addi %add3A_44, %add3A_64 : i32
      %mul3A_66 = arith.constant 128 : i32
      %mul3A_67 = arith.muli %add3A_65, %mul3A_66 : i32
      %add3A_68 = arith.addi %add3A, %mul3A_67 : i32
      %dma_wait3A_69 = tpu.memref_slice %arg3[%add3A_68] : memref<327808xi32, #tpu.memory_space<hbm>> -> memref<128xi32, #tpu.memory_space<hbm>>
      %dma_wait3A_70 = tpu.memref_slice %arg3[%add3A_68] : memref<327808xi32, #tpu.memory_space<hbm>> -> memref<128xi32, #tpu.memory_space<hbm>>
      tpu.wait_dma2 semaphore(%arg24 : memref<!tpu.dma_semaphore, #tpu.memory_space<semaphore_mem>>) src(%dma_wait3A_70 : memref<128xi32, #tpu.memory_space<hbm>>) dst(%arg9 : memref<128xi32, #tpu.memory_space<vmem>>)
      %dma_wait3A_71 = tpu.memref_slice %arg4[%add3A_68] : memref<327808xi32, #tpu.memory_space<hbm>> -> memref<128xi32, #tpu.memory_space<hbm>>
      %dma_wait3A_72 = tpu.memref_slice %arg4[%add3A_68] : memref<327808xi32, #tpu.memory_space<hbm>> -> memref<128xi32, #tpu.memory_space<hbm>>
      tpu.wait_dma2 semaphore(%arg24 : memref<!tpu.dma_semaphore, #tpu.memory_space<semaphore_mem>>) src(%dma_wait3A_72 : memref<128xi32, #tpu.memory_space<hbm>>) dst(%arg11 : memref<128xi32, #tpu.memory_space<vmem>>)
      %dma_wait3A_73 = tpu.memref_slice %arg5[%add3A_68] : memref<327808xf32, #tpu.memory_space<hbm>> -> memref<128xf32, #tpu.memory_space<hbm>>
      %dma_wait3A_74 = tpu.memref_slice %arg5[%add3A_68] : memref<327808xf32, #tpu.memory_space<hbm>> -> memref<128xf32, #tpu.memory_space<hbm>>
      tpu.wait_dma2 semaphore(%arg24 : memref<!tpu.dma_semaphore, #tpu.memory_space<semaphore_mem>>) src(%dma_wait3A_74 : memref<128xf32, #tpu.memory_space<hbm>>) dst(%arg13 : memref<128xf32, #tpu.memory_space<vmem>>)
      %dma_start3A_75 = arith.constant 0 : i32
      %dma_start3A_76 = arith.constant 0 : i32
      %dma_start3A_77 = tpu.memref_slice %arg2[%dma_start3A_75, %dma_start3A_76] : memref<10000x64xi32, #tpu.memory_space<hbm>> -> memref<10000x64xi32, #tpu.memory_space<hbm>>
      tpu.enqueue_indirect_dma source(%dma_start3A_77 : memref<10000x64xi32, #tpu.memory_space<hbm>>) target(%arg15 : memref<128x64xi32, #tpu.memory_space<vmem>>) offsets(%arg9 : memref<128xi32, #tpu.memory_space<vmem>>) semaphore(%arg20 : memref<!tpu.dma_semaphore, #tpu.memory_space<semaphore_mem>>)
      %dma_start3A_78 = arith.constant 0 : i32
      %dma_start3A_79 = arith.constant 0 : i32
      %dma_start3A_80 = tpu.memref_slice %arg18[%dma_start3A_78, %dma_start3A_79] : memref<10000x128xf32, #tpu.memory_space<vmem_shared>> -> memref<10000x128xf32, #tpu.memory_space<vmem_shared>>
      tpu.enqueue_indirect_dma source(%arg16 : memref<128x128xf32, #tpu.memory_space<vmem>>) target(%dma_start3A_80 : memref<10000x128xf32, #tpu.memory_space<vmem_shared>>) offsets(%arg10 : memref<128xi32, #tpu.memory_space<vmem>>) semaphore(%arg21 : memref<!tpu.dma_semaphore, #tpu.memory_space<semaphore_mem>>) {add = true}
      %mul3A_81 = arith.constant 2 : i32
      %mul3A_82 = arith.muli %mul3A_81, %while3A_40 : i32
      %add3A_83 = arith.constant 1 : i32
      %add3A_84 = arith.addi %mul3A_82, %add3A_83 : i32
      %dma_wait3A_85 = arith.constant 0 : i32
      %dma_wait3A_86 = arith.constant 0 : i32
      %dma_wait3A_87 = tpu.memref_slice %arg2[%dma_wait3A_85, %dma_wait3A_86] : memref<10000x64xi32, #tpu.memory_space<hbm>> -> memref<10000x64xi32, #tpu.memory_space<hbm>>
      tpu.wait_indirect_dma semaphore(%arg20 : memref<!tpu.dma_semaphore, #tpu.memory_space<semaphore_mem>>) src(%dma_wait3A_87 : memref<10000x64xi32, #tpu.memory_space<hbm>>) dst(%arg15 : memref<128x64xi32, #tpu.memory_space<vmem>>)
      %dma_wait3A_88 = arith.constant 0 : i32
      %dma_wait3A_89 = arith.constant 0 : i32
      %dma_wait3A_90 = tpu.memref_slice %arg18[%dma_wait3A_88, %dma_wait3A_89] : memref<10000x128xf32, #tpu.memory_space<vmem_shared>> -> memref<10000x128xf32, #tpu.memory_space<vmem_shared>>
      tpu.wait_indirect_dma semaphore(%arg21 : memref<!tpu.dma_semaphore, #tpu.memory_space<semaphore_mem>>) src(%arg16 : memref<128x128xf32, #tpu.memory_space<vmem>>) dst(%dma_wait3A_90 : memref<10000x128xf32, #tpu.memory_space<vmem_shared>>)
      %add3A_91 = arith.constant 1 : i32
      %add3A_92 = arith.addi %add3A_84, %add3A_91 : i32
      %mul3A_93 = arith.constant 128 : i32
      %mul3A_94 = arith.muli %add3A_92, %mul3A_93 : i32
      %add3A_95 = arith.addi %add3A, %mul3A_94 : i32
      %dma_start3A_96 = tpu.memref_slice %arg3[%add3A_95] : memref<327808xi32, #tpu.memory_space<hbm>> -> memref<128xi32, #tpu.memory_space<hbm>>
      %dma_start3A_97 = tpu.memref_slice %arg3[%add3A_95] : memref<327808xi32, #tpu.memory_space<hbm>> -> memref<128xi32, #tpu.memory_space<hbm>>
      tpu.enqueue_dma source(%dma_start3A_97 : memref<128xi32, #tpu.memory_space<hbm>>) target(%arg8 : memref<128xi32, #tpu.memory_space<vmem>>) target_semaphore(%arg23 : memref<!tpu.dma_semaphore, #tpu.memory_space<semaphore_mem>>)
      %dma_start3A_98 = tpu.memref_slice %arg4[%add3A_95] : memref<327808xi32, #tpu.memory_space<hbm>> -> memref<128xi32, #tpu.memory_space<hbm>>
      %dma_start3A_99 = tpu.memref_slice %arg4[%add3A_95] : memref<327808xi32, #tpu.memory_space<hbm>> -> memref<128xi32, #tpu.memory_space<hbm>>
      tpu.enqueue_dma source(%dma_start3A_99 : memref<128xi32, #tpu.memory_space<hbm>>) target(%arg10 : memref<128xi32, #tpu.memory_space<vmem>>) target_semaphore(%arg23 : memref<!tpu.dma_semaphore, #tpu.memory_space<semaphore_mem>>)
      %dma_start3A_100 = tpu.memref_slice %arg5[%add3A_95] : memref<327808xf32, #tpu.memory_space<hbm>> -> memref<128xf32, #tpu.memory_space<hbm>>
      %dma_start3A_101 = tpu.memref_slice %arg5[%add3A_95] : memref<327808xf32, #tpu.memory_space<hbm>> -> memref<128xf32, #tpu.memory_space<hbm>>
      tpu.enqueue_dma source(%dma_start3A_101 : memref<128xf32, #tpu.memory_space<hbm>>) target(%arg12 : memref<128xf32, #tpu.memory_space<vmem>>) target_semaphore(%arg23 : memref<!tpu.dma_semaphore, #tpu.memory_space<semaphore_mem>>)
      %parallel_loop3A_102 = arith.constant 0 : i32
      %parallel_loop3A_103 = arith.constant 128 : i32
      %parallel_loop3A_104 = arith.constant 1 : i32
      scf.for %parallel_loop3A_122 = %parallel_loop3A_102 to %parallel_loop3A_103 step %parallel_loop3A_104  : i32 {
        %parallel_loop3A_123 = vector.broadcast %parallel_loop3A_122 : i32 to vector<16xi32>
        %parallel_loop3A_124 = tpu.vector_load_idx %arg13[%parallel_loop3A_123] : memref<128xf32, #tpu.memory_space<vmem>>[vector<16xi32>], vector<16xf32>,
        %parallel_loop3A_125 = arith.index_cast %parallel_loop3A_122 : i32 to index
        %parallel_loop3A_126 = arith.constant 0 : index
        %parallel_loop3A_127 = tpu.vector_load %arg15[%parallel_loop3A_125, %parallel_loop3A_126] {strides = array<i32>} : memref<128x64xi32, #tpu.memory_space<vmem>>, vector<16xi32>,
        %parallel_loop3A_128 = vector.bitcast %parallel_loop3A_127 : vector<16xi32> to vector<32xbf16>
        %parallel_loop3A_129 = tpu.unpack_subelements %parallel_loop3A_128, 0 {pack_format = #tpu.pack_format<interleaved>} : vector<32xbf16> -> vector<16xf32>
        %parallel_loop3A_130 = tpu.unpack_subelements %parallel_loop3A_128, 1 {pack_format = #tpu.pack_format<interleaved>} : vector<32xbf16> -> vector<16xf32>
        %parallel_loop3A_131 = arith.mulf %parallel_loop3A_129, %parallel_loop3A_124 : vector<16xf32>
        %parallel_loop3A_132 = arith.index_cast %parallel_loop3A_122 : i32 to index
        %parallel_loop3A_133 = arith.constant 0 : index
        %parallel_loop3A_134 = tpu.vector_load %arg17[%parallel_loop3A_132, %parallel_loop3A_133] {strides = array<i32>} : memref<128x128xf32, #tpu.memory_space<vmem>>, vector<16xf32>,
        tpu.vector_store %arg17[%parallel_loop3A_132, %parallel_loop3A_133], %parallel_loop3A_131 {strides = array<i32>} : memref<128x128xf32, #tpu.memory_space<vmem>>, vector<16xf32>,
        %parallel_loop3A_135 = arith.mulf %parallel_loop3A_130, %parallel_loop3A_124 : vector<16xf32>
        %parallel_loop3A_136 = arith.index_cast %parallel_loop3A_122 : i32 to index
        %parallel_loop3A_137 = arith.constant 16 : index
        %parallel_loop3A_138 = tpu.vector_load %arg17[%parallel_loop3A_136, %parallel_loop3A_137] {strides = array<i32>} : memref<128x128xf32, #tpu.memory_space<vmem>>, vector<16xf32>,
        tpu.vector_store %arg17[%parallel_loop3A_136, %parallel_loop3A_137], %parallel_loop3A_135 {strides = array<i32>} : memref<128x128xf32, #tpu.memory_space<vmem>>, vector<16xf32>,
        %parallel_loop3A_139 = arith.index_cast %parallel_loop3A_122 : i32 to index
        %parallel_loop3A_140 = arith.constant 16 : index
        %parallel_loop3A_141 = tpu.vector_load %arg15[%parallel_loop3A_139, %parallel_loop3A_140] {strides = array<i32>} : memref<128x64xi32, #tpu.memory_space<vmem>>, vector<16xi32>,
        %parallel_loop3A_142 = vector.bitcast %parallel_loop3A_141 : vector<16xi32> to vector<32xbf16>
        %parallel_loop3A_143 = tpu.unpack_subelements %parallel_loop3A_142, 0 {pack_format = #tpu.pack_format<interleaved>} : vector<32xbf16> -> vector<16xf32>
        %parallel_loop3A_144 = tpu.unpack_subelements %parallel_loop3A_142, 1 {pack_format = #tpu.pack_format<interleaved>} : vector<32xbf16> -> vector<16xf32>
        %parallel_loop3A_145 = arith.mulf %parallel_loop3A_143, %parallel_loop3A_124 : vector<16xf32>
        %parallel_loop3A_146 = arith.index_cast %parallel_loop3A_122 : i32 to index
        %parallel_loop3A_147 = arith.constant 32 : index
        %parallel_loop3A_148 = tpu.vector_load %arg17[%parallel_loop3A_146, %parallel_loop3A_147] {strides = array<i32>} : memref<128x128xf32, #tpu.memory_space<vmem>>, vector<16xf32>,
        tpu.vector_store %arg17[%parallel_loop3A_146, %parallel_loop3A_147], %parallel_loop3A_145 {strides = array<i32>} : memref<128x128xf32, #tpu.memory_space<vmem>>, vector<16xf32>,
        %parallel_loop3A_149 = arith.mulf %parallel_loop3A_144, %parallel_loop3A_124 : vector<16xf32>
        %parallel_loop3A_150 = arith.index_cast %parallel_loop3A_122 : i32 to index
        %parallel_loop3A_151 = arith.constant 48 : index
        %parallel_loop3A_152 = tpu.vector_load %arg17[%parallel_loop3A_150, %parallel_loop3A_151] {strides = array<i32>} : memref<128x128xf32, #tpu.memory_space<vmem>>, vector<16xf32>,
        tpu.vector_store %arg17[%parallel_loop3A_150, %parallel_loop3A_151], %parallel_loop3A_149 {strides = array<i32>} : memref<128x128xf32, #tpu.memory_space<vmem>>, vector<16xf32>,
        %parallel_loop3A_153 = arith.index_cast %parallel_loop3A_122 : i32 to index
        %parallel_loop3A_154 = arith.constant 32 : index
        %parallel_loop3A_155 = tpu.vector_load %arg15[%parallel_loop3A_153, %parallel_loop3A_154] {strides = array<i32>} : memref<128x64xi32, #tpu.memory_space<vmem>>, vector<16xi32>,
        %parallel_loop3A_156 = vector.bitcast %parallel_loop3A_155 : vector<16xi32> to vector<32xbf16>
        %parallel_loop3A_157 = tpu.unpack_subelements %parallel_loop3A_156, 0 {pack_format = #tpu.pack_format<interleaved>} : vector<32xbf16> -> vector<16xf32>
        %parallel_loop3A_158 = tpu.unpack_subelements %parallel_loop3A_156, 1 {pack_format = #tpu.pack_format<interleaved>} : vector<32xbf16> -> vector<16xf32>
        %parallel_loop3A_159 = arith.mulf %parallel_loop3A_157, %parallel_loop3A_124 : vector<16xf32>
        %parallel_loop3A_160 = arith.index_cast %parallel_loop3A_122 : i32 to index
        %parallel_loop3A_161 = arith.constant 64 : index
        %parallel_loop3A_162 = tpu.vector_load %arg17[%parallel_loop3A_160, %parallel_loop3A_161] {strides = array<i32>} : memref<128x128xf32, #tpu.memory_space<vmem>>, vector<16xf32>,
        tpu.vector_store %arg17[%parallel_loop3A_160, %parallel_loop3A_161], %parallel_loop3A_159 {strides = array<i32>} : memref<128x128xf32, #tpu.memory_space<vmem>>, vector<16xf32>,
        %parallel_loop3A_163 = arith.mulf %parallel_loop3A_158, %parallel_loop3A_124 : vector<16xf32>
        %parallel_loop3A_164 = arith.index_cast %parallel_loop3A_122 : i32 to index
        %parallel_loop3A_165 = arith.constant 80 : index
        %parallel_loop3A_166 = tpu.vector_load %arg17[%parallel_loop3A_164, %parallel_loop3A_165] {strides = array<i32>} : memref<128x128xf32, #tpu.memory_space<vmem>>, vector<16xf32>,
        tpu.vector_store %arg17[%parallel_loop3A_164, %parallel_loop3A_165], %parallel_loop3A_163 {strides = array<i32>} : memref<128x128xf32, #tpu.memory_space<vmem>>, vector<16xf32>,
        %parallel_loop3A_167 = arith.index_cast %parallel_loop3A_122 : i32 to index
        %parallel_loop3A_168 = arith.constant 48 : index
        %parallel_loop3A_169 = tpu.vector_load %arg15[%parallel_loop3A_167, %parallel_loop3A_168] {strides = array<i32>} : memref<128x64xi32, #tpu.memory_space<vmem>>, vector<16xi32>,
        %parallel_loop3A_170 = vector.bitcast %parallel_loop3A_169 : vector<16xi32> to vector<32xbf16>
        %parallel_loop3A_171 = tpu.unpack_subelements %parallel_loop3A_170, 0 {pack_format = #tpu.pack_format<interleaved>} : vector<32xbf16> -> vector<16xf32>
        %parallel_loop3A_172 = tpu.unpack_subelements %parallel_loop3A_170, 1 {pack_format = #tpu.pack_format<interleaved>} : vector<32xbf16> -> vector<16xf32>
        %parallel_loop3A_173 = arith.mulf %parallel_loop3A_171, %parallel_loop3A_124 : vector<16xf32>
        %parallel_loop3A_174 = arith.index_cast %parallel_loop3A_122 : i32 to index
        %parallel_loop3A_175 = arith.constant 96 : index
        %parallel_loop3A_176 = tpu.vector_load %arg17[%parallel_loop3A_174, %parallel_loop3A_175] {strides = array<i32>} : memref<128x128xf32, #tpu.memory_space<vmem>>, vector<16xf32>,
        tpu.vector_store %arg17[%parallel_loop3A_174, %parallel_loop3A_175], %parallel_loop3A_173 {strides = array<i32>} : memref<128x128xf32, #tpu.memory_space<vmem>>, vector<16xf32>,
        %parallel_loop3A_177 = arith.mulf %parallel_loop3A_172, %parallel_loop3A_124 : vector<16xf32>
        %parallel_loop3A_178 = arith.index_cast %parallel_loop3A_122 : i32 to index
        %parallel_loop3A_179 = arith.constant 112 : index
        %parallel_loop3A_180 = tpu.vector_load %arg17[%parallel_loop3A_178, %parallel_loop3A_179] {strides = array<i32>} : memref<128x128xf32, #tpu.memory_space<vmem>>, vector<16xf32>,
        tpu.vector_store %arg17[%parallel_loop3A_178, %parallel_loop3A_179], %parallel_loop3A_177 {strides = array<i32>} : memref<128x128xf32, #tpu.memory_space<vmem>>, vector<16xf32>,
      } {sc.loop_unroll_factor = 4 : i64, sc.parallel_access}
      %add3A_105 = arith.constant 1 : i32
      %add3A_106 = arith.addi %add3A_84, %add3A_105 : i32
      %mul3A_107 = arith.constant 128 : i32
      %mul3A_108 = arith.muli %add3A_106, %mul3A_107 : i32
      %add3A_109 = arith.addi %add3A, %mul3A_108 : i32
      %dma_wait3A_110 = tpu.memref_slice %arg3[%add3A_109] : memref<327808xi32, #tpu.memory_space<hbm>> -> memref<128xi32, #tpu.memory_space<hbm>>
      %dma_wait3A_111 = tpu.memref_slice %arg3[%add3A_109] : memref<327808xi32, #tpu.memory_space<hbm>> -> memref<128xi32, #tpu.memory_space<hbm>>
      tpu.wait_dma2 semaphore(%arg23 : memref<!tpu.dma_semaphore, #tpu.memory_space<semaphore_mem>>) src(%dma_wait3A_111 : memref<128xi32, #tpu.memory_space<hbm>>) dst(%arg8 : memref<128xi32, #tpu.memory_space<vmem>>)
      %dma_wait3A_112 = tpu.memref_slice %arg4[%add3A_109] : memref<327808xi32, #tpu.memory_space<hbm>> -> memref<128xi32, #tpu.memory_space<hbm>>
      %dma_wait3A_113 = tpu.memref_slice %arg4[%add3A_109] : memref<327808xi32, #tpu.memory_space<hbm>> -> memref<128xi32, #tpu.memory_space<hbm>>
      tpu.wait_dma2 semaphore(%arg23 : memref<!tpu.dma_semaphore, #tpu.memory_space<semaphore_mem>>) src(%dma_wait3A_113 : memref<128xi32, #tpu.memory_space<hbm>>) dst(%arg10 : memref<128xi32, #tpu.memory_space<vmem>>)
      %dma_wait3A_114 = tpu.memref_slice %arg5[%add3A_109] : memref<327808xf32, #tpu.memory_space<hbm>> -> memref<128xf32, #tpu.memory_space<hbm>>
      %dma_wait3A_115 = tpu.memref_slice %arg5[%add3A_109] : memref<327808xf32, #tpu.memory_space<hbm>> -> memref<128xf32, #tpu.memory_space<hbm>>
      tpu.wait_dma2 semaphore(%arg23 : memref<!tpu.dma_semaphore, #tpu.memory_space<semaphore_mem>>) src(%dma_wait3A_115 : memref<128xf32, #tpu.memory_space<hbm>>) dst(%arg12 : memref<128xf32, #tpu.memory_space<vmem>>)
      %dma_start3A_116 = arith.constant 0 : i32
      %dma_start3A_117 = arith.constant 0 : i32
      %dma_start3A_118 = tpu.memref_slice %arg2[%dma_start3A_116, %dma_start3A_117] : memref<10000x64xi32, #tpu.memory_space<hbm>> -> memref<10000x64xi32, #tpu.memory_space<hbm>>
      tpu.enqueue_indirect_dma source(%dma_start3A_118 : memref<10000x64xi32, #tpu.memory_space<hbm>>) target(%arg14 : memref<128x64xi32, #tpu.memory_space<vmem>>) offsets(%arg8 : memref<128xi32, #tpu.memory_space<vmem>>) semaphore(%arg19 : memref<!tpu.dma_semaphore, #tpu.memory_space<semaphore_mem>>)
      %dma_start3A_119 = arith.constant 0 : i32
      %dma_start3A_120 = arith.constant 0 : i32
      %dma_start3A_121 = tpu.memref_slice %arg18[%dma_start3A_119, %dma_start3A_120] : memref<10000x128xf32, #tpu.memory_space<vmem_shared>> -> memref<10000x128xf32, #tpu.memory_space<vmem_shared>>
      tpu.enqueue_indirect_dma source(%arg17 : memref<128x128xf32, #tpu.memory_space<vmem>>) target(%dma_start3A_121 : memref<10000x128xf32, #tpu.memory_space<vmem_shared>>) offsets(%arg11 : memref<128xi32, #tpu.memory_space<vmem>>) semaphore(%arg22 : memref<!tpu.dma_semaphore, #tpu.memory_space<semaphore_mem>>) {add = true}
    }
    %while3A_29 = arith.constant 1 : i32
    scf.for %while3A_40 = %while3A_27 to %while3A_23 step %while3A_29  : i32 {
      %mul3A_41 = arith.constant 2 : i32
      %mul3A_42 = arith.muli %mul3A_41, %while3A_40 : i32
      %add3A_43 = arith.constant 0 : i32
      %add3A_44 = arith.addi %mul3A_42, %add3A_43 : i32
      %dma_wait3A_45 = arith.constant 0 : i32
      %dma_wait3A_46 = arith.constant 0 : i32
      %dma_wait3A_47 = tpu.memref_slice %arg2[%dma_wait3A_45, %dma_wait3A_46] : memref<10000x64xi32, #tpu.memory_space<hbm>> -> memref<10000x64xi32, #tpu.memory_space<hbm>>
      tpu.wait_indirect_dma semaphore(%arg19 : memref<!tpu.dma_semaphore, #tpu.memory_space<semaphore_mem>>) src(%dma_wait3A_47 : memref<10000x64xi32, #tpu.memory_space<hbm>>) dst(%arg14 : memref<128x64xi32, #tpu.memory_space<vmem>>)
      %dma_wait3A_48 = arith.constant 0 : i32
      %dma_wait3A_49 = arith.constant 0 : i32
      %dma_wait3A_50 = tpu.memref_slice %arg18[%dma_wait3A_48, %dma_wait3A_49] : memref<10000x128xf32, #tpu.memory_space<vmem_shared>> -> memref<10000x128xf32, #tpu.memory_space<vmem_shared>>
      tpu.wait_indirect_dma semaphore(%arg22 : memref<!tpu.dma_semaphore, #tpu.memory_space<semaphore_mem>>) src(%arg17 : memref<128x128xf32, #tpu.memory_space<vmem>>) dst(%dma_wait3A_50 : memref<10000x128xf32, #tpu.memory_space<vmem_shared>>)
      %add3A_51 = arith.constant 1 : i32
      %add3A_52 = arith.addi %add3A_44, %add3A_51 : i32
      %mul3A_53 = arith.constant 128 : i32
      %mul3A_54 = arith.muli %add3A_52, %mul3A_53 : i32
      %add3A_55 = arith.addi %add3A, %mul3A_54 : i32
      %dma_start3A_56 = tpu.memref_slice %arg3[%add3A_55] : memref<327808xi32, #tpu.memory_space<hbm>> -> memref<128xi32, #tpu.memory_space<hbm>>
      %dma_start3A_57 = tpu.memref_slice %arg3[%add3A_55] : memref<327808xi32, #tpu.memory_space<hbm>> -> memref<128xi32, #tpu.memory_space<hbm>>
      tpu.enqueue_dma source(%dma_start3A_57 : memref<128xi32, #tpu.memory_space<hbm>>) target(%arg9 : memref<128xi32, #tpu.memory_space<vmem>>) target_semaphore(%arg24 : memref<!tpu.dma_semaphore, #tpu.memory_space<semaphore_mem>>)
      %dma_start3A_58 = tpu.memref_slice %arg4[%add3A_55] : memref<327808xi32, #tpu.memory_space<hbm>> -> memref<128xi32, #tpu.memory_space<hbm>>
      %dma_start3A_59 = tpu.memref_slice %arg4[%add3A_55] : memref<327808xi32, #tpu.memory_space<hbm>> -> memref<128xi32, #tpu.memory_space<hbm>>
      tpu.enqueue_dma source(%dma_start3A_59 : memref<128xi32, #tpu.memory_space<hbm>>) target(%arg11 : memref<128xi32, #tpu.memory_space<vmem>>) target_semaphore(%arg24 : memref<!tpu.dma_semaphore, #tpu.memory_space<semaphore_mem>>)
      %dma_start3A_60 = tpu.memref_slice %arg5[%add3A_55] : memref<327808xf32, #tpu.memory_space<hbm>> -> memref<128xf32, #tpu.memory_space<hbm>>
      %dma_start3A_61 = tpu.memref_slice %arg5[%add3A_55] : memref<327808xf32, #tpu.memory_space<hbm>> -> memref<128xf32, #tpu.memory_space<hbm>>
      tpu.enqueue_dma source(%dma_start3A_61 : memref<128xf32, #tpu.memory_space<hbm>>) target(%arg13 : memref<128xf32, #tpu.memory_space<vmem>>) target_semaphore(%arg24 : memref<!tpu.dma_semaphore, #tpu.memory_space<semaphore_mem>>)
      %parallel_loop3A = arith.constant 0 : i32
      %parallel_loop3A_62 = arith.constant 128 : i32
      %parallel_loop3A_63 = arith.constant 1 : i32
      scf.for %parallel_loop3A_122 = %parallel_loop3A to %parallel_loop3A_62 step %parallel_loop3A_63  : i32 {
        %parallel_loop3A_123 = vector.broadcast %parallel_loop3A_122 : i32 to vector<16xi32>
        %parallel_loop3A_124 = tpu.vector_load_idx %arg12[%parallel_loop3A_123] : memref<128xf32, #tpu.memory_space<vmem>>[vector<16xi32>], vector<16xf32>,
        %parallel_loop3A_125 = arith.index_cast %parallel_loop3A_122 : i32 to index
        %parallel_loop3A_126 = arith.constant 0 : index
        %parallel_loop3A_127 = tpu.vector_load %arg14[%parallel_loop3A_125, %parallel_loop3A_126] {strides = array<i32>} : memref<128x64xi32, #tpu.memory_space<vmem>>, vector<16xi32>,
        %parallel_loop3A_128 = vector.bitcast %parallel_loop3A_127 : vector<16xi32> to vector<32xbf16>
        %parallel_loop3A_129 = tpu.unpack_subelements %parallel_loop3A_128, 0 {pack_format = #tpu.pack_format<interleaved>} : vector<32xbf16> -> vector<16xf32>
        %parallel_loop3A_130 = tpu.unpack_subelements %parallel_loop3A_128, 1 {pack_format = #tpu.pack_format<interleaved>} : vector<32xbf16> -> vector<16xf32>
        %parallel_loop3A_131 = arith.mulf %parallel_loop3A_129, %parallel_loop3A_124 : vector<16xf32>
        %parallel_loop3A_132 = arith.index_cast %parallel_loop3A_122 : i32 to index
        %parallel_loop3A_133 = arith.constant 0 : index
        %parallel_loop3A_134 = tpu.vector_load %arg16[%parallel_loop3A_132, %parallel_loop3A_133] {strides = array<i32>} : memref<128x128xf32, #tpu.memory_space<vmem>>, vector<16xf32>,
        tpu.vector_store %arg16[%parallel_loop3A_132, %parallel_loop3A_133], %parallel_loop3A_131 {strides = array<i32>} : memref<128x128xf32, #tpu.memory_space<vmem>>, vector<16xf32>,
        %parallel_loop3A_135 = arith.mulf %parallel_loop3A_130, %parallel_loop3A_124 : vector<16xf32>
        %parallel_loop3A_136 = arith.index_cast %parallel_loop3A_122 : i32 to index
        %parallel_loop3A_137 = arith.constant 16 : index
        %parallel_loop3A_138 = tpu.vector_load %arg16[%parallel_loop3A_136, %parallel_loop3A_137] {strides = array<i32>} : memref<128x128xf32, #tpu.memory_space<vmem>>, vector<16xf32>,
        tpu.vector_store %arg16[%parallel_loop3A_136, %parallel_loop3A_137], %parallel_loop3A_135 {strides = array<i32>} : memref<128x128xf32, #tpu.memory_space<vmem>>, vector<16xf32>,
        %parallel_loop3A_139 = arith.index_cast %parallel_loop3A_122 : i32 to index
        %parallel_loop3A_140 = arith.constant 16 : index
        %parallel_loop3A_141 = tpu.vector_load %arg14[%parallel_loop3A_139, %parallel_loop3A_140] {strides = array<i32>} : memref<128x64xi32, #tpu.memory_space<vmem>>, vector<16xi32>,
        %parallel_loop3A_142 = vector.bitcast %parallel_loop3A_141 : vector<16xi32> to vector<32xbf16>
        %parallel_loop3A_143 = tpu.unpack_subelements %parallel_loop3A_142, 0 {pack_format = #tpu.pack_format<interleaved>} : vector<32xbf16> -> vector<16xf32>
        %parallel_loop3A_144 = tpu.unpack_subelements %parallel_loop3A_142, 1 {pack_format = #tpu.pack_format<interleaved>} : vector<32xbf16> -> vector<16xf32>
        %parallel_loop3A_145 = arith.mulf %parallel_loop3A_143, %parallel_loop3A_124 : vector<16xf32>
        %parallel_loop3A_146 = arith.index_cast %parallel_loop3A_122 : i32 to index
        %parallel_loop3A_147 = arith.constant 32 : index
        %parallel_loop3A_148 = tpu.vector_load %arg16[%parallel_loop3A_146, %parallel_loop3A_147] {strides = array<i32>} : memref<128x128xf32, #tpu.memory_space<vmem>>, vector<16xf32>,
        tpu.vector_store %arg16[%parallel_loop3A_146, %parallel_loop3A_147], %parallel_loop3A_145 {strides = array<i32>} : memref<128x128xf32, #tpu.memory_space<vmem>>, vector<16xf32>,
        %parallel_loop3A_149 = arith.mulf %parallel_loop3A_144, %parallel_loop3A_124 : vector<16xf32>
        %parallel_loop3A_150 = arith.index_cast %parallel_loop3A_122 : i32 to index
        %parallel_loop3A_151 = arith.constant 48 : index
        %parallel_loop3A_152 = tpu.vector_load %arg16[%parallel_loop3A_150, %parallel_loop3A_151] {strides = array<i32>} : memref<128x128xf32, #tpu.memory_space<vmem>>, vector<16xf32>,
        tpu.vector_store %arg16[%parallel_loop3A_150, %parallel_loop3A_151], %parallel_loop3A_149 {strides = array<i32>} : memref<128x128xf32, #tpu.memory_space<vmem>>, vector<16xf32>,
        %parallel_loop3A_153 = arith.index_cast %parallel_loop3A_122 : i32 to index
        %parallel_loop3A_154 = arith.constant 32 : index
        %parallel_loop3A_155 = tpu.vector_load %arg14[%parallel_loop3A_153, %parallel_loop3A_154] {strides = array<i32>} : memref<128x64xi32, #tpu.memory_space<vmem>>, vector<16xi32>,
        %parallel_loop3A_156 = vector.bitcast %parallel_loop3A_155 : vector<16xi32> to vector<32xbf16>
        %parallel_loop3A_157 = tpu.unpack_subelements %parallel_loop3A_156, 0 {pack_format = #tpu.pack_format<interleaved>} : vector<32xbf16> -> vector<16xf32>
        %parallel_loop3A_158 = tpu.unpack_subelements %parallel_loop3A_156, 1 {pack_format = #tpu.pack_format<interleaved>} : vector<32xbf16> -> vector<16xf32>
        %parallel_loop3A_159 = arith.mulf %parallel_loop3A_157, %parallel_loop3A_124 : vector<16xf32>
        %parallel_loop3A_160 = arith.index_cast %parallel_loop3A_122 : i32 to index
        %parallel_loop3A_161 = arith.constant 64 : index
        %parallel_loop3A_162 = tpu.vector_load %arg16[%parallel_loop3A_160, %parallel_loop3A_161] {strides = array<i32>} : memref<128x128xf32, #tpu.memory_space<vmem>>, vector<16xf32>,
        tpu.vector_store %arg16[%parallel_loop3A_160, %parallel_loop3A_161], %parallel_loop3A_159 {strides = array<i32>} : memref<128x128xf32, #tpu.memory_space<vmem>>, vector<16xf32>,
        %parallel_loop3A_163 = arith.mulf %parallel_loop3A_158, %parallel_loop3A_124 : vector<16xf32>
        %parallel_loop3A_164 = arith.index_cast %parallel_loop3A_122 : i32 to index
        %parallel_loop3A_165 = arith.constant 80 : index
        %parallel_loop3A_166 = tpu.vector_load %arg16[%parallel_loop3A_164, %parallel_loop3A_165] {strides = array<i32>} : memref<128x128xf32, #tpu.memory_space<vmem>>, vector<16xf32>,
        tpu.vector_store %arg16[%parallel_loop3A_164, %parallel_loop3A_165], %parallel_loop3A_163 {strides = array<i32>} : memref<128x128xf32, #tpu.memory_space<vmem>>, vector<16xf32>,
        %parallel_loop3A_167 = arith.index_cast %parallel_loop3A_122 : i32 to index
        %parallel_loop3A_168 = arith.constant 48 : index
        %parallel_loop3A_169 = tpu.vector_load %arg14[%parallel_loop3A_167, %parallel_loop3A_168] {strides = array<i32>} : memref<128x64xi32, #tpu.memory_space<vmem>>, vector<16xi32>,
        %parallel_loop3A_170 = vector.bitcast %parallel_loop3A_169 : vector<16xi32> to vector<32xbf16>
        %parallel_loop3A_171 = tpu.unpack_subelements %parallel_loop3A_170, 0 {pack_format = #tpu.pack_format<interleaved>} : vector<32xbf16> -> vector<16xf32>
        %parallel_loop3A_172 = tpu.unpack_subelements %parallel_loop3A_170, 1 {pack_format = #tpu.pack_format<interleaved>} : vector<32xbf16> -> vector<16xf32>
        %parallel_loop3A_173 = arith.mulf %parallel_loop3A_171, %parallel_loop3A_124 : vector<16xf32>
        %parallel_loop3A_174 = arith.index_cast %parallel_loop3A_122 : i32 to index
        %parallel_loop3A_175 = arith.constant 96 : index
        %parallel_loop3A_176 = tpu.vector_load %arg16[%parallel_loop3A_174, %parallel_loop3A_175] {strides = array<i32>} : memref<128x128xf32, #tpu.memory_space<vmem>>, vector<16xf32>,
        tpu.vector_store %arg16[%parallel_loop3A_174, %parallel_loop3A_175], %parallel_loop3A_173 {strides = array<i32>} : memref<128x128xf32, #tpu.memory_space<vmem>>, vector<16xf32>,
        %parallel_loop3A_177 = arith.mulf %parallel_loop3A_172, %parallel_loop3A_124 : vector<16xf32>
        %parallel_loop3A_178 = arith.index_cast %parallel_loop3A_122 : i32 to index
        %parallel_loop3A_179 = arith.constant 112 : index
        %parallel_loop3A_180 = tpu.vector_load %arg16[%parallel_loop3A_178, %parallel_loop3A_179] {strides = array<i32>} : memref<128x128xf32, #tpu.memory_space<vmem>>, vector<16xf32>,
        tpu.vector_store %arg16[%parallel_loop3A_178, %parallel_loop3A_179], %parallel_loop3A_177 {strides = array<i32>} : memref<128x128xf32, #tpu.memory_space<vmem>>, vector<16xf32>,
      } {sc.loop_unroll_factor = 4 : i64, sc.parallel_access}
      %add3A_64 = arith.constant 1 : i32
      %add3A_65 = arith.addi %add3A_44, %add3A_64 : i32
      %mul3A_66 = arith.constant 128 : i32
      %mul3A_67 = arith.muli %add3A_65, %mul3A_66 : i32
      %add3A_68 = arith.addi %add3A, %mul3A_67 : i32
      %dma_wait3A_69 = tpu.memref_slice %arg3[%add3A_68] : memref<327808xi32, #tpu.memory_space<hbm>> -> memref<128xi32, #tpu.memory_space<hbm>>
      %dma_wait3A_70 = tpu.memref_slice %arg3[%add3A_68] : memref<327808xi32, #tpu.memory_space<hbm>> -> memref<128xi32, #tpu.memory_space<hbm>>
      tpu.wait_dma2 semaphore(%arg24 : memref<!tpu.dma_semaphore, #tpu.memory_space<semaphore_mem>>) src(%dma_wait3A_70 : memref<128xi32, #tpu.memory_space<hbm>>) dst(%arg9 : memref<128xi32, #tpu.memory_space<vmem>>)
      %dma_wait3A_71 = tpu.memref_slice %arg4[%add3A_68] : memref<327808xi32, #tpu.memory_space<hbm>> -> memref<128xi32, #tpu.memory_space<hbm>>
      %dma_wait3A_72 = tpu.memref_slice %arg4[%add3A_68] : memref<327808xi32, #tpu.memory_space<hbm>> -> memref<128xi32, #tpu.memory_space<hbm>>
      tpu.wait_dma2 semaphore(%arg24 : memref<!tpu.dma_semaphore, #tpu.memory_space<semaphore_mem>>) src(%dma_wait3A_72 : memref<128xi32, #tpu.memory_space<hbm>>) dst(%arg11 : memref<128xi32, #tpu.memory_space<vmem>>)
      %dma_wait3A_73 = tpu.memref_slice %arg5[%add3A_68] : memref<327808xf32, #tpu.memory_space<hbm>> -> memref<128xf32, #tpu.memory_space<hbm>>
      %dma_wait3A_74 = tpu.memref_slice %arg5[%add3A_68] : memref<327808xf32, #tpu.memory_space<hbm>> -> memref<128xf32, #tpu.memory_space<hbm>>
      tpu.wait_dma2 semaphore(%arg24 : memref<!tpu.dma_semaphore, #tpu.memory_space<semaphore_mem>>) src(%dma_wait3A_74 : memref<128xf32, #tpu.memory_space<hbm>>) dst(%arg13 : memref<128xf32, #tpu.memory_space<vmem>>)
      %dma_start3A_75 = arith.constant 0 : i32
      %dma_start3A_76 = arith.constant 0 : i32
      %dma_start3A_77 = tpu.memref_slice %arg2[%dma_start3A_75, %dma_start3A_76] : memref<10000x64xi32, #tpu.memory_space<hbm>> -> memref<10000x64xi32, #tpu.memory_space<hbm>>
      tpu.enqueue_indirect_dma source(%dma_start3A_77 : memref<10000x64xi32, #tpu.memory_space<hbm>>) target(%arg15 : memref<128x64xi32, #tpu.memory_space<vmem>>) offsets(%arg9 : memref<128xi32, #tpu.memory_space<vmem>>) semaphore(%arg20 : memref<!tpu.dma_semaphore, #tpu.memory_space<semaphore_mem>>)
      %dma_start3A_78 = arith.constant 0 : i32
      %dma_start3A_79 = arith.constant 0 : i32
      %dma_start3A_80 = tpu.memref_slice %arg18[%dma_start3A_78, %dma_start3A_79] : memref<10000x128xf32, #tpu.memory_space<vmem_shared>> -> memref<10000x128xf32, #tpu.memory_space<vmem_shared>>
      tpu.enqueue_indirect_dma source(%arg16 : memref<128x128xf32, #tpu.memory_space<vmem>>) target(%dma_start3A_80 : memref<10000x128xf32, #tpu.memory_space<vmem_shared>>) offsets(%arg10 : memref<128xi32, #tpu.memory_space<vmem>>) semaphore(%arg21 : memref<!tpu.dma_semaphore, #tpu.memory_space<semaphore_mem>>) {add = true}
      %mul3A_81 = arith.constant 2 : i32
      %mul3A_82 = arith.muli %mul3A_81, %while3A_40 : i32
      %add3A_83 = arith.constant 1 : i32
      %add3A_84 = arith.addi %mul3A_82, %add3A_83 : i32
      %dma_wait3A_85 = arith.constant 0 : i32
      %dma_wait3A_86 = arith.constant 0 : i32
      %dma_wait3A_87 = tpu.memref_slice %arg2[%dma_wait3A_85, %dma_wait3A_86] : memref<10000x64xi32, #tpu.memory_space<hbm>> -> memref<10000x64xi32, #tpu.memory_space<hbm>>
      tpu.wait_indirect_dma semaphore(%arg20 : memref<!tpu.dma_semaphore, #tpu.memory_space<semaphore_mem>>) src(%dma_wait3A_87 : memref<10000x64xi32, #tpu.memory_space<hbm>>) dst(%arg15 : memref<128x64xi32, #tpu.memory_space<vmem>>)
      %dma_wait3A_88 = arith.constant 0 : i32
      %dma_wait3A_89 = arith.constant 0 : i32
      %dma_wait3A_90 = tpu.memref_slice %arg18[%dma_wait3A_88, %dma_wait3A_89] : memref<10000x128xf32, #tpu.memory_space<vmem_shared>> -> memref<10000x128xf32, #tpu.memory_space<vmem_shared>>
      tpu.wait_indirect_dma semaphore(%arg21 : memref<!tpu.dma_semaphore, #tpu.memory_space<semaphore_mem>>) src(%arg16 : memref<128x128xf32, #tpu.memory_space<vmem>>) dst(%dma_wait3A_90 : memref<10000x128xf32, #tpu.memory_space<vmem_shared>>)
      %add3A_91 = arith.constant 1 : i32
      %add3A_92 = arith.addi %add3A_84, %add3A_91 : i32
      %mul3A_93 = arith.constant 128 : i32
      %mul3A_94 = arith.muli %add3A_92, %mul3A_93 : i32
      %add3A_95 = arith.addi %add3A, %mul3A_94 : i32
      %dma_start3A_96 = tpu.memref_slice %arg3[%add3A_95] : memref<327808xi32, #tpu.memory_space<hbm>> -> memref<128xi32, #tpu.memory_space<hbm>>
      %dma_start3A_97 = tpu.memref_slice %arg3[%add3A_95] : memref<327808xi32, #tpu.memory_space<hbm>> -> memref<128xi32, #tpu.memory_space<hbm>>
      tpu.enqueue_dma source(%dma_start3A_97 : memref<128xi32, #tpu.memory_space<hbm>>) target(%arg8 : memref<128xi32, #tpu.memory_space<vmem>>) target_semaphore(%arg23 : memref<!tpu.dma_semaphore, #tpu.memory_space<semaphore_mem>>)
      %dma_start3A_98 = tpu.memref_slice %arg4[%add3A_95] : memref<327808xi32, #tpu.memory_space<hbm>> -> memref<128xi32, #tpu.memory_space<hbm>>
      %dma_start3A_99 = tpu.memref_slice %arg4[%add3A_95] : memref<327808xi32, #tpu.memory_space<hbm>> -> memref<128xi32, #tpu.memory_space<hbm>>
      tpu.enqueue_dma source(%dma_start3A_99 : memref<128xi32, #tpu.memory_space<hbm>>) target(%arg10 : memref<128xi32, #tpu.memory_space<vmem>>) target_semaphore(%arg23 : memref<!tpu.dma_semaphore, #tpu.memory_space<semaphore_mem>>)
      %dma_start3A_100 = tpu.memref_slice %arg5[%add3A_95] : memref<327808xf32, #tpu.memory_space<hbm>> -> memref<128xf32, #tpu.memory_space<hbm>>
      %dma_start3A_101 = tpu.memref_slice %arg5[%add3A_95] : memref<327808xf32, #tpu.memory_space<hbm>> -> memref<128xf32, #tpu.memory_space<hbm>>
      tpu.enqueue_dma source(%dma_start3A_101 : memref<128xf32, #tpu.memory_space<hbm>>) target(%arg12 : memref<128xf32, #tpu.memory_space<vmem>>) target_semaphore(%arg23 : memref<!tpu.dma_semaphore, #tpu.memory_space<semaphore_mem>>)
      %parallel_loop3A_102 = arith.constant 0 : i32
      %parallel_loop3A_103 = arith.constant 128 : i32
      %parallel_loop3A_104 = arith.constant 1 : i32
      scf.for %parallel_loop3A_122 = %parallel_loop3A_102 to %parallel_loop3A_103 step %parallel_loop3A_104  : i32 {
        %parallel_loop3A_123 = vector.broadcast %parallel_loop3A_122 : i32 to vector<16xi32>
        %parallel_loop3A_124 = tpu.vector_load_idx %arg13[%parallel_loop3A_123] : memref<128xf32, #tpu.memory_space<vmem>>[vector<16xi32>], vector<16xf32>,
        %parallel_loop3A_125 = arith.index_cast %parallel_loop3A_122 : i32 to index
        %parallel_loop3A_126 = arith.constant 0 : index
        %parallel_loop3A_127 = tpu.vector_load %arg15[%parallel_loop3A_125, %parallel_loop3A_126] {strides = array<i32>} : memref<128x64xi32, #tpu.memory_space<vmem>>, vector<16xi32>,
        %parallel_loop3A_128 = vector.bitcast %parallel_loop3A_127 : vector<16xi32> to vector<32xbf16>
        %parallel_loop3A_129 = tpu.unpack_subelements %parallel_loop3A_128, 0 {pack_format = #tpu.pack_format<interleaved>} : vector<32xbf16> -> vector<16xf32>
        %parallel_loop3A_130 = tpu.unpack_subelements %parallel_loop3A_128, 1 {pack_format = #tpu.pack_format<interleaved>} : vector<32xbf16> -> vector<16xf32>
        %parallel_loop3A_131 = arith.mulf %parallel_loop3A_129, %parallel_loop3A_124 : vector<16xf32>
        %parallel_loop3A_132 = arith.index_cast %parallel_loop3A_122 : i32 to index
        %parallel_loop3A_133 = arith.constant 0 : index
        %parallel_loop3A_134 = tpu.vector_load %arg17[%parallel_loop3A_132, %parallel_loop3A_133] {strides = array<i32>} : memref<128x128xf32, #tpu.memory_space<vmem>>, vector<16xf32>,
        tpu.vector_store %arg17[%parallel_loop3A_132, %parallel_loop3A_133], %parallel_loop3A_131 {strides = array<i32>} : memref<128x128xf32, #tpu.memory_space<vmem>>, vector<16xf32>,
        %parallel_loop3A_135 = arith.mulf %parallel_loop3A_130, %parallel_loop3A_124 : vector<16xf32>
        %parallel_loop3A_136 = arith.index_cast %parallel_loop3A_122 : i32 to index
        %parallel_loop3A_137 = arith.constant 16 : index
        %parallel_loop3A_138 = tpu.vector_load %arg17[%parallel_loop3A_136, %parallel_loop3A_137] {strides = array<i32>} : memref<128x128xf32, #tpu.memory_space<vmem>>, vector<16xf32>,
        tpu.vector_store %arg17[%parallel_loop3A_136, %parallel_loop3A_137], %parallel_loop3A_135 {strides = array<i32>} : memref<128x128xf32, #tpu.memory_space<vmem>>, vector<16xf32>,
        %parallel_loop3A_139 = arith.index_cast %parallel_loop3A_122 : i32 to index
        %parallel_loop3A_140 = arith.constant 16 : index
        %parallel_loop3A_141 = tpu.vector_load %arg15[%parallel_loop3A_139, %parallel_loop3A_140] {strides = array<i32>} : memref<128x64xi32, #tpu.memory_space<vmem>>, vector<16xi32>,
        %parallel_loop3A_142 = vector.bitcast %parallel_loop3A_141 : vector<16xi32> to vector<32xbf16>
        %parallel_loop3A_143 = tpu.unpack_subelements %parallel_loop3A_142, 0 {pack_format = #tpu.pack_format<interleaved>} : vector<32xbf16> -> vector<16xf32>
        %parallel_loop3A_144 = tpu.unpack_subelements %parallel_loop3A_142, 1 {pack_format = #tpu.pack_format<interleaved>} : vector<32xbf16> -> vector<16xf32>
        %parallel_loop3A_145 = arith.mulf %parallel_loop3A_143, %parallel_loop3A_124 : vector<16xf32>
        %parallel_loop3A_146 = arith.index_cast %parallel_loop3A_122 : i32 to index
        %parallel_loop3A_147 = arith.constant 32 : index
        %parallel_loop3A_148 = tpu.vector_load %arg17[%parallel_loop3A_146, %parallel_loop3A_147] {strides = array<i32>} : memref<128x128xf32, #tpu.memory_space<vmem>>, vector<16xf32>,
        tpu.vector_store %arg17[%parallel_loop3A_146, %parallel_loop3A_147], %parallel_loop3A_145 {strides = array<i32>} : memref<128x128xf32, #tpu.memory_space<vmem>>, vector<16xf32>,
        %parallel_loop3A_149 = arith.mulf %parallel_loop3A_144, %parallel_loop3A_124 : vector<16xf32>
        %parallel_loop3A_150 = arith.index_cast %parallel_loop3A_122 : i32 to index
        %parallel_loop3A_151 = arith.constant 48 : index
        %parallel_loop3A_152 = tpu.vector_load %arg17[%parallel_loop3A_150, %parallel_loop3A_151] {strides = array<i32>} : memref<128x128xf32, #tpu.memory_space<vmem>>, vector<16xf32>,
        tpu.vector_store %arg17[%parallel_loop3A_150, %parallel_loop3A_151], %parallel_loop3A_149 {strides = array<i32>} : memref<128x128xf32, #tpu.memory_space<vmem>>, vector<16xf32>,
        %parallel_loop3A_153 = arith.index_cast %parallel_loop3A_122 : i32 to index
        %parallel_loop3A_154 = arith.constant 32 : index
        %parallel_loop3A_155 = tpu.vector_load %arg15[%parallel_loop3A_153, %parallel_loop3A_154] {strides = array<i32>} : memref<128x64xi32, #tpu.memory_space<vmem>>, vector<16xi32>,
        %parallel_loop3A_156 = vector.bitcast %parallel_loop3A_155 : vector<16xi32> to vector<32xbf16>
        %parallel_loop3A_157 = tpu.unpack_subelements %parallel_loop3A_156, 0 {pack_format = #tpu.pack_format<interleaved>} : vector<32xbf16> -> vector<16xf32>
        %parallel_loop3A_158 = tpu.unpack_subelements %parallel_loop3A_156, 1 {pack_format = #tpu.pack_format<interleaved>} : vector<32xbf16> -> vector<16xf32>
        %parallel_loop3A_159 = arith.mulf %parallel_loop3A_157, %parallel_loop3A_124 : vector<16xf32>
        %parallel_loop3A_160 = arith.index_cast %parallel_loop3A_122 : i32 to index
        %parallel_loop3A_161 = arith.constant 64 : index
        %parallel_loop3A_162 = tpu.vector_load %arg17[%parallel_loop3A_160, %parallel_loop3A_161] {strides = array<i32>} : memref<128x128xf32, #tpu.memory_space<vmem>>, vector<16xf32>,
        tpu.vector_store %arg17[%parallel_loop3A_160, %parallel_loop3A_161], %parallel_loop3A_159 {strides = array<i32>} : memref<128x128xf32, #tpu.memory_space<vmem>>, vector<16xf32>,
        %parallel_loop3A_163 = arith.mulf %parallel_loop3A_158, %parallel_loop3A_124 : vector<16xf32>
        %parallel_loop3A_164 = arith.index_cast %parallel_loop3A_122 : i32 to index
        %parallel_loop3A_165 = arith.constant 80 : index
        %parallel_loop3A_166 = tpu.vector_load %arg17[%parallel_loop3A_164, %parallel_loop3A_165] {strides = array<i32>} : memref<128x128xf32, #tpu.memory_space<vmem>>, vector<16xf32>,
        tpu.vector_store %arg17[%parallel_loop3A_164, %parallel_loop3A_165], %parallel_loop3A_163 {strides = array<i32>} : memref<128x128xf32, #tpu.memory_space<vmem>>, vector<16xf32>,
        %parallel_loop3A_167 = arith.index_cast %parallel_loop3A_122 : i32 to index
        %parallel_loop3A_168 = arith.constant 48 : index
        %parallel_loop3A_169 = tpu.vector_load %arg15[%parallel_loop3A_167, %parallel_loop3A_168] {strides = array<i32>} : memref<128x64xi32, #tpu.memory_space<vmem>>, vector<16xi32>,
        %parallel_loop3A_170 = vector.bitcast %parallel_loop3A_169 : vector<16xi32> to vector<32xbf16>
        %parallel_loop3A_171 = tpu.unpack_subelements %parallel_loop3A_170, 0 {pack_format = #tpu.pack_format<interleaved>} : vector<32xbf16> -> vector<16xf32>
        %parallel_loop3A_172 = tpu.unpack_subelements %parallel_loop3A_170, 1 {pack_format = #tpu.pack_format<interleaved>} : vector<32xbf16> -> vector<16xf32>
        %parallel_loop3A_173 = arith.mulf %parallel_loop3A_171, %parallel_loop3A_124 : vector<16xf32>
        %parallel_loop3A_174 = arith.index_cast %parallel_loop3A_122 : i32 to index
        %parallel_loop3A_175 = arith.constant 96 : index
        %parallel_loop3A_176 = tpu.vector_load %arg17[%parallel_loop3A_174, %parallel_loop3A_175] {strides = array<i32>} : memref<128x128xf32, #tpu.memory_space<vmem>>, vector<16xf32>,
        tpu.vector_store %arg17[%parallel_loop3A_174, %parallel_loop3A_175], %parallel_loop3A_173 {strides = array<i32>} : memref<128x128xf32, #tpu.memory_space<vmem>>, vector<16xf32>,
        %parallel_loop3A_177 = arith.mulf %parallel_loop3A_172, %parallel_loop3A_124 : vector<16xf32>
        %parallel_loop3A_178 = arith.index_cast %parallel_loop3A_122 : i32 to index
        %parallel_loop3A_179 = arith.constant 112 : index
        %parallel_loop3A_180 = tpu.vector_load %arg17[%parallel_loop3A_178, %parallel_loop3A_179] {strides = array<i32>} : memref<128x128xf32, #tpu.memory_space<vmem>>, vector<16xf32>,
        tpu.vector_store %arg17[%parallel_loop3A_178, %parallel_loop3A_179], %parallel_loop3A_177 {strides = array<i32>} : memref<128x128xf32, #tpu.memory_space<vmem>>, vector<16xf32>,
      } {sc.loop_unroll_factor = 4 : i64, sc.parallel_access}
      %add3A_105 = arith.constant 1 : i32
      %add3A_106 = arith.addi %add3A_84, %add3A_105 : i32
      %mul3A_107 = arith.constant 128 : i32
      %mul3A_108 = arith.muli %add3A_106, %mul3A_107 : i32
      %add3A_109 = arith.addi %add3A, %mul3A_108 : i32
      %dma_wait3A_110 = tpu.memref_slice %arg3[%add3A_109] : memref<327808xi32, #tpu.memory_space<hbm>> -> memref<128xi32, #tpu.memory_space<hbm>>
      %dma_wait3A_111 = tpu.memref_slice %arg3[%add3A_109] : memref<327808xi32, #tpu.memory_space<hbm>> -> memref<128xi32, #tpu.memory_space<hbm>>
      tpu.wait_dma2 semaphore(%arg23 : memref<!tpu.dma_semaphore, #tpu.memory_space<semaphore_mem>>) src(%dma_wait3A_111 : memref<128xi32, #tpu.memory_space<hbm>>) dst(%arg8 : memref<128xi32, #tpu.memory_space<vmem>>)
      %dma_wait3A_112 = tpu.memref_slice %arg4[%add3A_109] : memref<327808xi32, #tpu.memory_space<hbm>> -> memref<128xi32, #tpu.memory_space<hbm>>
      %dma_wait3A_113 = tpu.memref_slice %arg4[%add3A_109] : memref<327808xi32, #tpu.memory_space<hbm>> -> memref<128xi32, #tpu.memory_space<hbm>>
      tpu.wait_dma2 semaphore(%arg23 : memref<!tpu.dma_semaphore, #tpu.memory_space<semaphore_mem>>) src(%dma_wait3A_113 : memref<128xi32, #tpu.memory_space<hbm>>) dst(%arg10 : memref<128xi32, #tpu.memory_space<vmem>>)
      %dma_wait3A_114 = tpu.memref_slice %arg5[%add3A_109] : memref<327808xf32, #tpu.memory_space<hbm>> -> memref<128xf32, #tpu.memory_space<hbm>>
      %dma_wait3A_115 = tpu.memref_slice %arg5[%add3A_109] : memref<327808xf32, #tpu.memory_space<hbm>> -> memref<128xf32, #tpu.memory_space<hbm>>
      tpu.wait_dma2 semaphore(%arg23 : memref<!tpu.dma_semaphore, #tpu.memory_space<semaphore_mem>>) src(%dma_wait3A_115 : memref<128xf32, #tpu.memory_space<hbm>>) dst(%arg12 : memref<128xf32, #tpu.memory_space<vmem>>)
      %dma_start3A_116 = arith.constant 0 : i32
      %dma_start3A_117 = arith.constant 0 : i32
      %dma_start3A_118 = tpu.memref_slice %arg2[%dma_start3A_116, %dma_start3A_117] : memref<10000x64xi32, #tpu.memory_space<hbm>> -> memref<10000x64xi32, #tpu.memory_space<hbm>>
      tpu.enqueue_indirect_dma source(%dma_start3A_118 : memref<10000x64xi32, #tpu.memory_space<hbm>>) target(%arg14 : memref<128x64xi32, #tpu.memory_space<vmem>>) offsets(%arg8 : memref<128xi32, #tpu.memory_space<vmem>>) semaphore(%arg19 : memref<!tpu.dma_semaphore, #tpu.memory_space<semaphore_mem>>)
      %dma_start3A_119 = arith.constant 0 : i32
      %dma_start3A_120 = arith.constant 0 : i32
      %dma_start3A_121 = tpu.memref_slice %arg18[%dma_start3A_119, %dma_start3A_120] : memref<10000x128xf32, #tpu.memory_space<vmem_shared>> -> memref<10000x128xf32, #tpu.memory_space<vmem_shared>>
      tpu.enqueue_indirect_dma source(%arg17 : memref<128x128xf32, #tpu.memory_space<vmem>>) target(%dma_start3A_121 : memref<10000x128xf32, #tpu.memory_space<vmem_shared>>) offsets(%arg11 : memref<128xi32, #tpu.memory_space<vmem>>) semaphore(%arg22 : memref<!tpu.dma_semaphore, #tpu.memory_space<semaphore_mem>>) {add = true}
    }
    %dma_wait3A = arith.constant 0 : i32
    %dma_wait3A_30 = arith.constant 0 : i32
    %dma_wait3A_31 = tpu.memref_slice %arg2[%dma_wait3A, %dma_wait3A_30] : memref<10000x64xi32, #tpu.memory_space<hbm>> -> memref<10000x64xi32, #tpu.memory_space<hbm>>
    tpu.wait_indirect_dma semaphore(%arg19 : memref<!tpu.dma_semaphore, #tpu.memory_space<semaphore_mem>>) src(%dma_wait3A_31 : memref<10000x64xi32, #tpu.memory_space<hbm>>) dst(%arg14 : memref<128x64xi32, #tpu.memory_space<vmem>>)
    %dma_wait3A_32 = arith.constant 0 : i32
    %dma_wait3A_33 = arith.constant 0 : i32
    %dma_wait3A_34 = tpu.memref_slice %arg18[%dma_wait3A_32, %dma_wait3A_33] : memref<10000x128xf32, #tpu.memory_space<vmem_shared>> -> memref<10000x128xf32, #tpu.memory_space<vmem_shared>>
    tpu.wait_indirect_dma semaphore(%arg22 : memref<!tpu.dma_semaphore, #tpu.memory_space<semaphore_mem>>) src(%arg17 : memref<128x128xf32, #tpu.memory_space<vmem>>) dst(%dma_wait3A_34 : memref<10000x128xf32, #tpu.memory_space<vmem_shared>>)
    %barrier3A_35 = arith.constant 0 : index
    tpu.barrier barrier_id(%barrier3A_35)
    %mul3A_36 = arith.constant 625 : i32
    %mul3A_37 = arith.muli %arg1, %mul3A_36 : i32
    %mul3A_38 = arith.constant 625 : i32
    %mul3A_39 = arith.muli %arg1, %mul3A_38 : i32
    "tpu.region"() ({
      %run_scoped3A = tpu.sem_alloc : memref<!tpu.dma_semaphore, #tpu.memory_space<semaphore_mem>>
      %dma_start3A_40 = arith.constant 0 : i32
      %dma_start3A_41 = tpu.memref_slice %arg7[%arg0, %mul3A_39, %dma_start3A_40] : memref<2x10000x128xf32, #tpu.memory_space<hbm>> -> memref<1x625x128xf32, #tpu.memory_space<hbm>>
      %dma_start3A_42 = tpu.memref_squeeze %dma_start3A_41 : memref<1x625x128xf32, #tpu.memory_space<hbm>> -> memref<625x128xf32, #tpu.memory_space<hbm>>
      %dma_start3A_43 = arith.constant 0 : i32
      %dma_start3A_44 = tpu.memref_slice %arg18[%mul3A_37, %dma_start3A_43] : memref<10000x128xf32, #tpu.memory_space<vmem_shared>> -> memref<625x128xf32, #tpu.memory_space<vmem_shared>>
      tpu.enqueue_dma source(%dma_start3A_44 : memref<625x128xf32, #tpu.memory_space<vmem_shared>>) target(%dma_start3A_42 : memref<625x128xf32, #tpu.memory_space<hbm>>) target_semaphore(%run_scoped3A : memref<!tpu.dma_semaphore, #tpu.memory_space<semaphore_mem>>)
      %dma_wait3A_45 = arith.constant 0 : i32
      %dma_wait3A_46 = tpu.memref_slice %arg7[%arg0, %mul3A_39, %dma_wait3A_45] : memref<2x10000x128xf32, #tpu.memory_space<hbm>> -> memref<1x625x128xf32, #tpu.memory_space<hbm>>
      %dma_wait3A_47 = tpu.memref_squeeze %dma_wait3A_46 : memref<1x625x128xf32, #tpu.memory_space<hbm>> -> memref<625x128xf32, #tpu.memory_space<hbm>>
      %dma_wait3A_48 = arith.constant 0 : i32
      %dma_wait3A_49 = tpu.memref_slice %arg18[%mul3A_37, %dma_wait3A_48] : memref<10000x128xf32, #tpu.memory_space<vmem_shared>> -> memref<625x128xf32, #tpu.memory_space<vmem_shared>>
      tpu.wait_dma2 semaphore(%run_scoped3A : memref<!tpu.dma_semaphore, #tpu.memory_space<semaphore_mem>>) src(%dma_wait3A_49 : memref<625x128xf32, #tpu.memory_space<vmem_shared>>) dst(%dma_wait3A_47 : memref<625x128xf32, #tpu.memory_space<hbm>>)
      tpu.yield
    }) : () -> ()
    return
  }
}

module attributes {stable_mosaic.version = 14 : i64} {
  func.func @_dinv_body(%arg0: memref<32x10000xf32, #tpu.memory_space<vmem>>, %arg1: memref<10000x1xf32, #tpu.memory_space<vmem>>) attributes {dimension_semantics = [], scalar_prefetch = 0 : i64, scratch_operands = 0 : i64, tpu.core_type = #tpu.core_type<tc>} {
    %get3A = arith.constant 0 : index
    %get3A_0 = arith.constant 0 : index
    %get3A_1 = vector.load %arg0[%get3A, %get3A_0] : memref<32x10000xf32, #tpu.memory_space<vmem>>, vector<32x10000xf32>
    %reduce_sum3A = arith.constant dense<0.000000e+00> : vector<10000xf32>
    %reduce_sum3A_2 = vector.multi_reduction <add>, %get3A_1, %reduce_sum3A [0] : vector<32x10000xf32> to vector<10000xf32>
    %add3A = arith.constant 1.000000e+00 : f32
    %add3A_3 = vector.broadcast %add3A : f32 to vector<10000xf32>
    %add3A_4 = arith.addf %reduce_sum3A_2, %add3A_3 : vector<10000xf32>
    %rsqrt3A = math.rsqrt %add3A_4 : vector<10000xf32>
    %broadcast_in_dim3A = vector.shape_cast %rsqrt3A : vector<10000xf32> to vector<10000x1xf32>
    %swap3A = arith.constant 0 : index
    %swap3A_5 = arith.constant 0 : index
    %swap3A_6 = vector.load %arg1[%swap3A, %swap3A_5] : memref<10000x1xf32, #tpu.memory_space<vmem>>, vector<10000x1xf32>
    tpu.vector_store %arg1[%swap3A, %swap3A_5], %broadcast_in_dim3A {strides = array<i32>} : memref<10000x1xf32, #tpu.memory_space<vmem>>, vector<10000x1xf32>,
    return
  }
}

module attributes {stable_mosaic.version = 14 : i64} {
  func.func @_ymm_body(%arg0: i32, %arg1: memref<1000x128xf32, #tpu.memory_space<vmem>>, %arg2: memref<128x128xf32, #tpu.memory_space<vmem>>, %arg3: memref<128x128xf32, #tpu.memory_space<vmem>>, %arg4: memref<1000x1xf32, #tpu.memory_space<vmem>>, %arg5: memref<1000x128xbf16, #tpu.memory_space<vmem>>, %arg6: memref<1000x128xf32, #tpu.memory_space<vmem>>) attributes {dimension_semantics = [#tpu.dimension_semantics<arbitrary>], iteration_bounds = array<i64: 10>, scalar_prefetch = 0 : i64, scratch_operands = 0 : i64, tpu.core_type = #tpu.core_type<tc>, window_params = [{transform_indices = @transform_0, window_bounds = array<i64: 1000, 128>}, {pipeline_mode = #tpu.pipeline_mode<synchronous>, transform_indices = @transform_1, window_bounds = array<i64: 128, 128>}, {pipeline_mode = #tpu.pipeline_mode<synchronous>, transform_indices = @transform_2, window_bounds = array<i64: 128, 128>}, {transform_indices = @transform_3, window_bounds = array<i64: 1000, 1>}, {transform_indices = @transform_4, window_bounds = array<i64: 1000, 128>}, {transform_indices = @transform_5, window_bounds = array<i64: 1000, 128>}]} {
    %get3A = arith.constant 0 : index
    %get3A_0 = arith.constant 0 : index
    %get3A_1 = vector.load %arg4[%get3A, %get3A_0] : memref<1000x1xf32, #tpu.memory_space<vmem>>, vector<1000x1xf32>
    %get3A_2 = arith.constant 0 : index
    %get3A_3 = arith.constant 0 : index
    %get3A_4 = vector.load %arg1[%get3A_2, %get3A_3] : memref<1000x128xf32, #tpu.memory_space<vmem>>, vector<1000x128xf32>
    %get3A_5 = arith.constant 0 : index
    %get3A_6 = arith.constant 0 : index
    %get3A_7 = vector.load %arg2[%get3A_5, %get3A_6] : memref<128x128xf32, #tpu.memory_space<vmem>>, vector<128x128xf32>
    %dot_general3A = arith.constant dense<0.000000e+00> : vector<1000x128xf32>
    %dot_general3A_8 = tpu.matmul %get3A_4, %get3A_7, %dot_general3A {dimension_numbers = #tpu.dot_dimension_numbers<[1], [0], [0], [1], [0, 0, 1, 1], [], []>, transpose_lhs_hint = false} : vector<1000x128xf32>, vector<128x128xf32>, vector<1000x128xf32> -> vector<1000x128xf32>
    %mul3A = vector.broadcast %get3A_1 : vector<1000x1xf32> to vector<1000x128xf32>
    %mul3A_9 = arith.mulf %dot_general3A_8, %mul3A : vector<1000x128xf32>
    %convert_element_type3A = arith.truncf %mul3A_9 : vector<1000x128xf32> to vector<1000x128xbf16>
    %swap3A = arith.constant 0 : index
    %swap3A_10 = arith.constant 0 : index
    %swap3A_11 = vector.load %arg5[%swap3A, %swap3A_10] : memref<1000x128xbf16, #tpu.memory_space<vmem>>, vector<1000x128xbf16>
    tpu.vector_store %arg5[%swap3A, %swap3A_10], %convert_element_type3A {strides = array<i32>} : memref<1000x128xbf16, #tpu.memory_space<vmem>>, vector<1000x128xbf16>,
    %get3A_12 = arith.constant 0 : index
    %get3A_13 = arith.constant 0 : index
    %get3A_14 = vector.load %arg1[%get3A_12, %get3A_13] : memref<1000x128xf32, #tpu.memory_space<vmem>>, vector<1000x128xf32>
    %get3A_15 = arith.constant 0 : index
    %get3A_16 = arith.constant 0 : index
    %get3A_17 = vector.load %arg3[%get3A_15, %get3A_16] : memref<128x128xf32, #tpu.memory_space<vmem>>, vector<128x128xf32>
    %dot_general3A_18 = arith.constant dense<0.000000e+00> : vector<1000x128xf32>
    %dot_general3A_19 = tpu.matmul %get3A_14, %get3A_17, %dot_general3A_18 {dimension_numbers = #tpu.dot_dimension_numbers<[1], [0], [0], [1], [0, 0, 1, 1], [], []>, transpose_lhs_hint = false} : vector<1000x128xf32>, vector<128x128xf32>, vector<1000x128xf32> -> vector<1000x128xf32>
    %mul3A_20 = vector.broadcast %get3A_1 : vector<1000x1xf32> to vector<1000x128xf32>
    %mul3A_21 = arith.mulf %dot_general3A_19, %mul3A_20 : vector<1000x128xf32>
    %swap3A_22 = arith.constant 0 : index
    %swap3A_23 = arith.constant 0 : index
    %swap3A_24 = vector.load %arg6[%swap3A_22, %swap3A_23] : memref<1000x128xf32, #tpu.memory_space<vmem>>, vector<1000x128xf32>
    tpu.vector_store %arg6[%swap3A_22, %swap3A_23], %mul3A_21 {strides = array<i32>} : memref<1000x128xf32, #tpu.memory_space<vmem>>, vector<1000x128xf32>,
    return
  }
  func.func @transform_0(%arg0: i32) -> (i32, i32) {
    %c0_i32 = arith.constant 0 : i32
    %c0_i32_0 = arith.constant 0 : i32
    return %arg0, %c0_i32 : i32, i32
  }
  func.func @transform_1(%arg0: i32) -> (i32, i32) {
    %c0_i32 = arith.constant 0 : i32
    %c0_i32_0 = arith.constant 0 : i32
    %c0_i32_1 = arith.constant 0 : i32
    return %c0_i32, %c0_i32_0 : i32, i32
  }
  func.func @transform_2(%arg0: i32) -> (i32, i32) {
    %c0_i32 = arith.constant 0 : i32
    %c0_i32_0 = arith.constant 0 : i32
    %c0_i32_1 = arith.constant 0 : i32
    return %c0_i32, %c0_i32_0 : i32, i32
  }
  func.func @transform_3(%arg0: i32) -> (i32, i32) {
    %c0_i32 = arith.constant 0 : i32
    %c0_i32_0 = arith.constant 0 : i32
    return %arg0, %c0_i32 : i32, i32
  }
  func.func @transform_4(%arg0: i32) -> (i32, i32) {
    %c0_i32 = arith.constant 0 : i32
    %c0_i32_0 = arith.constant 0 : i32
    return %arg0, %c0_i32 : i32, i32
  }
  func.func @transform_5(%arg0: i32) -> (i32, i32) {
    %c0_i32 = arith.constant 0 : i32
    %c0_i32_0 = arith.constant 0 : i32
    return %arg0, %c0_i32 : i32, i32
  }
}

module attributes {stable_mosaic.version = 14 : i64} {
  func.func @_mid_body(%arg0: i32, %arg1: memref<2x1000x128xf32, #tpu.memory_space<vmem>>, %arg2: memref<1000x128xf32, #tpu.memory_space<vmem>>, %arg3: memref<1000x1xf32, #tpu.memory_space<vmem>>, %arg4: memref<128xf32, #tpu.memory_space<vmem>>, %arg5: memref<128x128xf32, #tpu.memory_space<vmem>>, %arg6: memref<128x128xf32, #tpu.memory_space<vmem>>, %arg7: memref<1000x128xbf16, #tpu.memory_space<vmem>>, %arg8: memref<1000x128xf32, #tpu.memory_space<vmem>>) attributes {dimension_semantics = [#tpu.dimension_semantics<arbitrary>], iteration_bounds = array<i64: 10>, scalar_prefetch = 0 : i64, scratch_operands = 0 : i64, tpu.core_type = #tpu.core_type<tc>, window_params = [{transform_indices = @transform_0, window_bounds = array<i64: 2, 1000, 128>}, {transform_indices = @transform_1, window_bounds = array<i64: 1000, 128>}, {transform_indices = @transform_2, window_bounds = array<i64: 1000, 1>}, {pipeline_mode = #tpu.pipeline_mode<synchronous>, transform_indices = @transform_3, window_bounds = array<i64: 128>}, {pipeline_mode = #tpu.pipeline_mode<synchronous>, transform_indices = @transform_4, window_bounds = array<i64: 128, 128>}, {pipeline_mode = #tpu.pipeline_mode<synchronous>, transform_indices = @transform_5, window_bounds = array<i64: 128, 128>}, {transform_indices = @transform_6, window_bounds = array<i64: 1000, 128>}, {transform_indices = @transform_7, window_bounds = array<i64: 1000, 128>}]} {
    %get3A = arith.constant 0 : index
    %get3A_0 = arith.constant 0 : index
    %get3A_1 = vector.load %arg3[%get3A, %get3A_0] : memref<1000x1xf32, #tpu.memory_space<vmem>>, vector<1000x1xf32>
    %get3A_2 = arith.constant 0 : index
    %get3A_3 = arith.constant 0 : index
    %get3A_4 = arith.constant 0 : index
    %get3A_5 = vector.load %arg1[%get3A_2, %get3A_3, %get3A_4] : memref<2x1000x128xf32, #tpu.memory_space<vmem>>, vector<1x1000x128xf32>
    %get3A_6 = vector.shape_cast %get3A_5 : vector<1x1000x128xf32> to vector<1000x128xf32>
    %get3A_7 = arith.constant 1 : index
    %get3A_8 = arith.constant 0 : index
    %get3A_9 = arith.constant 0 : index
    %get3A_10 = vector.load %arg1[%get3A_7, %get3A_8, %get3A_9] : memref<2x1000x128xf32, #tpu.memory_space<vmem>>, vector<1x1000x128xf32>
    %get3A_11 = vector.shape_cast %get3A_10 : vector<1x1000x128xf32> to vector<1000x128xf32>
    %add3A = arith.addf %get3A_6, %get3A_11 : vector<1000x128xf32>
    %get3A_12 = arith.constant 0 : index
    %get3A_13 = arith.constant 0 : index
    %get3A_14 = vector.load %arg2[%get3A_12, %get3A_13] : memref<1000x128xf32, #tpu.memory_space<vmem>>, vector<1000x128xf32>
    %add3A_15 = arith.addf %add3A, %get3A_14 : vector<1000x128xf32>
    %mul3A = vector.broadcast %get3A_1 : vector<1000x1xf32> to vector<1000x128xf32>
    %mul3A_16 = arith.mulf %mul3A, %add3A_15 : vector<1000x128xf32>
    %get3A_17 = arith.constant 0 : index
    %get3A_18 = vector.load %arg4[%get3A_17] : memref<128xf32, #tpu.memory_space<vmem>>, vector<128xf32>
    %broadcast_in_dim3A = vector.shape_cast %get3A_18 : vector<128xf32> to vector<1x128xf32>
    %add3A_19 = vector.broadcast %broadcast_in_dim3A : vector<1x128xf32> to vector<1000x128xf32>
    %add3A_20 = arith.addf %mul3A_16, %add3A_19 : vector<1000x128xf32>
    %max3A = arith.constant 0.000000e+00 : f32
    %max3A_21 = vector.broadcast %max3A : f32 to vector<1000x128xf32>
    %max3A_22 = arith.maximumf %add3A_20, %max3A_21 : vector<1000x128xf32>
    %get3A_23 = arith.constant 0 : index
    %get3A_24 = arith.constant 0 : index
    %get3A_25 = vector.load %arg5[%get3A_23, %get3A_24] : memref<128x128xf32, #tpu.memory_space<vmem>>, vector<128x128xf32>
    %dot_general3A = arith.constant dense<0.000000e+00> : vector<1000x128xf32>
    %dot_general3A_26 = tpu.matmul %max3A_22, %get3A_25, %dot_general3A {dimension_numbers = #tpu.dot_dimension_numbers<[1], [0], [0], [1], [0, 0, 1, 1], [], []>, transpose_lhs_hint = false} : vector<1000x128xf32>, vector<128x128xf32>, vector<1000x128xf32> -> vector<1000x128xf32>
    %mul3A_27 = vector.broadcast %get3A_1 : vector<1000x1xf32> to vector<1000x128xf32>
    %mul3A_28 = arith.mulf %dot_general3A_26, %mul3A_27 : vector<1000x128xf32>
    %convert_element_type3A = arith.truncf %mul3A_28 : vector<1000x128xf32> to vector<1000x128xbf16>
    %swap3A = arith.constant 0 : index
    %swap3A_29 = arith.constant 0 : index
    %swap3A_30 = vector.load %arg7[%swap3A, %swap3A_29] : memref<1000x128xbf16, #tpu.memory_space<vmem>>, vector<1000x128xbf16>
    tpu.vector_store %arg7[%swap3A, %swap3A_29], %convert_element_type3A {strides = array<i32>} : memref<1000x128xbf16, #tpu.memory_space<vmem>>, vector<1000x128xbf16>,
    %get3A_31 = arith.constant 0 : index
    %get3A_32 = arith.constant 0 : index
    %get3A_33 = vector.load %arg6[%get3A_31, %get3A_32] : memref<128x128xf32, #tpu.memory_space<vmem>>, vector<128x128xf32>
    %dot_general3A_34 = arith.constant dense<0.000000e+00> : vector<1000x128xf32>
    %dot_general3A_35 = tpu.matmul %max3A_22, %get3A_33, %dot_general3A_34 {dimension_numbers = #tpu.dot_dimension_numbers<[1], [0], [0], [1], [0, 0, 1, 1], [], []>, transpose_lhs_hint = false} : vector<1000x128xf32>, vector<128x128xf32>, vector<1000x128xf32> -> vector<1000x128xf32>
    %mul3A_36 = vector.broadcast %get3A_1 : vector<1000x1xf32> to vector<1000x128xf32>
    %mul3A_37 = arith.mulf %dot_general3A_35, %mul3A_36 : vector<1000x128xf32>
    %swap3A_38 = arith.constant 0 : index
    %swap3A_39 = arith.constant 0 : index
    %swap3A_40 = vector.load %arg8[%swap3A_38, %swap3A_39] : memref<1000x128xf32, #tpu.memory_space<vmem>>, vector<1000x128xf32>
    tpu.vector_store %arg8[%swap3A_38, %swap3A_39], %mul3A_37 {strides = array<i32>} : memref<1000x128xf32, #tpu.memory_space<vmem>>, vector<1000x128xf32>,
    return
  }
  func.func @transform_0(%arg0: i32) -> (i32, i32, i32) {
    %c0_i32 = arith.constant 0 : i32
    %c0_i32_0 = arith.constant 0 : i32
    %c0_i32_1 = arith.constant 0 : i32
    return %c0_i32, %arg0, %c0_i32_0 : i32, i32, i32
  }
  func.func @transform_1(%arg0: i32) -> (i32, i32) {
    %c0_i32 = arith.constant 0 : i32
    %c0_i32_0 = arith.constant 0 : i32
    return %arg0, %c0_i32 : i32, i32
  }
  func.func @transform_2(%arg0: i32) -> (i32, i32) {
    %c0_i32 = arith.constant 0 : i32
    %c0_i32_0 = arith.constant 0 : i32
    return %arg0, %c0_i32 : i32, i32
  }
  func.func @transform_3(%arg0: i32) -> i32 {
    %c0_i32 = arith.constant 0 : i32
    %c0_i32_0 = arith.constant 0 : i32
    return %c0_i32 : i32
  }
  func.func @transform_4(%arg0: i32) -> (i32, i32) {
    %c0_i32 = arith.constant 0 : i32
    %c0_i32_0 = arith.constant 0 : i32
    %c0_i32_1 = arith.constant 0 : i32
    return %c0_i32, %c0_i32_0 : i32, i32
  }
  func.func @transform_5(%arg0: i32) -> (i32, i32) {
    %c0_i32 = arith.constant 0 : i32
    %c0_i32_0 = arith.constant 0 : i32
    %c0_i32_1 = arith.constant 0 : i32
    return %c0_i32, %c0_i32_0 : i32, i32
  }
  func.func @transform_6(%arg0: i32) -> (i32, i32) {
    %c0_i32 = arith.constant 0 : i32
    %c0_i32_0 = arith.constant 0 : i32
    return %arg0, %c0_i32 : i32, i32
  }
  func.func @transform_7(%arg0: i32) -> (i32, i32) {
    %c0_i32 = arith.constant 0 : i32
    %c0_i32_0 = arith.constant 0 : i32
    return %arg0, %c0_i32 : i32, i32
  }
}

module attributes {stable_mosaic.version = 14 : i64} {
  func.func @_fin_body(%arg0: i32, %arg1: memref<2x1000x128xf32, #tpu.memory_space<vmem>>, %arg2: memref<1000x128xf32, #tpu.memory_space<vmem>>, %arg3: memref<1000x1xf32, #tpu.memory_space<vmem>>, %arg4: memref<128xf32, #tpu.memory_space<vmem>>, %arg5: memref<1000x1xi32, #tpu.memory_space<vmem>>, %arg6: memref<128x64xf32, #tpu.memory_space<vmem>>, %arg7: memref<64xf32, #tpu.memory_space<vmem>>, %arg8: memref<16x64xf32, #tpu.memory_space<vmem>>, %arg9: memref<16x128xf32, #tpu.memory_space<vmem>>, %arg10: memref<16x128xf32, #tpu.memory_space<vmem>>) attributes {dimension_semantics = [#tpu.dimension_semantics<arbitrary>], iteration_bounds = array<i64: 10>, scalar_prefetch = 0 : i64, scratch_operands = 2 : i64, tpu.core_type = #tpu.core_type<tc>, window_params = [{transform_indices = @transform_0, window_bounds = array<i64: 2, 1000, 128>}, {transform_indices = @transform_1, window_bounds = array<i64: 1000, 128>}, {transform_indices = @transform_2, window_bounds = array<i64: 1000, 1>}, {pipeline_mode = #tpu.pipeline_mode<synchronous>, transform_indices = @transform_3, window_bounds = array<i64: 128>}, {transform_indices = @transform_4, window_bounds = array<i64: 1000, 1>}, {pipeline_mode = #tpu.pipeline_mode<synchronous>, transform_indices = @transform_5, window_bounds = array<i64: 128, 64>}, {pipeline_mode = #tpu.pipeline_mode<synchronous>, transform_indices = @transform_6, window_bounds = array<i64: 64>}, {pipeline_mode = #tpu.pipeline_mode<synchronous>, transform_indices = @transform_7, window_bounds = array<i64: 16, 64>}]} {
    %eq3A = arith.constant 0 : i32
    %eq3A_0 = arith.cmpi eq, %arg0, %eq3A : i32
    %convert_element_type3A = arith.extui %eq3A_0 : i1 to i32
    %cond3A = arith.constant 0 : i32
    %cond3A_1 = arith.cmpi ne, %convert_element_type3A, %cond3A : i32
    scf.if %cond3A_1 {
      %broadcast_in_dim3A_55 = arith.constant 0.000000e+00 : f32
      %broadcast_in_dim3A_56 = vector.broadcast %broadcast_in_dim3A_55 : f32 to vector<16x128xf32>
      %swap3A_57 = arith.constant 0 : index
      %swap3A_58 = arith.constant 0 : index
      %swap3A_59 = vector.load %arg9[%swap3A_57, %swap3A_58] : memref<16x128xf32, #tpu.memory_space<vmem>>, vector<16x128xf32>
      tpu.vector_store %arg9[%swap3A_57, %swap3A_58], %broadcast_in_dim3A_56 {strides = array<i32>} : memref<16x128xf32, #tpu.memory_space<vmem>>, vector<16x128xf32>,
      %broadcast_in_dim3A_60 = arith.constant 0.000000e+00 : f32
      %broadcast_in_dim3A_61 = vector.broadcast %broadcast_in_dim3A_60 : f32 to vector<16x128xf32>
      %swap3A_62 = arith.constant 0 : index
      %swap3A_63 = arith.constant 0 : index
      %swap3A_64 = vector.load %arg10[%swap3A_62, %swap3A_63] : memref<16x128xf32, #tpu.memory_space<vmem>>, vector<16x128xf32>
      tpu.vector_store %arg10[%swap3A_62, %swap3A_63], %broadcast_in_dim3A_61 {strides = array<i32>} : memref<16x128xf32, #tpu.memory_space<vmem>>, vector<16x128xf32>,
    } else {
    }
    %get3A = arith.constant 0 : index
    %get3A_2 = arith.constant 0 : index
    %get3A_3 = vector.load %arg3[%get3A, %get3A_2] : memref<1000x1xf32, #tpu.memory_space<vmem>>, vector<1000x1xf32>
    %get3A_4 = arith.constant 0 : index
    %get3A_5 = arith.constant 0 : index
    %get3A_6 = arith.constant 0 : index
    %get3A_7 = vector.load %arg1[%get3A_4, %get3A_5, %get3A_6] : memref<2x1000x128xf32, #tpu.memory_space<vmem>>, vector<1x1000x128xf32>
    %get3A_8 = vector.shape_cast %get3A_7 : vector<1x1000x128xf32> to vector<1000x128xf32>
    %get3A_9 = arith.constant 1 : index
    %get3A_10 = arith.constant 0 : index
    %get3A_11 = arith.constant 0 : index
    %get3A_12 = vector.load %arg1[%get3A_9, %get3A_10, %get3A_11] : memref<2x1000x128xf32, #tpu.memory_space<vmem>>, vector<1x1000x128xf32>
    %get3A_13 = vector.shape_cast %get3A_12 : vector<1x1000x128xf32> to vector<1000x128xf32>
    %add3A = arith.addf %get3A_8, %get3A_13 : vector<1000x128xf32>
    %get3A_14 = arith.constant 0 : index
    %get3A_15 = arith.constant 0 : index
    %get3A_16 = vector.load %arg2[%get3A_14, %get3A_15] : memref<1000x128xf32, #tpu.memory_space<vmem>>, vector<1000x128xf32>
    %add3A_17 = arith.addf %add3A, %get3A_16 : vector<1000x128xf32>
    %mul3A = vector.broadcast %get3A_3 : vector<1000x1xf32> to vector<1000x128xf32>
    %mul3A_18 = arith.mulf %mul3A, %add3A_17 : vector<1000x128xf32>
    %get3A_19 = arith.constant 0 : index
    %get3A_20 = vector.load %arg4[%get3A_19] : memref<128xf32, #tpu.memory_space<vmem>>, vector<128xf32>
    %broadcast_in_dim3A = vector.shape_cast %get3A_20 : vector<128xf32> to vector<1x128xf32>
    %add3A_21 = vector.broadcast %broadcast_in_dim3A : vector<1x128xf32> to vector<1000x128xf32>
    %add3A_22 = arith.addf %mul3A_18, %add3A_21 : vector<1000x128xf32>
    %max3A = arith.constant 0.000000e+00 : f32
    %max3A_23 = vector.broadcast %max3A : f32 to vector<1000x128xf32>
    %max3A_24 = arith.maximumf %add3A_22, %max3A_23 : vector<1000x128xf32>
    %get3A_25 = arith.constant 0 : index
    %get3A_26 = arith.constant 0 : index
    %get3A_27 = vector.load %arg5[%get3A_25, %get3A_26] : memref<1000x1xi32, #tpu.memory_space<vmem>>, vector<1000x1xi32>
    %squeeze3A = vector.shape_cast %get3A_27 : vector<1000x1xi32> to vector<1000xi32>
    %iota3A = tpu.iota {dimensions = array<i32: 0>} : vector<16x1000xi32>
    %broadcast_in_dim3A_28 = vector.shape_cast %squeeze3A : vector<1000xi32> to vector<1x1000xi32>
    %eq3A_29 = vector.broadcast %broadcast_in_dim3A_28 : vector<1x1000xi32> to vector<16x1000xi32>
    %eq3A_30 = arith.cmpi eq, %iota3A, %eq3A_29 : vector<16x1000xi32>
    %convert_element_type3A_31 = arith.extui %eq3A_30 : vector<16x1000xi1> to vector<16x1000xi32>
    %convert_element_type3A_32 = arith.sitofp %convert_element_type3A_31 : vector<16x1000xi32> to vector<16x1000xf32>
    %get3A_33 = arith.constant 0 : index
    %get3A_34 = arith.constant 0 : index
    %get3A_35 = vector.load %arg9[%get3A_33, %get3A_34] : memref<16x128xf32, #tpu.memory_space<vmem>>, vector<16x128xf32>
    %dot_general3A = arith.constant dense<0.000000e+00> : vector<16x128xf32>
    %dot_general3A_36 = tpu.matmul %convert_element_type3A_32, %max3A_24, %dot_general3A {dimension_numbers = #tpu.dot_dimension_numbers<[1], [0], [0], [1], [0, 0, 1, 1], [], []>, transpose_lhs_hint = false} : vector<16x1000xf32>, vector<1000x128xf32>, vector<16x128xf32> -> vector<16x128xf32>
    %add3A_37 = arith.addf %get3A_35, %dot_general3A_36 : vector<16x128xf32>
    %swap3A = arith.constant 0 : index
    %swap3A_38 = arith.constant 0 : index
    %swap3A_39 = vector.load %arg9[%swap3A, %swap3A_38] : memref<16x128xf32, #tpu.memory_space<vmem>>, vector<16x128xf32>
    tpu.vector_store %arg9[%swap3A, %swap3A_38], %add3A_37 {strides = array<i32>} : memref<16x128xf32, #tpu.memory_space<vmem>>, vector<16x128xf32>,
    %get3A_40 = arith.constant 0 : index
    %get3A_41 = arith.constant 0 : index
    %get3A_42 = vector.load %arg10[%get3A_40, %get3A_41] : memref<16x128xf32, #tpu.memory_space<vmem>>, vector<16x128xf32>
    %reduce_sum3A = arith.constant dense<0.000000e+00> : vector<16xf32>
    %reduce_sum3A_43 = vector.multi_reduction <add>, %convert_element_type3A_32, %reduce_sum3A [1] : vector<16x1000xf32> to vector<16xf32>
    %broadcast_in_dim3A_44 = vector.shape_cast %reduce_sum3A_43 : vector<16xf32> to vector<16x1xf32>
    %add3A_45 = vector.broadcast %broadcast_in_dim3A_44 : vector<16x1xf32> to vector<16x128xf32>
    %add3A_46 = arith.addf %get3A_42, %add3A_45 : vector<16x128xf32>
    %swap3A_47 = arith.constant 0 : index
    %swap3A_48 = arith.constant 0 : index
    %swap3A_49 = vector.load %arg10[%swap3A_47, %swap3A_48] : memref<16x128xf32, #tpu.memory_space<vmem>>, vector<16x128xf32>
    tpu.vector_store %arg10[%swap3A_47, %swap3A_48], %add3A_46 {strides = array<i32>} : memref<16x128xf32, #tpu.memory_space<vmem>>, vector<16x128xf32>,
    %eq3A_50 = arith.constant 9 : i32
    %eq3A_51 = arith.cmpi eq, %arg0, %eq3A_50 : i32
    %convert_element_type3A_52 = arith.extui %eq3A_51 : i1 to i32
    %cond3A_53 = arith.constant 0 : i32
    %cond3A_54 = arith.cmpi ne, %convert_element_type3A_52, %cond3A_53 : i32
    scf.if %cond3A_54 {
      %get3A_55 = arith.constant 0 : index
      %get3A_56 = arith.constant 0 : index
      %get3A_57 = vector.load %arg9[%get3A_55, %get3A_56] : memref<16x128xf32, #tpu.memory_space<vmem>>, vector<16x128xf32>
      %get3A_58 = arith.constant 0 : index
      %get3A_59 = arith.constant 0 : index
      %get3A_60 = vector.load %arg10[%get3A_58, %get3A_59] : memref<16x128xf32, #tpu.memory_space<vmem>>, vector<16x128xf32>
      %max3A_61 = arith.constant 1.000000e+00 : f32
      %max3A_62 = vector.broadcast %max3A_61 : f32 to vector<16x128xf32>
      %max3A_63 = arith.maximumf %get3A_60, %max3A_62 : vector<16x128xf32>
      %div3A = arith.divf %get3A_57, %max3A_63 : vector<16x128xf32>
      %get3A_64 = arith.constant 0 : index
      %get3A_65 = arith.constant 0 : index
      %get3A_66 = vector.load %arg6[%get3A_64, %get3A_65] : memref<128x64xf32, #tpu.memory_space<vmem>>, vector<128x64xf32>
      %dot_general3A_67 = arith.constant dense<0.000000e+00> : vector<16x64xf32>
      %dot_general3A_68 = tpu.matmul %div3A, %get3A_66, %dot_general3A_67 {dimension_numbers = #tpu.dot_dimension_numbers<[1], [0], [0], [1], [0, 0, 1, 1], [], []>, transpose_lhs_hint = false} : vector<16x128xf32>, vector<128x64xf32>, vector<16x64xf32> -> vector<16x64xf32>
      %get3A_69 = arith.constant 0 : index
      %get3A_70 = vector.load %arg7[%get3A_69] : memref<64xf32, #tpu.memory_space<vmem>>, vector<64xf32>
      %broadcast_in_dim3A_71 = vector.shape_cast %get3A_70 : vector<64xf32> to vector<1x64xf32>
      %add3A_72 = vector.broadcast %broadcast_in_dim3A_71 : vector<1x64xf32> to vector<16x64xf32>
      %add3A_73 = arith.addf %dot_general3A_68, %add3A_72 : vector<16x64xf32>
      %swap3A_74 = arith.constant 0 : index
      %swap3A_75 = arith.constant 0 : index
      %swap3A_76 = vector.load %arg8[%swap3A_74, %swap3A_75] : memref<16x64xf32, #tpu.memory_space<vmem>>, vector<16x64xf32>
      tpu.vector_store %arg8[%swap3A_74, %swap3A_75], %add3A_73 {strides = array<i32>} : memref<16x64xf32, #tpu.memory_space<vmem>>, vector<16x64xf32>,
    } else {
    }
    return
  }
  func.func @transform_0(%arg0: i32) -> (i32, i32, i32) {
    %c0_i32 = arith.constant 0 : i32
    %c0_i32_0 = arith.constant 0 : i32
    %c0_i32_1 = arith.constant 0 : i32
    return %c0_i32, %arg0, %c0_i32_0 : i32, i32, i32
  }
  func.func @transform_1(%arg0: i32) -> (i32, i32) {
    %c0_i32 = arith.constant 0 : i32
    %c0_i32_0 = arith.constant 0 : i32
    return %arg0, %c0_i32 : i32, i32
  }
  func.func @transform_2(%arg0: i32) -> (i32, i32) {
    %c0_i32 = arith.constant 0 : i32
    %c0_i32_0 = arith.constant 0 : i32
    return %arg0, %c0_i32 : i32, i32
  }
  func.func @transform_3(%arg0: i32) -> i32 {
    %c0_i32 = arith.constant 0 : i32
    %c0_i32_0 = arith.constant 0 : i32
    return %c0_i32 : i32
  }
  func.func @transform_4(%arg0: i32) -> (i32, i32) {
    %c0_i32 = arith.constant 0 : i32
    %c0_i32_0 = arith.constant 0 : i32
    return %arg0, %c0_i32 : i32, i32
  }
  func.func @transform_5(%arg0: i32) -> (i32, i32) {
    %c0_i32 = arith.constant 0 : i32
    %c0_i32_0 = arith.constant 0 : i32
    %c0_i32_1 = arith.constant 0 : i32
    return %c0_i32, %c0_i32_0 : i32, i32
  }
  func.func @transform_6(%arg0: i32) -> i32 {
    %c0_i32 = arith.constant 0 : i32
    %c0_i32_0 = arith.constant 0 : i32
    return %c0_i32 : i32
  }
  func.func @transform_7(%arg0: i32) -> (i32, i32) {
    %c0_i32 = arith.constant 0 : i32
    %c0_i32_0 = arith.constant 0 : i32
    %c0_i32_1 = arith.constant 0 : i32
    return %c0_i32, %c0_i32_0 : i32, i32
  }
}

</mosaic_0001>

<sc_bundles>
// kernel: kernel.12.cloned.1.call-start
scs
__scs_entry_jumppad:
0x0: {  	(pc) =	sbr.rel $0x88, $3  }
0x1: {  	(tag) =	ssettag $0x0;
	lr =	simm.s32 $0x1  }
0x2: {  	[smem:$0x3F97] =	sst lr;
	_ =	strace $0xD0000000  }
0x3: {  	_ = 	snop  }
0x4: {  	_ = 	snop  }
0x5: {  	_ = 	snop  }
0x6: {  	_ = 	snop  }
0x7: {  	_ = 	snop  }
__scs_overlays_trampoline_lowered:
0x8: {  	[smem:$0x3FA6] =	sst s0  }
0x9: {  	[smem:$0x3FA7] =	sst s1  }
0xa: {  	[smem:$0x3FA8] =	sst s2  }
0xb: {  	[smem:$0x3FA9] =	sst s3  }
0xc: {  	[smem:$0x3FAA] =	sst s4  }
0xd: {  	[smem:$0x3FAB] =	sst s5  }
0xe: {  	[smem:$0x3FAC] =	sst s6  }
0xf: {  	[smem:$0x3FAD] =	sst s7  }
0x10: {  	[smem:$0x3FAE] =	sst s8  }
0x11: {  	[smem:$0x3FAF] =	sst s9;
	s0 =	simm.s32 @!p0 $0x0  }
0x12: {  	s1 =	sld [smem:$0x3F95];
	s0 =	simm.s32 @p0 $0x1  }
0x13: {  	[smem:$0x3FB0] =	sst s0;
	s0 =	simm.s32 @!p1 $0x0  }
0x14: {  	s2 =	sld [smem:$0x3F94];
	s0 =	simm.s32 @p1 $0x1  }
0x15: {  	[smem:$0x3FB1] =	sst s0;
	s0 =	simm.s32 @!p2 $0x0  }
0x16: {  	s3 =	sld [smem:$0x3FDB];
	s0 =	simm.s32 @p2 $0x1  }
0x17: {  	s4 =	simm.s32 $0x1BF5;
	[smem:$0x3FB3] =	sst s0  }
0x18: {  	s0 =	sld [smem:$0x3F96];
	_ =	swait.ge [sflag:s4], $0x0  }
0x19: {  	s7 =	sld [smem:$0x3F97]  }
0x1a: {  	s8 =	sadd.s32 $0xFFFFE003, lr  }
0x1b: {  	s9 =	sadd.s32 $0xFFFFFEF7, lr;
	s5 =	simm.s32 $0xFFFFFFFF;
	p2 =	slt.u32 s8, $0xFFFFF086  }
0x1c: {  	p1 =	slt.u32 s9, $0xF7A;
	s5 =	simm.s32 @!p2 $0x0  }
0x1d: {  	s5 =	simm.s32 @p1 $0x1;
	p0 =	seq.s32 s7, s2  }
0x1e: {  	s7 =	smul.u32 @!p0 $0xF7A, s2;
	p2 =	seq.s32 @!p0 s5, $0x0  }
0x1f: {  	s9 =	smul.u32 $0xF7A, s1;
	s8 =	simm.s32 @!p0 $0x1BF5;
	p2 =	por !p2, p0  }
0x20: {  	[sflag:s8] =	ssyncset.s32 @!p0 $0xFFFFF086;
	s6 =	sadd.s32 @!p0 s3, s7;
	s7 =	simm.s32 @!p0 $0x108  }
0x21: {  	s3 =	sadd.s32 s3, s9;
	s6 =	sadd.s32 @!p0 $0x88, s6;
	s7 =	simm.s32 @p2 $0x1082  }
0x22: {  	[simem:s7], [sflag:s8] =	dma.local @!p0 [hbm:s6], $0xF7A  }
0x23: {  	s9 =	sor.u32 $0xD0000000, s2;
	s6 =	simm.s32 $0x108;
	_ =	swait.ge @!p0 [sflag:s8], $0x0  }
0x24: {  	s3 =	sadd.s32 $0x88, s3;
	s6 =	simm.s32 @!p1 $0x1082;
	[sflag:s4] =	ssyncset.s32 $0xFFFFF086  }
0x25: {  	[simem:s6], [sflag:s4] =	dma.local [hbm:s3], $0xF7A  }
0x26: {  	[smem:$0x3F97] =	sst s1;
	(tag) =	ssettag s2;
	_ =	strace s9  }
0x27: {  	s1 =	sld [smem:$0x3FA7]  }
0x28: {  	s2 =	sld [smem:$0x3FA8]  }
0x29: {  	s4 =	sld [smem:$0x3FAA]  }
0x2a: {  	p0 =	seq.s32 s5, $0x0;
	s5 =	sld [smem:$0x3FAB]  }
0x2b: {  	s6 =	sld [smem:$0x3FAC]  }
0x2c: {  	s7 =	sld [smem:$0x3FAD]  }
0x2d: {  	s3 =	simm.s32 $0x108;
	s8 =	sld [smem:$0x3FAE]  }
0x2e: {  	s3 =	simm.s32 @!p0 $0x1082;
	s9 =	sld [smem:$0x3FAF]  }
0x2f: {  	lr =	sadd.s32 s0, s3;
	s0 =	sld [smem:$0x3FA6]  }
0x30: {  	s3 =	sld [smem:$0x3FA9]  }
0x31: {  	[smem:$0x3FB2] =	sst s10  }
0x32: {  	s10 =	sld [smem:$0x3FB0];
	_ =	sdelay $0x3  }
0x33: {  	p0 =	seq.s32 s10, $0x1;
	s10 =	sld [smem:$0x3FB2];
	_ =	sdelay $0x3  }
0x34: {  	[smem:$0x3FB2] =	sst s10  }
0x35: {  	s10 =	sld [smem:$0x3FB1];
	_ =	sdelay $0x3  }
0x36: {  	p1 =	seq.s32 s10, $0x1;
	s10 =	sld [smem:$0x3FB2];
	_ =	sdelay $0x3  }
0x37: {  	[smem:$0x3FB2] =	sst s10  }
0x38: {  	s10 =	sld [smem:$0x3FB3]  }
0x39: {  	_ = 	snop;
	(pc) =	sbr.ind lr, $3  }
0x3a: {  	_ = 	snop  }
0x3b: {  	_ = 	snop  }
0x3c: {  	p2 =	seq.s32 s10, $0x1;
	s10 =	sld [smem:$0x3FB2]  }
0x3d: {  	_ =	shalt  }
0x3e: {  	_ =	shalt  }
0x3f: {  	_ =	shalt  }
0x40: {  	_ =	shalt  }
0x41: {  	_ =	shalt  }
0x42: {  	_ =	shalt  }
0x43: {  	_ =	shalt  }
0x44: {  	_ =	shalt  }
0x45: {  	_ =	shalt  }
0x46: {  	_ =	shalt  }
0x47: {  	_ =	shalt  }
0x48: {  	_ =	shalt  }
0x49: {  	_ =	shalt  }
0x4a: {  	_ =	shalt  }
0x4b: {  	_ =	shalt  }
0x4c: {  	_ =	shalt  }
0x4d: {  	_ =	shalt  }
0x4e: {  	_ =	shalt  }
0x4f: {  	_ =	shalt  }
0x50: {  	_ =	shalt  }
0x51: {  	_ =	shalt  }
0x52: {  	_ =	shalt  }
0x53: {  	_ =	shalt  }
0x54: {  	_ =	shalt  }
0x55: {  	_ =	shalt  }
0x56: {  	_ =	shalt  }
0x57: {  	_ =	shalt  }
0x58: {  	_ =	shalt  }
0x59: {  	_ =	shalt  }
0x5a: {  	_ =	shalt  }
0x5b: {  	_ =	shalt  }
0x5c: {  	_ =	shalt  }
0x5d: {  	_ =	shalt  }
0x5e: {  	_ =	shalt  }
0x5f: {  	_ =	shalt  }
0x60: {  	_ =	shalt  }
0x61: {  	_ =	shalt  }
0x62: {  	_ =	shalt  }
0x63: {  	_ =	shalt  }
0x64: {  	_ =	shalt  }
0x65: {  	_ =	shalt  }
0x66: {  	_ =	shalt  }
0x67: {  	_ =	shalt  }
0x68: {  	_ =	shalt  }
0x69: {  	_ =	shalt  }
0x6a: {  	_ =	shalt  }
0x6b: {  	_ =	shalt  }
0x6c: {  	_ =	shalt  }
0x6d: {  	_ =	shalt  }
0x6e: {  	_ =	shalt  }
0x6f: {  	_ =	shalt  }
0x70: {  	_ =	shalt  }
0x71: {  	_ =	shalt  }
0x72: {  	_ =	shalt  }
0x73: {  	_ =	shalt  }
0x74: {  	_ =	shalt  }
0x75: {  	_ =	shalt  }
0x76: {  	_ =	shalt  }
0x77: {  	_ =	shalt  }
0x78: {  	_ =	shalt  }
0x79: {  	_ =	shalt  }
0x7a: {  	_ =	shalt  }
0x7b: {  	_ =	shalt  }
0x7c: {  	_ =	shalt  }
0x7d: {  	_ =	shalt  }
0x7e: {  	_ =	shalt  }
0x7f: {  	_ =	shalt  }
0x80: {  	_ =	shalt  }
0x81: {  	_ =	shalt  }
0x82: {  	_ =	shalt  }
0x83: {  	_ =	shalt  }
0x84: {  	_ =	shalt  }
0x85: {  	_ =	shalt  }
0x86: {  	_ =	shalt  }
0x87: {  	_ =	shalt  }
.Lfunc_end0:
.L_simem_size_0:
called_computation.1_lowered:
.L_overlay_start_0:
0x88: {  	s2 =	sld [smem:$0x3FD9]  }
0x89: {  	s3 =	sld [smem:$0x3FFE];
	_ =	sdelay $0x1  }
0x8a: {  	s1 =	srdreg.scid  }
0x8b: {  	s0 =	sand.u32 $0x1, s1  }
0x8c: {  	s16 =	sshll.u32 s0, $0xA;
	s2 =	sadd.s32 s3, s2  }
0x8d: {  	s2 =	sadd.s32 s2, s16  }
0x8e: {  	[smem:$0x3FBE] =	sst s2  }
0x8f: {  	_ = 	snop  }
0x90: {  	(tm) =	ssettm $0x1  }
0x91: {  	s17 =	sld [smem:$0x3FFB];
	_ =	sdelay $0x3  }
0x92: {  	_ =	strace s17  }
0x93: {  	s2 =	sld [smem:$0x3FFC];
	_ =	sdelay $0x3  }
0x94: {  	_ =	strace s2  }
0x95: {  	s2 =	sld [smem:$0x3FFD];
	_ =	sdelay $0x3  }
0x96: {  	_ =	strace s2  }
0x97: {  	_ =	strace $0x8FFFFFFF  }
0x98: {  	s18 =	sld [smem:$0x3FDB];
	_ =	sdelay $0x1  }
0x99: {  	s19 =	simm.s32 $_scs_section_size  }
0x9a: {  	s4 =	simm.s32 $_size__tile_overlayer_lowered;
	s5 =	simm.s32 $_tile_overlayer_lowered  }
0x9b: {  	s22 =	simm.s32 $0x1BFF;
	s21 =	sshll.u32 s5, $0x1;
	s2 =	sadd.s32 s19, s18  }
0x9c: {  	s6 =	simm.s32 $0x0;
	s20 =	sshll.u32 s4, $0x1;
	s4 =	sadd.s32 s21, s2  }
0x9d: {  	[timem:s6], [sflag:s22] =	dma.local [hbm:s4], s20  }
0x9e: {  	_ =	swait.ge [sflag:s22], s20  }
0x9f: {  	s3 =	ssub.s32 $0x0, s20;
	[sflag:s22] =	ssyncset.done $0x0  }
0xa0: {  	[sflag:s22] =	ssyncadd.s32 s3;
	_ =	sdelay $0x1  }
0xa1: {  	s23 =	simm.s32 $0x1B8B  }
0xa2: {  	_ =	swait.ge [sflag:s23], $0x1  }
0xa3: {  	[sflag:s23] =	ssyncset.done $0x0  }
0xa4: {  	s25 =	simm.s32 $0x1B8E;
	s24 =	sld [smem:$0x3FFE];
	[sflag:s23] =	ssyncadd.s32 $0xFFFFFFFF  }
0xa5: {  	s26 =	simm.s32 $execute0_lowered;
	[smem:$0x3FD2] =	sst s25  }
0xa6: {  	s4 =	sshll.u32 s26, $0x1;
	_ =	strace $0x80000049;
	[dreg:$0x1] =	wrdreg $0xFFFFFFFF  }
0xa7: {  	s28 =	simm.s32 $_size_execute0_lowered;
	s2 =	sadd.s32 s2, s4;
	[dreg:$0x0] =	wrdreg $0x0  }
0xa8: {  	s4 =	sshll.u32 s28, $0x1;
	[dreg:$0x2] =	wrdreg s2  }
0xa9: {  	[dreg:$0x3] =	wrdreg s4  }
0xaa: {  	[dreg:$0x4] =	wrdreg $0xC0  }
0xab: {  	_ =	task [dreg:s6], $0x5FFFF  }
0xac: {  	[dreg:$0x1] =	wrdreg $0xFFFFFFFF  }
0xad: {  	[dreg:$0x0] =	wrdreg $0x60  }
0xae: {  	[dreg:$0x2] =	wrdreg s24  }
0xaf: {  	[dreg:$0x3] =	wrdreg $0xC3000  }
0xb0: {  	[dreg:$0x4] =	wrdreg $0x9  }
0xb1: {  	_ =	task.clear_ibuf [dreg:s6], $0x5FFFF;
	_ =	strace $0x90000049  }
0xb2: {  	s29 =	simm.s32 $0x9;
	_ =	strace $0x8000004B  }
0xb3: {  	_ =	swait.ge [sflag:s29], $0x1  }
0xb4: {  	[sflag:s29] =	ssyncadd.s32 $0xFFFFFFFF  }
0xb5: {  	_ =	strace $0x9000004B  }
0xb6: {  	_ =	sfence  }
0xb7: {  	s30 =	sld [smem:$0x0];
	_ =	sdelay $0x2  }
0xb8: {  	s31 =	sshll.u32 s1, $0xD;
	s1 =	sshrl.u32 s1, $0x2  }
0xb9: {  	s3 =	sand.u32 $0x4000, s31;
	s1 =	sadd.s32 s1, s30  }
0xba: {  	s0 =	sor.u32 s3, s0;
	s1 =	sshll.u32 s1, $0x11  }
0xbb: {  	s0 =	sor.u32 s1, s0  }
0xbc: {  	s0 =	sadd.s32 $0x8F2B, s0  }
0xbd: {  	[sflag:s0] =	ssyncadd.remote.s32 $0x1  }
0xbe: {  	_ =	sfence.sel $0xFFFF  }
0xbf: {  	[dreg:$0x0] =	wrdreg $0xFFFFFFFF;
	(pc) =	sbr.abs _section_cstart, $3  }
0xc0: {  	[dreg:$0x1] =	wrdreg $0xFFFFFFFF  }
0xc1: {  	_ =	task.clear_ibuf [dreg:s6], $0x2FFFF;
	_ =	strace $0x9FFFFFFF  }
0xc2: {  	(tm) =	ssettm $0x7FFFFFFF  }
0xc3: {  	_ =	shalt  }
tec
execute0_lowered:
.L_overlay_start_1:
0x0: {  	(tag) =	ssettag $0x1  }
0x1: {  	s0 =	rddreg [dreg:$0x0]  }
0x2: {  	s2 =	rddreg [dreg:$0x1];
	s3 =	simm.s32 $0x0  }
0x3: {  	s15 =	stileid.u32;
	s1 =	srdreg.scid;
	s20 =	simm.s32 $0x100  }
0x4: {  	s21 =	simm.s32 $0x200;
	s28 =	simm.s32 $0x4;
	s29 =	simm.s32 $0x280  }
0x5: {  	s30 =	simm.s32 $0x6;
	s16 =	simm.s32 $0x0;
	[smem:$0x7FF] =	sst s3  }
0x6: {  	s9 =	smul.u32 $0x13880, s15;
	s1 =	sand.u32 $0x1, s1;
	s4 =	sadd.s32 $0x29E00, s0  }
0x7: {  	s5 =	sadd.s32 $0x1FC00, s0;
	s6 =	sadd.s32 $0x1A00, s0;
	s11 =	smul.u32 $0x5000, s15  }
0x8: {  	s7 =	sadd.s32 $0xBC00, s0;
	s23 =	sshll.u32 s15, $0x6;
	s8 =	smul.u32 $0x138800, s1  }
0x9: {  	_ =	strace $0x8000004A;
	s12 =	ssub.s32 $0x2, s1;
	s13 =	smul.u32 $0x3700, s1  }
0xa: {  	p0 =	seq.s32 s1, $0x0;
	s1 =	simm.s32 $0x2;
	s10 =	sshrl.u32 s9, $0x3  }
0xb: {  	s14 =	sshrl.u32 s12, $0x1;
	s8 =	sadd.s32 s9, s8;
	s10 =	sadd.s32 s10, s0  }
0xc: {  	s22 =	ssub.s32 s12, s14;
	s11 =	sadd.s32 s13, s11;
	s9 =	sadd.s32 s9, s2  }
0xd: {  	s8 =	sshrl.u32 s8, $0x3;
	s13 =	sshrl.u32 s11, $0x3;
	s10 =	sadd.s32 $0x3D800, s10  }
0xe: {  	s14 =	sor.u32 $0x80, s11;
	s15 =	sadd.s32 $0x100, s11;
	s31 =	smax.u32 s22, $0x1  }
0xf: {  	s12 =	sshrl.u32 s9, $0x3;
	s22 =	simm.s32 $0x80;
	[dreg:$0x3] =	wrdreg s10  }
0x10: {  	s9 =	simm.s32 $0x3;
	s11 =	simm.s32 $0x5;
	[dreg:$0x9] =	wrdreg s31  }
0x11: {  	s0 =	sadd.s32 s8, s0;
	s24 =	sadd.s32 s5, s13;
	[dreg:$0xa] =	wrdreg s12  }
0x12: {  	s8 =	simm.s32 $0x37;
	s25 =	sadd.s32 s6, s13;
	[dreg:$0x5] =	wrdreg s24  }
0x13: {  	s10 =	sor.u32 $0x1C07, s23;
	s26 =	sadd.s32 s7, s13;
	[dreg:$0x6] =	wrdreg s25  }
0x14: {  	s13 =	simm.s32 $0x7;
	s8 =	simm.s32 @!p0 $0x19;
	[dreg:$0x7] =	wrdreg s26  }
0x15: {  	s0 =	sadd.s32 $0x64A00, s0;
	s24 =	simm.s32 $0x180;
	[dreg:$0x4] =	wrdreg s10  }
0x16: {  	v0 =	vimm.f32 $0.0e+00;
	s25 =	simm.s32 $0x8300;
	s26 =	simm.s32 $0x1;
	[dreg:$0x8] =	wrdreg s0  }
.LBB2_1:
0x17: {  	[dreg:$0xb] =	wrdreg s16  }
0x18: {  	s0 =	rddreg [dreg:$0x3]  }
0x19: {  	[spmem:s12], [sflag:s10] =	dma.local [hbm:s0], $0x2710  }
0x1a: {  	_ =	swait.ge [sflag:s13], $0x2710  }
0x1b: {  	[sflag:s13] =	ssyncset.done $0x0  }
0x1c: {  	[sflag:s13] =	ssyncadd.s32 $0xFFFFD8F0  }
0x1d: {  	[bflag:$0x0] =	sbarrier.arrive $0xFFFF  }
0x1e: {  	s18 =	rddreg [dreg:$0x5]  }
0x1f: {  	[tilespmem:s3], [sflag:$0x7] =	stream.linear.gather [hbm4b:s18+s3], $0x80, $0x38;
	[tilespmem:$0x1FB80] =	vst v63  }
0x20: {  	_ =	swait.ge [sflag:s13], $0x80  }
0x21: {  	[sflag:s13] =	ssyncset.done $0x0  }
0x22: {  	s19 =	rddreg [dreg:$0x6];
	[sflag:s13] =	ssyncadd.s32 $0xFFFFFF80  }
0x23: {  	[tilespmem:s20], [sflag:$0x7] =	stream.linear.gather [hbm4b:s19+s3], $0x80, $0x38;
	[tilespmem:$0x1FB80] =	vst v63  }
0x24: {  	_ =	swait.ge [sflag:s13], $0x80  }
0x25: {  	[sflag:s13] =	ssyncset.done $0x0  }
0x26: {  	s23 =	rddreg [dreg:$0x7];
	[sflag:s13] =	ssyncadd.s32 $0xFFFFFF80  }
0x27: {  	[tilespmem:s21], [sflag:$0x7] =	stream.linear.gather [hbm4b:s23+s3], $0x80, $0x38;
	[tilespmem:$0x1FB80] =	vst v63  }
0x28: {  	_ =	swait.ge [sflag:s13], $0x80  }
0x29: {  	[sflag:s13] =	ssyncset.done $0x0  }
0x2a: {  	s31 =	simm.s32 $0x300;
	[sflag:s13] =	ssyncadd.s32 $0xFFFFFF80  }
0x2b: {  	[tilespmem:s31], [sflag:$0x1] =	stream.indirect.gather [hbm4b:s4+s22], $0x40, s3, s22, $0xb8;
	[tilespmem:$0x1FB80] =	vst v63  }
0x2c: {  	_ = 	snop  }
0x2d: {  	[tilespmem:s24], [sflag:$0x7] =	stream.linear.gather [hbm4b:s19+s3], $0x80, $0x38;
	[tilespmem:$0x1FB80] =	vst v63  }
0x2e: {  	_ =	swait.ge [sflag:s13], $0x80  }
0x2f: {  	[sflag:s13] =	ssyncset.done $0x0  }
0x30: {  	s0 =	simm.s32 $0x0;
	s10 =	simm.s32 $0x200;
	[sflag:s13] =	ssyncadd.s32 $0xFFFFFF80  }
.LBB2_2:
0x31: {  	p0 =	sne.s32 s10, $0xFE00;
	[tilespmem:s0+$0x8370] =	vst v0  }
0x32: {  	[tilespmem:s0+$0x8300] =	vst v0  }
0x33: {  	[tilespmem:s0+$0x8310] =	vst v0  }
.Ltmp0:
0x34: {  	[tilespmem:s0+$0x8320] =	vst v0;
	(pc) =	sbr.rel @p0 .LBB2_2-.Ltmp0, $4  }
0x35: {  	[tilespmem:s0+$0x8330] =	vst v0  }
0x36: {  	[tilespmem:s0+$0x8340] =	vst v0  }
0x37: {  	[tilespmem:s0+$0x8350] =	vst v0  }
0x38: {  	[tilespmem:s0+$0x8360] =	vst v0;
	s0 =	sshra.s32 s10, $0x2;
	s10 =	sadd.s32 $0x200, s10  }
0x39: {  	[tilespmem:s0+$0x8370] =	vst v0  }
0x3a: {  	[tilespmem:s0+$0x8300] =	vst v0  }
0x3b: {  	[tilespmem:s0+$0x8310] =	vst v0  }
0x3c: {  	[tilespmem:s0+$0x8320] =	vst v0  }
0x3d: {  	[tilespmem:s0+$0x8330] =	vst v0  }
0x3e: {  	[tilespmem:s0+$0x8340] =	vst v0  }
0x3f: {  	[tilespmem:s0+$0x8350] =	vst v0  }
0x40: {  	[tilespmem:s0+$0x8360] =	vst v0;
	s16 =	simm.s32 $0x0;
	s17 =	simm.s32 $0x0  }
0x41: {  	[spmem:s2] =	stream.indirect.scatter.add.f32 [tilespmem:s25], [sflag:$0x4], $0x80, s24, s22, $0xb8;
	[tilespmem:$0x1FB80] =	vst v63  }
.LBB2_4:
0x42: {  	_ =	swait.ge [sflag:s26], $0x2000  }
0x43: {  	[sflag:s26] =	ssyncset.done $0x0  }
0x44: {  	s10 =	sshll.u32 s17, $0x8;
	[sflag:s26] =	ssyncadd.s32 $0xFFFFE000  }
0x45: {  	s0 =	sadd.s32 s10, s14;
	_ =	swait.ge [sflag:s28], $0x4000  }
0x46: {  	s13 =	simm.s32 $0x2;
	s0 =	sshrl.u32 s0, $0x3;
	[sflag:s28] =	ssyncset.done $0x0  }
0x47: {  	v1 =	vmov s13;
	s12 =	sadd.s32 s5, s0;
	[sflag:s28] =	ssyncadd.s32 $0xFFFFC000  }
0x48: {  	v1 =	vand.u32 $0xFFFFFFFE, v1;
	[tilespmem:s22], [sflag:$0x6] =	stream.linear.gather [hbm4b:s12+s16], $0x80, $0x38;
	[tilespmem:$0x1FB80] =	vst v63  }
0x49: {  	s18 =	simm.s32 $0x1;
	s13 =	sadd.s32 s6, s0;
	v1 =	vbroadcast v1, $0x0  }
0x4a: {  	v2 =	vmov s18;
	[tilespmem:s24], [sflag:$0x6] =	stream.linear.gather [hbm4b:s13+s16], $0x80, $0x38;
	[tilespmem:$0x1FB80] =	vst v63  }
0x4b: {  	v2 =	vand.u32 $0xFFFFFFFD, v2;
	s0 =	sadd.s32 s7, s0  }
0x4c: {  	v3 =	vmov s16;
	v2 =	vbroadcast v2, $0x0;
	[tilespmem:s29], [sflag:$0x6] =	stream.linear.gather [hbm4b:s0+s16], $0x80, $0x38;
	[tilespmem:$0x1FB80] =	vst v63  }
0x4d: {  	v3 =	vand.u32 $0xFFFFFFFC, v3;
	s0 =	simm.s32 $0x380  }
0x4e: {  	v3 =	vbroadcast v3, $0x0;
	v4 =	vld [tilespmem:s0+$0x0]  }
0x4f: {  	s19 =	simm.s32 $0x3;
	v8 =	vld.idx.msk [tilespmem:v1+s21+$0x0], $0xffff  }
0x50: {  	v1 =	vmov s19  }
0x51: {  	v9 =	vld [tilespmem:s0+$0xFFFFFFC0]  }
0x52: {  	v7 =	vld.idx.msk [tilespmem:v2+s21+$0x0], $0xffff  }
0x53: {  	v10 =	vld [tilespmem:s0+$0xFFFFFF80];
	v2 =	vunpack.i.l.bf16.f32 v4  }
0x54: {  	v6 =	vld.idx.msk [tilespmem:v3+s21+$0x0], $0xffff;
	v4 =	vunpack.i.u.bf16.f32 v4;
	v2 =	vmul.f32 v2, v8  }
0x55: {  	s12 =	simm.s32 $0x4400;
	v5 =	vld.idx.msk [tilespmem:v1+s21+$0x0], $0xffff;
	v3 =	vmul.f32 v4, v8  }
0x56: {  	v1 =	vunpack.i.l.bf16.f32 v9;
	v4 =	vld [tilespmem:s0+$0x40];
	[tilespmem:s12+$0x0] =	vst v2  }
0x57: {  	v1 =	vmul.f32 v1, v7;
	[tilespmem:s12+$0x10] =	vst v3;
	v2 =	vunpack.i.u.bf16.f32 v9  }
0x58: {  	v9 =	vunpack.i.l.bf16.f32 v10;
	v3 =	vld [tilespmem:s0+$0x10];
	v2 =	vmul.f32 v2, v7  }
0x59: {  	v10 =	vunpack.i.u.bf16.f32 v10;
	[tilespmem:s12+$0xFFFFFF80] =	vst v1;
	v9 =	vmul.f32 v9, v6  }
0x5a: {  	v10 =	vmul.f32 v10, v6;
	[tilespmem:s12+$0xFFFFFF90] =	vst v2  }
0x5b: {  	v1 =	vunpack.i.l.bf16.f32 v4;
	v2 =	vunpack.i.u.bf16.f32 v4;
	[tilespmem:s12+$0xFFFFFF00] =	vst v9;
	v4 =	vld [tilespmem:s0+$0xFFFFFFD0]  }
0x5c: {  	[tilespmem:s12+$0xFFFFFF10] =	vst v10;
	v1 =	vmul.f32 v1, v5  }
0x5d: {  	v2 =	vmul.f32 v2, v5;
	v10 =	vld [tilespmem:s0+$0xFFFFFF90];
	v9 =	vunpack.i.l.bf16.f32 v3  }
0x5e: {  	[tilespmem:s12+$0x80] =	vst v1;
	v1 =	vunpack.i.u.bf16.f32 v3;
	v3 =	vmul.f32 v9, v8  }
0x5f: {  	[tilespmem:s12+$0x90] =	vst v2;
	v1 =	vmul.f32 v1, v8  }
0x60: {  	v2 =	vld [tilespmem:s0+$0x50];
	[tilespmem:s12+$0x20] =	vst v3;
	v3 =	vunpack.i.l.bf16.f32 v4  }
0x61: {  	[tilespmem:s12+$0x30] =	vst v1;
	v1 =	vunpack.i.u.bf16.f32 v4;
	v3 =	vmul.f32 v3, v7  }
0x62: {  	s23 =	simm.s32 $0x4;
	v11 =	vunpack.i.l.bf16.f32 v10;
	v4 =	vld [tilespmem:s0+$0x20];
	v1 =	vmul.f32 v1, v7  }
0x63: {  	v9 =	vmov s23;
	v10 =	vunpack.i.u.bf16.f32 v10;
	v11 =	vmul.f32 v11, v6;
	[tilespmem:s12+$0xFFFFFFA0] =	vst v3  }
0x64: {  	s18 =	simm.s32 $0x7;
	s19 =	simm.s32 $0x6;
	v3 =	vand.u32 $0xFFFFFFFC, v9;
	v9 =	vmul.f32 v10, v6;
	[tilespmem:s12+$0xFFFFFFB0] =	vst v1  }
0x65: {  	v12 =	vmov s18;
	v1 =	vunpack.i.l.bf16.f32 v2;
	[tilespmem:s12+$0xFFFFFF20] =	vst v11;
	v11 =	vmov s19;
	v10 =	vld [tilespmem:s0+$0xFFFFFFE0]  }
0x66: {  	v2 =	vunpack.i.u.bf16.f32 v2;
	v1 =	vmul.f32 v1, v5;
	[tilespmem:s12+$0xFFFFFF30] =	vst v9;
	v9 =	vand.u32 $0xFFFFFFFE, v11  }
0x67: {  	v2 =	vmul.f32 v2, v5;
	v11 =	vunpack.i.l.bf16.f32 v4;
	v9 =	vbroadcast v9, $0x0  }
0x68: {  	s13 =	simm.s32 $0x480;
	s23 =	simm.s32 $0x5;
	v3 =	vbroadcast v3, $0x0;
	v13 =	vld [tilespmem:s0+$0xFFFFFFA0];
	[tilespmem:s12+$0xA0] =	vst v1;
	v1 =	vunpack.i.u.bf16.f32 v4;
	v4 =	vmul.f32 v11, v8  }
0x69: {  	v15 =	vld [tilespmem:s13+$0x0];
	[tilespmem:s12+$0xB0] =	vst v2;
	v11 =	vmov s23;
	v2 =	vmul.f32 v1, v8  }
0x6a: {  	v1 =	vand.u32 $0xFFFFFFFD, v11;
	v11 =	vld [tilespmem:s0+$0x60];
	[tilespmem:s12+$0x40] =	vst v4;
	v4 =	vunpack.i.l.bf16.f32 v10  }
0x6b: {  	v14 =	vbroadcast v1, $0x0;
	v1 =	vld.idx.msk [tilespmem:v12+s21+$0x0], $0xffff;
	[tilespmem:s12+$0x50] =	vst v2;
	v4 =	vmul.f32 v4, v7  }
0x6c: {  	v2 =	vunpack.i.u.bf16.f32 v10;
	v10 =	vld [tilespmem:s0+$0x30]  }
0x6d: {  	v12 =	vmul.f32 v2, v7;
	v2 =	vunpack.i.l.bf16.f32 v13;
	[tilespmem:s12+$0xFFFFFFC0] =	vst v4;
	v4 =	vld.idx.msk [tilespmem:v9+s21+$0x0], $0xffff  }
0x6e: {  	v13 =	vunpack.i.u.bf16.f32 v13;
	v16 =	vmul.f32 v2, v6;
	v2 =	vld.idx.msk [tilespmem:v3+s21+$0x0], $0xffff  }
0x6f: {  	v9 =	vmul.f32 v13, v6;
	[tilespmem:s12+$0xFFFFFFD0] =	vst v12;
	v13 =	vld [tilespmem:s13+$0xFFFFFFC0];
	v3 =	vunpack.i.l.bf16.f32 v11  }
0x70: {  	v11 =	vunpack.i.u.bf16.f32 v11;
	[tilespmem:s12+$0xFFFFFF40] =	vst v16;
	v12 =	vmul.f32 v3, v5;
	v16 =	vld [tilespmem:s13+$0x40]  }
0x71: {  	v11 =	vmul.f32 v11, v5;
	[tilespmem:s12+$0xFFFFFF50] =	vst v9;
	v3 =	vld.idx.msk [tilespmem:v14+s21+$0x0], $0xffff;
	v9 =	vunpack.i.u.bf16.f32 v10  }
0x72: {  	v14 =	vld [tilespmem:s13+$0xFFFFFF80];
	[tilespmem:s12+$0xC0] =	vst v12;
	v9 =	vmul.f32 v9, v8;
	v12 =	vunpack.i.l.bf16.f32 v15  }
0x73: {  	[tilespmem:s12+$0xD0] =	vst v11;
	v11 =	vunpack.i.u.bf16.f32 v15;
	v12 =	vmul.f32 v12, v4  }
0x74: {  	s19 =	simm.s32 $0x4600;
	v10 =	vunpack.i.l.bf16.f32 v10;
	v15 =	vld [tilespmem:s0+$0xFFFFFFF0];
	[tilespmem:s12+$0x70] =	vst v9;
	v9 =	vmul.f32 v11, v4  }
0x75: {  	v8 =	vmul.f32 v10, v8;
	v10 =	vld [tilespmem:s0+$0xFFFFFFB0];
	v11 =	vunpack.i.l.bf16.f32 v13;
	[tilespmem:s19+$0x0] =	vst v12  }
0x76: {  	v13 =	vunpack.i.u.bf16.f32 v13;
	v12 =	vld [tilespmem:s0+$0x70];
	v17 =	vunpack.i.u.bf16.f32 v16;
	v11 =	vmul.f32 v11, v3;
	[tilespmem:s19+$0x10] =	vst v9  }
0x77: {  	[tilespmem:s12+$0x60] =	vst v8;
	v9 =	vunpack.i.l.bf16.f32 v14;
	v8 =	vmul.f32 v13, v3;
	v14 =	vunpack.i.u.bf16.f32 v14;
	v13 =	vld [tilespmem:s13+$0x10]  }
0x78: {  	v9 =	vmul.f32 v9, v2;
	v14 =	vmul.f32 v14, v2;
	[tilespmem:s19+$0xFFFFFF80] =	vst v11;
	v11 =	vunpack.i.l.bf16.f32 v16  }
0x79: {  	v16 =	vunpack.i.u.bf16.f32 v15;
	[tilespmem:s19+$0xFFFFFF90] =	vst v8;
	v8 =	vunpack.i.l.bf16.f32 v15;
	v15 =	vmul.f32 v17, v1  }
0x7a: {  	v18 =	vunpack.i.u.bf16.f32 v10;
	v11 =	vmul.f32 v11, v1;
	v17 =	vld [tilespmem:s13+$0xFFFFFFD0];
	[tilespmem:s19+$0xFFFFFF10] =	vst v14;
	v14 =	vmul.f32 v8, v7  }
0x7b: {  	[tilespmem:s19+$0xFFFFFF00] =	vst v9;
	v9 =	vunpack.i.l.bf16.f32 v10;
	v16 =	vmul.f32 v16, v7;
	v8 =	vmul.f32 v18, v6  }
0x7c: {  	s23 =	simm.s32 $0xB;
	v10 =	vunpack.i.u.bf16.f32 v12;
	v19 =	vld [tilespmem:s13+$0xFFFFFF90];
	v9 =	vmul.f32 v9, v6;
	[tilespmem:s19+$0x90] =	vst v15;
	v7 =	vunpack.i.l.bf16.f32 v13  }
0x7d: {  	v15 =	vmov s23;
	[tilespmem:s19+$0x80] =	vst v11;
	v11 =	vunpack.i.u.bf16.f32 v13;
	v13 =	vmul.f32 v7, v4  }
0x7e: {  	s18 =	simm.s32 $0x8;
	[tilespmem:s12+$0xFFFFFFE0] =	vst v14;
	v6 =	vmul.f32 v10, v5;
	v7 =	vunpack.i.l.bf16.f32 v12;
	v11 =	vmul.f32 v11, v4;
	v12 =	vld [tilespmem:s13+$0x50]  }
0x7f: {  	v10 =	vmov s18;
	v7 =	vmul.f32 v7, v5;
	v5 =	vunpack.i.l.bf16.f32 v17;
	[tilespmem:s19+$0x20] =	vst v13  }
0x80: {  	v10 =	vand.u32 $0xFFFFFFFC, v10;
	v13 =	vunpack.i.u.bf16.f32 v17;
	v5 =	vmul.f32 v5, v3;
	[tilespmem:s19+$0x30] =	vst v11  }
0x81: {  	[tilespmem:s12+$0xFFFFFFF0] =	vst v16;
	s18 =	simm.s32 $0x9;
	v10 =	vbroadcast v10, $0x0;
	v14 =	vunpack.i.u.bf16.f32 v19;
	v11 =	vmul.f32 v13, v3;
	v17 =	vld [tilespmem:s13+$0x20]  }
0x82: {  	v13 =	vunpack.i.l.bf16.f32 v19;
	v16 =	vmul.f32 v14, v2;
	[tilespmem:s19+$0xFFFFFFA0] =	vst v5;
	v5 =	vmov s18  }
0x83: {  	v13 =	vmul.f32 v13, v2;
	[tilespmem:s19+$0xFFFFFFB0] =	vst v11;
	v11 =	vunpack.i.l.bf16.f32 v12;
	v5 =	vand.u32 $0xFFFFFFFD, v5  }
0x84: {  	s23 =	simm.s32 $0xA;
	v12 =	vunpack.i.u.bf16.f32 v12;
	[tilespmem:s19+$0xFFFFFF30] =	vst v16;
	v18 =	vmul.f32 v11, v1;
	v14 =	vld [tilespmem:s13+$0xFFFFFFE0];
	v11 =	vbroadcast v5, $0x0  }
0x85: {  	[tilespmem:s19+$0xFFFFFF20] =	vst v13;
	v19 =	vmul.f32 v12, v1;
	v12 =	vmov s23  }
0x86: {  	v5 =	vand.u32 $0xFFFFFFFE, v12;
	v13 =	vld [tilespmem:s13+$0xFFFFFFA0];
	v20 =	vunpack.i.l.bf16.f32 v17;
	[tilespmem:s19+$0xA0] =	vst v18  }
0x87: {  	s31 =	simm.s32 $0x480;
	s0 =	simm.s32 $0xC;
	s18 =	simm.s32 $0x4600;
	v12 =	vbroadcast v5, $0x0;
	v5 =	vld.idx.msk [tilespmem:v15+s21+$0x0], $0xffff;
	v16 =	vunpack.i.u.bf16.f32 v17;
	[tilespmem:s19+$0xB0] =	vst v19;
	v15 =	vmul.f32 v20, v4  }
.LBB2_5:
0x88: {  	p0 =	slt.u32 s0, $0x7C;
	v16 =	vmul.f32 v16, v4;
	v17 =	vld [tilespmem:s13+$0x60];
	[tilespmem:s12+$0xFFFFFF60] =	vst v9  }
0x89: {  	v10 =	vld.idx.msk [tilespmem:v10+s21+$0x0], $0xffff;
	v9 =	vunpack.i.u.bf16.f32 v14;
	v14 =	vunpack.i.l.bf16.f32 v14;
	[tilespmem:s19+$0x40] =	vst v15  }
0x8a: {  	v11 =	vld.idx.msk [tilespmem:v11+s21+$0x0], $0xffff;
	v14 =	vmul.f32 v14, v3;
	v9 =	vmul.f32 v9, v3;
	[tilespmem:s19+$0x50] =	vst v16  }
0x8b: {  	s13 =	sadd.s32 $0x100, s13;
	v15 =	vunpack.i.u.bf16.f32 v13;
	v13 =	vunpack.i.l.bf16.f32 v13;
	v16 =	vld [tilespmem:s31+$0x30];
	[tilespmem:s12+$0xFFFFFF70] =	vst v8  }
0x8c: {  	v8 =	vld [tilespmem:s13+$0x0];
	v13 =	vmul.f32 v13, v2;
	v15 =	vmul.f32 v15, v2;
	[tilespmem:s19+$0xFFFFFFC0] =	vst v14  }
0x8d: {  	v12 =	vld.idx.msk [tilespmem:v12+s21+$0x0], $0xffff;
	[tilespmem:s19+$0xFFFFFFD0] =	vst v9;
	v9 =	vunpack.i.u.bf16.f32 v17;
	v14 =	vunpack.i.l.bf16.f32 v17  }
0x8e: {  	v17 =	vld [tilespmem:s13+$0xFFFFFF80];
	[tilespmem:s19+$0xFFFFFF40] =	vst v13;
	v13 =	vmul.f32 v14, v1;
	v9 =	vmul.f32 v9, v1  }
0x8f: {  	v14 =	vld [tilespmem:s13+$0xFFFFFFC0];
	[tilespmem:s19+$0xFFFFFF50] =	vst v15  }
0x90: {  	v15 =	vld [tilespmem:s13+$0x40];
	v18 =	vunpack.i.u.bf16.f32 v16;
	v16 =	vunpack.i.l.bf16.f32 v16;
	[tilespmem:s19+$0xC0] =	vst v13  }
0x91: {  	v13 =	vld [tilespmem:s31+$0xFFFFFFF0];
	v16 =	vmul.f32 v16, v4;
	v20 =	vmul.f32 v18, v4;
	[tilespmem:s19+$0xD0] =	vst v9  }
0x92: {  	v9 =	vunpack.i.l.bf16.f32 v8;
	v18 =	vld [tilespmem:s31+$0xFFFFFFB0];
	[tilespmem:s12+$0xE0] =	vst v7  }
0x93: {  	v8 =	vunpack.i.u.bf16.f32 v8;
	v9 =	vmul.f32 v9, v12;
	v4 =	vmovc v12;
	v7 =	vunpack.i.u.bf16.f32 v17;
	[tilespmem:s19+$0x70] =	vst v20;
	v19 =	vld [tilespmem:s31+$0x70];
	s31 =	smov.u32 s13  }
0x94: {  	v12 =	vunpack.i.l.bf16.f32 v17;
	v8 =	vmul.f32 v8, v4;
	s19 =	sadd.s32 $0x200, s19;
	v17 =	vunpack.i.u.bf16.f32 v14;
	[tilespmem:s18+$0x60] =	vst v16  }
0x95: {  	v14 =	vunpack.i.l.bf16.f32 v14;
	[tilespmem:s19+$0x0] =	vst v9;
	v9 =	vunpack.i.u.bf16.f32 v15;
	v15 =	vunpack.i.l.bf16.f32 v15  }
0x96: {  	v14 =	vmul.f32 v14, v11;
	v16 =	vmul.f32 v17, v11;
	[tilespmem:s19+$0x10] =	vst v8;
	v8 =	vunpack.i.u.bf16.f32 v13  }
0x97: {  	v12 =	vmul.f32 v12, v10;
	v7 =	vmul.f32 v7, v10;
	v13 =	vunpack.i.l.bf16.f32 v13;
	v17 =	vld [tilespmem:s13+$0x10];
	[tilespmem:s12+$0xF0] =	vst v6;
	s12 =	smov.u32 s18;
	s18 =	smov.u32 s19  }
0x98: {  	v6 =	vmul.f32 v15, v5;
	v15 =	vunpack.i.u.bf16.f32 v18;
	[tilespmem:s19+$0xFFFFFF80] =	vst v14;
	v14 =	vmul.f32 v9, v5  }
0x99: {  	v9 =	vunpack.i.l.bf16.f32 v18;
	v18 =	vunpack.i.l.bf16.f32 v19;
	[tilespmem:s19+$0xFFFFFF90] =	vst v16;
	v16 =	vunpack.i.u.bf16.f32 v19  }
0x9a: {  	v13 =	vmul.f32 v13, v3;
	v19 =	vmul.f32 v8, v3;
	v3 =	vmov v11;
	[tilespmem:s19+$0xFFFFFF00] =	vst v12;
	v12 =	vld [tilespmem:s13+$0xFFFFFFD0]  }
0x9b: {  	v9 =	vmul.f32 v9, v2;
	v8 =	vmul.f32 v15, v2;
	v2 =	vmov v10;
	[tilespmem:s19+$0xFFFFFF10] =	vst v7  }
0x9c: {  	v7 =	vmul.f32 v18, v1;
	v11 =	vld [tilespmem:s13+$0xFFFFFF90];
	v10 =	vunpack.i.l.bf16.f32 v17;
	[tilespmem:s19+$0x80] =	vst v6;
	v6 =	vmul.f32 v16, v1;
	v1 =	vmovc v5  }
0x9d: {  	s23 =	sadd.s32 $0x3, s0;
	v5 =	vunpack.i.u.bf16.f32 v17;
	v10 =	vmul.f32 v10, v4;
	[tilespmem:s19+$0x90] =	vst v14  }
0x9e: {  	v15 =	vmov s23;
	v14 =	vmov s0;
	v5 =	vmul.f32 v5, v4;
	v16 =	vld [tilespmem:s13+$0x50];
	[tilespmem:s12+$0xFFFFFFE0] =	vst v13  }
0x9f: {  	s23 =	sadd.s32 $0x1, s0;
	v13 =	vand.u32 $0xFFFFFFFC, v14;
	v14 =	vunpack.i.u.bf16.f32 v12;
	v12 =	vunpack.i.l.bf16.f32 v12;
	[tilespmem:s19+$0x20] =	vst v10  }
0xa0: {  	v17 =	vmov s23;
	v12 =	vmul.f32 v12, v3;
	v14 =	vmul.f32 v14, v3;
	[tilespmem:s19+$0x30] =	vst v5  }
0xa1: {  	v10 =	vbroadcast v13, $0x0;
	v5 =	vunpack.i.u.bf16.f32 v11;
	v11 =	vunpack.i.l.bf16.f32 v11;
	v18 =	vld [tilespmem:s13+$0x20];
	[tilespmem:s12+$0xFFFFFFF0] =	vst v19  }
0xa2: {  	v13 =	vand.u32 $0xFFFFFFFD, v17;
	v17 =	vmul.f32 v11, v2;
	v5 =	vmul.f32 v5, v2;
	[tilespmem:s19+$0xFFFFFFA0] =	vst v12  }
.Ltmp1:
0xa3: {  	v11 =	vbroadcast v13, $0x0;
	[tilespmem:s19+$0xFFFFFFB0] =	vst v14;
	v12 =	vunpack.i.u.bf16.f32 v16;
	v13 =	vunpack.i.l.bf16.f32 v16;
	(pc) =	sbr.rel @p0 .LBB2_5-.Ltmp1, $4  }
0xa4: {  	s23 =	sadd.s32 $0x2, s0;
	[tilespmem:s19+$0xFFFFFF20] =	vst v17;
	v14 =	vld [tilespmem:s13+$0xFFFFFFE0];
	v16 =	vmul.f32 v13, v1;
	v17 =	vmul.f32 v12, v1  }
0xa5: {  	v12 =	vmov s23;
	[tilespmem:s19+$0xFFFFFF30] =	vst v5  }
0xa6: {  	v5 =	vand.u32 $0xFFFFFFFE, v12;
	v13 =	vld [tilespmem:s13+$0xFFFFFFA0];
	v19 =	vunpack.i.l.bf16.f32 v18;
	[tilespmem:s19+$0xA0] =	vst v16  }
0xa7: {  	s0 =	sadd.s32 $0x4, s0;
	v12 =	vbroadcast v5, $0x0;
	v16 =	vunpack.i.u.bf16.f32 v18;
	v5 =	vld.idx.msk [tilespmem:v15+s21+$0x0], $0xffff;
	v15 =	vmul.f32 v19, v4;
	[tilespmem:s19+$0xB0] =	vst v17  }
0xa8: {  	v16 =	vmul.f32 v16, v4;
	[tilespmem:s12+$0xFFFFFF60] =	vst v9  }
0xa9: {  	v17 =	vld [tilespmem:s13+$0x60];
	[tilespmem:s19+$0x40] =	vst v15  }
0xaa: {  	v9 =	vunpack.i.l.bf16.f32 v14;
	[tilespmem:s19+$0x50] =	vst v16  }
0xab: {  	[tilespmem:s12+$0xFFFFFF70] =	vst v8;
	v14 =	vunpack.i.u.bf16.f32 v14;
	v9 =	vmul.f32 v9, v3;
	v16 =	vld [tilespmem:s31+$0x30]  }
0xac: {  	s0 =	sadd.s32 $0x100, s13;
	[tilespmem:s12+$0xE0] =	vst v7;
	v14 =	vmul.f32 v14, v3;
	v15 =	vunpack.i.l.bf16.f32 v13  }
0xad: {  	v8 =	vunpack.i.u.bf16.f32 v13;
	v13 =	vmul.f32 v15, v2;
	[tilespmem:s19+$0xFFFFFFC0] =	vst v9;
	v9 =	vld [tilespmem:s0+$0x0]  }
0xae: {  	v12 =	vld.idx.msk [tilespmem:v12+s21+$0x0], $0xffff;
	v8 =	vmul.f32 v8, v2;
	[tilespmem:s19+$0xFFFFFFD0] =	vst v14;
	v14 =	vunpack.i.l.bf16.f32 v17  }
0xaf: {  	v15 =	vunpack.i.u.bf16.f32 v17;
	[tilespmem:s19+$0xFFFFFF40] =	vst v13;
	v13 =	vmul.f32 v14, v1  }
0xb0: {  	v14 =	vmul.f32 v15, v1;
	[tilespmem:s19+$0xFFFFFF50] =	vst v8;
	v8 =	vld [tilespmem:s0+$0xFFFFFFC0];
	v15 =	vunpack.i.u.bf16.f32 v16  }
0xb1: {  	v11 =	vld.idx.msk [tilespmem:v11+s21+$0x0], $0xffff;
	[tilespmem:s19+$0xC0] =	vst v13;
	v13 =	vunpack.i.l.bf16.f32 v16;
	v15 =	vmul.f32 v15, v4  }
0xb2: {  	[tilespmem:s19+$0xD0] =	vst v14;
	v14 =	vld [tilespmem:s0+$0xFFFFFF80];
	v4 =	vmul.f32 v13, v4;
	v13 =	vunpack.i.l.bf16.f32 v9  }
0xb3: {  	v7 =	vld.idx.msk [tilespmem:v10+s21+$0x0], $0xffff;
	v9 =	vunpack.i.u.bf16.f32 v9;
	v10 =	vmul.f32 v13, v12;
	[tilespmem:s19+$0x70] =	vst v15  }
0xb4: {  	v13 =	vld [tilespmem:s0+$0x40];
	v9 =	vmul.f32 v9, v12;
	s19 =	sadd.s32 $0x200, s19;
	[tilespmem:s18+$0x60] =	vst v4  }
0xb5: {  	v4 =	vunpack.i.l.bf16.f32 v8;
	[tilespmem:s19+$0x0] =	vst v10  }
0xb6: {  	v10 =	vld [tilespmem:s31+$0xFFFFFFF0];
	v8 =	vunpack.i.u.bf16.f32 v8;
	[tilespmem:s19+$0x10] =	vst v9;
	v4 =	vmul.f32 v4, v11  }
0xb7: {  	[tilespmem:s12+$0xF0] =	vst v6;
	v9 =	vunpack.i.l.bf16.f32 v14;
	v8 =	vmul.f32 v8, v11;
	v15 =	vld [tilespmem:s0+$0x10]  }
0xb8: {  	v6 =	vunpack.i.u.bf16.f32 v14;
	v9 =	vmul.f32 v9, v7;
	[tilespmem:s19+$0xFFFFFF80] =	vst v4  }
0xb9: {  	v6 =	vmul.f32 v6, v7;
	v4 =	vunpack.i.l.bf16.f32 v13;
	[tilespmem:s19+$0xFFFFFF90] =	vst v8  }
0xba: {  	v8 =	vunpack.i.u.bf16.f32 v13;
	v4 =	vmul.f32 v4, v5;
	[tilespmem:s19+$0xFFFFFF00] =	vst v9;
	v9 =	vld [tilespmem:s0+$0xFFFFFFD0]  }
0xbb: {  	v8 =	vmul.f32 v8, v5;
	[tilespmem:s19+$0xFFFFFF10] =	vst v6;
	v13 =	vunpack.i.l.bf16.f32 v10  }
0xbc: {  	v6 =	vmul.f32 v13, v3;
	v13 =	vld [tilespmem:s0+$0xFFFFFF90];
	v14 =	vunpack.i.l.bf16.f32 v15;
	[tilespmem:s19+$0x80] =	vst v4  }
0xbd: {  	v4 =	vunpack.i.u.bf16.f32 v15;
	[tilespmem:s19+$0x90] =	vst v8;
	v14 =	vmul.f32 v14, v12  }
0xbe: {  	v8 =	vunpack.i.u.bf16.f32 v10;
	v4 =	vmul.f32 v4, v12;
	v10 =	vld [tilespmem:s0+$0x50];
	[tilespmem:s18+$0xFFFFFFE0] =	vst v6  }
0xbf: {  	v3 =	vmul.f32 v8, v3;
	v6 =	vunpack.i.l.bf16.f32 v9;
	[tilespmem:s19+$0x20] =	vst v14  }
0xc0: {  	v8 =	vld [tilespmem:s31+$0xFFFFFFB0];
	v9 =	vunpack.i.u.bf16.f32 v9;
	[tilespmem:s19+$0x30] =	vst v4;
	v6 =	vmul.f32 v6, v11  }
0xc1: {  	[tilespmem:s18+$0xFFFFFFF0] =	vst v3;
	v4 =	vmul.f32 v9, v11;
	v14 =	vld [tilespmem:s0+$0x20];
	v9 =	vunpack.i.l.bf16.f32 v13  }
0xc2: {  	v3 =	vunpack.i.u.bf16.f32 v13;
	v9 =	vmul.f32 v9, v7;
	[tilespmem:s19+$0xFFFFFFA0] =	vst v6  }
0xc3: {  	v3 =	vmul.f32 v3, v7;
	[tilespmem:s19+$0xFFFFFFB0] =	vst v4;
	v4 =	vunpack.i.l.bf16.f32 v10  }
0xc4: {  	v6 =	vunpack.i.u.bf16.f32 v10;
	v4 =	vmul.f32 v4, v5;
	[tilespmem:s19+$0xFFFFFF20] =	vst v9;
	v9 =	vld [tilespmem:s0+$0xFFFFFFE0]  }
0xc5: {  	v10 =	vunpack.i.l.bf16.f32 v8;
	v6 =	vmul.f32 v6, v5;
	[tilespmem:s19+$0xFFFFFF30] =	vst v3  }
0xc6: {  	v3 =	vmul.f32 v10, v2;
	v10 =	vld [tilespmem:s0+$0xFFFFFFA0];
	v13 =	vunpack.i.l.bf16.f32 v14;
	[tilespmem:s19+$0xA0] =	vst v4  }
0xc7: {  	v4 =	vunpack.i.u.bf16.f32 v14;
	[tilespmem:s19+$0xB0] =	vst v6;
	v13 =	vmul.f32 v13, v12  }
0xc8: {  	v6 =	vunpack.i.u.bf16.f32 v8;
	v4 =	vmul.f32 v4, v12;
	v8 =	vld [tilespmem:s0+$0x60];
	[tilespmem:s18+$0xFFFFFF60] =	vst v3  }
0xc9: {  	v2 =	vmul.f32 v6, v2;
	[tilespmem:s19+$0x40] =	vst v13;
	v3 =	vunpack.i.l.bf16.f32 v9  }
0xca: {  	v6 =	vld [tilespmem:s31+$0x70];
	[tilespmem:s19+$0x50] =	vst v4;
	v9 =	vunpack.i.u.bf16.f32 v9;
	v3 =	vmul.f32 v3, v11  }
0xcb: {  	[tilespmem:s18+$0xFFFFFF70] =	vst v2;
	v13 =	vld [tilespmem:s0+$0x30];
	v4 =	vmul.f32 v9, v11;
	v9 =	vunpack.i.l.bf16.f32 v10  }
0xcc: {  	v2 =	vunpack.i.u.bf16.f32 v10;
	v9 =	vmul.f32 v9, v7;
	[tilespmem:s19+$0xFFFFFFC0] =	vst v3  }
0xcd: {  	v2 =	vmul.f32 v2, v7;
	[tilespmem:s19+$0xFFFFFFD0] =	vst v4;
	v3 =	vunpack.i.l.bf16.f32 v8  }
0xce: {  	v4 =	vunpack.i.u.bf16.f32 v8;
	[tilespmem:s19+$0xFFFFFF40] =	vst v9;
	v3 =	vmul.f32 v3, v5;
	v8 =	vld [tilespmem:s0+$0xFFFFFFF0]  }
0xcf: {  	v9 =	vunpack.i.l.bf16.f32 v6;
	v4 =	vmul.f32 v4, v5;
	[tilespmem:s19+$0xFFFFFF50] =	vst v2  }
0xd0: {  	v2 =	vmul.f32 v9, v1;
	v9 =	vunpack.i.u.bf16.f32 v13;
	[tilespmem:s19+$0xC0] =	vst v3;
	v3 =	vld [tilespmem:s0+$0xFFFFFFB0]  }
0xd1: {  	v10 =	vunpack.i.l.bf16.f32 v13;
	v9 =	vmul.f32 v9, v12;
	[tilespmem:s19+$0xD0] =	vst v4  }
0xd2: {  	v4 =	vunpack.i.u.bf16.f32 v6;
	v6 =	vmul.f32 v10, v12;
	[tilespmem:s18+$0xE0] =	vst v2;
	v2 =	vld [tilespmem:s0+$0x70]  }
0xd3: {  	v1 =	vmul.f32 v4, v1;
	[tilespmem:s19+$0x70] =	vst v9;
	v4 =	vunpack.i.l.bf16.f32 v8  }
0xd4: {  	[tilespmem:s19+$0x60] =	vst v6;
	v6 =	vunpack.i.u.bf16.f32 v8;
	v4 =	vmul.f32 v4, v11  }
0xd5: {  	[tilespmem:s18+$0xF0] =	vst v1;
	v6 =	vmul.f32 v6, v11;
	v1 =	vunpack.i.l.bf16.f32 v3  }
0xd6: {  	v3 =	vunpack.i.u.bf16.f32 v3;
	v1 =	vmul.f32 v1, v7;
	[tilespmem:s19+$0xFFFFFFE0] =	vst v4  }
0xd7: {  	v4 =	vunpack.i.l.bf16.f32 v2;
	v3 =	vmul.f32 v3, v7;
	[tilespmem:s19+$0xFFFFFFF0] =	vst v6  }
0xd8: {  	v2 =	vunpack.i.u.bf16.f32 v2;
	v4 =	vmul.f32 v4, v5;
	[tilespmem:s19+$0xFFFFFF60] =	vst v1  }
0xd9: {  	v1 =	vmul.f32 v2, v5;
	[tilespmem:s19+$0xFFFFFF70] =	vst v3  }
0xda: {  	[tilespmem:s19+$0xE0] =	vst v4  }
0xdb: {  	[tilespmem:s19+$0xF0] =	vst v1  }
0xdc: {  	_ =	swait.ge [sflag:s30], $0x80  }
0xdd: {  	[sflag:s30] =	ssyncset.done $0x0  }
0xde: {  	[sflag:s30] =	ssyncadd.s32 $0xFFFFFF80  }
0xdf: {  	_ =	swait.ge [sflag:s30], $0x80  }
0xe0: {  	[sflag:s30] =	ssyncset.done $0x0  }
0xe1: {  	[sflag:s30] =	ssyncadd.s32 $0xFFFFFF80  }
0xe2: {  	_ =	swait.ge [sflag:s30], $0x80  }
0xe3: {  	[sflag:s30] =	ssyncset.done $0x0  }
0xe4: {  	s23 =	simm.s32 $0x2300;
	[sflag:s30] =	ssyncadd.s32 $0xFFFFFF80  }
0xe5: {  	[tilespmem:s23], [sflag:$0x2] =	stream.indirect.gather [hbm4b:s4+s22], $0x40, s22, s22, $0xb8;
	[tilespmem:$0x1FB80] =	vst v63  }
0xe6: {  	s31 =	simm.s32 $0x4300  }
0xe7: {  	[spmem:s2] =	stream.indirect.scatter.add.f32 [tilespmem:s31], [sflag:$0x3], $0x80, s20, s22, $0xb8;
	[tilespmem:$0x1FB80] =	vst v63  }
0xe8: {  	_ =	swait.ge [sflag:s1], $0x2000  }
0xe9: {  	[sflag:s1] =	ssyncset.done $0x0  }
0xea: {  	[sflag:s1] =	ssyncadd.s32 $0xFFFFE000  }
0xeb: {  	s12 =	sadd.s32 s10, s15;
	_ =	swait.ge [sflag:s9], $0x4000  }
0xec: {  	s0 =	sshrl.u32 s12, $0x3;
	s19 =	simm.s32 $0x2;
	[sflag:s9] =	ssyncset.done $0x0  }
0xed: {  	s13 =	sadd.s32 s5, s0;
	s18 =	simm.s32 $0x0;
	v1 =	vmov s19;
	[sflag:s9] =	ssyncadd.s32 $0xFFFFC000  }
0xee: {  	v1 =	vand.u32 $0xFFFFFFFE, v1;
	[tilespmem:s18], [sflag:$0x5] =	stream.linear.gather [hbm4b:s13+s18], $0x80, $0x38;
	[tilespmem:$0x1FB80] =	vst v63  }
0xef: {  	v1 =	vbroadcast v1, $0x0;
	s23 =	sadd.s32 s6, s0;
	s31 =	simm.s32 $0x1  }
0xf0: {  	v2 =	vmov s31;
	[tilespmem:s20], [sflag:$0x5] =	stream.linear.gather [hbm4b:s23+s18], $0x80, $0x38;
	[tilespmem:$0x1FB80] =	vst v63  }
0xf1: {  	s0 =	sadd.s32 s7, s0;
	v2 =	vand.u32 $0xFFFFFFFD, v2  }
0xf2: {  	v3 =	vmov s18;
	v2 =	vbroadcast v2, $0x0;
	[tilespmem:s21], [sflag:$0x5] =	stream.linear.gather [hbm4b:s0+s18], $0x80, $0x38;
	[tilespmem:$0x1FB80] =	vst v63  }
0xf3: {  	v3 =	vand.u32 $0xFFFFFFFC, v3;
	s0 =	simm.s32 $0x2380  }
0xf4: {  	v3 =	vbroadcast v3, $0x0;
	v4 =	vld [tilespmem:s0+$0x0]  }
0xf5: {  	s13 =	simm.s32 $0x3;
	v8 =	vld.idx.msk [tilespmem:v1+s29+$0x0], $0xffff  }
0xf6: {  	v1 =	vmov s13  }
0xf7: {  	v9 =	vld [tilespmem:s0+$0xFFFFFFC0]  }
0xf8: {  	v7 =	vld.idx.msk [tilespmem:v2+s29+$0x0], $0xffff  }
0xf9: {  	v10 =	vld [tilespmem:s0+$0xFFFFFF80];
	v2 =	vunpack.i.l.bf16.f32 v4  }
0xfa: {  	v6 =	vld.idx.msk [tilespmem:v3+s29+$0x0], $0xffff;
	v4 =	vunpack.i.u.bf16.f32 v4;
	v2 =	vmul.f32 v2, v8  }
0xfb: {  	s10 =	simm.s32 $0x8400;
	v5 =	vld.idx.msk [tilespmem:v1+s29+$0x0], $0xffff;
	v3 =	vmul.f32 v4, v8  }
0xfc: {  	v1 =	vunpack.i.l.bf16.f32 v9;
	v4 =	vld [tilespmem:s0+$0x40];
	[tilespmem:s10+$0x0] =	vst v2  }
0xfd: {  	v1 =	vmul.f32 v1, v7;
	[tilespmem:s10+$0x10] =	vst v3;
	v2 =	vunpack.i.u.bf16.f32 v9  }
0xfe: {  	v9 =	vunpack.i.l.bf16.f32 v10;
	v3 =	vld [tilespmem:s0+$0x10];
	v2 =	vmul.f32 v2, v7  }
0xff: {  	v10 =	vunpack.i.u.bf16.f32 v10;
	[tilespmem:s10+$0xFFFFFF80] =	vst v1;
	v9 =	vmul.f32 v9, v6  }
0x100: {  	v10 =	vmul.f32 v10, v6;
	[tilespmem:s10+$0xFFFFFF90] =	vst v2  }
0x101: {  	v1 =	vunpack.i.l.bf16.f32 v4;
	v2 =	vunpack.i.u.bf16.f32 v4;
	[tilespmem:s10+$0xFFFFFF00] =	vst v9;
	v4 =	vld [tilespmem:s0+$0xFFFFFFD0]  }
0x102: {  	[tilespmem:s10+$0xFFFFFF10] =	vst v10;
	v1 =	vmul.f32 v1, v5  }
0x103: {  	v2 =	vmul.f32 v2, v5;
	v10 =	vld [tilespmem:s0+$0xFFFFFF90];
	v9 =	vunpack.i.l.bf16.f32 v3  }
0x104: {  	[tilespmem:s10+$0x80] =	vst v1;
	v1 =	vunpack.i.u.bf16.f32 v3;
	v3 =	vmul.f32 v9, v8  }
0x105: {  	[tilespmem:s10+$0x90] =	vst v2;
	v1 =	vmul.f32 v1, v8  }
0x106: {  	v2 =	vld [tilespmem:s0+$0x50];
	[tilespmem:s10+$0x20] =	vst v3;
	v3 =	vunpack.i.l.bf16.f32 v4  }
0x107: {  	[tilespmem:s10+$0x30] =	vst v1;
	v1 =	vunpack.i.u.bf16.f32 v4;
	v3 =	vmul.f32 v3, v7  }
0x108: {  	s18 =	simm.s32 $0x4;
	v11 =	vunpack.i.l.bf16.f32 v10;
	v4 =	vld [tilespmem:s0+$0x20];
	v1 =	vmul.f32 v1, v7  }
0x109: {  	v9 =	vmov s18;
	v10 =	vunpack.i.u.bf16.f32 v10;
	v11 =	vmul.f32 v11, v6;
	[tilespmem:s10+$0xFFFFFFA0] =	vst v3  }
0x10a: {  	s19 =	simm.s32 $0x7;
	s23 =	simm.s32 $0x6;
	v3 =	vand.u32 $0xFFFFFFFC, v9;
	v9 =	vmul.f32 v10, v6;
	[tilespmem:s10+$0xFFFFFFB0] =	vst v1  }
0x10b: {  	v12 =	vmov s19;
	v1 =	vunpack.i.l.bf16.f32 v2;
	[tilespmem:s10+$0xFFFFFF20] =	vst v11;
	v11 =	vmov s23;
	v10 =	vld [tilespmem:s0+$0xFFFFFFE0]  }
0x10c: {  	v2 =	vunpack.i.u.bf16.f32 v2;
	v1 =	vmul.f32 v1, v5;
	[tilespmem:s10+$0xFFFFFF30] =	vst v9;
	v9 =	vand.u32 $0xFFFFFFFE, v11  }
0x10d: {  	v2 =	vmul.f32 v2, v5;
	v11 =	vunpack.i.l.bf16.f32 v4;
	v9 =	vbroadcast v9, $0x0  }
0x10e: {  	s31 =	simm.s32 $0x5;
	s13 =	simm.s32 $0x2480;
	v3 =	vbroadcast v3, $0x0;
	v13 =	vld [tilespmem:s0+$0xFFFFFFA0];
	[tilespmem:s10+$0xA0] =	vst v1;
	v1 =	vunpack.i.u.bf16.f32 v4;
	v4 =	vmul.f32 v11, v8  }
0x10f: {  	v15 =	vld [tilespmem:s13+$0x0];
	[tilespmem:s10+$0xB0] =	vst v2;
	v11 =	vmov s31;
	v2 =	vmul.f32 v1, v8  }
0x110: {  	v1 =	vand.u32 $0xFFFFFFFD, v11;
	v11 =	vld [tilespmem:s0+$0x60];
	[tilespmem:s10+$0x40] =	vst v4;
	v4 =	vunpack.i.l.bf16.f32 v10  }
0x111: {  	v14 =	vbroadcast v1, $0x0;
	v1 =	vld.idx.msk [tilespmem:v12+s29+$0x0], $0xffff;
	[tilespmem:s10+$0x50] =	vst v2;
	v4 =	vmul.f32 v4, v7  }
0x112: {  	v2 =	vunpack.i.u.bf16.f32 v10;
	v10 =	vld [tilespmem:s0+$0x30]  }
0x113: {  	v12 =	vmul.f32 v2, v7;
	v2 =	vunpack.i.l.bf16.f32 v13;
	[tilespmem:s10+$0xFFFFFFC0] =	vst v4;
	v4 =	vld.idx.msk [tilespmem:v9+s29+$0x0], $0xffff  }
0x114: {  	v13 =	vunpack.i.u.bf16.f32 v13;
	v16 =	vmul.f32 v2, v6;
	v2 =	vld.idx.msk [tilespmem:v3+s29+$0x0], $0xffff  }
0x115: {  	v9 =	vmul.f32 v13, v6;
	[tilespmem:s10+$0xFFFFFFD0] =	vst v12;
	v13 =	vld [tilespmem:s13+$0xFFFFFFC0];
	v3 =	vunpack.i.l.bf16.f32 v11  }
0x116: {  	v11 =	vunpack.i.u.bf16.f32 v11;
	[tilespmem:s10+$0xFFFFFF40] =	vst v16;
	v12 =	vmul.f32 v3, v5;
	v16 =	vld [tilespmem:s13+$0x40]  }
0x117: {  	v11 =	vmul.f32 v11, v5;
	[tilespmem:s10+$0xFFFFFF50] =	vst v9;
	v3 =	vld.idx.msk [tilespmem:v14+s29+$0x0], $0xffff;
	v9 =	vunpack.i.u.bf16.f32 v10  }
0x118: {  	v14 =	vld [tilespmem:s13+$0xFFFFFF80];
	[tilespmem:s10+$0xC0] =	vst v12;
	v9 =	vmul.f32 v9, v8;
	v12 =	vunpack.i.l.bf16.f32 v15  }
0x119: {  	[tilespmem:s10+$0xD0] =	vst v11;
	v11 =	vunpack.i.u.bf16.f32 v15;
	v12 =	vmul.f32 v12, v4  }
0x11a: {  	s18 =	simm.s32 $0x8600;
	v10 =	vunpack.i.l.bf16.f32 v10;
	v15 =	vld [tilespmem:s0+$0xFFFFFFF0];
	[tilespmem:s10+$0x70] =	vst v9;
	v9 =	vmul.f32 v11, v4  }
0x11b: {  	v8 =	vmul.f32 v10, v8;
	v10 =	vld [tilespmem:s0+$0xFFFFFFB0];
	v11 =	vunpack.i.l.bf16.f32 v13;
	[tilespmem:s18+$0x0] =	vst v12  }
0x11c: {  	v13 =	vunpack.i.u.bf16.f32 v13;
	v12 =	vld [tilespmem:s0+$0x70];
	v17 =	vunpack.i.u.bf16.f32 v16;
	v11 =	vmul.f32 v11, v3;
	[tilespmem:s18+$0x10] =	vst v9  }
0x11d: {  	[tilespmem:s10+$0x60] =	vst v8;
	v9 =	vunpack.i.l.bf16.f32 v14;
	v8 =	vmul.f32 v13, v3;
	v14 =	vunpack.i.u.bf16.f32 v14;
	v13 =	vld [tilespmem:s13+$0x10]  }
0x11e: {  	v9 =	vmul.f32 v9, v2;
	v14 =	vmul.f32 v14, v2;
	[tilespmem:s18+$0xFFFFFF80] =	vst v11;
	v11 =	vunpack.i.l.bf16.f32 v16  }
0x11f: {  	v16 =	vunpack.i.u.bf16.f32 v15;
	[tilespmem:s18+$0xFFFFFF90] =	vst v8;
	v8 =	vunpack.i.l.bf16.f32 v15;
	v15 =	vmul.f32 v17, v1  }
0x120: {  	v18 =	vunpack.i.u.bf16.f32 v10;
	v11 =	vmul.f32 v11, v1;
	v17 =	vld [tilespmem:s13+$0xFFFFFFD0];
	[tilespmem:s18+$0xFFFFFF10] =	vst v14;
	v14 =	vmul.f32 v8, v7  }
0x121: {  	[tilespmem:s18+$0xFFFFFF00] =	vst v9;
	v9 =	vunpack.i.l.bf16.f32 v10;
	v16 =	vmul.f32 v16, v7;
	v8 =	vmul.f32 v18, v6  }
0x122: {  	s19 =	simm.s32 $0xB;
	v10 =	vunpack.i.u.bf16.f32 v12;
	v19 =	vld [tilespmem:s13+$0xFFFFFF90];
	v9 =	vmul.f32 v9, v6;
	[tilespmem:s18+$0x90] =	vst v15;
	v7 =	vunpack.i.l.bf16.f32 v13  }
0x123: {  	v15 =	vmov s19;
	[tilespmem:s18+$0x80] =	vst v11;
	v11 =	vunpack.i.u.bf16.f32 v13;
	v13 =	vmul.f32 v7, v4  }
0x124: {  	s12 =	simm.s32 $0x8;
	[tilespmem:s10+$0xFFFFFFE0] =	vst v14;
	v6 =	vmul.f32 v10, v5;
	v7 =	vunpack.i.l.bf16.f32 v12;
	v11 =	vmul.f32 v11, v4;
	v12 =	vld [tilespmem:s13+$0x50]  }
0x125: {  	v10 =	vmov s12;
	v7 =	vmul.f32 v7, v5;
	v5 =	vunpack.i.l.bf16.f32 v17;
	[tilespmem:s18+$0x20] =	vst v13  }
0x126: {  	v10 =	vand.u32 $0xFFFFFFFC, v10;
	v13 =	vunpack.i.u.bf16.f32 v17;
	v5 =	vmul.f32 v5, v3;
	[tilespmem:s18+$0x30] =	vst v11  }
0x127: {  	s23 =	simm.s32 $0x9;
	[tilespmem:s10+$0xFFFFFFF0] =	vst v16;
	v10 =	vbroadcast v10, $0x0;
	v14 =	vunpack.i.u.bf16.f32 v19;
	v11 =	vmul.f32 v13, v3;
	v17 =	vld [tilespmem:s13+$0x20]  }
0x128: {  	v13 =	vunpack.i.l.bf16.f32 v19;
	v16 =	vmul.f32 v14, v2;
	[tilespmem:s18+$0xFFFFFFA0] =	vst v5;
	v5 =	vmov s23  }
0x129: {  	v13 =	vmul.f32 v13, v2;
	[tilespmem:s18+$0xFFFFFFB0] =	vst v11;
	v11 =	vunpack.i.l.bf16.f32 v12;
	v5 =	vand.u32 $0xFFFFFFFD, v5  }
0x12a: {  	s31 =	simm.s32 $0xA;
	v12 =	vunpack.i.u.bf16.f32 v12;
	[tilespmem:s18+$0xFFFFFF30] =	vst v16;
	v18 =	vmul.f32 v11, v1;
	v14 =	vld [tilespmem:s13+$0xFFFFFFE0];
	v11 =	vbroadcast v5, $0x0  }
0x12b: {  	[tilespmem:s18+$0xFFFFFF20] =	vst v13;
	v19 =	vmul.f32 v12, v1;
	v12 =	vmov s31  }
0x12c: {  	v5 =	vand.u32 $0xFFFFFFFE, v12;
	v13 =	vld [tilespmem:s13+$0xFFFFFFA0];
	v20 =	vunpack.i.l.bf16.f32 v17;
	[tilespmem:s18+$0xA0] =	vst v18  }
0x12d: {  	s0 =	simm.s32 $0xC;
	s19 =	simm.s32 $0x2480;
	s12 =	simm.s32 $0x8600;
	v12 =	vbroadcast v5, $0x0;
	v5 =	vld.idx.msk [tilespmem:v15+s29+$0x0], $0xffff;
	v16 =	vunpack.i.u.bf16.f32 v17;
	[tilespmem:s18+$0xB0] =	vst v19;
	v15 =	vmul.f32 v20, v4  }
.LBB2_7:
0x12e: {  	p0 =	slt.u32 s0, $0x7C;
	v16 =	vmul.f32 v16, v4;
	v17 =	vld [tilespmem:s13+$0x60];
	[tilespmem:s10+$0xFFFFFF60] =	vst v9  }
0x12f: {  	v10 =	vld.idx.msk [tilespmem:v10+s29+$0x0], $0xffff;
	v9 =	vunpack.i.u.bf16.f32 v14;
	v14 =	vunpack.i.l.bf16.f32 v14;
	[tilespmem:s18+$0x40] =	vst v15  }
0x130: {  	v11 =	vld.idx.msk [tilespmem:v11+s29+$0x0], $0xffff;
	v14 =	vmul.f32 v14, v3;
	v9 =	vmul.f32 v9, v3;
	[tilespmem:s18+$0x50] =	vst v16  }
0x131: {  	s13 =	sadd.s32 $0x100, s13;
	v15 =	vunpack.i.u.bf16.f32 v13;
	v13 =	vunpack.i.l.bf16.f32 v13;
	v16 =	vld [tilespmem:s19+$0x30];
	[tilespmem:s10+$0xFFFFFF70] =	vst v8  }
0x132: {  	v8 =	vld [tilespmem:s13+$0x0];
	v13 =	vmul.f32 v13, v2;
	v15 =	vmul.f32 v15, v2;
	[tilespmem:s18+$0xFFFFFFC0] =	vst v14  }
0x133: {  	v12 =	vld.idx.msk [tilespmem:v12+s29+$0x0], $0xffff;
	[tilespmem:s18+$0xFFFFFFD0] =	vst v9;
	v9 =	vunpack.i.u.bf16.f32 v17;
	v14 =	vunpack.i.l.bf16.f32 v17  }
0x134: {  	v17 =	vld [tilespmem:s13+$0xFFFFFF80];
	[tilespmem:s18+$0xFFFFFF40] =	vst v13;
	v13 =	vmul.f32 v14, v1;
	v9 =	vmul.f32 v9, v1  }
0x135: {  	v14 =	vld [tilespmem:s13+$0xFFFFFFC0];
	[tilespmem:s18+$0xFFFFFF50] =	vst v15  }
0x136: {  	v15 =	vld [tilespmem:s13+$0x40];
	v18 =	vunpack.i.u.bf16.f32 v16;
	v16 =	vunpack.i.l.bf16.f32 v16;
	[tilespmem:s18+$0xC0] =	vst v13  }
0x137: {  	v13 =	vld [tilespmem:s19+$0xFFFFFFF0];
	v16 =	vmul.f32 v16, v4;
	v20 =	vmul.f32 v18, v4;
	[tilespmem:s18+$0xD0] =	vst v9  }
0x138: {  	v9 =	vunpack.i.l.bf16.f32 v8;
	v18 =	vld [tilespmem:s19+$0xFFFFFFB0];
	[tilespmem:s10+$0xE0] =	vst v7  }
0x139: {  	v8 =	vunpack.i.u.bf16.f32 v8;
	v9 =	vmul.f32 v9, v12;
	v4 =	vmovc v12;
	v7 =	vunpack.i.u.bf16.f32 v17;
	[tilespmem:s18+$0x70] =	vst v20;
	v19 =	vld [tilespmem:s19+$0x70];
	s19 =	smov.u32 s13  }
0x13a: {  	v12 =	vunpack.i.l.bf16.f32 v17;
	v8 =	vmul.f32 v8, v4;
	s18 =	sadd.s32 $0x200, s18;
	v17 =	vunpack.i.u.bf16.f32 v14;
	[tilespmem:s12+$0x60] =	vst v16  }
0x13b: {  	v14 =	vunpack.i.l.bf16.f32 v14;
	[tilespmem:s18+$0x0] =	vst v9;
	v9 =	vunpack.i.u.bf16.f32 v15;
	v15 =	vunpack.i.l.bf16.f32 v15  }
0x13c: {  	v14 =	vmul.f32 v14, v11;
	v16 =	vmul.f32 v17, v11;
	[tilespmem:s18+$0x10] =	vst v8;
	v8 =	vunpack.i.u.bf16.f32 v13  }
0x13d: {  	v12 =	vmul.f32 v12, v10;
	v7 =	vmul.f32 v7, v10;
	v13 =	vunpack.i.l.bf16.f32 v13;
	v17 =	vld [tilespmem:s13+$0x10];
	[tilespmem:s10+$0xF0] =	vst v6;
	s10 =	smov.u32 s12;
	s12 =	smov.u32 s18  }
0x13e: {  	v6 =	vmul.f32 v15, v5;
	v15 =	vunpack.i.u.bf16.f32 v18;
	[tilespmem:s18+$0xFFFFFF80] =	vst v14;
	v14 =	vmul.f32 v9, v5  }
0x13f: {  	v9 =	vunpack.i.l.bf16.f32 v18;
	v18 =	vunpack.i.l.bf16.f32 v19;
	[tilespmem:s18+$0xFFFFFF90] =	vst v16;
	v16 =	vunpack.i.u.bf16.f32 v19  }
0x140: {  	v13 =	vmul.f32 v13, v3;
	v19 =	vmul.f32 v8, v3;
	v3 =	vmov v11;
	[tilespmem:s18+$0xFFFFFF00] =	vst v12;
	v12 =	vld [tilespmem:s13+$0xFFFFFFD0]  }
0x141: {  	v9 =	vmul.f32 v9, v2;
	v8 =	vmul.f32 v15, v2;
	v2 =	vmov v10;
	[tilespmem:s18+$0xFFFFFF10] =	vst v7  }
0x142: {  	v7 =	vmul.f32 v18, v1;
	v11 =	vld [tilespmem:s13+$0xFFFFFF90];
	v10 =	vunpack.i.l.bf16.f32 v17;
	[tilespmem:s18+$0x80] =	vst v6;
	v6 =	vmul.f32 v16, v1;
	v1 =	vmovc v5  }
0x143: {  	s23 =	sadd.s32 $0x3, s0;
	v5 =	vunpack.i.u.bf16.f32 v17;
	v10 =	vmul.f32 v10, v4;
	[tilespmem:s18+$0x90] =	vst v14  }
0x144: {  	v15 =	vmov s23;
	v14 =	vmov s0;
	v5 =	vmul.f32 v5, v4;
	v16 =	vld [tilespmem:s13+$0x50];
	[tilespmem:s10+$0xFFFFFFE0] =	vst v13  }
0x145: {  	s23 =	sadd.s32 $0x1, s0;
	v13 =	vand.u32 $0xFFFFFFFC, v14;
	v14 =	vunpack.i.u.bf16.f32 v12;
	v12 =	vunpack.i.l.bf16.f32 v12;
	[tilespmem:s18+$0x20] =	vst v10  }
0x146: {  	v17 =	vmov s23;
	v12 =	vmul.f32 v12, v3;
	v14 =	vmul.f32 v14, v3;
	[tilespmem:s18+$0x30] =	vst v5  }
0x147: {  	v10 =	vbroadcast v13, $0x0;
	v5 =	vunpack.i.u.bf16.f32 v11;
	v11 =	vunpack.i.l.bf16.f32 v11;
	v18 =	vld [tilespmem:s13+$0x20];
	[tilespmem:s10+$0xFFFFFFF0] =	vst v19  }
0x148: {  	v13 =	vand.u32 $0xFFFFFFFD, v17;
	v17 =	vmul.f32 v11, v2;
	v5 =	vmul.f32 v5, v2;
	[tilespmem:s18+$0xFFFFFFA0] =	vst v12  }
.Ltmp2:
0x149: {  	v11 =	vbroadcast v13, $0x0;
	[tilespmem:s18+$0xFFFFFFB0] =	vst v14;
	v12 =	vunpack.i.u.bf16.f32 v16;
	v13 =	vunpack.i.l.bf16.f32 v16;
	(pc) =	sbr.rel @p0 .LBB2_7-.Ltmp2, $4  }
0x14a: {  	s23 =	sadd.s32 $0x2, s0;
	[tilespmem:s18+$0xFFFFFF20] =	vst v17;
	v14 =	vld [tilespmem:s13+$0xFFFFFFE0];
	v16 =	vmul.f32 v13, v1;
	v17 =	vmul.f32 v12, v1  }
0x14b: {  	v12 =	vmov s23;
	[tilespmem:s18+$0xFFFFFF30] =	vst v5  }
0x14c: {  	v5 =	vand.u32 $0xFFFFFFFE, v12;
	v13 =	vld [tilespmem:s13+$0xFFFFFFA0];
	v19 =	vunpack.i.l.bf16.f32 v18;
	[tilespmem:s18+$0xA0] =	vst v16  }
0x14d: {  	s0 =	sadd.s32 $0x4, s0;
	v12 =	vbroadcast v5, $0x0;
	v16 =	vunpack.i.u.bf16.f32 v18;
	v5 =	vld.idx.msk [tilespmem:v15+s29+$0x0], $0xffff;
	v15 =	vmul.f32 v19, v4;
	[tilespmem:s18+$0xB0] =	vst v17  }
0x14e: {  	_ =	sdelay $0x1  }
0x14f: {  	[tilespmem:s10+$0xFFFFFF60] =	vst v9  }
0x150: {  	v17 =	vld [tilespmem:s13+$0x60];
	[tilespmem:s10+$0xFFFFFF70] =	vst v8  }
0x151: {  	v11 =	vld.idx.msk [tilespmem:v11+s29+$0x0], $0xffff;
	[tilespmem:s10+$0xE0] =	vst v7  }
0x152: {  	v16 =	vmul.f32 v16, v4;
	s0 =	sadd.s32 $0x100, s13;
	v20 =	vld.idx.msk [tilespmem:v10+s29+$0x0], $0xffff;
	[tilespmem:s10+$0xF0] =	vst v6;
	v50 =	vunpack.i.l.bf16.f32 v14  }
0x153: {  	[tilespmem:s18+$0x40] =	vst v15;
	v51 =	vunpack.i.u.bf16.f32 v14;
	v55 =	vld [tilespmem:s0+$0x0];
	v9 =	vmul.f32 v50, v3  }
0x154: {  	v12 =	vld.idx.msk [tilespmem:v12+s29+$0x0], $0xffff;
	[tilespmem:s18+$0x50] =	vst v16;
	v14 =	vmul.f32 v51, v3;
	v52 =	vunpack.i.l.bf16.f32 v13  }
0x155: {  	v60 =	vld [tilespmem:s0+$0xFFFFFFC0];
	v53 =	vunpack.i.u.bf16.f32 v13;
	v54 =	vmul.f32 v52, v2;
	[tilespmem:s18+$0xFFFFFFC0] =	vst v9  }
0x156: {  	v63 =	vld [tilespmem:s0+$0xFFFFFF80];
	v8 =	vmul.f32 v53, v2;
	[tilespmem:s18+$0xFFFFFFD0] =	vst v14;
	v56 =	vunpack.i.l.bf16.f32 v17  }
0x157: {  	v16 =	vld [tilespmem:s19+$0x30];
	v57 =	vunpack.i.u.bf16.f32 v17;
	[tilespmem:s18+$0xFFFFFF40] =	vst v54;
	v58 =	vmul.f32 v56, v1  }
0x158: {  	v59 =	vmul.f32 v57, v1;
	[tilespmem:s18+$0xFFFFFF50] =	vst v8;
	v19 =	vunpack.i.l.bf16.f32 v55  }
0x159: {  	v9 =	vunpack.i.u.bf16.f32 v55;
	v21 =	vmul.f32 v19, v12;
	[tilespmem:s18+$0xC0] =	vst v58  }
0x15a: {  	s23 =	sadd.s32 $0x200, s18;
	v22 =	vld [tilespmem:s0+$0x40];
	v8 =	vunpack.i.u.bf16.f32 v60;
	v9 =	vmul.f32 v9, v12;
	[tilespmem:s18+$0xD0] =	vst v59  }
0x15b: {  	v27 =	vunpack.i.u.bf16.f32 v63;
	v8 =	vmul.f32 v8, v11;
	[tilespmem:s23+$0x0] =	vst v21  }
0x15c: {  	v6 =	vmul.f32 v27, v20;
	v61 =	vunpack.i.u.bf16.f32 v16;
	[tilespmem:s23+$0x10] =	vst v9  }
0x15d: {  	v24 =	vld [tilespmem:s19+$0xFFFFFFF0];
	v23 =	vunpack.i.l.bf16.f32 v60;
	v62 =	vunpack.i.l.bf16.f32 v16;
	v15 =	vmul.f32 v61, v4;
	[tilespmem:s23+$0xFFFFFF90] =	vst v8  }
0x15e: {  	v25 =	vunpack.i.l.bf16.f32 v63;
	v18 =	vmul.f32 v62, v4;
	v4 =	vmul.f32 v23, v11;
	[tilespmem:s23+$0xFFFFFF10] =	vst v6  }
0x15f: {  	v29 =	vunpack.i.u.bf16.f32 v22;
	v9 =	vmul.f32 v25, v20;
	v26 =	vld [tilespmem:s0+$0x10];
	[tilespmem:s18+$0x70] =	vst v15  }
0x160: {  	v8 =	vmul.f32 v29, v5;
	[tilespmem:s23+$0xFFFFFF80] =	vst v4  }
0x161: {  	v28 =	vunpack.i.l.bf16.f32 v22;
	[tilespmem:s23+$0xFFFFFF00] =	vst v9;
	v30 =	vld [tilespmem:s0+$0xFFFFFFD0]  }
0x162: {  	v31 =	vunpack.i.l.bf16.f32 v24;
	v4 =	vmul.f32 v28, v5;
	[tilespmem:s23+$0x90] =	vst v8  }
0x163: {  	v36 =	vunpack.i.u.bf16.f32 v24;
	v32 =	vmul.f32 v31, v3;
	[tilespmem:s12+$0x60] =	vst v18;
	v33 =	vld [tilespmem:s0+$0xFFFFFF90]  }
0x164: {  	v3 =	vmul.f32 v36, v3;
	[tilespmem:s23+$0x80] =	vst v4;
	v34 =	vunpack.i.l.bf16.f32 v26  }
0x165: {  	[tilespmem:s12+$0xFFFFFFE0] =	vst v32;
	v37 =	vld [tilespmem:s0+$0x50];
	v35 =	vunpack.i.u.bf16.f32 v26;
	v14 =	vmul.f32 v34, v12  }
0x166: {  	[tilespmem:s12+$0xFFFFFFF0] =	vst v3;
	v4 =	vmul.f32 v35, v12;
	v38 =	vunpack.i.l.bf16.f32 v30  }
0x167: {  	v39 =	vld [tilespmem:s19+$0xFFFFFFB0];
	v9 =	vunpack.i.u.bf16.f32 v30;
	[tilespmem:s23+$0x20] =	vst v14;
	v6 =	vmul.f32 v38, v11  }
0x168: {  	v41 =	vunpack.i.l.bf16.f32 v33;
	[tilespmem:s23+$0x30] =	vst v4;
	v40 =	vmul.f32 v9, v11  }
0x169: {  	v3 =	vunpack.i.u.bf16.f32 v33;
	v9 =	vmul.f32 v41, v20;
	v14 =	vld [tilespmem:s0+$0x20];
	[tilespmem:s23+$0xFFFFFFA0] =	vst v6  }
0x16a: {  	v3 =	vmul.f32 v3, v20;
	v42 =	vunpack.i.l.bf16.f32 v37;
	[tilespmem:s23+$0xFFFFFFB0] =	vst v40  }
0x16b: {  	v43 =	vunpack.i.u.bf16.f32 v37;
	[tilespmem:s23+$0xFFFFFF20] =	vst v9;
	v4 =	vmul.f32 v42, v5;
	v44 =	vld [tilespmem:s0+$0xFFFFFFE0]  }
0x16c: {  	v45 =	vunpack.i.l.bf16.f32 v39;
	v6 =	vmul.f32 v43, v5;
	[tilespmem:s23+$0xFFFFFF30] =	vst v3  }
0x16d: {  	v49 =	vunpack.i.u.bf16.f32 v39;
	v3 =	vmul.f32 v45, v2;
	v46 =	vld [tilespmem:s0+$0xFFFFFFA0];
	[tilespmem:s23+$0xA0] =	vst v4  }
0x16e: {  	v2 =	vmul.f32 v49, v2;
	[tilespmem:s23+$0xB0] =	vst v6;
	v47 =	vunpack.i.l.bf16.f32 v14  }
0x16f: {  	[tilespmem:s12+$0xFFFFFF60] =	vst v3;
	v50 =	vld [tilespmem:s0+$0x60];
	v48 =	vunpack.i.u.bf16.f32 v14;
	v13 =	vmul.f32 v47, v12  }
0x170: {  	[tilespmem:s12+$0xFFFFFF70] =	vst v2;
	v4 =	vmul.f32 v48, v12;
	v3 =	vunpack.i.l.bf16.f32 v44  }
0x171: {  	v51 =	vld [tilespmem:s19+$0x70];
	v9 =	vunpack.i.u.bf16.f32 v44;
	[tilespmem:s23+$0x40] =	vst v13;
	v3 =	vmul.f32 v3, v11  }
0x172: {  	v53 =	vunpack.i.l.bf16.f32 v46;
	[tilespmem:s23+$0x50] =	vst v4;
	v52 =	vmul.f32 v9, v11  }
0x173: {  	v2 =	vunpack.i.u.bf16.f32 v46;
	v9 =	vmul.f32 v53, v20;
	v13 =	vld [tilespmem:s0+$0x30];
	[tilespmem:s23+$0xFFFFFFC0] =	vst v3  }
0x174: {  	v2 =	vmul.f32 v2, v20;
	[tilespmem:s23+$0xFFFFFFD0] =	vst v52;
	v3 =	vunpack.i.l.bf16.f32 v50  }
0x175: {  	v54 =	vunpack.i.u.bf16.f32 v50;
	[tilespmem:s23+$0xFFFFFF40] =	vst v9;
	v3 =	vmul.f32 v3, v5;
	v55 =	vld [tilespmem:s0+$0xFFFFFFF0]  }
0x176: {  	v56 =	vunpack.i.l.bf16.f32 v51;
	v4 =	vmul.f32 v54, v5;
	[tilespmem:s23+$0xFFFFFF50] =	vst v2  }
0x177: {  	v59 =	vunpack.i.u.bf16.f32 v51;
	v2 =	vmul.f32 v56, v1;
	[tilespmem:s23+$0xC0] =	vst v3;
	v3 =	vld [tilespmem:s0+$0xFFFFFFB0]  }
0x178: {  	v1 =	vmul.f32 v59, v1;
	[tilespmem:s23+$0xD0] =	vst v4;
	v57 =	vunpack.i.u.bf16.f32 v13  }
0x179: {  	[tilespmem:s12+$0xE0] =	vst v2;
	v58 =	vunpack.i.l.bf16.f32 v13;
	v2 =	vld [tilespmem:s0+$0x70];
	v9 =	vmul.f32 v57, v12  }
0x17a: {  	[tilespmem:s12+$0xF0] =	vst v1;
	v60 =	vmul.f32 v58, v12;
	v61 =	vunpack.i.l.bf16.f32 v55  }
0x17b: {  	v62 =	vunpack.i.u.bf16.f32 v55;
	[tilespmem:s23+$0x70] =	vst v9;
	v4 =	vmul.f32 v61, v11  }
0x17c: {  	[tilespmem:s23+$0x60] =	vst v60;
	v6 =	vmul.f32 v62, v11;
	v1 =	vunpack.i.l.bf16.f32 v3  }
0x17d: {  	v3 =	vunpack.i.u.bf16.f32 v3;
	v1 =	vmul.f32 v1, v20;
	[tilespmem:s23+$0xFFFFFFE0] =	vst v4  }
0x17e: {  	v63 =	vunpack.i.l.bf16.f32 v2;
	v3 =	vmul.f32 v3, v20;
	[tilespmem:s23+$0xFFFFFFF0] =	vst v6  }
0x17f: {  	v2 =	vunpack.i.u.bf16.f32 v2;
	v4 =	vmul.f32 v63, v5;
	[tilespmem:s23+$0xFFFFFF60] =	vst v1  }
0x180: {  	v1 =	vmul.f32 v2, v5;
	[tilespmem:s23+$0xFFFFFF70] =	vst v3  }
0x181: {  	[tilespmem:s23+$0xE0] =	vst v4  }
0x182: {  	[tilespmem:s23+$0xF0] =	vst v1  }
0x183: {  	_ =	swait.ge [sflag:s11], $0x80  }
0x184: {  	[sflag:s11] =	ssyncset.done $0x0  }
0x185: {  	[sflag:s11] =	ssyncadd.s32 $0xFFFFFF80  }
0x186: {  	_ =	swait.ge [sflag:s11], $0x80  }
0x187: {  	[sflag:s11] =	ssyncset.done $0x0  }
0x188: {  	s17 =	sadd.s32 $0x1, s17;
	[sflag:s11] =	ssyncadd.s32 $0xFFFFFF80  }
0x189: {  	p0 =	sne.s32 s17, s8;
	_ =	swait.ge [sflag:s11], $0x80  }
.Ltmp3:
0x18a: {  	[sflag:s11] =	ssyncset.done $0x0;
	(pc) =	sbr.rel @p0 .LBB2_4-.Ltmp3, $4  }
0x18b: {  	s31 =	simm.s32 $0x300;
	[sflag:s11] =	ssyncadd.s32 $0xFFFFFF80  }
0x18c: {  	[tilespmem:s31], [sflag:$0x1] =	stream.indirect.gather [hbm4b:s4+s22], $0x40, s3, s22, $0xb8;
	[tilespmem:$0x1FB80] =	vst v63  }
0x18d: {  	_ = 	snop  }
0x18e: {  	[spmem:s2] =	stream.indirect.scatter.add.f32 [tilespmem:s25], [sflag:$0x4], $0x80, s24, s22, $0xb8;
	[tilespmem:$0x1FB80] =	vst v63  }
0x18f: {  	_ =	swait.ge [sflag:s26], $0x2000  }
0x190: {  	[sflag:s26] =	ssyncset.done $0x0  }
0x191: {  	[sflag:s26] =	ssyncadd.s32 $0xFFFFE000  }
0x192: {  	_ =	swait.ge [sflag:s28], $0x4000  }
0x193: {  	[sflag:s28] =	ssyncset.done $0x0  }
0x194: {  	[sflag:s28] =	ssyncadd.s32 $0xFFFFC000  }
0x195: {  	[bflag:$0x0] =	sbarrier.arrive $0xFFFF  }
0x196: {  	s10 =	rddreg [dreg:$0x4]  }
0x197: {  	s0 =	rddreg [dreg:$0x8]  }
0x198: {  	s13 =	simm.s32 $0x7;
	s12 =	rddreg [dreg:$0xa]  }
0x199: {  	[hbm:s0], [sflag:s10] =	dma.local [spmem:s12], $0x2710  }
0x19a: {  	_ =	swait.ge [sflag:s13], $0x2710  }
0x19b: {  	s16 =	rddreg [dreg:$0xb]  }
0x19c: {  	s31 =	rddreg [dreg:$0x9];
	s16 =	sadd.s32 $0x1, s16  }
0x19d: {  	p0 =	sne.s32 s16, s31  }
.Ltmp4:
0x19e: {  	_ = 	snop;
	(pc) =	sbr.rel @p0 .LBB2_1-.Ltmp4, $3  }
0x19f: {  	_ =	sdelay $0x1  }
0x1a0: {  	[sflag:s13] =	ssyncset.done $0x0  }
0x1a1: {  	[sflag:s13] =	ssyncadd.s32 $0xFFFFD8F0  }
0x1a2: {  	_ =	sfence.sel $0x180000  }
0x1a3: {  	[bflag:$0x0] =	sbarrier.arrive $0xFFFF  }
0x1a4: {  	_ =	strace $0x9000004A  }
0x1a5: {  	s0 =	stileid.u32;
	[bflag:$0x2] =	sbarrier.arrive $0xFFFF  }
0x1a6: {  	p0 =	sne.s32 s0, $0x0;
	s0 =	rddreg [dreg:$0x2]  }
0x1a7: {  	s0 =	sadd.s32 @!p0 $0x100000, s0  }
0x1a8: {  	[sflag:s0] =	ssyncadd.tile.s32 @!p0 $0x1;
	_ =	shalt  }
.Lfunc_end2:
_tile_overlayer_lowered:
.L_overlay_start_2:
0x1a9: {  	(tag) =	ssettag $0x2  }
0x1aa: {  	s0 =	rddreg [dreg:$0x0];
	s2 =	stileid.u32  }
0x1ab: {  	s1 =	rddreg [dreg:$0x1];
	p0 =	sne.s32 s2, $0x0  }
0x1ac: {  	s3 =	rddreg [dreg:$0x2];
	[bflag:$0x3] =	sbarrier.arrive $0xFFFF;
	s2 =	simm.s32 @!p0 $0x1C07  }
0x1ad: {  	[timem:s3], [sflag:s2] =	dma.local @!p0 [hbm:s0], s1  }
0x1ae: {  	s0 =	simm.s32 @!p0 $0x7  }
0x1af: {  	_ =	swait.ge @!p0 [sflag:s0], s1  }
0x1b0: {  	s1 =	ssub.s32 @!p0 $0x0, s1;
	[sflag:s0] =	ssyncset.done @!p0 $0x0  }
0x1b1: {  	[sflag:s0] =	ssyncadd.s32 @!p0 s1  }
0x1b2: {  	[bflag:$0x3] =	sbarrier.arrive $0xFFFF  }
0x1b3: {  	_ =	shalt  }

// kernel: kernel.15.cloned.1.call-start
scs
__scs_entry_jumppad:
0x0: {  	(pc) =	sbr.rel $0x88, $3  }
0x1: {  	(tag) =	ssettag $0x0;
	lr =	simm.s32 $0x1  }
0x2: {  	[smem:$0x3F97] =	sst lr;
	_ =	strace $0xD0000000  }
0x3: {  	_ = 	snop  }
0x4: {  	_ = 	snop  }
0x5: {  	_ = 	snop  }
0x6: {  	_ = 	snop  }
0x7: {  	_ = 	snop  }
__scs_overlays_trampoline_lowered:
0x8: {  	[smem:$0x3FA6] =	sst s0  }
0x9: {  	[smem:$0x3FA7] =	sst s1  }
0xa: {  	[smem:$0x3FA8] =	sst s2  }
0xb: {  	[smem:$0x3FA9] =	sst s3  }
0xc: {  	[smem:$0x3FAA] =	sst s4  }
0xd: {  	[smem:$0x3FAB] =	sst s5  }
0xe: {  	[smem:$0x3FAC] =	sst s6  }
0xf: {  	[smem:$0x3FAD] =	sst s7  }
0x10: {  	[smem:$0x3FAE] =	sst s8  }
0x11: {  	[smem:$0x3FAF] =	sst s9;
	s0 =	simm.s32 @!p0 $0x0  }
0x12: {  	s1 =	sld [smem:$0x3F95];
	s0 =	simm.s32 @p0 $0x1  }
0x13: {  	[smem:$0x3FB0] =	sst s0;
	s0 =	simm.s32 @!p1 $0x0  }
0x14: {  	s2 =	sld [smem:$0x3F94];
	s0 =	simm.s32 @p1 $0x1  }
0x15: {  	[smem:$0x3FB1] =	sst s0;
	s0 =	simm.s32 @!p2 $0x0  }
0x16: {  	s3 =	sld [smem:$0x3FDB];
	s0 =	simm.s32 @p2 $0x1  }
0x17: {  	s4 =	simm.s32 $0x1BF5;
	[smem:$0x3FB3] =	sst s0  }
0x18: {  	s0 =	sld [smem:$0x3F96];
	_ =	swait.ge [sflag:s4], $0x0  }
0x19: {  	s7 =	sld [smem:$0x3F97]  }
0x1a: {  	s8 =	sadd.s32 $0xFFFFE003, lr  }
0x1b: {  	s9 =	sadd.s32 $0xFFFFFEF7, lr;
	s5 =	simm.s32 $0xFFFFFFFF;
	p2 =	slt.u32 s8, $0xFFFFF086  }
0x1c: {  	p1 =	slt.u32 s9, $0xF7A;
	s5 =	simm.s32 @!p2 $0x0  }
0x1d: {  	s5 =	simm.s32 @p1 $0x1;
	p0 =	seq.s32 s7, s2  }
0x1e: {  	s7 =	smul.u32 @!p0 $0xF7A, s2;
	p2 =	seq.s32 @!p0 s5, $0x0  }
0x1f: {  	s9 =	smul.u32 $0xF7A, s1;
	s8 =	simm.s32 @!p0 $0x1BF5;
	p2 =	por !p2, p0  }
0x20: {  	[sflag:s8] =	ssyncset.s32 @!p0 $0xFFFFF086;
	s6 =	sadd.s32 @!p0 s3, s7;
	s7 =	simm.s32 @!p0 $0x108  }
0x21: {  	s3 =	sadd.s32 s3, s9;
	s6 =	sadd.s32 @!p0 $0x88, s6;
	s7 =	simm.s32 @p2 $0x1082  }
0x22: {  	[simem:s7], [sflag:s8] =	dma.local @!p0 [hbm:s6], $0xF7A  }
0x23: {  	s9 =	sor.u32 $0xD0000000, s2;
	s6 =	simm.s32 $0x108;
	_ =	swait.ge @!p0 [sflag:s8], $0x0  }
0x24: {  	s3 =	sadd.s32 $0x88, s3;
	s6 =	simm.s32 @!p1 $0x1082;
	[sflag:s4] =	ssyncset.s32 $0xFFFFF086  }
0x25: {  	[simem:s6], [sflag:s4] =	dma.local [hbm:s3], $0xF7A  }
0x26: {  	[smem:$0x3F97] =	sst s1;
	(tag) =	ssettag s2;
	_ =	strace s9  }
0x27: {  	s1 =	sld [smem:$0x3FA7]  }
0x28: {  	s2 =	sld [smem:$0x3FA8]  }
0x29: {  	s4 =	sld [smem:$0x3FAA]  }
0x2a: {  	p0 =	seq.s32 s5, $0x0;
	s5 =	sld [smem:$0x3FAB]  }
0x2b: {  	s6 =	sld [smem:$0x3FAC]  }
0x2c: {  	s7 =	sld [smem:$0x3FAD]  }
0x2d: {  	s3 =	simm.s32 $0x108;
	s8 =	sld [smem:$0x3FAE]  }
0x2e: {  	s3 =	simm.s32 @!p0 $0x1082;
	s9 =	sld [smem:$0x3FAF]  }
0x2f: {  	lr =	sadd.s32 s0, s3;
	s0 =	sld [smem:$0x3FA6]  }
0x30: {  	s3 =	sld [smem:$0x3FA9]  }
0x31: {  	[smem:$0x3FB2] =	sst s10  }
0x32: {  	s10 =	sld [smem:$0x3FB0];
	_ =	sdelay $0x3  }
0x33: {  	p0 =	seq.s32 s10, $0x1;
	s10 =	sld [smem:$0x3FB2];
	_ =	sdelay $0x3  }
0x34: {  	[smem:$0x3FB2] =	sst s10  }
0x35: {  	s10 =	sld [smem:$0x3FB1];
	_ =	sdelay $0x3  }
0x36: {  	p1 =	seq.s32 s10, $0x1;
	s10 =	sld [smem:$0x3FB2];
	_ =	sdelay $0x3  }
0x37: {  	[smem:$0x3FB2] =	sst s10  }
0x38: {  	s10 =	sld [smem:$0x3FB3]  }
0x39: {  	_ = 	snop;
	(pc) =	sbr.ind lr, $3  }
0x3a: {  	_ = 	snop  }
0x3b: {  	_ = 	snop  }
0x3c: {  	p2 =	seq.s32 s10, $0x1;
	s10 =	sld [smem:$0x3FB2]  }
0x3d: {  	_ =	shalt  }
0x3e: {  	_ =	shalt  }
0x3f: {  	_ =	shalt  }
0x40: {  	_ =	shalt  }
0x41: {  	_ =	shalt  }
0x42: {  	_ =	shalt  }
0x43: {  	_ =	shalt  }
0x44: {  	_ =	shalt  }
0x45: {  	_ =	shalt  }
0x46: {  	_ =	shalt  }
0x47: {  	_ =	shalt  }
0x48: {  	_ =	shalt  }
0x49: {  	_ =	shalt  }
0x4a: {  	_ =	shalt  }
0x4b: {  	_ =	shalt  }
0x4c: {  	_ =	shalt  }
0x4d: {  	_ =	shalt  }
0x4e: {  	_ =	shalt  }
0x4f: {  	_ =	shalt  }
0x50: {  	_ =	shalt  }
0x51: {  	_ =	shalt  }
0x52: {  	_ =	shalt  }
0x53: {  	_ =	shalt  }
0x54: {  	_ =	shalt  }
0x55: {  	_ =	shalt  }
0x56: {  	_ =	shalt  }
0x57: {  	_ =	shalt  }
0x58: {  	_ =	shalt  }
0x59: {  	_ =	shalt  }
0x5a: {  	_ =	shalt  }
0x5b: {  	_ =	shalt  }
0x5c: {  	_ =	shalt  }
0x5d: {  	_ =	shalt  }
0x5e: {  	_ =	shalt  }
0x5f: {  	_ =	shalt  }
0x60: {  	_ =	shalt  }
0x61: {  	_ =	shalt  }
0x62: {  	_ =	shalt  }
0x63: {  	_ =	shalt  }
0x64: {  	_ =	shalt  }
0x65: {  	_ =	shalt  }
0x66: {  	_ =	shalt  }
0x67: {  	_ =	shalt  }
0x68: {  	_ =	shalt  }
0x69: {  	_ =	shalt  }
0x6a: {  	_ =	shalt  }
0x6b: {  	_ =	shalt  }
0x6c: {  	_ =	shalt  }
0x6d: {  	_ =	shalt  }
0x6e: {  	_ =	shalt  }
0x6f: {  	_ =	shalt  }
0x70: {  	_ =	shalt  }
0x71: {  	_ =	shalt  }
0x72: {  	_ =	shalt  }
0x73: {  	_ =	shalt  }
0x74: {  	_ =	shalt  }
0x75: {  	_ =	shalt  }
0x76: {  	_ =	shalt  }
0x77: {  	_ =	shalt  }
0x78: {  	_ =	shalt  }
0x79: {  	_ =	shalt  }
0x7a: {  	_ =	shalt  }
0x7b: {  	_ =	shalt  }
0x7c: {  	_ =	shalt  }
0x7d: {  	_ =	shalt  }
0x7e: {  	_ =	shalt  }
0x7f: {  	_ =	shalt  }
0x80: {  	_ =	shalt  }
0x81: {  	_ =	shalt  }
0x82: {  	_ =	shalt  }
0x83: {  	_ =	shalt  }
0x84: {  	_ =	shalt  }
0x85: {  	_ =	shalt  }
0x86: {  	_ =	shalt  }
0x87: {  	_ =	shalt  }
.Lfunc_end0:
.L_simem_size_0:
called_computation.2_lowered:
.L_overlay_start_0:
0x88: {  	s2 =	sld [smem:$0x3FD9]  }
0x89: {  	s3 =	sld [smem:$0x3FFE];
	_ =	sdelay $0x1  }
0x8a: {  	s1 =	srdreg.scid  }
0x8b: {  	s0 =	sand.u32 $0x1, s1  }
0x8c: {  	s16 =	sshll.u32 s0, $0xA;
	s2 =	sadd.s32 s3, s2  }
0x8d: {  	s2 =	sadd.s32 s2, s16  }
0x8e: {  	[smem:$0x3FBE] =	sst s2  }
0x8f: {  	_ = 	snop  }
0x90: {  	(tm) =	ssettm $0x1  }
0x91: {  	s17 =	sld [smem:$0x3FFB];
	_ =	sdelay $0x3  }
0x92: {  	_ =	strace s17  }
0x93: {  	s2 =	sld [smem:$0x3FFC];
	_ =	sdelay $0x3  }
0x94: {  	_ =	strace s2  }
0x95: {  	s2 =	sld [smem:$0x3FFD];
	_ =	sdelay $0x3  }
0x96: {  	_ =	strace s2  }
0x97: {  	_ =	strace $0x8FFFFFFF  }
0x98: {  	s18 =	sld [smem:$0x3FDB];
	_ =	sdelay $0x1  }
0x99: {  	s19 =	simm.s32 $_scs_section_size  }
0x9a: {  	s4 =	simm.s32 $_size__tile_overlayer_lowered;
	s5 =	simm.s32 $_tile_overlayer_lowered  }
0x9b: {  	s22 =	simm.s32 $0x1BFF;
	s21 =	sshll.u32 s5, $0x1;
	s2 =	sadd.s32 s19, s18  }
0x9c: {  	s6 =	simm.s32 $0x0;
	s20 =	sshll.u32 s4, $0x1;
	s4 =	sadd.s32 s21, s2  }
0x9d: {  	[timem:s6], [sflag:s22] =	dma.local [hbm:s4], s20  }
0x9e: {  	_ =	swait.ge [sflag:s22], s20  }
0x9f: {  	s3 =	ssub.s32 $0x0, s20;
	[sflag:s22] =	ssyncset.done $0x0  }
0xa0: {  	[sflag:s22] =	ssyncadd.s32 s3;
	_ =	sdelay $0x1  }
0xa1: {  	s23 =	simm.s32 $0x1B8B  }
0xa2: {  	_ =	swait.ge [sflag:s23], $0x1  }
0xa3: {  	[sflag:s23] =	ssyncset.done $0x0  }
0xa4: {  	s25 =	simm.s32 $0x1B8E;
	s24 =	sld [smem:$0x3FFE];
	[sflag:s23] =	ssyncadd.s32 $0xFFFFFFFF  }
0xa5: {  	s26 =	simm.s32 $execute0_lowered;
	[smem:$0x3FD2] =	sst s25  }
0xa6: {  	s4 =	sshll.u32 s26, $0x1;
	_ =	strace $0x8000004C;
	[dreg:$0x1] =	wrdreg $0xFFFFFFFF  }
0xa7: {  	s28 =	simm.s32 $_size_execute0_lowered;
	s2 =	sadd.s32 s2, s4;
	[dreg:$0x0] =	wrdreg $0x0  }
0xa8: {  	s4 =	sshll.u32 s28, $0x1;
	[dreg:$0x2] =	wrdreg s2  }
0xa9: {  	[dreg:$0x3] =	wrdreg s4  }
0xaa: {  	[dreg:$0x4] =	wrdreg $0xC0  }
0xab: {  	_ =	task [dreg:s6], $0x5FFFF  }
0xac: {  	[dreg:$0x1] =	wrdreg $0xFFFFFFFF  }
0xad: {  	[dreg:$0x0] =	wrdreg $0x60  }
0xae: {  	[dreg:$0x2] =	wrdreg s24  }
0xaf: {  	[dreg:$0x3] =	wrdreg $0xC3000  }
0xb0: {  	[dreg:$0x4] =	wrdreg $0x9  }
0xb1: {  	_ =	task.clear_ibuf [dreg:s6], $0x5FFFF;
	_ =	strace $0x9000004C  }
0xb2: {  	s29 =	simm.s32 $0x9;
	_ =	strace $0x8000004E  }
0xb3: {  	_ =	swait.ge [sflag:s29], $0x1  }
0xb4: {  	[sflag:s29] =	ssyncadd.s32 $0xFFFFFFFF  }
0xb5: {  	_ =	strace $0x9000004E  }
0xb6: {  	_ =	sfence  }
0xb7: {  	s30 =	sld [smem:$0x0];
	_ =	sdelay $0x2  }
0xb8: {  	s31 =	sshll.u32 s1, $0xD;
	s1 =	sshrl.u32 s1, $0x2  }
0xb9: {  	s3 =	sand.u32 $0x4000, s31;
	s1 =	sadd.s32 s1, s30  }
0xba: {  	s0 =	sor.u32 s3, s0;
	s1 =	sshll.u32 s1, $0x11  }
0xbb: {  	s0 =	sor.u32 s1, s0  }
0xbc: {  	s0 =	sadd.s32 $0x8F2B, s0  }
0xbd: {  	[sflag:s0] =	ssyncadd.remote.s32 $0x1  }
0xbe: {  	_ =	sfence.sel $0xFFFF  }
0xbf: {  	[dreg:$0x0] =	wrdreg $0xFFFFFFFF;
	(pc) =	sbr.abs _section_cstart, $3  }
0xc0: {  	[dreg:$0x1] =	wrdreg $0xFFFFFFFF  }
0xc1: {  	_ =	task.clear_ibuf [dreg:s6], $0x2FFFF;
	_ =	strace $0x9FFFFFFF  }
0xc2: {  	(tm) =	ssettm $0x7FFFFFFF  }
0xc3: {  	_ =	shalt  }
tec
execute0_lowered:
.L_overlay_start_1:
0x0: {  	(tag) =	ssettag $0x1  }
0x1: {  	s0 =	rddreg [dreg:$0x0]  }
0x2: {  	s2 =	rddreg [dreg:$0x1];
	s3 =	simm.s32 $0x0  }
0x3: {  	s15 =	stileid.u32;
	s1 =	srdreg.scid;
	s20 =	simm.s32 $0x100  }
0x4: {  	s21 =	simm.s32 $0x200;
	s28 =	simm.s32 $0x4;
	s29 =	simm.s32 $0x280  }
0x5: {  	s30 =	simm.s32 $0x6;
	s16 =	simm.s32 $0x0;
	[smem:$0x7FF] =	sst s3  }
0x6: {  	s9 =	smul.u32 $0x13880, s15;
	s1 =	sand.u32 $0x1, s1;
	s4 =	sadd.s32 $0x29E00, s0  }
0x7: {  	s5 =	sadd.s32 $0x1FC00, s0;
	s6 =	sadd.s32 $0x1A00, s0;
	s11 =	smul.u32 $0x5000, s15  }
0x8: {  	s7 =	sadd.s32 $0xBC00, s0;
	s23 =	sshll.u32 s15, $0x6;
	s8 =	smul.u32 $0x138800, s1  }
0x9: {  	_ =	strace $0x8000004D;
	s12 =	ssub.s32 $0x2, s1;
	s13 =	smul.u32 $0x3700, s1  }
0xa: {  	p0 =	seq.s32 s1, $0x0;
	s1 =	simm.s32 $0x2;
	s10 =	sshrl.u32 s9, $0x3  }
0xb: {  	s14 =	sshrl.u32 s12, $0x1;
	s8 =	sadd.s32 s9, s8;
	s10 =	sadd.s32 s10, s0  }
0xc: {  	s22 =	ssub.s32 s12, s14;
	s11 =	sadd.s32 s13, s11;
	s9 =	sadd.s32 s9, s2  }
0xd: {  	s8 =	sshrl.u32 s8, $0x3;
	s13 =	sshrl.u32 s11, $0x3;
	s10 =	sadd.s32 $0x3D800, s10  }
0xe: {  	s14 =	sor.u32 $0x80, s11;
	s15 =	sadd.s32 $0x100, s11;
	s31 =	smax.u32 s22, $0x1  }
0xf: {  	s12 =	sshrl.u32 s9, $0x3;
	s22 =	simm.s32 $0x80;
	[dreg:$0x3] =	wrdreg s10  }
0x10: {  	s9 =	simm.s32 $0x3;
	s11 =	simm.s32 $0x5;
	[dreg:$0x9] =	wrdreg s31  }
0x11: {  	s0 =	sadd.s32 s8, s0;
	s24 =	sadd.s32 s5, s13;
	[dreg:$0xa] =	wrdreg s12  }
0x12: {  	s8 =	simm.s32 $0x37;
	s25 =	sadd.s32 s6, s13;
	[dreg:$0x5] =	wrdreg s24  }
0x13: {  	s10 =	sor.u32 $0x1C07, s23;
	s26 =	sadd.s32 s7, s13;
	[dreg:$0x6] =	wrdreg s25  }
0x14: {  	s13 =	simm.s32 $0x7;
	s8 =	simm.s32 @!p0 $0x19;
	[dreg:$0x7] =	wrdreg s26  }
0x15: {  	s0 =	sadd.s32 $0x64A00, s0;
	s24 =	simm.s32 $0x180;
	[dreg:$0x4] =	wrdreg s10  }
0x16: {  	v0 =	vimm.f32 $0.0e+00;
	s25 =	simm.s32 $0x8300;
	s26 =	simm.s32 $0x1;
	[dreg:$0x8] =	wrdreg s0  }
.LBB2_1:
0x17: {  	[dreg:$0xb] =	wrdreg s16  }
0x18: {  	s0 =	rddreg [dreg:$0x3]  }
0x19: {  	[spmem:s12], [sflag:s10] =	dma.local [hbm:s0], $0x2710  }
0x1a: {  	_ =	swait.ge [sflag:s13], $0x2710  }
0x1b: {  	[sflag:s13] =	ssyncset.done $0x0  }
0x1c: {  	[sflag:s13] =	ssyncadd.s32 $0xFFFFD8F0  }
0x1d: {  	[bflag:$0x0] =	sbarrier.arrive $0xFFFF  }
0x1e: {  	s18 =	rddreg [dreg:$0x5]  }
0x1f: {  	[tilespmem:s3], [sflag:$0x7] =	stream.linear.gather [hbm4b:s18+s3], $0x80, $0x38;
	[tilespmem:$0x1FB80] =	vst v63  }
0x20: {  	_ =	swait.ge [sflag:s13], $0x80  }
0x21: {  	[sflag:s13] =	ssyncset.done $0x0  }
0x22: {  	s19 =	rddreg [dreg:$0x6];
	[sflag:s13] =	ssyncadd.s32 $0xFFFFFF80  }
0x23: {  	[tilespmem:s20], [sflag:$0x7] =	stream.linear.gather [hbm4b:s19+s3], $0x80, $0x38;
	[tilespmem:$0x1FB80] =	vst v63  }
0x24: {  	_ =	swait.ge [sflag:s13], $0x80  }
0x25: {  	[sflag:s13] =	ssyncset.done $0x0  }
0x26: {  	s23 =	rddreg [dreg:$0x7];
	[sflag:s13] =	ssyncadd.s32 $0xFFFFFF80  }
0x27: {  	[tilespmem:s21], [sflag:$0x7] =	stream.linear.gather [hbm4b:s23+s3], $0x80, $0x38;
	[tilespmem:$0x1FB80] =	vst v63  }
0x28: {  	_ =	swait.ge [sflag:s13], $0x80  }
0x29: {  	[sflag:s13] =	ssyncset.done $0x0  }
0x2a: {  	s31 =	simm.s32 $0x300;
	[sflag:s13] =	ssyncadd.s32 $0xFFFFFF80  }
0x2b: {  	[tilespmem:s31], [sflag:$0x1] =	stream.indirect.gather [hbm4b:s4+s22], $0x40, s3, s22, $0xb8;
	[tilespmem:$0x1FB80] =	vst v63  }
0x2c: {  	_ = 	snop  }
0x2d: {  	[tilespmem:s24], [sflag:$0x7] =	stream.linear.gather [hbm4b:s19+s3], $0x80, $0x38;
	[tilespmem:$0x1FB80] =	vst v63  }
0x2e: {  	_ =	swait.ge [sflag:s13], $0x80  }
0x2f: {  	[sflag:s13] =	ssyncset.done $0x0  }
0x30: {  	s0 =	simm.s32 $0x0;
	s10 =	simm.s32 $0x200;
	[sflag:s13] =	ssyncadd.s32 $0xFFFFFF80  }
.LBB2_2:
0x31: {  	p0 =	sne.s32 s10, $0xFE00;
	[tilespmem:s0+$0x8370] =	vst v0  }
0x32: {  	[tilespmem:s0+$0x8300] =	vst v0  }
0x33: {  	[tilespmem:s0+$0x8310] =	vst v0  }
.Ltmp0:
0x34: {  	[tilespmem:s0+$0x8320] =	vst v0;
	(pc) =	sbr.rel @p0 .LBB2_2-.Ltmp0, $4  }
0x35: {  	[tilespmem:s0+$0x8330] =	vst v0  }
0x36: {  	[tilespmem:s0+$0x8340] =	vst v0  }
0x37: {  	[tilespmem:s0+$0x8350] =	vst v0  }
0x38: {  	[tilespmem:s0+$0x8360] =	vst v0;
	s0 =	sshra.s32 s10, $0x2;
	s10 =	sadd.s32 $0x200, s10  }
0x39: {  	[tilespmem:s0+$0x8370] =	vst v0  }
0x3a: {  	[tilespmem:s0+$0x8300] =	vst v0  }
0x3b: {  	[tilespmem:s0+$0x8310] =	vst v0  }
0x3c: {  	[tilespmem:s0+$0x8320] =	vst v0  }
0x3d: {  	[tilespmem:s0+$0x8330] =	vst v0  }
0x3e: {  	[tilespmem:s0+$0x8340] =	vst v0  }
0x3f: {  	[tilespmem:s0+$0x8350] =	vst v0  }
0x40: {  	[tilespmem:s0+$0x8360] =	vst v0;
	s16 =	simm.s32 $0x0;
	s17 =	simm.s32 $0x0  }
0x41: {  	[spmem:s2] =	stream.indirect.scatter.add.f32 [tilespmem:s25], [sflag:$0x4], $0x80, s24, s22, $0xb8;
	[tilespmem:$0x1FB80] =	vst v63  }
.LBB2_4:
0x42: {  	_ =	swait.ge [sflag:s26], $0x2000  }
0x43: {  	[sflag:s26] =	ssyncset.done $0x0  }
0x44: {  	s10 =	sshll.u32 s17, $0x8;
	[sflag:s26] =	ssyncadd.s32 $0xFFFFE000  }
0x45: {  	s0 =	sadd.s32 s10, s14;
	_ =	swait.ge [sflag:s28], $0x4000  }
0x46: {  	s13 =	simm.s32 $0x2;
	s0 =	sshrl.u32 s0, $0x3;
	[sflag:s28] =	ssyncset.done $0x0  }
0x47: {  	v1 =	vmov s13;
	s12 =	sadd.s32 s5, s0;
	[sflag:s28] =	ssyncadd.s32 $0xFFFFC000  }
0x48: {  	v1 =	vand.u32 $0xFFFFFFFE, v1;
	[tilespmem:s22], [sflag:$0x6] =	stream.linear.gather [hbm4b:s12+s16], $0x80, $0x38;
	[tilespmem:$0x1FB80] =	vst v63  }
0x49: {  	s18 =	simm.s32 $0x1;
	s13 =	sadd.s32 s6, s0;
	v1 =	vbroadcast v1, $0x0  }
0x4a: {  	v2 =	vmov s18;
	[tilespmem:s24], [sflag:$0x6] =	stream.linear.gather [hbm4b:s13+s16], $0x80, $0x38;
	[tilespmem:$0x1FB80] =	vst v63  }
0x4b: {  	v2 =	vand.u32 $0xFFFFFFFD, v2;
	s0 =	sadd.s32 s7, s0  }
0x4c: {  	v3 =	vmov s16;
	v2 =	vbroadcast v2, $0x0;
	[tilespmem:s29], [sflag:$0x6] =	stream.linear.gather [hbm4b:s0+s16], $0x80, $0x38;
	[tilespmem:$0x1FB80] =	vst v63  }
0x4d: {  	v3 =	vand.u32 $0xFFFFFFFC, v3;
	s0 =	simm.s32 $0x380  }
0x4e: {  	v3 =	vbroadcast v3, $0x0;
	v4 =	vld [tilespmem:s0+$0x0]  }
0x4f: {  	s19 =	simm.s32 $0x3;
	v8 =	vld.idx.msk [tilespmem:v1+s21+$0x0], $0xffff  }
0x50: {  	v1 =	vmov s19  }
0x51: {  	v9 =	vld [tilespmem:s0+$0xFFFFFFC0]  }
0x52: {  	v7 =	vld.idx.msk [tilespmem:v2+s21+$0x0], $0xffff  }
0x53: {  	v10 =	vld [tilespmem:s0+$0xFFFFFF80];
	v2 =	vunpack.i.l.bf16.f32 v4  }
0x54: {  	v6 =	vld.idx.msk [tilespmem:v3+s21+$0x0], $0xffff;
	v4 =	vunpack.i.u.bf16.f32 v4;
	v2 =	vmul.f32 v2, v8  }
0x55: {  	s12 =	simm.s32 $0x4400;
	v5 =	vld.idx.msk [tilespmem:v1+s21+$0x0], $0xffff;
	v3 =	vmul.f32 v4, v8  }
0x56: {  	v1 =	vunpack.i.l.bf16.f32 v9;
	v4 =	vld [tilespmem:s0+$0x40];
	[tilespmem:s12+$0x0] =	vst v2  }
0x57: {  	v1 =	vmul.f32 v1, v7;
	[tilespmem:s12+$0x10] =	vst v3;
	v2 =	vunpack.i.u.bf16.f32 v9  }
0x58: {  	v9 =	vunpack.i.l.bf16.f32 v10;
	v3 =	vld [tilespmem:s0+$0x10];
	v2 =	vmul.f32 v2, v7  }
0x59: {  	v10 =	vunpack.i.u.bf16.f32 v10;
	[tilespmem:s12+$0xFFFFFF80] =	vst v1;
	v9 =	vmul.f32 v9, v6  }
0x5a: {  	v10 =	vmul.f32 v10, v6;
	[tilespmem:s12+$0xFFFFFF90] =	vst v2  }
0x5b: {  	v1 =	vunpack.i.l.bf16.f32 v4;
	v2 =	vunpack.i.u.bf16.f32 v4;
	[tilespmem:s12+$0xFFFFFF00] =	vst v9;
	v4 =	vld [tilespmem:s0+$0xFFFFFFD0]  }
0x5c: {  	[tilespmem:s12+$0xFFFFFF10] =	vst v10;
	v1 =	vmul.f32 v1, v5  }
0x5d: {  	v2 =	vmul.f32 v2, v5;
	v10 =	vld [tilespmem:s0+$0xFFFFFF90];
	v9 =	vunpack.i.l.bf16.f32 v3  }
0x5e: {  	[tilespmem:s12+$0x80] =	vst v1;
	v1 =	vunpack.i.u.bf16.f32 v3;
	v3 =	vmul.f32 v9, v8  }
0x5f: {  	[tilespmem:s12+$0x90] =	vst v2;
	v1 =	vmul.f32 v1, v8  }
0x60: {  	v2 =	vld [tilespmem:s0+$0x50];
	[tilespmem:s12+$0x20] =	vst v3;
	v3 =	vunpack.i.l.bf16.f32 v4  }
0x61: {  	[tilespmem:s12+$0x30] =	vst v1;
	v1 =	vunpack.i.u.bf16.f32 v4;
	v3 =	vmul.f32 v3, v7  }
0x62: {  	s23 =	simm.s32 $0x4;
	v11 =	vunpack.i.l.bf16.f32 v10;
	v4 =	vld [tilespmem:s0+$0x20];
	v1 =	vmul.f32 v1, v7  }
0x63: {  	v9 =	vmov s23;
	v10 =	vunpack.i.u.bf16.f32 v10;
	v11 =	vmul.f32 v11, v6;
	[tilespmem:s12+$0xFFFFFFA0] =	vst v3  }
0x64: {  	s18 =	simm.s32 $0x7;
	s19 =	simm.s32 $0x6;
	v3 =	vand.u32 $0xFFFFFFFC, v9;
	v9 =	vmul.f32 v10, v6;
	[tilespmem:s12+$0xFFFFFFB0] =	vst v1  }
0x65: {  	v12 =	vmov s18;
	v1 =	vunpack.i.l.bf16.f32 v2;
	[tilespmem:s12+$0xFFFFFF20] =	vst v11;
	v11 =	vmov s19;
	v10 =	vld [tilespmem:s0+$0xFFFFFFE0]  }
0x66: {  	v2 =	vunpack.i.u.bf16.f32 v2;
	v1 =	vmul.f32 v1, v5;
	[tilespmem:s12+$0xFFFFFF30] =	vst v9;
	v9 =	vand.u32 $0xFFFFFFFE, v11  }
0x67: {  	v2 =	vmul.f32 v2, v5;
	v11 =	vunpack.i.l.bf16.f32 v4;
	v9 =	vbroadcast v9, $0x0  }
0x68: {  	s13 =	simm.s32 $0x480;
	s23 =	simm.s32 $0x5;
	v3 =	vbroadcast v3, $0x0;
	v13 =	vld [tilespmem:s0+$0xFFFFFFA0];
	[tilespmem:s12+$0xA0] =	vst v1;
	v1 =	vunpack.i.u.bf16.f32 v4;
	v4 =	vmul.f32 v11, v8  }
0x69: {  	v15 =	vld [tilespmem:s13+$0x0];
	[tilespmem:s12+$0xB0] =	vst v2;
	v11 =	vmov s23;
	v2 =	vmul.f32 v1, v8  }
0x6a: {  	v1 =	vand.u32 $0xFFFFFFFD, v11;
	v11 =	vld [tilespmem:s0+$0x60];
	[tilespmem:s12+$0x40] =	vst v4;
	v4 =	vunpack.i.l.bf16.f32 v10  }
0x6b: {  	v14 =	vbroadcast v1, $0x0;
	v1 =	vld.idx.msk [tilespmem:v12+s21+$0x0], $0xffff;
	[tilespmem:s12+$0x50] =	vst v2;
	v4 =	vmul.f32 v4, v7  }
0x6c: {  	v2 =	vunpack.i.u.bf16.f32 v10;
	v10 =	vld [tilespmem:s0+$0x30]  }
0x6d: {  	v12 =	vmul.f32 v2, v7;
	v2 =	vunpack.i.l.bf16.f32 v13;
	[tilespmem:s12+$0xFFFFFFC0] =	vst v4;
	v4 =	vld.idx.msk [tilespmem:v9+s21+$0x0], $0xffff  }
0x6e: {  	v13 =	vunpack.i.u.bf16.f32 v13;
	v16 =	vmul.f32 v2, v6;
	v2 =	vld.idx.msk [tilespmem:v3+s21+$0x0], $0xffff  }
0x6f: {  	v9 =	vmul.f32 v13, v6;
	[tilespmem:s12+$0xFFFFFFD0] =	vst v12;
	v13 =	vld [tilespmem:s13+$0xFFFFFFC0];
	v3 =	vunpack.i.l.bf16.f32 v11  }
0x70: {  	v11 =	vunpack.i.u.bf16.f32 v11;
	[tilespmem:s12+$0xFFFFFF40] =	vst v16;
	v12 =	vmul.f32 v3, v5;
	v16 =	vld [tilespmem:s13+$0x40]  }
0x71: {  	v11 =	vmul.f32 v11, v5;
	[tilespmem:s12+$0xFFFFFF50] =	vst v9;
	v3 =	vld.idx.msk [tilespmem:v14+s21+$0x0], $0xffff;
	v9 =	vunpack.i.u.bf16.f32 v10  }
0x72: {  	v14 =	vld [tilespmem:s13+$0xFFFFFF80];
	[tilespmem:s12+$0xC0] =	vst v12;
	v9 =	vmul.f32 v9, v8;
	v12 =	vunpack.i.l.bf16.f32 v15  }
0x73: {  	[tilespmem:s12+$0xD0] =	vst v11;
	v11 =	vunpack.i.u.bf16.f32 v15;
	v12 =	vmul.f32 v12, v4  }
0x74: {  	s19 =	simm.s32 $0x4600;
	v10 =	vunpack.i.l.bf16.f32 v10;
	v15 =	vld [tilespmem:s0+$0xFFFFFFF0];
	[tilespmem:s12+$0x70] =	vst v9;
	v9 =	vmul.f32 v11, v4  }
0x75: {  	v8 =	vmul.f32 v10, v8;
	v10 =	vld [tilespmem:s0+$0xFFFFFFB0];
	v11 =	vunpack.i.l.bf16.f32 v13;
	[tilespmem:s19+$0x0] =	vst v12  }
0x76: {  	v13 =	vunpack.i.u.bf16.f32 v13;
	v12 =	vld [tilespmem:s0+$0x70];
	v17 =	vunpack.i.u.bf16.f32 v16;
	v11 =	vmul.f32 v11, v3;
	[tilespmem:s19+$0x10] =	vst v9  }
0x77: {  	[tilespmem:s12+$0x60] =	vst v8;
	v9 =	vunpack.i.l.bf16.f32 v14;
	v8 =	vmul.f32 v13, v3;
	v14 =	vunpack.i.u.bf16.f32 v14;
	v13 =	vld [tilespmem:s13+$0x10]  }
0x78: {  	v9 =	vmul.f32 v9, v2;
	v14 =	vmul.f32 v14, v2;
	[tilespmem:s19+$0xFFFFFF80] =	vst v11;
	v11 =	vunpack.i.l.bf16.f32 v16  }
0x79: {  	v16 =	vunpack.i.u.bf16.f32 v15;
	[tilespmem:s19+$0xFFFFFF90] =	vst v8;
	v8 =	vunpack.i.l.bf16.f32 v15;
	v15 =	vmul.f32 v17, v1  }
0x7a: {  	v18 =	vunpack.i.u.bf16.f32 v10;
	v11 =	vmul.f32 v11, v1;
	v17 =	vld [tilespmem:s13+$0xFFFFFFD0];
	[tilespmem:s19+$0xFFFFFF10] =	vst v14;
	v14 =	vmul.f32 v8, v7  }
0x7b: {  	[tilespmem:s19+$0xFFFFFF00] =	vst v9;
	v9 =	vunpack.i.l.bf16.f32 v10;
	v16 =	vmul.f32 v16, v7;
	v8 =	vmul.f32 v18, v6  }
0x7c: {  	s23 =	simm.s32 $0xB;
	v10 =	vunpack.i.u.bf16.f32 v12;
	v19 =	vld [tilespmem:s13+$0xFFFFFF90];
	v9 =	vmul.f32 v9, v6;
	[tilespmem:s19+$0x90] =	vst v15;
	v7 =	vunpack.i.l.bf16.f32 v13  }
0x7d: {  	v15 =	vmov s23;
	[tilespmem:s19+$0x80] =	vst v11;
	v11 =	vunpack.i.u.bf16.f32 v13;
	v13 =	vmul.f32 v7, v4  }
0x7e: {  	s18 =	simm.s32 $0x8;
	[tilespmem:s12+$0xFFFFFFE0] =	vst v14;
	v6 =	vmul.f32 v10, v5;
	v7 =	vunpack.i.l.bf16.f32 v12;
	v11 =	vmul.f32 v11, v4;
	v12 =	vld [tilespmem:s13+$0x50]  }
0x7f: {  	v10 =	vmov s18;
	v7 =	vmul.f32 v7, v5;
	v5 =	vunpack.i.l.bf16.f32 v17;
	[tilespmem:s19+$0x20] =	vst v13  }
0x80: {  	v10 =	vand.u32 $0xFFFFFFFC, v10;
	v13 =	vunpack.i.u.bf16.f32 v17;
	v5 =	vmul.f32 v5, v3;
	[tilespmem:s19+$0x30] =	vst v11  }
0x81: {  	[tilespmem:s12+$0xFFFFFFF0] =	vst v16;
	s18 =	simm.s32 $0x9;
	v10 =	vbroadcast v10, $0x0;
	v14 =	vunpack.i.u.bf16.f32 v19;
	v11 =	vmul.f32 v13, v3;
	v17 =	vld [tilespmem:s13+$0x20]  }
0x82: {  	v13 =	vunpack.i.l.bf16.f32 v19;
	v16 =	vmul.f32 v14, v2;
	[tilespmem:s19+$0xFFFFFFA0] =	vst v5;
	v5 =	vmov s18  }
0x83: {  	v13 =	vmul.f32 v13, v2;
	[tilespmem:s19+$0xFFFFFFB0] =	vst v11;
	v11 =	vunpack.i.l.bf16.f32 v12;
	v5 =	vand.u32 $0xFFFFFFFD, v5  }
0x84: {  	s23 =	simm.s32 $0xA;
	v12 =	vunpack.i.u.bf16.f32 v12;
	[tilespmem:s19+$0xFFFFFF30] =	vst v16;
	v18 =	vmul.f32 v11, v1;
	v14 =	vld [tilespmem:s13+$0xFFFFFFE0];
	v11 =	vbroadcast v5, $0x0  }
0x85: {  	[tilespmem:s19+$0xFFFFFF20] =	vst v13;
	v19 =	vmul.f32 v12, v1;
	v12 =	vmov s23  }
0x86: {  	v5 =	vand.u32 $0xFFFFFFFE, v12;
	v13 =	vld [tilespmem:s13+$0xFFFFFFA0];
	v20 =	vunpack.i.l.bf16.f32 v17;
	[tilespmem:s19+$0xA0] =	vst v18  }
0x87: {  	s31 =	simm.s32 $0x480;
	s0 =	simm.s32 $0xC;
	s18 =	simm.s32 $0x4600;
	v12 =	vbroadcast v5, $0x0;
	v5 =	vld.idx.msk [tilespmem:v15+s21+$0x0], $0xffff;
	v16 =	vunpack.i.u.bf16.f32 v17;
	[tilespmem:s19+$0xB0] =	vst v19;
	v15 =	vmul.f32 v20, v4  }
.LBB2_5:
0x88: {  	p0 =	slt.u32 s0, $0x7C;
	v16 =	vmul.f32 v16, v4;
	v17 =	vld [tilespmem:s13+$0x60];
	[tilespmem:s12+$0xFFFFFF60] =	vst v9  }
0x89: {  	v10 =	vld.idx.msk [tilespmem:v10+s21+$0x0], $0xffff;
	v9 =	vunpack.i.u.bf16.f32 v14;
	v14 =	vunpack.i.l.bf16.f32 v14;
	[tilespmem:s19+$0x40] =	vst v15  }
0x8a: {  	v11 =	vld.idx.msk [tilespmem:v11+s21+$0x0], $0xffff;
	v14 =	vmul.f32 v14, v3;
	v9 =	vmul.f32 v9, v3;
	[tilespmem:s19+$0x50] =	vst v16  }
0x8b: {  	s13 =	sadd.s32 $0x100, s13;
	v15 =	vunpack.i.u.bf16.f32 v13;
	v13 =	vunpack.i.l.bf16.f32 v13;
	v16 =	vld [tilespmem:s31+$0x30];
	[tilespmem:s12+$0xFFFFFF70] =	vst v8  }
0x8c: {  	v8 =	vld [tilespmem:s13+$0x0];
	v13 =	vmul.f32 v13, v2;
	v15 =	vmul.f32 v15, v2;
	[tilespmem:s19+$0xFFFFFFC0] =	vst v14  }
0x8d: {  	v12 =	vld.idx.msk [tilespmem:v12+s21+$0x0], $0xffff;
	[tilespmem:s19+$0xFFFFFFD0] =	vst v9;
	v9 =	vunpack.i.u.bf16.f32 v17;
	v14 =	vunpack.i.l.bf16.f32 v17  }
0x8e: {  	v17 =	vld [tilespmem:s13+$0xFFFFFF80];
	[tilespmem:s19+$0xFFFFFF40] =	vst v13;
	v13 =	vmul.f32 v14, v1;
	v9 =	vmul.f32 v9, v1  }
0x8f: {  	v14 =	vld [tilespmem:s13+$0xFFFFFFC0];
	[tilespmem:s19+$0xFFFFFF50] =	vst v15  }
0x90: {  	v15 =	vld [tilespmem:s13+$0x40];
	v18 =	vunpack.i.u.bf16.f32 v16;
	v16 =	vunpack.i.l.bf16.f32 v16;
	[tilespmem:s19+$0xC0] =	vst v13  }
0x91: {  	v13 =	vld [tilespmem:s31+$0xFFFFFFF0];
	v16 =	vmul.f32 v16, v4;
	v20 =	vmul.f32 v18, v4;
	[tilespmem:s19+$0xD0] =	vst v9  }
0x92: {  	v9 =	vunpack.i.l.bf16.f32 v8;
	v18 =	vld [tilespmem:s31+$0xFFFFFFB0];
	[tilespmem:s12+$0xE0] =	vst v7  }
0x93: {  	v8 =	vunpack.i.u.bf16.f32 v8;
	v9 =	vmul.f32 v9, v12;
	v4 =	vmovc v12;
	v7 =	vunpack.i.u.bf16.f32 v17;
	[tilespmem:s19+$0x70] =	vst v20;
	v19 =	vld [tilespmem:s31+$0x70];
	s31 =	smov.u32 s13  }
0x94: {  	v12 =	vunpack.i.l.bf16.f32 v17;
	v8 =	vmul.f32 v8, v4;
	s19 =	sadd.s32 $0x200, s19;
	v17 =	vunpack.i.u.bf16.f32 v14;
	[tilespmem:s18+$0x60] =	vst v16  }
0x95: {  	v14 =	vunpack.i.l.bf16.f32 v14;
	[tilespmem:s19+$0x0] =	vst v9;
	v9 =	vunpack.i.u.bf16.f32 v15;
	v15 =	vunpack.i.l.bf16.f32 v15  }
0x96: {  	v14 =	vmul.f32 v14, v11;
	v16 =	vmul.f32 v17, v11;
	[tilespmem:s19+$0x10] =	vst v8;
	v8 =	vunpack.i.u.bf16.f32 v13  }
0x97: {  	v12 =	vmul.f32 v12, v10;
	v7 =	vmul.f32 v7, v10;
	v13 =	vunpack.i.l.bf16.f32 v13;
	v17 =	vld [tilespmem:s13+$0x10];
	[tilespmem:s12+$0xF0] =	vst v6;
	s12 =	smov.u32 s18;
	s18 =	smov.u32 s19  }
0x98: {  	v6 =	vmul.f32 v15, v5;
	v15 =	vunpack.i.u.bf16.f32 v18;
	[tilespmem:s19+$0xFFFFFF80] =	vst v14;
	v14 =	vmul.f32 v9, v5  }
0x99: {  	v9 =	vunpack.i.l.bf16.f32 v18;
	v18 =	vunpack.i.l.bf16.f32 v19;
	[tilespmem:s19+$0xFFFFFF90] =	vst v16;
	v16 =	vunpack.i.u.bf16.f32 v19  }
0x9a: {  	v13 =	vmul.f32 v13, v3;
	v19 =	vmul.f32 v8, v3;
	v3 =	vmov v11;
	[tilespmem:s19+$0xFFFFFF00] =	vst v12;
	v12 =	vld [tilespmem:s13+$0xFFFFFFD0]  }
0x9b: {  	v9 =	vmul.f32 v9, v2;
	v8 =	vmul.f32 v15, v2;
	v2 =	vmov v10;
	[tilespmem:s19+$0xFFFFFF10] =	vst v7  }
0x9c: {  	v7 =	vmul.f32 v18, v1;
	v11 =	vld [tilespmem:s13+$0xFFFFFF90];
	v10 =	vunpack.i.l.bf16.f32 v17;
	[tilespmem:s19+$0x80] =	vst v6;
	v6 =	vmul.f32 v16, v1;
	v1 =	vmovc v5  }
0x9d: {  	s23 =	sadd.s32 $0x3, s0;
	v5 =	vunpack.i.u.bf16.f32 v17;
	v10 =	vmul.f32 v10, v4;
	[tilespmem:s19+$0x90] =	vst v14  }
0x9e: {  	v15 =	vmov s23;
	v14 =	vmov s0;
	v5 =	vmul.f32 v5, v4;
	v16 =	vld [tilespmem:s13+$0x50];
	[tilespmem:s12+$0xFFFFFFE0] =	vst v13  }
0x9f: {  	s23 =	sadd.s32 $0x1, s0;
	v13 =	vand.u32 $0xFFFFFFFC, v14;
	v14 =	vunpack.i.u.bf16.f32 v12;
	v12 =	vunpack.i.l.bf16.f32 v12;
	[tilespmem:s19+$0x20] =	vst v10  }
0xa0: {  	v17 =	vmov s23;
	v12 =	vmul.f32 v12, v3;
	v14 =	vmul.f32 v14, v3;
	[tilespmem:s19+$0x30] =	vst v5  }
0xa1: {  	v10 =	vbroadcast v13, $0x0;
	v5 =	vunpack.i.u.bf16.f32 v11;
	v11 =	vunpack.i.l.bf16.f32 v11;
	v18 =	vld [tilespmem:s13+$0x20];
	[tilespmem:s12+$0xFFFFFFF0] =	vst v19  }
0xa2: {  	v13 =	vand.u32 $0xFFFFFFFD, v17;
	v17 =	vmul.f32 v11, v2;
	v5 =	vmul.f32 v5, v2;
	[tilespmem:s19+$0xFFFFFFA0] =	vst v12  }
.Ltmp1:
0xa3: {  	v11 =	vbroadcast v13, $0x0;
	[tilespmem:s19+$0xFFFFFFB0] =	vst v14;
	v12 =	vunpack.i.u.bf16.f32 v16;
	v13 =	vunpack.i.l.bf16.f32 v16;
	(pc) =	sbr.rel @p0 .LBB2_5-.Ltmp1, $4  }
0xa4: {  	s23 =	sadd.s32 $0x2, s0;
	[tilespmem:s19+$0xFFFFFF20] =	vst v17;
	v14 =	vld [tilespmem:s13+$0xFFFFFFE0];
	v16 =	vmul.f32 v13, v1;
	v17 =	vmul.f32 v12, v1  }
0xa5: {  	v12 =	vmov s23;
	[tilespmem:s19+$0xFFFFFF30] =	vst v5  }
0xa6: {  	v5 =	vand.u32 $0xFFFFFFFE, v12;
	v13 =	vld [tilespmem:s13+$0xFFFFFFA0];
	v19 =	vunpack.i.l.bf16.f32 v18;
	[tilespmem:s19+$0xA0] =	vst v16  }
0xa7: {  	s0 =	sadd.s32 $0x4, s0;
	v12 =	vbroadcast v5, $0x0;
	v16 =	vunpack.i.u.bf16.f32 v18;
	v5 =	vld.idx.msk [tilespmem:v15+s21+$0x0], $0xffff;
	v15 =	vmul.f32 v19, v4;
	[tilespmem:s19+$0xB0] =	vst v17  }
0xa8: {  	v16 =	vmul.f32 v16, v4;
	[tilespmem:s12+$0xFFFFFF60] =	vst v9  }
0xa9: {  	v17 =	vld [tilespmem:s13+$0x60];
	[tilespmem:s19+$0x40] =	vst v15  }
0xaa: {  	v9 =	vunpack.i.l.bf16.f32 v14;
	[tilespmem:s19+$0x50] =	vst v16  }
0xab: {  	[tilespmem:s12+$0xFFFFFF70] =	vst v8;
	v14 =	vunpack.i.u.bf16.f32 v14;
	v9 =	vmul.f32 v9, v3;
	v16 =	vld [tilespmem:s31+$0x30]  }
0xac: {  	s0 =	sadd.s32 $0x100, s13;
	[tilespmem:s12+$0xE0] =	vst v7;
	v14 =	vmul.f32 v14, v3;
	v15 =	vunpack.i.l.bf16.f32 v13  }
0xad: {  	v8 =	vunpack.i.u.bf16.f32 v13;
	v13 =	vmul.f32 v15, v2;
	[tilespmem:s19+$0xFFFFFFC0] =	vst v9;
	v9 =	vld [tilespmem:s0+$0x0]  }
0xae: {  	v12 =	vld.idx.msk [tilespmem:v12+s21+$0x0], $0xffff;
	v8 =	vmul.f32 v8, v2;
	[tilespmem:s19+$0xFFFFFFD0] =	vst v14;
	v14 =	vunpack.i.l.bf16.f32 v17  }
0xaf: {  	v15 =	vunpack.i.u.bf16.f32 v17;
	[tilespmem:s19+$0xFFFFFF40] =	vst v13;
	v13 =	vmul.f32 v14, v1  }
0xb0: {  	v14 =	vmul.f32 v15, v1;
	[tilespmem:s19+$0xFFFFFF50] =	vst v8;
	v8 =	vld [tilespmem:s0+$0xFFFFFFC0];
	v15 =	vunpack.i.u.bf16.f32 v16  }
0xb1: {  	v11 =	vld.idx.msk [tilespmem:v11+s21+$0x0], $0xffff;
	[tilespmem:s19+$0xC0] =	vst v13;
	v13 =	vunpack.i.l.bf16.f32 v16;
	v15 =	vmul.f32 v15, v4  }
0xb2: {  	[tilespmem:s19+$0xD0] =	vst v14;
	v14 =	vld [tilespmem:s0+$0xFFFFFF80];
	v4 =	vmul.f32 v13, v4;
	v13 =	vunpack.i.l.bf16.f32 v9  }
0xb3: {  	v7 =	vld.idx.msk [tilespmem:v10+s21+$0x0], $0xffff;
	v9 =	vunpack.i.u.bf16.f32 v9;
	v10 =	vmul.f32 v13, v12;
	[tilespmem:s19+$0x70] =	vst v15  }
0xb4: {  	v13 =	vld [tilespmem:s0+$0x40];
	v9 =	vmul.f32 v9, v12;
	s19 =	sadd.s32 $0x200, s19;
	[tilespmem:s18+$0x60] =	vst v4  }
0xb5: {  	v4 =	vunpack.i.l.bf16.f32 v8;
	[tilespmem:s19+$0x0] =	vst v10  }
0xb6: {  	v10 =	vld [tilespmem:s31+$0xFFFFFFF0];
	v8 =	vunpack.i.u.bf16.f32 v8;
	[tilespmem:s19+$0x10] =	vst v9;
	v4 =	vmul.f32 v4, v11  }
0xb7: {  	[tilespmem:s12+$0xF0] =	vst v6;
	v9 =	vunpack.i.l.bf16.f32 v14;
	v8 =	vmul.f32 v8, v11;
	v15 =	vld [tilespmem:s0+$0x10]  }
0xb8: {  	v6 =	vunpack.i.u.bf16.f32 v14;
	v9 =	vmul.f32 v9, v7;
	[tilespmem:s19+$0xFFFFFF80] =	vst v4  }
0xb9: {  	v6 =	vmul.f32 v6, v7;
	v4 =	vunpack.i.l.bf16.f32 v13;
	[tilespmem:s19+$0xFFFFFF90] =	vst v8  }
0xba: {  	v8 =	vunpack.i.u.bf16.f32 v13;
	v4 =	vmul.f32 v4, v5;
	[tilespmem:s19+$0xFFFFFF00] =	vst v9;
	v9 =	vld [tilespmem:s0+$0xFFFFFFD0]  }
0xbb: {  	v8 =	vmul.f32 v8, v5;
	[tilespmem:s19+$0xFFFFFF10] =	vst v6;
	v13 =	vunpack.i.l.bf16.f32 v10  }
0xbc: {  	v6 =	vmul.f32 v13, v3;
	v13 =	vld [tilespmem:s0+$0xFFFFFF90];
	v14 =	vunpack.i.l.bf16.f32 v15;
	[tilespmem:s19+$0x80] =	vst v4  }
0xbd: {  	v4 =	vunpack.i.u.bf16.f32 v15;
	[tilespmem:s19+$0x90] =	vst v8;
	v14 =	vmul.f32 v14, v12  }
0xbe: {  	v8 =	vunpack.i.u.bf16.f32 v10;
	v4 =	vmul.f32 v4, v12;
	v10 =	vld [tilespmem:s0+$0x50];
	[tilespmem:s18+$0xFFFFFFE0] =	vst v6  }
0xbf: {  	v3 =	vmul.f32 v8, v3;
	v6 =	vunpack.i.l.bf16.f32 v9;
	[tilespmem:s19+$0x20] =	vst v14  }
0xc0: {  	v8 =	vld [tilespmem:s31+$0xFFFFFFB0];
	v9 =	vunpack.i.u.bf16.f32 v9;
	[tilespmem:s19+$0x30] =	vst v4;
	v6 =	vmul.f32 v6, v11  }
0xc1: {  	[tilespmem:s18+$0xFFFFFFF0] =	vst v3;
	v4 =	vmul.f32 v9, v11;
	v14 =	vld [tilespmem:s0+$0x20];
	v9 =	vunpack.i.l.bf16.f32 v13  }
0xc2: {  	v3 =	vunpack.i.u.bf16.f32 v13;
	v9 =	vmul.f32 v9, v7;
	[tilespmem:s19+$0xFFFFFFA0] =	vst v6  }
0xc3: {  	v3 =	vmul.f32 v3, v7;
	[tilespmem:s19+$0xFFFFFFB0] =	vst v4;
	v4 =	vunpack.i.l.bf16.f32 v10  }
0xc4: {  	v6 =	vunpack.i.u.bf16.f32 v10;
	v4 =	vmul.f32 v4, v5;
	[tilespmem:s19+$0xFFFFFF20] =	vst v9;
	v9 =	vld [tilespmem:s0+$0xFFFFFFE0]  }
0xc5: {  	v10 =	vunpack.i.l.bf16.f32 v8;
	v6 =	vmul.f32 v6, v5;
	[tilespmem:s19+$0xFFFFFF30] =	vst v3  }
0xc6: {  	v3 =	vmul.f32 v10, v2;
	v10 =	vld [tilespmem:s0+$0xFFFFFFA0];
	v13 =	vunpack.i.l.bf16.f32 v14;
	[tilespmem:s19+$0xA0] =	vst v4  }
0xc7: {  	v4 =	vunpack.i.u.bf16.f32 v14;
	[tilespmem:s19+$0xB0] =	vst v6;
	v13 =	vmul.f32 v13, v12  }
0xc8: {  	v6 =	vunpack.i.u.bf16.f32 v8;
	v4 =	vmul.f32 v4, v12;
	v8 =	vld [tilespmem:s0+$0x60];
	[tilespmem:s18+$0xFFFFFF60] =	vst v3  }
0xc9: {  	v2 =	vmul.f32 v6, v2;
	[tilespmem:s19+$0x40] =	vst v13;
	v3 =	vunpack.i.l.bf16.f32 v9  }
0xca: {  	v6 =	vld [tilespmem:s31+$0x70];
	[tilespmem:s19+$0x50] =	vst v4;
	v9 =	vunpack.i.u.bf16.f32 v9;
	v3 =	vmul.f32 v3, v11  }
0xcb: {  	[tilespmem:s18+$0xFFFFFF70] =	vst v2;
	v13 =	vld [tilespmem:s0+$0x30];
	v4 =	vmul.f32 v9, v11;
	v9 =	vunpack.i.l.bf16.f32 v10  }
0xcc: {  	v2 =	vunpack.i.u.bf16.f32 v10;
	v9 =	vmul.f32 v9, v7;
	[tilespmem:s19+$0xFFFFFFC0] =	vst v3  }
0xcd: {  	v2 =	vmul.f32 v2, v7;
	[tilespmem:s19+$0xFFFFFFD0] =	vst v4;
	v3 =	vunpack.i.l.bf16.f32 v8  }
0xce: {  	v4 =	vunpack.i.u.bf16.f32 v8;
	[tilespmem:s19+$0xFFFFFF40] =	vst v9;
	v3 =	vmul.f32 v3, v5;
	v8 =	vld [tilespmem:s0+$0xFFFFFFF0]  }
0xcf: {  	v9 =	vunpack.i.l.bf16.f32 v6;
	v4 =	vmul.f32 v4, v5;
	[tilespmem:s19+$0xFFFFFF50] =	vst v2  }
0xd0: {  	v2 =	vmul.f32 v9, v1;
	v9 =	vunpack.i.u.bf16.f32 v13;
	[tilespmem:s19+$0xC0] =	vst v3;
	v3 =	vld [tilespmem:s0+$0xFFFFFFB0]  }
0xd1: {  	v10 =	vunpack.i.l.bf16.f32 v13;
	v9 =	vmul.f32 v9, v12;
	[tilespmem:s19+$0xD0] =	vst v4  }
0xd2: {  	v4 =	vunpack.i.u.bf16.f32 v6;
	v6 =	vmul.f32 v10, v12;
	[tilespmem:s18+$0xE0] =	vst v2;
	v2 =	vld [tilespmem:s0+$0x70]  }
0xd3: {  	v1 =	vmul.f32 v4, v1;
	[tilespmem:s19+$0x70] =	vst v9;
	v4 =	vunpack.i.l.bf16.f32 v8  }
0xd4: {  	[tilespmem:s19+$0x60] =	vst v6;
	v6 =	vunpack.i.u.bf16.f32 v8;
	v4 =	vmul.f32 v4, v11  }
0xd5: {  	[tilespmem:s18+$0xF0] =	vst v1;
	v6 =	vmul.f32 v6, v11;
	v1 =	vunpack.i.l.bf16.f32 v3  }
0xd6: {  	v3 =	vunpack.i.u.bf16.f32 v3;
	v1 =	vmul.f32 v1, v7;
	[tilespmem:s19+$0xFFFFFFE0] =	vst v4  }
0xd7: {  	v4 =	vunpack.i.l.bf16.f32 v2;
	v3 =	vmul.f32 v3, v7;
	[tilespmem:s19+$0xFFFFFFF0] =	vst v6  }
0xd8: {  	v2 =	vunpack.i.u.bf16.f32 v2;
	v4 =	vmul.f32 v4, v5;
	[tilespmem:s19+$0xFFFFFF60] =	vst v1  }
0xd9: {  	v1 =	vmul.f32 v2, v5;
	[tilespmem:s19+$0xFFFFFF70] =	vst v3  }
0xda: {  	[tilespmem:s19+$0xE0] =	vst v4  }
0xdb: {  	[tilespmem:s19+$0xF0] =	vst v1  }
0xdc: {  	_ =	swait.ge [sflag:s30], $0x80  }
0xdd: {  	[sflag:s30] =	ssyncset.done $0x0  }
0xde: {  	[sflag:s30] =	ssyncadd.s32 $0xFFFFFF80  }
0xdf: {  	_ =	swait.ge [sflag:s30], $0x80  }
0xe0: {  	[sflag:s30] =	ssyncset.done $0x0  }
0xe1: {  	[sflag:s30] =	ssyncadd.s32 $0xFFFFFF80  }
0xe2: {  	_ =	swait.ge [sflag:s30], $0x80  }
0xe3: {  	[sflag:s30] =	ssyncset.done $0x0  }
0xe4: {  	s23 =	simm.s32 $0x2300;
	[sflag:s30] =	ssyncadd.s32 $0xFFFFFF80  }
0xe5: {  	[tilespmem:s23], [sflag:$0x2] =	stream.indirect.gather [hbm4b:s4+s22], $0x40, s22, s22, $0xb8;
	[tilespmem:$0x1FB80] =	vst v63  }
0xe6: {  	s31 =	simm.s32 $0x4300  }
0xe7: {  	[spmem:s2] =	stream.indirect.scatter.add.f32 [tilespmem:s31], [sflag:$0x3], $0x80, s20, s22, $0xb8;
	[tilespmem:$0x1FB80] =	vst v63  }
0xe8: {  	_ =	swait.ge [sflag:s1], $0x2000  }
0xe9: {  	[sflag:s1] =	ssyncset.done $0x0  }
0xea: {  	[sflag:s1] =	ssyncadd.s32 $0xFFFFE000  }
0xeb: {  	s12 =	sadd.s32 s10, s15;
	_ =	swait.ge [sflag:s9], $0x4000  }
0xec: {  	s0 =	sshrl.u32 s12, $0x3;
	s19 =	simm.s32 $0x2;
	[sflag:s9] =	ssyncset.done $0x0  }
0xed: {  	s13 =	sadd.s32 s5, s0;
	s18 =	simm.s32 $0x0;
	v1 =	vmov s19;
	[sflag:s9] =	ssyncadd.s32 $0xFFFFC000  }
0xee: {  	v1 =	vand.u32 $0xFFFFFFFE, v1;
	[tilespmem:s18], [sflag:$0x5] =	stream.linear.gather [hbm4b:s13+s18], $0x80, $0x38;
	[tilespmem:$0x1FB80] =	vst v63  }
0xef: {  	v1 =	vbroadcast v1, $0x0;
	s23 =	sadd.s32 s6, s0;
	s31 =	simm.s32 $0x1  }
0xf0: {  	v2 =	vmov s31;
	[tilespmem:s20], [sflag:$0x5] =	stream.linear.gather [hbm4b:s23+s18], $0x80, $0x38;
	[tilespmem:$0x1FB80] =	vst v63  }
0xf1: {  	s0 =	sadd.s32 s7, s0;
	v2 =	vand.u32 $0xFFFFFFFD, v2  }
0xf2: {  	v3 =	vmov s18;
	v2 =	vbroadcast v2, $0x0;
	[tilespmem:s21], [sflag:$0x5] =	stream.linear.gather [hbm4b:s0+s18], $0x80, $0x38;
	[tilespmem:$0x1FB80] =	vst v63  }
0xf3: {  	v3 =	vand.u32 $0xFFFFFFFC, v3;
	s0 =	simm.s32 $0x2380  }
0xf4: {  	v3 =	vbroadcast v3, $0x0;
	v4 =	vld [tilespmem:s0+$0x0]  }
0xf5: {  	s13 =	simm.s32 $0x3;
	v8 =	vld.idx.msk [tilespmem:v1+s29+$0x0], $0xffff  }
0xf6: {  	v1 =	vmov s13  }
0xf7: {  	v9 =	vld [tilespmem:s0+$0xFFFFFFC0]  }
0xf8: {  	v7 =	vld.idx.msk [tilespmem:v2+s29+$0x0], $0xffff  }
0xf9: {  	v10 =	vld [tilespmem:s0+$0xFFFFFF80];
	v2 =	vunpack.i.l.bf16.f32 v4  }
0xfa: {  	v6 =	vld.idx.msk [tilespmem:v3+s29+$0x0], $0xffff;
	v4 =	vunpack.i.u.bf16.f32 v4;
	v2 =	vmul.f32 v2, v8  }
0xfb: {  	s10 =	simm.s32 $0x8400;
	v5 =	vld.idx.msk [tilespmem:v1+s29+$0x0], $0xffff;
	v3 =	vmul.f32 v4, v8  }
0xfc: {  	v1 =	vunpack.i.l.bf16.f32 v9;
	v4 =	vld [tilespmem:s0+$0x40];
	[tilespmem:s10+$0x0] =	vst v2  }
0xfd: {  	v1 =	vmul.f32 v1, v7;
	[tilespmem:s10+$0x10] =	vst v3;
	v2 =	vunpack.i.u.bf16.f32 v9  }
0xfe: {  	v9 =	vunpack.i.l.bf16.f32 v10;
	v3 =	vld [tilespmem:s0+$0x10];
	v2 =	vmul.f32 v2, v7  }
0xff: {  	v10 =	vunpack.i.u.bf16.f32 v10;
	[tilespmem:s10+$0xFFFFFF80] =	vst v1;
	v9 =	vmul.f32 v9, v6  }
0x100: {  	v10 =	vmul.f32 v10, v6;
	[tilespmem:s10+$0xFFFFFF90] =	vst v2  }
0x101: {  	v1 =	vunpack.i.l.bf16.f32 v4;
	v2 =	vunpack.i.u.bf16.f32 v4;
	[tilespmem:s10+$0xFFFFFF00] =	vst v9;
	v4 =	vld [tilespmem:s0+$0xFFFFFFD0]  }
0x102: {  	[tilespmem:s10+$0xFFFFFF10] =	vst v10;
	v1 =	vmul.f32 v1, v5  }
0x103: {  	v2 =	vmul.f32 v2, v5;
	v10 =	vld [tilespmem:s0+$0xFFFFFF90];
	v9 =	vunpack.i.l.bf16.f32 v3  }
0x104: {  	[tilespmem:s10+$0x80] =	vst v1;
	v1 =	vunpack.i.u.bf16.f32 v3;
	v3 =	vmul.f32 v9, v8  }
0x105: {  	[tilespmem:s10+$0x90] =	vst v2;
	v1 =	vmul.f32 v1, v8  }
0x106: {  	v2 =	vld [tilespmem:s0+$0x50];
	[tilespmem:s10+$0x20] =	vst v3;
	v3 =	vunpack.i.l.bf16.f32 v4  }
0x107: {  	[tilespmem:s10+$0x30] =	vst v1;
	v1 =	vunpack.i.u.bf16.f32 v4;
	v3 =	vmul.f32 v3, v7  }
0x108: {  	s18 =	simm.s32 $0x4;
	v11 =	vunpack.i.l.bf16.f32 v10;
	v4 =	vld [tilespmem:s0+$0x20];
	v1 =	vmul.f32 v1, v7  }
0x109: {  	v9 =	vmov s18;
	v10 =	vunpack.i.u.bf16.f32 v10;
	v11 =	vmul.f32 v11, v6;
	[tilespmem:s10+$0xFFFFFFA0] =	vst v3  }
0x10a: {  	s19 =	simm.s32 $0x7;
	s23 =	simm.s32 $0x6;
	v3 =	vand.u32 $0xFFFFFFFC, v9;
	v9 =	vmul.f32 v10, v6;
	[tilespmem:s10+$0xFFFFFFB0] =	vst v1  }
0x10b: {  	v12 =	vmov s19;
	v1 =	vunpack.i.l.bf16.f32 v2;
	[tilespmem:s10+$0xFFFFFF20] =	vst v11;
	v11 =	vmov s23;
	v10 =	vld [tilespmem:s0+$0xFFFFFFE0]  }
0x10c: {  	v2 =	vunpack.i.u.bf16.f32 v2;
	v1 =	vmul.f32 v1, v5;
	[tilespmem:s10+$0xFFFFFF30] =	vst v9;
	v9 =	vand.u32 $0xFFFFFFFE, v11  }
0x10d: {  	v2 =	vmul.f32 v2, v5;
	v11 =	vunpack.i.l.bf16.f32 v4;
	v9 =	vbroadcast v9, $0x0  }
0x10e: {  	s31 =	simm.s32 $0x5;
	s13 =	simm.s32 $0x2480;
	v3 =	vbroadcast v3, $0x0;
	v13 =	vld [tilespmem:s0+$0xFFFFFFA0];
	[tilespmem:s10+$0xA0] =	vst v1;
	v1 =	vunpack.i.u.bf16.f32 v4;
	v4 =	vmul.f32 v11, v8  }
0x10f: {  	v15 =	vld [tilespmem:s13+$0x0];
	[tilespmem:s10+$0xB0] =	vst v2;
	v11 =	vmov s31;
	v2 =	vmul.f32 v1, v8  }
0x110: {  	v1 =	vand.u32 $0xFFFFFFFD, v11;
	v11 =	vld [tilespmem:s0+$0x60];
	[tilespmem:s10+$0x40] =	vst v4;
	v4 =	vunpack.i.l.bf16.f32 v10  }
0x111: {  	v14 =	vbroadcast v1, $0x0;
	v1 =	vld.idx.msk [tilespmem:v12+s29+$0x0], $0xffff;
	[tilespmem:s10+$0x50] =	vst v2;
	v4 =	vmul.f32 v4, v7  }
0x112: {  	v2 =	vunpack.i.u.bf16.f32 v10;
	v10 =	vld [tilespmem:s0+$0x30]  }
0x113: {  	v12 =	vmul.f32 v2, v7;
	v2 =	vunpack.i.l.bf16.f32 v13;
	[tilespmem:s10+$0xFFFFFFC0] =	vst v4;
	v4 =	vld.idx.msk [tilespmem:v9+s29+$0x0], $0xffff  }
0x114: {  	v13 =	vunpack.i.u.bf16.f32 v13;
	v16 =	vmul.f32 v2, v6;
	v2 =	vld.idx.msk [tilespmem:v3+s29+$0x0], $0xffff  }
0x115: {  	v9 =	vmul.f32 v13, v6;
	[tilespmem:s10+$0xFFFFFFD0] =	vst v12;
	v13 =	vld [tilespmem:s13+$0xFFFFFFC0];
	v3 =	vunpack.i.l.bf16.f32 v11  }
0x116: {  	v11 =	vunpack.i.u.bf16.f32 v11;
	[tilespmem:s10+$0xFFFFFF40] =	vst v16;
	v12 =	vmul.f32 v3, v5;
	v16 =	vld [tilespmem:s13+$0x40]  }
0x117: {  	v11 =	vmul.f32 v11, v5;
	[tilespmem:s10+$0xFFFFFF50] =	vst v9;
	v3 =	vld.idx.msk [tilespmem:v14+s29+$0x0], $0xffff;
	v9 =	vunpack.i.u.bf16.f32 v10  }
0x118: {  	v14 =	vld [tilespmem:s13+$0xFFFFFF80];
	[tilespmem:s10+$0xC0] =	vst v12;
	v9 =	vmul.f32 v9, v8;
	v12 =	vunpack.i.l.bf16.f32 v15  }
0x119: {  	[tilespmem:s10+$0xD0] =	vst v11;
	v11 =	vunpack.i.u.bf16.f32 v15;
	v12 =	vmul.f32 v12, v4  }
0x11a: {  	s18 =	simm.s32 $0x8600;
	v10 =	vunpack.i.l.bf16.f32 v10;
	v15 =	vld [tilespmem:s0+$0xFFFFFFF0];
	[tilespmem:s10+$0x70] =	vst v9;
	v9 =	vmul.f32 v11, v4  }
0x11b: {  	v8 =	vmul.f32 v10, v8;
	v10 =	vld [tilespmem:s0+$0xFFFFFFB0];
	v11 =	vunpack.i.l.bf16.f32 v13;
	[tilespmem:s18+$0x0] =	vst v12  }
0x11c: {  	v13 =	vunpack.i.u.bf16.f32 v13;
	v12 =	vld [tilespmem:s0+$0x70];
	v17 =	vunpack.i.u.bf16.f32 v16;
	v11 =	vmul.f32 v11, v3;
	[tilespmem:s18+$0x10] =	vst v9  }
0x11d: {  	[tilespmem:s10+$0x60] =	vst v8;
	v9 =	vunpack.i.l.bf16.f32 v14;
	v8 =	vmul.f32 v13, v3;
	v14 =	vunpack.i.u.bf16.f32 v14;
	v13 =	vld [tilespmem:s13+$0x10]  }
0x11e: {  	v9 =	vmul.f32 v9, v2;
	v14 =	vmul.f32 v14, v2;
	[tilespmem:s18+$0xFFFFFF80] =	vst v11;
	v11 =	vunpack.i.l.bf16.f32 v16  }
0x11f: {  	v16 =	vunpack.i.u.bf16.f32 v15;
	[tilespmem:s18+$0xFFFFFF90] =	vst v8;
	v8 =	vunpack.i.l.bf16.f32 v15;
	v15 =	vmul.f32 v17, v1  }
0x120: {  	v18 =	vunpack.i.u.bf16.f32 v10;
	v11 =	vmul.f32 v11, v1;
	v17 =	vld [tilespmem:s13+$0xFFFFFFD0];
	[tilespmem:s18+$0xFFFFFF10] =	vst v14;
	v14 =	vmul.f32 v8, v7  }
0x121: {  	[tilespmem:s18+$0xFFFFFF00] =	vst v9;
	v9 =	vunpack.i.l.bf16.f32 v10;
	v16 =	vmul.f32 v16, v7;
	v8 =	vmul.f32 v18, v6  }
0x122: {  	s19 =	simm.s32 $0xB;
	v10 =	vunpack.i.u.bf16.f32 v12;
	v19 =	vld [tilespmem:s13+$0xFFFFFF90];
	v9 =	vmul.f32 v9, v6;
	[tilespmem:s18+$0x90] =	vst v15;
	v7 =	vunpack.i.l.bf16.f32 v13  }
0x123: {  	v15 =	vmov s19;
	[tilespmem:s18+$0x80] =	vst v11;
	v11 =	vunpack.i.u.bf16.f32 v13;
	v13 =	vmul.f32 v7, v4  }
0x124: {  	s12 =	simm.s32 $0x8;
	[tilespmem:s10+$0xFFFFFFE0] =	vst v14;
	v6 =	vmul.f32 v10, v5;
	v7 =	vunpack.i.l.bf16.f32 v12;
	v11 =	vmul.f32 v11, v4;
	v12 =	vld [tilespmem:s13+$0x50]  }
0x125: {  	v10 =	vmov s12;
	v7 =	vmul.f32 v7, v5;
	v5 =	vunpack.i.l.bf16.f32 v17;
	[tilespmem:s18+$0x20] =	vst v13  }
0x126: {  	v10 =	vand.u32 $0xFFFFFFFC, v10;
	v13 =	vunpack.i.u.bf16.f32 v17;
	v5 =	vmul.f32 v5, v3;
	[tilespmem:s18+$0x30] =	vst v11  }
0x127: {  	s23 =	simm.s32 $0x9;
	[tilespmem:s10+$0xFFFFFFF0] =	vst v16;
	v10 =	vbroadcast v10, $0x0;
	v14 =	vunpack.i.u.bf16.f32 v19;
	v11 =	vmul.f32 v13, v3;
	v17 =	vld [tilespmem:s13+$0x20]  }
0x128: {  	v13 =	vunpack.i.l.bf16.f32 v19;
	v16 =	vmul.f32 v14, v2;
	[tilespmem:s18+$0xFFFFFFA0] =	vst v5;
	v5 =	vmov s23  }
0x129: {  	v13 =	vmul.f32 v13, v2;
	[tilespmem:s18+$0xFFFFFFB0] =	vst v11;
	v11 =	vunpack.i.l.bf16.f32 v12;
	v5 =	vand.u32 $0xFFFFFFFD, v5  }
0x12a: {  	s31 =	simm.s32 $0xA;
	v12 =	vunpack.i.u.bf16.f32 v12;
	[tilespmem:s18+$0xFFFFFF30] =	vst v16;
	v18 =	vmul.f32 v11, v1;
	v14 =	vld [tilespmem:s13+$0xFFFFFFE0];
	v11 =	vbroadcast v5, $0x0  }
0x12b: {  	[tilespmem:s18+$0xFFFFFF20] =	vst v13;
	v19 =	vmul.f32 v12, v1;
	v12 =	vmov s31  }
0x12c: {  	v5 =	vand.u32 $0xFFFFFFFE, v12;
	v13 =	vld [tilespmem:s13+$0xFFFFFFA0];
	v20 =	vunpack.i.l.bf16.f32 v17;
	[tilespmem:s18+$0xA0] =	vst v18  }
0x12d: {  	s0 =	simm.s32 $0xC;
	s19 =	simm.s32 $0x2480;
	s12 =	simm.s32 $0x8600;
	v12 =	vbroadcast v5, $0x0;
	v5 =	vld.idx.msk [tilespmem:v15+s29+$0x0], $0xffff;
	v16 =	vunpack.i.u.bf16.f32 v17;
	[tilespmem:s18+$0xB0] =	vst v19;
	v15 =	vmul.f32 v20, v4  }
.LBB2_7:
0x12e: {  	p0 =	slt.u32 s0, $0x7C;
	v16 =	vmul.f32 v16, v4;
	v17 =	vld [tilespmem:s13+$0x60];
	[tilespmem:s10+$0xFFFFFF60] =	vst v9  }
0x12f: {  	v10 =	vld.idx.msk [tilespmem:v10+s29+$0x0], $0xffff;
	v9 =	vunpack.i.u.bf16.f32 v14;
	v14 =	vunpack.i.l.bf16.f32 v14;
	[tilespmem:s18+$0x40] =	vst v15  }
0x130: {  	v11 =	vld.idx.msk [tilespmem:v11+s29+$0x0], $0xffff;
	v14 =	vmul.f32 v14, v3;
	v9 =	vmul.f32 v9, v3;
	[tilespmem:s18+$0x50] =	vst v16  }
0x131: {  	s13 =	sadd.s32 $0x100, s13;
	v15 =	vunpack.i.u.bf16.f32 v13;
	v13 =	vunpack.i.l.bf16.f32 v13;
	v16 =	vld [tilespmem:s19+$0x30];
	[tilespmem:s10+$0xFFFFFF70] =	vst v8  }
0x132: {  	v8 =	vld [tilespmem:s13+$0x0];
	v13 =	vmul.f32 v13, v2;
	v15 =	vmul.f32 v15, v2;
	[tilespmem:s18+$0xFFFFFFC0] =	vst v14  }
0x133: {  	v12 =	vld.idx.msk [tilespmem:v12+s29+$0x0], $0xffff;
	[tilespmem:s18+$0xFFFFFFD0] =	vst v9;
	v9 =	vunpack.i.u.bf16.f32 v17;
	v14 =	vunpack.i.l.bf16.f32 v17  }
0x134: {  	v17 =	vld [tilespmem:s13+$0xFFFFFF80];
	[tilespmem:s18+$0xFFFFFF40] =	vst v13;
	v13 =	vmul.f32 v14, v1;
	v9 =	vmul.f32 v9, v1  }
0x135: {  	v14 =	vld [tilespmem:s13+$0xFFFFFFC0];
	[tilespmem:s18+$0xFFFFFF50] =	vst v15  }
0x136: {  	v15 =	vld [tilespmem:s13+$0x40];
	v18 =	vunpack.i.u.bf16.f32 v16;
	v16 =	vunpack.i.l.bf16.f32 v16;
	[tilespmem:s18+$0xC0] =	vst v13  }
0x137: {  	v13 =	vld [tilespmem:s19+$0xFFFFFFF0];
	v16 =	vmul.f32 v16, v4;
	v20 =	vmul.f32 v18, v4;
	[tilespmem:s18+$0xD0] =	vst v9  }
0x138: {  	v9 =	vunpack.i.l.bf16.f32 v8;
	v18 =	vld [tilespmem:s19+$0xFFFFFFB0];
	[tilespmem:s10+$0xE0] =	vst v7  }
0x139: {  	v8 =	vunpack.i.u.bf16.f32 v8;
	v9 =	vmul.f32 v9, v12;
	v4 =	vmovc v12;
	v7 =	vunpack.i.u.bf16.f32 v17;
	[tilespmem:s18+$0x70] =	vst v20;
	v19 =	vld [tilespmem:s19+$0x70];
	s19 =	smov.u32 s13  }
0x13a: {  	v12 =	vunpack.i.l.bf16.f32 v17;
	v8 =	vmul.f32 v8, v4;
	s18 =	sadd.s32 $0x200, s18;
	v17 =	vunpack.i.u.bf16.f32 v14;
	[tilespmem:s12+$0x60] =	vst v16  }
0x13b: {  	v14 =	vunpack.i.l.bf16.f32 v14;
	[tilespmem:s18+$0x0] =	vst v9;
	v9 =	vunpack.i.u.bf16.f32 v15;
	v15 =	vunpack.i.l.bf16.f32 v15  }
0x13c: {  	v14 =	vmul.f32 v14, v11;
	v16 =	vmul.f32 v17, v11;
	[tilespmem:s18+$0x10] =	vst v8;
	v8 =	vunpack.i.u.bf16.f32 v13  }
0x13d: {  	v12 =	vmul.f32 v12, v10;
	v7 =	vmul.f32 v7, v10;
	v13 =	vunpack.i.l.bf16.f32 v13;
	v17 =	vld [tilespmem:s13+$0x10];
	[tilespmem:s10+$0xF0] =	vst v6;
	s10 =	smov.u32 s12;
	s12 =	smov.u32 s18  }
0x13e: {  	v6 =	vmul.f32 v15, v5;
	v15 =	vunpack.i.u.bf16.f32 v18;
	[tilespmem:s18+$0xFFFFFF80] =	vst v14;
	v14 =	vmul.f32 v9, v5  }
0x13f: {  	v9 =	vunpack.i.l.bf16.f32 v18;
	v18 =	vunpack.i.l.bf16.f32 v19;
	[tilespmem:s18+$0xFFFFFF90] =	vst v16;
	v16 =	vunpack.i.u.bf16.f32 v19  }
0x140: {  	v13 =	vmul.f32 v13, v3;
	v19 =	vmul.f32 v8, v3;
	v3 =	vmov v11;
	[tilespmem:s18+$0xFFFFFF00] =	vst v12;
	v12 =	vld [tilespmem:s13+$0xFFFFFFD0]  }
0x141: {  	v9 =	vmul.f32 v9, v2;
	v8 =	vmul.f32 v15, v2;
	v2 =	vmov v10;
	[tilespmem:s18+$0xFFFFFF10] =	vst v7  }
0x142: {  	v7 =	vmul.f32 v18, v1;
	v11 =	vld [tilespmem:s13+$0xFFFFFF90];
	v10 =	vunpack.i.l.bf16.f32 v17;
	[tilespmem:s18+$0x80] =	vst v6;
	v6 =	vmul.f32 v16, v1;
	v1 =	vmovc v5  }
0x143: {  	s23 =	sadd.s32 $0x3, s0;
	v5 =	vunpack.i.u.bf16.f32 v17;
	v10 =	vmul.f32 v10, v4;
	[tilespmem:s18+$0x90] =	vst v14  }
0x144: {  	v15 =	vmov s23;
	v14 =	vmov s0;
	v5 =	vmul.f32 v5, v4;
	v16 =	vld [tilespmem:s13+$0x50];
	[tilespmem:s10+$0xFFFFFFE0] =	vst v13  }
0x145: {  	s23 =	sadd.s32 $0x1, s0;
	v13 =	vand.u32 $0xFFFFFFFC, v14;
	v14 =	vunpack.i.u.bf16.f32 v12;
	v12 =	vunpack.i.l.bf16.f32 v12;
	[tilespmem:s18+$0x20] =	vst v10  }
0x146: {  	v17 =	vmov s23;
	v12 =	vmul.f32 v12, v3;
	v14 =	vmul.f32 v14, v3;
	[tilespmem:s18+$0x30] =	vst v5  }
0x147: {  	v10 =	vbroadcast v13, $0x0;
	v5 =	vunpack.i.u.bf16.f32 v11;
	v11 =	vunpack.i.l.bf16.f32 v11;
	v18 =	vld [tilespmem:s13+$0x20];
	[tilespmem:s10+$0xFFFFFFF0] =	vst v19  }
0x148: {  	v13 =	vand.u32 $0xFFFFFFFD, v17;
	v17 =	vmul.f32 v11, v2;
	v5 =	vmul.f32 v5, v2;
	[tilespmem:s18+$0xFFFFFFA0] =	vst v12  }
.Ltmp2:
0x149: {  	v11 =	vbroadcast v13, $0x0;
	[tilespmem:s18+$0xFFFFFFB0] =	vst v14;
	v12 =	vunpack.i.u.bf16.f32 v16;
	v13 =	vunpack.i.l.bf16.f32 v16;
	(pc) =	sbr.rel @p0 .LBB2_7-.Ltmp2, $4  }
0x14a: {  	s23 =	sadd.s32 $0x2, s0;
	[tilespmem:s18+$0xFFFFFF20] =	vst v17;
	v14 =	vld [tilespmem:s13+$0xFFFFFFE0];
	v16 =	vmul.f32 v13, v1;
	v17 =	vmul.f32 v12, v1  }
0x14b: {  	v12 =	vmov s23;
	[tilespmem:s18+$0xFFFFFF30] =	vst v5  }
0x14c: {  	v5 =	vand.u32 $0xFFFFFFFE, v12;
	v13 =	vld [tilespmem:s13+$0xFFFFFFA0];
	v19 =	vunpack.i.l.bf16.f32 v18;
	[tilespmem:s18+$0xA0] =	vst v16  }
0x14d: {  	s0 =	sadd.s32 $0x4, s0;
	v12 =	vbroadcast v5, $0x0;
	v16 =	vunpack.i.u.bf16.f32 v18;
	v5 =	vld.idx.msk [tilespmem:v15+s29+$0x0], $0xffff;
	v15 =	vmul.f32 v19, v4;
	[tilespmem:s18+$0xB0] =	vst v17  }
0x14e: {  	_ =	sdelay $0x1  }
0x14f: {  	[tilespmem:s10+$0xFFFFFF60] =	vst v9  }
0x150: {  	v17 =	vld [tilespmem:s13+$0x60];
	[tilespmem:s10+$0xFFFFFF70] =	vst v8  }
0x151: {  	v11 =	vld.idx.msk [tilespmem:v11+s29+$0x0], $0xffff;
	[tilespmem:s10+$0xE0] =	vst v7  }
0x152: {  	v16 =	vmul.f32 v16, v4;
	s0 =	sadd.s32 $0x100, s13;
	v20 =	vld.idx.msk [tilespmem:v10+s29+$0x0], $0xffff;
	[tilespmem:s10+$0xF0] =	vst v6;
	v50 =	vunpack.i.l.bf16.f32 v14  }
0x153: {  	[tilespmem:s18+$0x40] =	vst v15;
	v51 =	vunpack.i.u.bf16.f32 v14;
	v55 =	vld [tilespmem:s0+$0x0];
	v9 =	vmul.f32 v50, v3  }
0x154: {  	v12 =	vld.idx.msk [tilespmem:v12+s29+$0x0], $0xffff;
	[tilespmem:s18+$0x50] =	vst v16;
	v14 =	vmul.f32 v51, v3;
	v52 =	vunpack.i.l.bf16.f32 v13  }
0x155: {  	v60 =	vld [tilespmem:s0+$0xFFFFFFC0];
	v53 =	vunpack.i.u.bf16.f32 v13;
	v54 =	vmul.f32 v52, v2;
	[tilespmem:s18+$0xFFFFFFC0] =	vst v9  }
0x156: {  	v63 =	vld [tilespmem:s0+$0xFFFFFF80];
	v8 =	vmul.f32 v53, v2;
	[tilespmem:s18+$0xFFFFFFD0] =	vst v14;
	v56 =	vunpack.i.l.bf16.f32 v17  }
0x157: {  	v16 =	vld [tilespmem:s19+$0x30];
	v57 =	vunpack.i.u.bf16.f32 v17;
	[tilespmem:s18+$0xFFFFFF40] =	vst v54;
	v58 =	vmul.f32 v56, v1  }
0x158: {  	v59 =	vmul.f32 v57, v1;
	[tilespmem:s18+$0xFFFFFF50] =	vst v8;
	v19 =	vunpack.i.l.bf16.f32 v55  }
0x159: {  	v9 =	vunpack.i.u.bf16.f32 v55;
	v21 =	vmul.f32 v19, v12;
	[tilespmem:s18+$0xC0] =	vst v58  }
0x15a: {  	s23 =	sadd.s32 $0x200, s18;
	v22 =	vld [tilespmem:s0+$0x40];
	v8 =	vunpack.i.u.bf16.f32 v60;
	v9 =	vmul.f32 v9, v12;
	[tilespmem:s18+$0xD0] =	vst v59  }
0x15b: {  	v27 =	vunpack.i.u.bf16.f32 v63;
	v8 =	vmul.f32 v8, v11;
	[tilespmem:s23+$0x0] =	vst v21  }
0x15c: {  	v6 =	vmul.f32 v27, v20;
	v61 =	vunpack.i.u.bf16.f32 v16;
	[tilespmem:s23+$0x10] =	vst v9  }
0x15d: {  	v24 =	vld [tilespmem:s19+$0xFFFFFFF0];
	v23 =	vunpack.i.l.bf16.f32 v60;
	v62 =	vunpack.i.l.bf16.f32 v16;
	v15 =	vmul.f32 v61, v4;
	[tilespmem:s23+$0xFFFFFF90] =	vst v8  }
0x15e: {  	v25 =	vunpack.i.l.bf16.f32 v63;
	v18 =	vmul.f32 v62, v4;
	v4 =	vmul.f32 v23, v11;
	[tilespmem:s23+$0xFFFFFF10] =	vst v6  }
0x15f: {  	v29 =	vunpack.i.u.bf16.f32 v22;
	v9 =	vmul.f32 v25, v20;
	v26 =	vld [tilespmem:s0+$0x10];
	[tilespmem:s18+$0x70] =	vst v15  }
0x160: {  	v8 =	vmul.f32 v29, v5;
	[tilespmem:s23+$0xFFFFFF80] =	vst v4  }
0x161: {  	v28 =	vunpack.i.l.bf16.f32 v22;
	[tilespmem:s23+$0xFFFFFF00] =	vst v9;
	v30 =	vld [tilespmem:s0+$0xFFFFFFD0]  }
0x162: {  	v31 =	vunpack.i.l.bf16.f32 v24;
	v4 =	vmul.f32 v28, v5;
	[tilespmem:s23+$0x90] =	vst v8  }
0x163: {  	v36 =	vunpack.i.u.bf16.f32 v24;
	v32 =	vmul.f32 v31, v3;
	[tilespmem:s12+$0x60] =	vst v18;
	v33 =	vld [tilespmem:s0+$0xFFFFFF90]  }
0x164: {  	v3 =	vmul.f32 v36, v3;
	[tilespmem:s23+$0x80] =	vst v4;
	v34 =	vunpack.i.l.bf16.f32 v26  }
0x165: {  	[tilespmem:s12+$0xFFFFFFE0] =	vst v32;
	v37 =	vld [tilespmem:s0+$0x50];
	v35 =	vunpack.i.u.bf16.f32 v26;
	v14 =	vmul.f32 v34, v12  }
0x166: {  	[tilespmem:s12+$0xFFFFFFF0] =	vst v3;
	v4 =	vmul.f32 v35, v12;
	v38 =	vunpack.i.l.bf16.f32 v30  }
0x167: {  	v39 =	vld [tilespmem:s19+$0xFFFFFFB0];
	v9 =	vunpack.i.u.bf16.f32 v30;
	[tilespmem:s23+$0x20] =	vst v14;
	v6 =	vmul.f32 v38, v11  }
0x168: {  	v41 =	vunpack.i.l.bf16.f32 v33;
	[tilespmem:s23+$0x30] =	vst v4;
	v40 =	vmul.f32 v9, v11  }
0x169: {  	v3 =	vunpack.i.u.bf16.f32 v33;
	v9 =	vmul.f32 v41, v20;
	v14 =	vld [tilespmem:s0+$0x20];
	[tilespmem:s23+$0xFFFFFFA0] =	vst v6  }
0x16a: {  	v3 =	vmul.f32 v3, v20;
	v42 =	vunpack.i.l.bf16.f32 v37;
	[tilespmem:s23+$0xFFFFFFB0] =	vst v40  }
0x16b: {  	v43 =	vunpack.i.u.bf16.f32 v37;
	[tilespmem:s23+$0xFFFFFF20] =	vst v9;
	v4 =	vmul.f32 v42, v5;
	v44 =	vld [tilespmem:s0+$0xFFFFFFE0]  }
0x16c: {  	v45 =	vunpack.i.l.bf16.f32 v39;
	v6 =	vmul.f32 v43, v5;
	[tilespmem:s23+$0xFFFFFF30] =	vst v3  }
0x16d: {  	v49 =	vunpack.i.u.bf16.f32 v39;
	v3 =	vmul.f32 v45, v2;
	v46 =	vld [tilespmem:s0+$0xFFFFFFA0];
	[tilespmem:s23+$0xA0] =	vst v4  }
0x16e: {  	v2 =	vmul.f32 v49, v2;
	[tilespmem:s23+$0xB0] =	vst v6;
	v47 =	vunpack.i.l.bf16.f32 v14  }
0x16f: {  	[tilespmem:s12+$0xFFFFFF60] =	vst v3;
	v50 =	vld [tilespmem:s0+$0x60];
	v48 =	vunpack.i.u.bf16.f32 v14;
	v13 =	vmul.f32 v47, v12  }
0x170: {  	[tilespmem:s12+$0xFFFFFF70] =	vst v2;
	v4 =	vmul.f32 v48, v12;
	v3 =	vunpack.i.l.bf16.f32 v44  }
0x171: {  	v51 =	vld [tilespmem:s19+$0x70];
	v9 =	vunpack.i.u.bf16.f32 v44;
	[tilespmem:s23+$0x40] =	vst v13;
	v3 =	vmul.f32 v3, v11  }
0x172: {  	v53 =	vunpack.i.l.bf16.f32 v46;
	[tilespmem:s23+$0x50] =	vst v4;
	v52 =	vmul.f32 v9, v11  }
0x173: {  	v2 =	vunpack.i.u.bf16.f32 v46;
	v9 =	vmul.f32 v53, v20;
	v13 =	vld [tilespmem:s0+$0x30];
	[tilespmem:s23+$0xFFFFFFC0] =	vst v3  }
0x174: {  	v2 =	vmul.f32 v2, v20;
	[tilespmem:s23+$0xFFFFFFD0] =	vst v52;
	v3 =	vunpack.i.l.bf16.f32 v50  }
0x175: {  	v54 =	vunpack.i.u.bf16.f32 v50;
	[tilespmem:s23+$0xFFFFFF40] =	vst v9;
	v3 =	vmul.f32 v3, v5;
	v55 =	vld [tilespmem:s0+$0xFFFFFFF0]  }
0x176: {  	v56 =	vunpack.i.l.bf16.f32 v51;
	v4 =	vmul.f32 v54, v5;
	[tilespmem:s23+$0xFFFFFF50] =	vst v2  }
0x177: {  	v59 =	vunpack.i.u.bf16.f32 v51;
	v2 =	vmul.f32 v56, v1;
	[tilespmem:s23+$0xC0] =	vst v3;
	v3 =	vld [tilespmem:s0+$0xFFFFFFB0]  }
0x178: {  	v1 =	vmul.f32 v59, v1;
	[tilespmem:s23+$0xD0] =	vst v4;
	v57 =	vunpack.i.u.bf16.f32 v13  }
0x179: {  	[tilespmem:s12+$0xE0] =	vst v2;
	v58 =	vunpack.i.l.bf16.f32 v13;
	v2 =	vld [tilespmem:s0+$0x70];
	v9 =	vmul.f32 v57, v12  }
0x17a: {  	[tilespmem:s12+$0xF0] =	vst v1;
	v60 =	vmul.f32 v58, v12;
	v61 =	vunpack.i.l.bf16.f32 v55  }
0x17b: {  	v62 =	vunpack.i.u.bf16.f32 v55;
	[tilespmem:s23+$0x70] =	vst v9;
	v4 =	vmul.f32 v61, v11  }
0x17c: {  	[tilespmem:s23+$0x60] =	vst v60;
	v6 =	vmul.f32 v62, v11;
	v1 =	vunpack.i.l.bf16.f32 v3  }
0x17d: {  	v3 =	vunpack.i.u.bf16.f32 v3;
	v1 =	vmul.f32 v1, v20;
	[tilespmem:s23+$0xFFFFFFE0] =	vst v4  }
0x17e: {  	v63 =	vunpack.i.l.bf16.f32 v2;
	v3 =	vmul.f32 v3, v20;
	[tilespmem:s23+$0xFFFFFFF0] =	vst v6  }
0x17f: {  	v2 =	vunpack.i.u.bf16.f32 v2;
	v4 =	vmul.f32 v63, v5;
	[tilespmem:s23+$0xFFFFFF60] =	vst v1  }
0x180: {  	v1 =	vmul.f32 v2, v5;
	[tilespmem:s23+$0xFFFFFF70] =	vst v3  }
0x181: {  	[tilespmem:s23+$0xE0] =	vst v4  }
0x182: {  	[tilespmem:s23+$0xF0] =	vst v1  }
0x183: {  	_ =	swait.ge [sflag:s11], $0x80  }
0x184: {  	[sflag:s11] =	ssyncset.done $0x0  }
0x185: {  	[sflag:s11] =	ssyncadd.s32 $0xFFFFFF80  }
0x186: {  	_ =	swait.ge [sflag:s11], $0x80  }
0x187: {  	[sflag:s11] =	ssyncset.done $0x0  }
0x188: {  	s17 =	sadd.s32 $0x1, s17;
	[sflag:s11] =	ssyncadd.s32 $0xFFFFFF80  }
0x189: {  	p0 =	sne.s32 s17, s8;
	_ =	swait.ge [sflag:s11], $0x80  }
.Ltmp3:
0x18a: {  	[sflag:s11] =	ssyncset.done $0x0;
	(pc) =	sbr.rel @p0 .LBB2_4-.Ltmp3, $4  }
0x18b: {  	s31 =	simm.s32 $0x300;
	[sflag:s11] =	ssyncadd.s32 $0xFFFFFF80  }
0x18c: {  	[tilespmem:s31], [sflag:$0x1] =	stream.indirect.gather [hbm4b:s4+s22], $0x40, s3, s22, $0xb8;
	[tilespmem:$0x1FB80] =	vst v63  }
0x18d: {  	_ = 	snop  }
0x18e: {  	[spmem:s2] =	stream.indirect.scatter.add.f32 [tilespmem:s25], [sflag:$0x4], $0x80, s24, s22, $0xb8;
	[tilespmem:$0x1FB80] =	vst v63  }
0x18f: {  	_ =	swait.ge [sflag:s26], $0x2000  }
0x190: {  	[sflag:s26] =	ssyncset.done $0x0  }
0x191: {  	[sflag:s26] =	ssyncadd.s32 $0xFFFFE000  }
0x192: {  	_ =	swait.ge [sflag:s28], $0x4000  }
0x193: {  	[sflag:s28] =	ssyncset.done $0x0  }
0x194: {  	[sflag:s28] =	ssyncadd.s32 $0xFFFFC000  }
0x195: {  	[bflag:$0x0] =	sbarrier.arrive $0xFFFF  }
0x196: {  	s10 =	rddreg [dreg:$0x4]  }
0x197: {  	s0 =	rddreg [dreg:$0x8]  }
0x198: {  	s13 =	simm.s32 $0x7;
	s12 =	rddreg [dreg:$0xa]  }
0x199: {  	[hbm:s0], [sflag:s10] =	dma.local [spmem:s12], $0x2710  }
0x19a: {  	_ =	swait.ge [sflag:s13], $0x2710  }
0x19b: {  	s16 =	rddreg [dreg:$0xb]  }
0x19c: {  	s31 =	rddreg [dreg:$0x9];
	s16 =	sadd.s32 $0x1, s16  }
0x19d: {  	p0 =	sne.s32 s16, s31  }
.Ltmp4:
0x19e: {  	_ = 	snop;
	(pc) =	sbr.rel @p0 .LBB2_1-.Ltmp4, $3  }
0x19f: {  	_ =	sdelay $0x1  }
0x1a0: {  	[sflag:s13] =	ssyncset.done $0x0  }
0x1a1: {  	[sflag:s13] =	ssyncadd.s32 $0xFFFFD8F0  }
0x1a2: {  	_ =	sfence.sel $0x180000  }
0x1a3: {  	[bflag:$0x0] =	sbarrier.arrive $0xFFFF  }
0x1a4: {  	_ =	strace $0x9000004D  }
0x1a5: {  	s0 =	stileid.u32;
	[bflag:$0x2] =	sbarrier.arrive $0xFFFF  }
0x1a6: {  	p0 =	sne.s32 s0, $0x0;
	s0 =	rddreg [dreg:$0x2]  }
0x1a7: {  	s0 =	sadd.s32 @!p0 $0x100000, s0  }
0x1a8: {  	[sflag:s0] =	ssyncadd.tile.s32 @!p0 $0x1;
	_ =	shalt  }
.Lfunc_end2:
_tile_overlayer_lowered:
.L_overlay_start_2:
0x1a9: {  	(tag) =	ssettag $0x2  }
0x1aa: {  	s0 =	rddreg [dreg:$0x0];
	s2 =	stileid.u32  }
0x1ab: {  	s1 =	rddreg [dreg:$0x1];
	p0 =	sne.s32 s2, $0x0  }
0x1ac: {  	s3 =	rddreg [dreg:$0x2];
	[bflag:$0x3] =	sbarrier.arrive $0xFFFF;
	s2 =	simm.s32 @!p0 $0x1C07  }
0x1ad: {  	[timem:s3], [sflag:s2] =	dma.local @!p0 [hbm:s0], s1  }
0x1ae: {  	s0 =	simm.s32 @!p0 $0x7  }
0x1af: {  	_ =	swait.ge @!p0 [sflag:s0], s1  }
0x1b0: {  	s1 =	ssub.s32 @!p0 $0x0, s1;
	[sflag:s0] =	ssyncset.done @!p0 $0x0  }
0x1b1: {  	[sflag:s0] =	ssyncadd.s32 @!p0 s1  }
0x1b2: {  	[bflag:$0x3] =	sbarrier.arrive $0xFFFF  }
0x1b3: {  	_ =	shalt  }

// kernel: kernel.9.cloned.1.call-start
scs
__scs_entry_jumppad:
0x0: {  	(pc) =	sbr.rel $0x88, $3  }
0x1: {  	(tag) =	ssettag $0x0;
	lr =	simm.s32 $0x1  }
0x2: {  	[smem:$0x3F97] =	sst lr;
	_ =	strace $0xD0000000  }
0x3: {  	_ = 	snop  }
0x4: {  	_ = 	snop  }
0x5: {  	_ = 	snop  }
0x6: {  	_ = 	snop  }
0x7: {  	_ = 	snop  }
__scs_overlays_trampoline_lowered:
0x8: {  	[smem:$0x3FA6] =	sst s0  }
0x9: {  	[smem:$0x3FA7] =	sst s1  }
0xa: {  	[smem:$0x3FA8] =	sst s2  }
0xb: {  	[smem:$0x3FA9] =	sst s3  }
0xc: {  	[smem:$0x3FAA] =	sst s4  }
0xd: {  	[smem:$0x3FAB] =	sst s5  }
0xe: {  	[smem:$0x3FAC] =	sst s6  }
0xf: {  	[smem:$0x3FAD] =	sst s7  }
0x10: {  	[smem:$0x3FAE] =	sst s8  }
0x11: {  	[smem:$0x3FAF] =	sst s9;
	s0 =	simm.s32 @!p0 $0x0  }
0x12: {  	s1 =	sld [smem:$0x3F95];
	s0 =	simm.s32 @p0 $0x1  }
0x13: {  	[smem:$0x3FB0] =	sst s0;
	s0 =	simm.s32 @!p1 $0x0  }
0x14: {  	s2 =	sld [smem:$0x3F94];
	s0 =	simm.s32 @p1 $0x1  }
0x15: {  	[smem:$0x3FB1] =	sst s0;
	s0 =	simm.s32 @!p2 $0x0  }
0x16: {  	s3 =	sld [smem:$0x3FDB];
	s0 =	simm.s32 @p2 $0x1  }
0x17: {  	s4 =	simm.s32 $0x1BF5;
	[smem:$0x3FB3] =	sst s0  }
0x18: {  	s0 =	sld [smem:$0x3F96];
	_ =	swait.ge [sflag:s4], $0x0  }
0x19: {  	s7 =	sld [smem:$0x3F97]  }
0x1a: {  	s8 =	sadd.s32 $0xFFFFE003, lr  }
0x1b: {  	s9 =	sadd.s32 $0xFFFFFEF7, lr;
	s5 =	simm.s32 $0xFFFFFFFF;
	p2 =	slt.u32 s8, $0xFFFFF086  }
0x1c: {  	p1 =	slt.u32 s9, $0xF7A;
	s5 =	simm.s32 @!p2 $0x0  }
0x1d: {  	s5 =	simm.s32 @p1 $0x1;
	p0 =	seq.s32 s7, s2  }
0x1e: {  	s7 =	smul.u32 @!p0 $0xF7A, s2;
	p2 =	seq.s32 @!p0 s5, $0x0  }
0x1f: {  	s9 =	smul.u32 $0xF7A, s1;
	s8 =	simm.s32 @!p0 $0x1BF5;
	p2 =	por !p2, p0  }
0x20: {  	[sflag:s8] =	ssyncset.s32 @!p0 $0xFFFFF086;
	s6 =	sadd.s32 @!p0 s3, s7;
	s7 =	simm.s32 @!p0 $0x108  }
0x21: {  	s3 =	sadd.s32 s3, s9;
	s6 =	sadd.s32 @!p0 $0x88, s6;
	s7 =	simm.s32 @p2 $0x1082  }
0x22: {  	[simem:s7], [sflag:s8] =	dma.local @!p0 [hbm:s6], $0xF7A  }
0x23: {  	s9 =	sor.u32 $0xD0000000, s2;
	s6 =	simm.s32 $0x108;
	_ =	swait.ge @!p0 [sflag:s8], $0x0  }
0x24: {  	s3 =	sadd.s32 $0x88, s3;
	s6 =	simm.s32 @!p1 $0x1082;
	[sflag:s4] =	ssyncset.s32 $0xFFFFF086  }
0x25: {  	[simem:s6], [sflag:s4] =	dma.local [hbm:s3], $0xF7A  }
0x26: {  	[smem:$0x3F97] =	sst s1;
	(tag) =	ssettag s2;
	_ =	strace s9  }
0x27: {  	s1 =	sld [smem:$0x3FA7]  }
0x28: {  	s2 =	sld [smem:$0x3FA8]  }
0x29: {  	s4 =	sld [smem:$0x3FAA]  }
0x2a: {  	p0 =	seq.s32 s5, $0x0;
	s5 =	sld [smem:$0x3FAB]  }
0x2b: {  	s6 =	sld [smem:$0x3FAC]  }
0x2c: {  	s7 =	sld [smem:$0x3FAD]  }
0x2d: {  	s3 =	simm.s32 $0x108;
	s8 =	sld [smem:$0x3FAE]  }
0x2e: {  	s3 =	simm.s32 @!p0 $0x1082;
	s9 =	sld [smem:$0x3FAF]  }
0x2f: {  	lr =	sadd.s32 s0, s3;
	s0 =	sld [smem:$0x3FA6]  }
0x30: {  	s3 =	sld [smem:$0x3FA9]  }
0x31: {  	[smem:$0x3FB2] =	sst s10  }
0x32: {  	s10 =	sld [smem:$0x3FB0];
	_ =	sdelay $0x3  }
0x33: {  	p0 =	seq.s32 s10, $0x1;
	s10 =	sld [smem:$0x3FB2];
	_ =	sdelay $0x3  }
0x34: {  	[smem:$0x3FB2] =	sst s10  }
0x35: {  	s10 =	sld [smem:$0x3FB1];
	_ =	sdelay $0x3  }
0x36: {  	p1 =	seq.s32 s10, $0x1;
	s10 =	sld [smem:$0x3FB2];
	_ =	sdelay $0x3  }
0x37: {  	[smem:$0x3FB2] =	sst s10  }
0x38: {  	s10 =	sld [smem:$0x3FB3]  }
0x39: {  	_ = 	snop;
	(pc) =	sbr.ind lr, $3  }
0x3a: {  	_ = 	snop  }
0x3b: {  	_ = 	snop  }
0x3c: {  	p2 =	seq.s32 s10, $0x1;
	s10 =	sld [smem:$0x3FB2]  }
0x3d: {  	_ =	shalt  }
0x3e: {  	_ =	shalt  }
0x3f: {  	_ =	shalt  }
0x40: {  	_ =	shalt  }
0x41: {  	_ =	shalt  }
0x42: {  	_ =	shalt  }
0x43: {  	_ =	shalt  }
0x44: {  	_ =	shalt  }
0x45: {  	_ =	shalt  }
0x46: {  	_ =	shalt  }
0x47: {  	_ =	shalt  }
0x48: {  	_ =	shalt  }
0x49: {  	_ =	shalt  }
0x4a: {  	_ =	shalt  }
0x4b: {  	_ =	shalt  }
0x4c: {  	_ =	shalt  }
0x4d: {  	_ =	shalt  }
0x4e: {  	_ =	shalt  }
0x4f: {  	_ =	shalt  }
0x50: {  	_ =	shalt  }
0x51: {  	_ =	shalt  }
0x52: {  	_ =	shalt  }
0x53: {  	_ =	shalt  }
0x54: {  	_ =	shalt  }
0x55: {  	_ =	shalt  }
0x56: {  	_ =	shalt  }
0x57: {  	_ =	shalt  }
0x58: {  	_ =	shalt  }
0x59: {  	_ =	shalt  }
0x5a: {  	_ =	shalt  }
0x5b: {  	_ =	shalt  }
0x5c: {  	_ =	shalt  }
0x5d: {  	_ =	shalt  }
0x5e: {  	_ =	shalt  }
0x5f: {  	_ =	shalt  }
0x60: {  	_ =	shalt  }
0x61: {  	_ =	shalt  }
0x62: {  	_ =	shalt  }
0x63: {  	_ =	shalt  }
0x64: {  	_ =	shalt  }
0x65: {  	_ =	shalt  }
0x66: {  	_ =	shalt  }
0x67: {  	_ =	shalt  }
0x68: {  	_ =	shalt  }
0x69: {  	_ =	shalt  }
0x6a: {  	_ =	shalt  }
0x6b: {  	_ =	shalt  }
0x6c: {  	_ =	shalt  }
0x6d: {  	_ =	shalt  }
0x6e: {  	_ =	shalt  }
0x6f: {  	_ =	shalt  }
0x70: {  	_ =	shalt  }
0x71: {  	_ =	shalt  }
0x72: {  	_ =	shalt  }
0x73: {  	_ =	shalt  }
0x74: {  	_ =	shalt  }
0x75: {  	_ =	shalt  }
0x76: {  	_ =	shalt  }
0x77: {  	_ =	shalt  }
0x78: {  	_ =	shalt  }
0x79: {  	_ =	shalt  }
0x7a: {  	_ =	shalt  }
0x7b: {  	_ =	shalt  }
0x7c: {  	_ =	shalt  }
0x7d: {  	_ =	shalt  }
0x7e: {  	_ =	shalt  }
0x7f: {  	_ =	shalt  }
0x80: {  	_ =	shalt  }
0x81: {  	_ =	shalt  }
0x82: {  	_ =	shalt  }
0x83: {  	_ =	shalt  }
0x84: {  	_ =	shalt  }
0x85: {  	_ =	shalt  }
0x86: {  	_ =	shalt  }
0x87: {  	_ =	shalt  }
.Lfunc_end0:
.L_simem_size_0:
called_computation_lowered:
.L_overlay_start_0:
0x88: {  	s2 =	sld [smem:$0x3FD9]  }
0x89: {  	s3 =	sld [smem:$0x3FFE];
	_ =	sdelay $0x1  }
0x8a: {  	s1 =	srdreg.scid  }
0x8b: {  	s0 =	sand.u32 $0x1, s1  }
0x8c: {  	s16 =	sshll.u32 s0, $0xA;
	s2 =	sadd.s32 s3, s2  }
0x8d: {  	s2 =	sadd.s32 s2, s16  }
0x8e: {  	[smem:$0x3FBE] =	sst s2  }
0x8f: {  	_ = 	snop  }
0x90: {  	(tm) =	ssettm $0x1  }
0x91: {  	s17 =	sld [smem:$0x3FFB];
	_ =	sdelay $0x3  }
0x92: {  	_ =	strace s17  }
0x93: {  	s2 =	sld [smem:$0x3FFC];
	_ =	sdelay $0x3  }
0x94: {  	_ =	strace s2  }
0x95: {  	s2 =	sld [smem:$0x3FFD];
	_ =	sdelay $0x3  }
0x96: {  	_ =	strace s2  }
0x97: {  	_ =	strace $0x8FFFFFFF  }
0x98: {  	s18 =	sld [smem:$0x3FDB];
	_ =	sdelay $0x1  }
0x99: {  	s19 =	simm.s32 $_scs_section_size  }
0x9a: {  	s4 =	simm.s32 $_size__tile_overlayer_lowered;
	s5 =	simm.s32 $_tile_overlayer_lowered  }
0x9b: {  	s22 =	simm.s32 $0x1BFF;
	s21 =	sshll.u32 s5, $0x1;
	s2 =	sadd.s32 s19, s18  }
0x9c: {  	s6 =	simm.s32 $0x0;
	s20 =	sshll.u32 s4, $0x1;
	s4 =	sadd.s32 s21, s2  }
0x9d: {  	[timem:s6], [sflag:s22] =	dma.local [hbm:s4], s20  }
0x9e: {  	_ =	swait.ge [sflag:s22], s20  }
0x9f: {  	s3 =	ssub.s32 $0x0, s20;
	[sflag:s22] =	ssyncset.done $0x0  }
0xa0: {  	[sflag:s22] =	ssyncadd.s32 s3;
	_ =	sdelay $0x1  }
0xa1: {  	s23 =	simm.s32 $0x1B8B  }
0xa2: {  	_ =	swait.ge [sflag:s23], $0x1  }
0xa3: {  	[sflag:s23] =	ssyncset.done $0x0  }
0xa4: {  	s25 =	simm.s32 $0x1B8E;
	s24 =	sld [smem:$0x3FFE];
	[sflag:s23] =	ssyncadd.s32 $0xFFFFFFFF  }
0xa5: {  	s26 =	simm.s32 $execute0_lowered;
	[smem:$0x3FD2] =	sst s25  }
0xa6: {  	s4 =	sshll.u32 s26, $0x1;
	_ =	strace $0x80000046;
	[dreg:$0x1] =	wrdreg $0xFFFFFFFF  }
0xa7: {  	s28 =	simm.s32 $_size_execute0_lowered;
	s2 =	sadd.s32 s2, s4;
	[dreg:$0x0] =	wrdreg $0x0  }
0xa8: {  	s4 =	sshll.u32 s28, $0x1;
	[dreg:$0x2] =	wrdreg s2  }
0xa9: {  	[dreg:$0x3] =	wrdreg s4  }
0xaa: {  	[dreg:$0x4] =	wrdreg $0xC0  }
0xab: {  	_ =	task [dreg:s6], $0x5FFFF  }
0xac: {  	[dreg:$0x1] =	wrdreg $0xFFFFFFFF  }
0xad: {  	[dreg:$0x0] =	wrdreg $0x60  }
0xae: {  	[dreg:$0x2] =	wrdreg s24  }
0xaf: {  	[dreg:$0x3] =	wrdreg $0x9  }
0xb0: {  	_ =	task.clear_ibuf [dreg:s6], $0x4FFFF;
	_ =	strace $0x90000046  }
0xb1: {  	s29 =	simm.s32 $0x9;
	_ =	strace $0x80000048  }
0xb2: {  	_ =	swait.ge [sflag:s29], $0x1  }
0xb3: {  	[sflag:s29] =	ssyncadd.s32 $0xFFFFFFFF  }
0xb4: {  	_ =	strace $0x90000048  }
0xb5: {  	_ =	sfence  }
0xb6: {  	s30 =	sld [smem:$0x0];
	_ =	sdelay $0x2  }
0xb7: {  	s31 =	sshll.u32 s1, $0xD;
	s1 =	sshrl.u32 s1, $0x2  }
0xb8: {  	s3 =	sand.u32 $0x4000, s31;
	s1 =	sadd.s32 s1, s30  }
0xb9: {  	s0 =	sor.u32 s3, s0;
	s1 =	sshll.u32 s1, $0x11  }
0xba: {  	s0 =	sor.u32 s1, s0  }
0xbb: {  	s0 =	sadd.s32 $0x8F2B, s0  }
0xbc: {  	[sflag:s0] =	ssyncadd.remote.s32 $0x1  }
0xbd: {  	_ =	sfence.sel $0xFFFF  }
0xbe: {  	[dreg:$0x0] =	wrdreg $0xFFFFFFFF;
	(pc) =	sbr.abs _section_cstart, $3  }
0xbf: {  	[dreg:$0x1] =	wrdreg $0xFFFFFFFF  }
0xc0: {  	_ =	task.clear_ibuf [dreg:s6], $0x2FFFF;
	_ =	strace $0x9FFFFFFF  }
0xc1: {  	(tm) =	ssettm $0x7FFFFFFF  }
tec
execute0_lowered:
.L_overlay_start_1:
0x0: {  	(tag) =	ssettag $0x1  }
0x1: {  	s1 =	srdreg.scid  }
0x2: {  	s0 =	stileid.u32;
	s5 =	rddreg [dreg:$0x0]  }
0x3: {  	s9 =	simm.s32 $0x800;
	s10 =	simm.s32 $0x1000;
	s11 =	simm.s32 $0x80  }
0x4: {  	s12 =	simm.s32 $0x400;
	s4 =	sand.u32 $0x1, s1;
	s2 =	sshll.u32 s0, $0x1  }
0x5: {  	s1 =	rddreg [dreg:$0x1];
	s3 =	sshrl.u32 s0, $0x2;
	s6 =	sor.u32 s4, s2  }
0x6: {  	s2 =	simm.s32 $0x0;
	s3 =	smul.u32 $0x13C00, s3;
	s7 =	sshll.u32 s6, $0x7  }
0x7: {  	s8 =	ssub.s32 $0x2, s4;
	s4 =	sadd.s32 $0xBC00, s5;
	s7 =	sand.u32 $0x380, s7  }
0x8: {  	[smem:$0x7FF] =	sst s2;
	s31 =	sshrl.u32 s8, $0x1;
	s7 =	sor.u32 s3, s7  }
0x9: {  	_ =	strace $0x80000047;
	s8 =	ssub.s32 s8, s31;
	s7 =	sshrl.u32 s7, $0x3  }
0xa: {  	s3 =	sadd.s32 $0x1A00, s5;
	s7 =	sadd.s32 s7, s5;
	s5 =	smul.u32 $0x2800, s6  }
0xb: {  	v0 =	vimm.f32 $0.0e+00;
	s6 =	sadd.s32 $0x15E00, s7;
	s7 =	smax.u32 s8, $0x1;
	s8 =	simm.s32 $0x1  }
.LBB2_1:
0xc: {  	s13 =	simm.s32 $0x40;
	s14 =	simm.s32 $0x0  }
.LBB2_2:
0xd: {  	p0 =	sne.s32 s13, $0x9C00;
	[tilespmem:s14+$0x1000] =	vst v0;
	s14 =	smov.u32 s13;
	s13 =	sadd.s32 $0x40, s13  }
.Ltmp0:
0xe: {  	(pc) =	sbr.rel @p0 .LBB2_2-.Ltmp0, $2  }
0xf: {  	_ =	sdelay $0x2  }
0x10: {  	s14 =	sshra.s32 s14, $0x2  }
0x11: {  	[tilespmem:s14+$0x1000] =	vst v0;
	s13 =	simm.s32 $0x0;
	s14 =	simm.s32 $0x0  }
.LBB2_4:
0x12: {  	s15 =	sshll.u32 s14, $0xB  }
0x13: {  	s15 =	sadd.s32 s5, s15  }
0x14: {  	s15 =	sshrl.u32 s15, $0x3  }
0x15: {  	s16 =	sadd.s32 s3, s15  }
0x16: {  	[tilespmem:s13], [sflag:$0x1] =	stream.linear.gather [hbm4b:s16+s13], $0x800, $0x38;
	[tilespmem:$0x3780] =	vst v63  }
0x17: {  	_ =	swait.ge [sflag:s8], $0x800  }
0x18: {  	[sflag:s8] =	ssyncset.done $0x0  }
0x19: {  	s15 =	sadd.s32 s4, s15;
	[sflag:s8] =	ssyncadd.s32 $0xFFFFF800  }
0x1a: {  	[tilespmem:s9], [sflag:$0x1] =	stream.linear.gather [hbm4b:s15+s13], $0x800, $0x38;
	[tilespmem:$0x3780] =	vst v63  }
0x1b: {  	_ =	swait.ge [sflag:s8], $0x800  }
0x1c: {  	[sflag:s8] =	ssyncset.done $0x0  }
0x1d: {  	s16 =	simm.s32 $0x0;
	s15 =	simm.s32 $0x40;
	[sflag:s8] =	ssyncadd.s32 $0xFFFFF800  }
.LBB2_5:
0x1e: {  	p0 =	sne.s32 s15, $0x1FC0;
	v1 =	vld [tilespmem:s16+$0x0];
	_ =	sdelay $0x2  }
0x1f: {  	v2 =	vld [tilespmem:s16+$0x800]  }
.Ltmp1:
0x20: {  	(pc) =	sbr.rel @p0 .LBB2_5-.Ltmp1, $2  }
0x21: {  	_ =	sdelay $0x2  }
0x22: {  	s16 =	sshra.s32 s15, $0x2;
	s15 =	sadd.s32 $0x40, s15;
	[tilespmem:v1+s10+$0x0] =	vst.idx.add.f32.msk $0xffff, v2  }
0x23: {  	v1 =	vld [tilespmem:s16+$0x0];
	_ =	sdelay $0x1  }
0x24: {  	s14 =	sadd.s32 $0x1, s14  }
0x25: {  	v2 =	vld [tilespmem:s16+$0x800];
	p0 =	sne.s32 s14, $0x5  }
.Ltmp2:
0x26: {  	_ = 	snop;
	(pc) =	sbr.rel @p0 .LBB2_4-.Ltmp2, $2  }
0x27: {  	_ =	sdelay $0x2  }
0x28: {  	[tilespmem:v1+s10+$0x0] =	vst.idx.add.f32.msk $0xffff, v2  }
0x29: {  	s2 =	sadd.s32 $0x1, s2  }
0x2a: {  	p0 =	sne.s32 s2, s7  }
.Ltmp3:
0x2b: {  	_ = 	snop;
	(pc) =	sbr.rel @p0 .LBB2_1-.Ltmp3, $4  }
0x2c: {  	[hbm4b:s6+s11] =	stream.strided.scatter [tilespmem:s10], [sflag:$0x1], $0x2780, s12, s11, $0x38;
	[tilespmem:$0x3780] =	vst v63  }
0x2d: {  	_ =	swait.ge [sflag:s8], $0x2780  }
0x2e: {  	[sflag:s8] =	ssyncset.done $0x0  }
0x2f: {  	[sflag:s8] =	ssyncadd.s32 $0xFFFFD880  }
0x30: {  	_ =	sfence.sel $0x180000  }
0x31: {  	[bflag:$0x0] =	sbarrier.arrive $0xFFFF  }
0x32: {  	p0 =	sne.s32 s0, $0x0;
	_ =	strace $0x90000047  }
0x33: {  	s0 =	sadd.s32 @!p0 $0x100000, s1;
	[bflag:$0x2] =	sbarrier.arrive $0xFFFF  }
0x34: {  	[sflag:s0] =	ssyncadd.tile.s32 @!p0 $0x1;
	_ =	shalt  }
.Lfunc_end2:
_tile_overlayer_lowered:
.L_overlay_start_2:
0x35: {  	(tag) =	ssettag $0x2  }
0x36: {  	s0 =	rddreg [dreg:$0x0];
	s2 =	stileid.u32  }
0x37: {  	s1 =	rddreg [dreg:$0x1];
	p0 =	sne.s32 s2, $0x0  }
0x38: {  	s3 =	rddreg [dreg:$0x2];
	[bflag:$0x3] =	sbarrier.arrive $0xFFFF;
	s2 =	simm.s32 @!p0 $0x1C01  }
0x39: {  	[timem:s3], [sflag:s2] =	dma.local @!p0 [hbm:s0], s1  }
0x3a: {  	s0 =	simm.s32 @!p0 $0x1  }
0x3b: {  	_ =	swait.ge @!p0 [sflag:s0], s1  }
0x3c: {  	s1 =	ssub.s32 @!p0 $0x0, s1;
	[sflag:s0] =	ssyncset.done @!p0 $0x0  }
0x3d: {  	[sflag:s0] =	ssyncadd.s32 @!p0 s1  }
0x3e: {  	[bflag:$0x3] =	sbarrier.arrive $0xFFFF  }
0x3f: {  	_ =	shalt  }

</sc_bundles>
